<compile_context>
chip_gen: v7x
topology: tpu7x:2x2x1
jax: 0.10.2.dev20260603
libtpu: 0.0.44.dev20260713+nightly
codegen_flags: <defaults>
</compile_context>

<pallas_src>
import math

import jax
import jax.numpy as jnp
from jax import lax
from jax.experimental import pallas as pl
from jax.experimental.pallas import tpu as pltpu
from jax.experimental.pallas import tpu_sc as plsc

D_MODEL = 64
SCALE = math.sqrt(D_MODEL)

_NC = 2
_NS = 16
_NW = _NC * _NS

_A = 4096
_BD = 200
_AT = _A // 128
_BT = _BD // 8

_LP = 136
_CB = 2
_N_CH = _BD // _CB


def _emb_body(xb_hbm, lut_hbm, o_hbm,
              idx_v, rows0, rows1, ot0, ot1,
              gsem0, gsem1, osem0, osem1):
    wid = lax.axis_index("s") * _NC + lax.axis_index("c")
    c = wid

    for bt in range(_BT):
        pltpu.sync_copy(xb_hbm.at[bt, c], idx_v.at[bt])

    rows = (rows0, rows1)
    otile = (ot0, ot1)
    gsem = (gsem0, gsem1)
    osem = (osem0, osem1)

    def g_fire(ci, b):
        for j in range(_CB):
            babs = ci * _CB + j
            pltpu.async_copy(
                lut_hbm.at[idx_v.at[babs // 8, babs % 8]],
                rows[b].at[pl.ds(j * 128, 128)],
                gsem[b])

    def g_drain(b):
        for j in range(_CB):
            pltpu.make_async_copy(
                lut_hbm.at[idx_v.at[0, 0]],
                rows[b].at[pl.ds(j * 128, 128)],
                gsem[b]).wait()

    def o_start(ci, b):
        for bb in range(_CB):
            for t in range(8):
                pltpu.async_copy(
                    otile[b].at[pl.ds((bb * 64 + t * 8), 8), pl.ds(0, 128)],
                    o_hbm.at[ci * _CB + bb, t, c],
                    osem[b])

    def o_wait(b):
        for _ in range(_CB * 8):
            pltpu.make_async_copy(
                otile[b].at[pl.ds(0, 8), pl.ds(0, 128)],
                o_hbm.at[0, 0, c],
                osem[b]).wait()

    iotav = jax.lax.broadcasted_iota(jnp.int32, (16,), 0)
    base = [[(bb * 64 + dg * 16) + iotav
             for dg in range(4)] for bb in range(_CB)]

    def transpose(b):
        r_ref = rows[b]
        t_ref = otile[b]

        def l_body(l, carry):
            lv = jnp.broadcast_to(l, (16,))
            for bb in range(_CB):
                row = bb * 128 + l
                for dg in range(4):
                    v = r_ref[row, pl.ds(dg * 16, 16)]
                    plsc.store_scatter(t_ref, [base[bb][dg], lv], v * SCALE)
            return carry

        lax.fori_loop(0, 128, l_body, 0, unroll=4)

    g_fire(0, 0)
    g_fire(1, 1)

    def pair_body(p, carry):
        for b in range(2):
            ci = 2 * p + b
            g_drain(b)
            pl.when(p >= 1)(lambda: o_wait(b))
            transpose(b)
            pl.when(p <= (_N_CH // 2) - 2)(lambda: g_fire(ci + 2, b))
            o_start(ci, b)
        return carry

    lax.fori_loop(0, _N_CH // 2, pair_body, 0)

    o_wait(0)
    o_wait(1)


@jax.jit
def _emb(xb, lut):
    mesh = plsc.VectorSubcoreMesh(core_axis_name="c", subcore_axis_name="s")
    fn = pl.kernel(
        _emb_body,
        out_type=jax.ShapeDtypeStruct((_BD, 8, _AT, 8, 128), jnp.float32),
        mesh=mesh,
        scratch_types=[
            pltpu.VMEM((_BT, 8, 128), jnp.int32),
            pltpu.VMEM((_CB * 128, D_MODEL), jnp.float32),
            pltpu.VMEM((_CB * 128, D_MODEL), jnp.float32),
            pltpu.VMEM((_CB * 64, _LP), jnp.float32),
            pltpu.VMEM((_CB * 64, _LP), jnp.float32),
            pltpu.SemaphoreType.DMA,
            pltpu.SemaphoreType.DMA,
            pltpu.SemaphoreType.DMA,
            pltpu.SemaphoreType.DMA,
        ],
        compiler_params=pltpu.CompilerParams(
            use_tc_tiling_on_sc=False, needs_layout_passes=False),
    )
    return fn(xb, lut)


def kernel(x, lut):
    xb = x.reshape(32, 128, _BT, 8).transpose(2, 0, 3, 1)
    o = _emb(xb, lut)
    return o.transpose(2, 4, 0, 1, 3).reshape(_A, _BD, D_MODEL)

# --- scband reference (transcript-rebuilt; emitter-appended) ---
"""Pipeline reference for scband-embeddings-6253472383846 (READ-ONLY COPY).

The authoritative reference and input builder live on the scoring server;
editing this copy changes nothing except your own understanding.
"""

import jax, jax.numpy as jnp
import numpy as np
import math

VOCAB = 1000000
D_MODEL = 64

def setup_inputs(seed: int = 0) -> dict:
    key = jax.random.key(seed)
    k1, k2 = jax.random.split(key)
    x = jax.random.randint(k1, (4096, 200), 0, VOCAB, dtype=jnp.int64 if jax.config.jax_enable_x64 else jnp.int32).astype(jnp.int32)
    lut = jax.random.normal(k2, (VOCAB, D_MODEL), dtype=jnp.float32)
    return {"x": x, "lut": lut}

def reference(x, lut):
    # Embeddings.forward: self.lut(x) * sqrt(d_model)
    emb = jnp.take(lut, x, axis=0)
    return emb * math.sqrt(D_MODEL)

if __name__ == "__main__":
    import jax
    _d = setup_inputs()
    print(jax.jit(kernel)(*tuple(_d.values())))

</pallas_src>

<mosaic_0001>
#map = affine_map<(d0, d1) -> (0, 0, 0, 0)>
#map1 = affine_map<(d0, d1) -> (0, 0)>
#map2 = affine_map<(d0, d1) -> (0, 0, 0, 0, 0)>
module attributes {stable_mosaic.version = 14 : i64} {
  func.func @_emb_body(%arg0: i32, %arg1: i32, %arg2: memref<25x32x8x128xi32, #tpu.memory_space<hbm>>, %arg3: memref<1000000x64xf32, #tpu.memory_space<hbm>>, %arg4: memref<200x8x32x8x128xf32, #tpu.memory_space<hbm>>, %arg5: memref<25x8x128xi32, #tpu.memory_space<vmem>>, %arg6: memref<256x64xf32, #tpu.memory_space<vmem>>, %arg7: memref<256x64xf32, #tpu.memory_space<vmem>>, %arg8: memref<128x136xf32, #tpu.memory_space<vmem>>, %arg9: memref<128x136xf32, #tpu.memory_space<vmem>>, %arg10: memref<!tpu.dma_semaphore, #tpu.memory_space<semaphore_mem>>, %arg11: memref<!tpu.dma_semaphore, #tpu.memory_space<semaphore_mem>>, %arg12: memref<!tpu.dma_semaphore, #tpu.memory_space<semaphore_mem>>, %arg13: memref<!tpu.dma_semaphore, #tpu.memory_space<semaphore_mem>>) attributes {dimension_semantics = [#tpu.dimension_semantics<core_parallel>, #tpu.dimension_semantics<subcore_parallel>], iteration_bounds = array<i64: 2, 16>, scalar_prefetch = 0 : i64, scratch_operands = 9 : i64, tpu.core_type = #tpu.core_type<sc_vector_subcore>, window_params = [{transform_indices = #map}, {transform_indices = #map1}, {transform_indices = #map2}]} {
    %mul3A = arith.constant 2 : i32
    %mul3A_0 = arith.muli %arg1, %mul3A : i32
    %add3A = arith.addi %mul3A_0, %arg0 : i32
    %run_scoped3A = arith.constant 0 : i32
    %run_scoped3A_1 = arith.constant 0 : i32
    "tpu.region"() ({
      %run_scoped3A_633 = tpu.sem_alloc : memref<!tpu.dma_semaphore, #tpu.memory_space<semaphore_mem>>
      %dma_start3A_634 = arith.constant 0 : i32
      %dma_start3A_635 = arith.constant 0 : i32
      %dma_start3A_636 = tpu.memref_slice %arg5[%run_scoped3A_1, %dma_start3A_634, %dma_start3A_635] : memref<25x8x128xi32, #tpu.memory_space<vmem>> -> memref<1x8x128xi32, #tpu.memory_space<vmem>>
      %dma_start3A_637 = tpu.memref_squeeze %dma_start3A_636 : memref<1x8x128xi32, #tpu.memory_space<vmem>> -> memref<8x128xi32, #tpu.memory_space<vmem>>
      %dma_start3A_638 = arith.constant 0 : i32
      %dma_start3A_639 = arith.constant 0 : i32
      %dma_start3A_640 = tpu.memref_slice %arg2[%run_scoped3A, %add3A, %dma_start3A_638, %dma_start3A_639] : memref<25x32x8x128xi32, #tpu.memory_space<hbm>> -> memref<1x1x8x128xi32, #tpu.memory_space<hbm>>
      %dma_start3A_641 = tpu.memref_squeeze %dma_start3A_640 : memref<1x1x8x128xi32, #tpu.memory_space<hbm>> -> memref<8x128xi32, #tpu.memory_space<hbm>>
      %dma_start3A_642 = arith.constant 0 : i32
      %dma_start3A_643 = arith.constant 0 : i32
      %dma_start3A_644 = tpu.memref_slice %arg5[%run_scoped3A_1, %dma_start3A_642, %dma_start3A_643] : memref<25x8x128xi32, #tpu.memory_space<vmem>> -> memref<1x8x128xi32, #tpu.memory_space<vmem>>
      %dma_start3A_645 = tpu.memref_squeeze %dma_start3A_644 : memref<1x8x128xi32, #tpu.memory_space<vmem>> -> memref<8x128xi32, #tpu.memory_space<vmem>>
      %dma_start3A_646 = arith.constant 0 : i32
      %dma_start3A_647 = arith.constant 0 : i32
      %dma_start3A_648 = tpu.memref_slice %arg2[%run_scoped3A, %add3A, %dma_start3A_646, %dma_start3A_647] : memref<25x32x8x128xi32, #tpu.memory_space<hbm>> -> memref<1x1x8x128xi32, #tpu.memory_space<hbm>>
      %dma_start3A_649 = tpu.memref_squeeze %dma_start3A_648 : memref<1x1x8x128xi32, #tpu.memory_space<hbm>> -> memref<8x128xi32, #tpu.memory_space<hbm>>
      tpu.enqueue_dma source(%dma_start3A_649 : memref<8x128xi32, #tpu.memory_space<hbm>>) target(%dma_start3A_645 : memref<8x128xi32, #tpu.memory_space<vmem>>) target_semaphore(%run_scoped3A_633 : memref<!tpu.dma_semaphore, #tpu.memory_space<semaphore_mem>>)
      %dma_wait3A_650 = arith.constant 0 : i32
      %dma_wait3A_651 = arith.constant 0 : i32
      %dma_wait3A_652 = tpu.memref_slice %arg5[%run_scoped3A_1, %dma_wait3A_650, %dma_wait3A_651] : memref<25x8x128xi32, #tpu.memory_space<vmem>> -> memref<1x8x128xi32, #tpu.memory_space<vmem>>
      %dma_wait3A_653 = tpu.memref_squeeze %dma_wait3A_652 : memref<1x8x128xi32, #tpu.memory_space<vmem>> -> memref<8x128xi32, #tpu.memory_space<vmem>>
      %dma_wait3A_654 = arith.constant 0 : i32
      %dma_wait3A_655 = arith.constant 0 : i32
      %dma_wait3A_656 = tpu.memref_slice %arg2[%run_scoped3A, %add3A, %dma_wait3A_654, %dma_wait3A_655] : memref<25x32x8x128xi32, #tpu.memory_space<hbm>> -> memref<1x1x8x128xi32, #tpu.memory_space<hbm>>
      %dma_wait3A_657 = tpu.memref_squeeze %dma_wait3A_656 : memref<1x1x8x128xi32, #tpu.memory_space<hbm>> -> memref<8x128xi32, #tpu.memory_space<hbm>>
      %dma_wait3A_658 = arith.constant 0 : i32
      %dma_wait3A_659 = arith.constant 0 : i32
      %dma_wait3A_660 = tpu.memref_slice %arg5[%run_scoped3A_1, %dma_wait3A_658, %dma_wait3A_659] : memref<25x8x128xi32, #tpu.memory_space<vmem>> -> memref<1x8x128xi32, #tpu.memory_space<vmem>>
      %dma_wait3A_661 = tpu.memref_squeeze %dma_wait3A_660 : memref<1x8x128xi32, #tpu.memory_space<vmem>> -> memref<8x128xi32, #tpu.memory_space<vmem>>
      %dma_wait3A_662 = arith.constant 0 : i32
      %dma_wait3A_663 = arith.constant 0 : i32
      %dma_wait3A_664 = tpu.memref_slice %arg2[%run_scoped3A, %add3A, %dma_wait3A_662, %dma_wait3A_663] : memref<25x32x8x128xi32, #tpu.memory_space<hbm>> -> memref<1x1x8x128xi32, #tpu.memory_space<hbm>>
      %dma_wait3A_665 = tpu.memref_squeeze %dma_wait3A_664 : memref<1x1x8x128xi32, #tpu.memory_space<hbm>> -> memref<8x128xi32, #tpu.memory_space<hbm>>
      tpu.wait_dma2 semaphore(%run_scoped3A_633 : memref<!tpu.dma_semaphore, #tpu.memory_space<semaphore_mem>>) src(%dma_wait3A_665 : memref<8x128xi32, #tpu.memory_space<hbm>>) dst(%dma_wait3A_661 : memref<8x128xi32, #tpu.memory_space<vmem>>)
      tpu.yield
    }) : () -> ()
    %run_scoped3A_2 = arith.constant 1 : i32
    %run_scoped3A_3 = arith.constant 1 : i32
    "tpu.region"() ({
      %run_scoped3A_633 = tpu.sem_alloc : memref<!tpu.dma_semaphore, #tpu.memory_space<semaphore_mem>>
      %dma_start3A_634 = arith.constant 0 : i32
      %dma_start3A_635 = arith.constant 0 : i32
      %dma_start3A_636 = tpu.memref_slice %arg5[%run_scoped3A_3, %dma_start3A_634, %dma_start3A_635] : memref<25x8x128xi32, #tpu.memory_space<vmem>> -> memref<1x8x128xi32, #tpu.memory_space<vmem>>
      %dma_start3A_637 = tpu.memref_squeeze %dma_start3A_636 : memref<1x8x128xi32, #tpu.memory_space<vmem>> -> memref<8x128xi32, #tpu.memory_space<vmem>>
      %dma_start3A_638 = arith.constant 0 : i32
      %dma_start3A_639 = arith.constant 0 : i32
      %dma_start3A_640 = tpu.memref_slice %arg2[%run_scoped3A_2, %add3A, %dma_start3A_638, %dma_start3A_639] : memref<25x32x8x128xi32, #tpu.memory_space<hbm>> -> memref<1x1x8x128xi32, #tpu.memory_space<hbm>>
      %dma_start3A_641 = tpu.memref_squeeze %dma_start3A_640 : memref<1x1x8x128xi32, #tpu.memory_space<hbm>> -> memref<8x128xi32, #tpu.memory_space<hbm>>
      %dma_start3A_642 = arith.constant 0 : i32
      %dma_start3A_643 = arith.constant 0 : i32
      %dma_start3A_644 = tpu.memref_slice %arg5[%run_scoped3A_3, %dma_start3A_642, %dma_start3A_643] : memref<25x8x128xi32, #tpu.memory_space<vmem>> -> memref<1x8x128xi32, #tpu.memory_space<vmem>>
      %dma_start3A_645 = tpu.memref_squeeze %dma_start3A_644 : memref<1x8x128xi32, #tpu.memory_space<vmem>> -> memref<8x128xi32, #tpu.memory_space<vmem>>
      %dma_start3A_646 = arith.constant 0 : i32
      %dma_start3A_647 = arith.constant 0 : i32
      %dma_start3A_648 = tpu.memref_slice %arg2[%run_scoped3A_2, %add3A, %dma_start3A_646, %dma_start3A_647] : memref<25x32x8x128xi32, #tpu.memory_space<hbm>> -> memref<1x1x8x128xi32, #tpu.memory_space<hbm>>
      %dma_start3A_649 = tpu.memref_squeeze %dma_start3A_648 : memref<1x1x8x128xi32, #tpu.memory_space<hbm>> -> memref<8x128xi32, #tpu.memory_space<hbm>>
      tpu.enqueue_dma source(%dma_start3A_649 : memref<8x128xi32, #tpu.memory_space<hbm>>) target(%dma_start3A_645 : memref<8x128xi32, #tpu.memory_space<vmem>>) target_semaphore(%run_scoped3A_633 : memref<!tpu.dma_semaphore, #tpu.memory_space<semaphore_mem>>)
      %dma_wait3A_650 = arith.constant 0 : i32
      %dma_wait3A_651 = arith.constant 0 : i32
      %dma_wait3A_652 = tpu.memref_slice %arg5[%run_scoped3A_3, %dma_wait3A_650, %dma_wait3A_651] : memref<25x8x128xi32, #tpu.memory_space<vmem>> -> memref<1x8x128xi32, #tpu.memory_space<vmem>>
      %dma_wait3A_653 = tpu.memref_squeeze %dma_wait3A_652 : memref<1x8x128xi32, #tpu.memory_space<vmem>> -> memref<8x128xi32, #tpu.memory_space<vmem>>
      %dma_wait3A_654 = arith.constant 0 : i32
      %dma_wait3A_655 = arith.constant 0 : i32
      %dma_wait3A_656 = tpu.memref_slice %arg2[%run_scoped3A_2, %add3A, %dma_wait3A_654, %dma_wait3A_655] : memref<25x32x8x128xi32, #tpu.memory_space<hbm>> -> memref<1x1x8x128xi32, #tpu.memory_space<hbm>>
      %dma_wait3A_657 = tpu.memref_squeeze %dma_wait3A_656 : memref<1x1x8x128xi32, #tpu.memory_space<hbm>> -> memref<8x128xi32, #tpu.memory_space<hbm>>
      %dma_wait3A_658 = arith.constant 0 : i32
      %dma_wait3A_659 = arith.constant 0 : i32
      %dma_wait3A_660 = tpu.memref_slice %arg5[%run_scoped3A_3, %dma_wait3A_658, %dma_wait3A_659] : memref<25x8x128xi32, #tpu.memory_space<vmem>> -> memref<1x8x128xi32, #tpu.memory_space<vmem>>
      %dma_wait3A_661 = tpu.memref_squeeze %dma_wait3A_660 : memref<1x8x128xi32, #tpu.memory_space<vmem>> -> memref<8x128xi32, #tpu.memory_space<vmem>>
      %dma_wait3A_662 = arith.constant 0 : i32
      %dma_wait3A_663 = arith.constant 0 : i32
      %dma_wait3A_664 = tpu.memref_slice %arg2[%run_scoped3A_2, %add3A, %dma_wait3A_662, %dma_wait3A_663] : memref<25x32x8x128xi32, #tpu.memory_space<hbm>> -> memref<1x1x8x128xi32, #tpu.memory_space<hbm>>
      %dma_wait3A_665 = tpu.memref_squeeze %dma_wait3A_664 : memref<1x1x8x128xi32, #tpu.memory_space<hbm>> -> memref<8x128xi32, #tpu.memory_space<hbm>>
      tpu.wait_dma2 semaphore(%run_scoped3A_633 : memref<!tpu.dma_semaphore, #tpu.memory_space<semaphore_mem>>) src(%dma_wait3A_665 : memref<8x128xi32, #tpu.memory_space<hbm>>) dst(%dma_wait3A_661 : memref<8x128xi32, #tpu.memory_space<vmem>>)
      tpu.yield
    }) : () -> ()
    %run_scoped3A_4 = arith.constant 2 : i32
    %run_scoped3A_5 = arith.constant 2 : i32
    "tpu.region"() ({
      %run_scoped3A_633 = tpu.sem_alloc : memref<!tpu.dma_semaphore, #tpu.memory_space<semaphore_mem>>
      %dma_start3A_634 = arith.constant 0 : i32
      %dma_start3A_635 = arith.constant 0 : i32
      %dma_start3A_636 = tpu.memref_slice %arg5[%run_scoped3A_5, %dma_start3A_634, %dma_start3A_635] : memref<25x8x128xi32, #tpu.memory_space<vmem>> -> memref<1x8x128xi32, #tpu.memory_space<vmem>>
      %dma_start3A_637 = tpu.memref_squeeze %dma_start3A_636 : memref<1x8x128xi32, #tpu.memory_space<vmem>> -> memref<8x128xi32, #tpu.memory_space<vmem>>
      %dma_start3A_638 = arith.constant 0 : i32
      %dma_start3A_639 = arith.constant 0 : i32
      %dma_start3A_640 = tpu.memref_slice %arg2[%run_scoped3A_4, %add3A, %dma_start3A_638, %dma_start3A_639] : memref<25x32x8x128xi32, #tpu.memory_space<hbm>> -> memref<1x1x8x128xi32, #tpu.memory_space<hbm>>
      %dma_start3A_641 = tpu.memref_squeeze %dma_start3A_640 : memref<1x1x8x128xi32, #tpu.memory_space<hbm>> -> memref<8x128xi32, #tpu.memory_space<hbm>>
      %dma_start3A_642 = arith.constant 0 : i32
      %dma_start3A_643 = arith.constant 0 : i32
      %dma_start3A_644 = tpu.memref_slice %arg5[%run_scoped3A_5, %dma_start3A_642, %dma_start3A_643] : memref<25x8x128xi32, #tpu.memory_space<vmem>> -> memref<1x8x128xi32, #tpu.memory_space<vmem>>
      %dma_start3A_645 = tpu.memref_squeeze %dma_start3A_644 : memref<1x8x128xi32, #tpu.memory_space<vmem>> -> memref<8x128xi32, #tpu.memory_space<vmem>>
      %dma_start3A_646 = arith.constant 0 : i32
      %dma_start3A_647 = arith.constant 0 : i32
      %dma_start3A_648 = tpu.memref_slice %arg2[%run_scoped3A_4, %add3A, %dma_start3A_646, %dma_start3A_647] : memref<25x32x8x128xi32, #tpu.memory_space<hbm>> -> memref<1x1x8x128xi32, #tpu.memory_space<hbm>>
      %dma_start3A_649 = tpu.memref_squeeze %dma_start3A_648 : memref<1x1x8x128xi32, #tpu.memory_space<hbm>> -> memref<8x128xi32, #tpu.memory_space<hbm>>
      tpu.enqueue_dma source(%dma_start3A_649 : memref<8x128xi32, #tpu.memory_space<hbm>>) target(%dma_start3A_645 : memref<8x128xi32, #tpu.memory_space<vmem>>) target_semaphore(%run_scoped3A_633 : memref<!tpu.dma_semaphore, #tpu.memory_space<semaphore_mem>>)
      %dma_wait3A_650 = arith.constant 0 : i32
      %dma_wait3A_651 = arith.constant 0 : i32
      %dma_wait3A_652 = tpu.memref_slice %arg5[%run_scoped3A_5, %dma_wait3A_650, %dma_wait3A_651] : memref<25x8x128xi32, #tpu.memory_space<vmem>> -> memref<1x8x128xi32, #tpu.memory_space<vmem>>
      %dma_wait3A_653 = tpu.memref_squeeze %dma_wait3A_652 : memref<1x8x128xi32, #tpu.memory_space<vmem>> -> memref<8x128xi32, #tpu.memory_space<vmem>>
      %dma_wait3A_654 = arith.constant 0 : i32
      %dma_wait3A_655 = arith.constant 0 : i32
      %dma_wait3A_656 = tpu.memref_slice %arg2[%run_scoped3A_4, %add3A, %dma_wait3A_654, %dma_wait3A_655] : memref<25x32x8x128xi32, #tpu.memory_space<hbm>> -> memref<1x1x8x128xi32, #tpu.memory_space<hbm>>
      %dma_wait3A_657 = tpu.memref_squeeze %dma_wait3A_656 : memref<1x1x8x128xi32, #tpu.memory_space<hbm>> -> memref<8x128xi32, #tpu.memory_space<hbm>>
      %dma_wait3A_658 = arith.constant 0 : i32
      %dma_wait3A_659 = arith.constant 0 : i32
      %dma_wait3A_660 = tpu.memref_slice %arg5[%run_scoped3A_5, %dma_wait3A_658, %dma_wait3A_659] : memref<25x8x128xi32, #tpu.memory_space<vmem>> -> memref<1x8x128xi32, #tpu.memory_space<vmem>>
      %dma_wait3A_661 = tpu.memref_squeeze %dma_wait3A_660 : memref<1x8x128xi32, #tpu.memory_space<vmem>> -> memref<8x128xi32, #tpu.memory_space<vmem>>
      %dma_wait3A_662 = arith.constant 0 : i32
      %dma_wait3A_663 = arith.constant 0 : i32
      %dma_wait3A_664 = tpu.memref_slice %arg2[%run_scoped3A_4, %add3A, %dma_wait3A_662, %dma_wait3A_663] : memref<25x32x8x128xi32, #tpu.memory_space<hbm>> -> memref<1x1x8x128xi32, #tpu.memory_space<hbm>>
      %dma_wait3A_665 = tpu.memref_squeeze %dma_wait3A_664 : memref<1x1x8x128xi32, #tpu.memory_space<hbm>> -> memref<8x128xi32, #tpu.memory_space<hbm>>
      tpu.wait_dma2 semaphore(%run_scoped3A_633 : memref<!tpu.dma_semaphore, #tpu.memory_space<semaphore_mem>>) src(%dma_wait3A_665 : memref<8x128xi32, #tpu.memory_space<hbm>>) dst(%dma_wait3A_661 : memref<8x128xi32, #tpu.memory_space<vmem>>)
      tpu.yield
    }) : () -> ()
    %run_scoped3A_6 = arith.constant 3 : i32
    %run_scoped3A_7 = arith.constant 3 : i32
    "tpu.region"() ({
      %run_scoped3A_633 = tpu.sem_alloc : memref<!tpu.dma_semaphore, #tpu.memory_space<semaphore_mem>>
      %dma_start3A_634 = arith.constant 0 : i32
      %dma_start3A_635 = arith.constant 0 : i32
      %dma_start3A_636 = tpu.memref_slice %arg5[%run_scoped3A_7, %dma_start3A_634, %dma_start3A_635] : memref<25x8x128xi32, #tpu.memory_space<vmem>> -> memref<1x8x128xi32, #tpu.memory_space<vmem>>
      %dma_start3A_637 = tpu.memref_squeeze %dma_start3A_636 : memref<1x8x128xi32, #tpu.memory_space<vmem>> -> memref<8x128xi32, #tpu.memory_space<vmem>>
      %dma_start3A_638 = arith.constant 0 : i32
      %dma_start3A_639 = arith.constant 0 : i32
      %dma_start3A_640 = tpu.memref_slice %arg2[%run_scoped3A_6, %add3A, %dma_start3A_638, %dma_start3A_639] : memref<25x32x8x128xi32, #tpu.memory_space<hbm>> -> memref<1x1x8x128xi32, #tpu.memory_space<hbm>>
      %dma_start3A_641 = tpu.memref_squeeze %dma_start3A_640 : memref<1x1x8x128xi32, #tpu.memory_space<hbm>> -> memref<8x128xi32, #tpu.memory_space<hbm>>
      %dma_start3A_642 = arith.constant 0 : i32
      %dma_start3A_643 = arith.constant 0 : i32
      %dma_start3A_644 = tpu.memref_slice %arg5[%run_scoped3A_7, %dma_start3A_642, %dma_start3A_643] : memref<25x8x128xi32, #tpu.memory_space<vmem>> -> memref<1x8x128xi32, #tpu.memory_space<vmem>>
      %dma_start3A_645 = tpu.memref_squeeze %dma_start3A_644 : memref<1x8x128xi32, #tpu.memory_space<vmem>> -> memref<8x128xi32, #tpu.memory_space<vmem>>
      %dma_start3A_646 = arith.constant 0 : i32
      %dma_start3A_647 = arith.constant 0 : i32
      %dma_start3A_648 = tpu.memref_slice %arg2[%run_scoped3A_6, %add3A, %dma_start3A_646, %dma_start3A_647] : memref<25x32x8x128xi32, #tpu.memory_space<hbm>> -> memref<1x1x8x128xi32, #tpu.memory_space<hbm>>
      %dma_start3A_649 = tpu.memref_squeeze %dma_start3A_648 : memref<1x1x8x128xi32, #tpu.memory_space<hbm>> -> memref<8x128xi32, #tpu.memory_space<hbm>>
      tpu.enqueue_dma source(%dma_start3A_649 : memref<8x128xi32, #tpu.memory_space<hbm>>) target(%dma_start3A_645 : memref<8x128xi32, #tpu.memory_space<vmem>>) target_semaphore(%run_scoped3A_633 : memref<!tpu.dma_semaphore, #tpu.memory_space<semaphore_mem>>)
      %dma_wait3A_650 = arith.constant 0 : i32
      %dma_wait3A_651 = arith.constant 0 : i32
      %dma_wait3A_652 = tpu.memref_slice %arg5[%run_scoped3A_7, %dma_wait3A_650, %dma_wait3A_651] : memref<25x8x128xi32, #tpu.memory_space<vmem>> -> memref<1x8x128xi32, #tpu.memory_space<vmem>>
      %dma_wait3A_653 = tpu.memref_squeeze %dma_wait3A_652 : memref<1x8x128xi32, #tpu.memory_space<vmem>> -> memref<8x128xi32, #tpu.memory_space<vmem>>
      %dma_wait3A_654 = arith.constant 0 : i32
      %dma_wait3A_655 = arith.constant 0 : i32
      %dma_wait3A_656 = tpu.memref_slice %arg2[%run_scoped3A_6, %add3A, %dma_wait3A_654, %dma_wait3A_655] : memref<25x32x8x128xi32, #tpu.memory_space<hbm>> -> memref<1x1x8x128xi32, #tpu.memory_space<hbm>>
      %dma_wait3A_657 = tpu.memref_squeeze %dma_wait3A_656 : memref<1x1x8x128xi32, #tpu.memory_space<hbm>> -> memref<8x128xi32, #tpu.memory_space<hbm>>
      %dma_wait3A_658 = arith.constant 0 : i32
      %dma_wait3A_659 = arith.constant 0 : i32
      %dma_wait3A_660 = tpu.memref_slice %arg5[%run_scoped3A_7, %dma_wait3A_658, %dma_wait3A_659] : memref<25x8x128xi32, #tpu.memory_space<vmem>> -> memref<1x8x128xi32, #tpu.memory_space<vmem>>
      %dma_wait3A_661 = tpu.memref_squeeze %dma_wait3A_660 : memref<1x8x128xi32, #tpu.memory_space<vmem>> -> memref<8x128xi32, #tpu.memory_space<vmem>>
      %dma_wait3A_662 = arith.constant 0 : i32
      %dma_wait3A_663 = arith.constant 0 : i32
      %dma_wait3A_664 = tpu.memref_slice %arg2[%run_scoped3A_6, %add3A, %dma_wait3A_662, %dma_wait3A_663] : memref<25x32x8x128xi32, #tpu.memory_space<hbm>> -> memref<1x1x8x128xi32, #tpu.memory_space<hbm>>
      %dma_wait3A_665 = tpu.memref_squeeze %dma_wait3A_664 : memref<1x1x8x128xi32, #tpu.memory_space<hbm>> -> memref<8x128xi32, #tpu.memory_space<hbm>>
      tpu.wait_dma2 semaphore(%run_scoped3A_633 : memref<!tpu.dma_semaphore, #tpu.memory_space<semaphore_mem>>) src(%dma_wait3A_665 : memref<8x128xi32, #tpu.memory_space<hbm>>) dst(%dma_wait3A_661 : memref<8x128xi32, #tpu.memory_space<vmem>>)
      tpu.yield
    }) : () -> ()
    %run_scoped3A_8 = arith.constant 4 : i32
    %run_scoped3A_9 = arith.constant 4 : i32
    "tpu.region"() ({
      %run_scoped3A_633 = tpu.sem_alloc : memref<!tpu.dma_semaphore, #tpu.memory_space<semaphore_mem>>
      %dma_start3A_634 = arith.constant 0 : i32
      %dma_start3A_635 = arith.constant 0 : i32
      %dma_start3A_636 = tpu.memref_slice %arg5[%run_scoped3A_9, %dma_start3A_634, %dma_start3A_635] : memref<25x8x128xi32, #tpu.memory_space<vmem>> -> memref<1x8x128xi32, #tpu.memory_space<vmem>>
      %dma_start3A_637 = tpu.memref_squeeze %dma_start3A_636 : memref<1x8x128xi32, #tpu.memory_space<vmem>> -> memref<8x128xi32, #tpu.memory_space<vmem>>
      %dma_start3A_638 = arith.constant 0 : i32
      %dma_start3A_639 = arith.constant 0 : i32
      %dma_start3A_640 = tpu.memref_slice %arg2[%run_scoped3A_8, %add3A, %dma_start3A_638, %dma_start3A_639] : memref<25x32x8x128xi32, #tpu.memory_space<hbm>> -> memref<1x1x8x128xi32, #tpu.memory_space<hbm>>
      %dma_start3A_641 = tpu.memref_squeeze %dma_start3A_640 : memref<1x1x8x128xi32, #tpu.memory_space<hbm>> -> memref<8x128xi32, #tpu.memory_space<hbm>>
      %dma_start3A_642 = arith.constant 0 : i32
      %dma_start3A_643 = arith.constant 0 : i32
      %dma_start3A_644 = tpu.memref_slice %arg5[%run_scoped3A_9, %dma_start3A_642, %dma_start3A_643] : memref<25x8x128xi32, #tpu.memory_space<vmem>> -> memref<1x8x128xi32, #tpu.memory_space<vmem>>
      %dma_start3A_645 = tpu.memref_squeeze %dma_start3A_644 : memref<1x8x128xi32, #tpu.memory_space<vmem>> -> memref<8x128xi32, #tpu.memory_space<vmem>>
      %dma_start3A_646 = arith.constant 0 : i32
      %dma_start3A_647 = arith.constant 0 : i32
      %dma_start3A_648 = tpu.memref_slice %arg2[%run_scoped3A_8, %add3A, %dma_start3A_646, %dma_start3A_647] : memref<25x32x8x128xi32, #tpu.memory_space<hbm>> -> memref<1x1x8x128xi32, #tpu.memory_space<hbm>>
      %dma_start3A_649 = tpu.memref_squeeze %dma_start3A_648 : memref<1x1x8x128xi32, #tpu.memory_space<hbm>> -> memref<8x128xi32, #tpu.memory_space<hbm>>
      tpu.enqueue_dma source(%dma_start3A_649 : memref<8x128xi32, #tpu.memory_space<hbm>>) target(%dma_start3A_645 : memref<8x128xi32, #tpu.memory_space<vmem>>) target_semaphore(%run_scoped3A_633 : memref<!tpu.dma_semaphore, #tpu.memory_space<semaphore_mem>>)
      %dma_wait3A_650 = arith.constant 0 : i32
      %dma_wait3A_651 = arith.constant 0 : i32
      %dma_wait3A_652 = tpu.memref_slice %arg5[%run_scoped3A_9, %dma_wait3A_650, %dma_wait3A_651] : memref<25x8x128xi32, #tpu.memory_space<vmem>> -> memref<1x8x128xi32, #tpu.memory_space<vmem>>
      %dma_wait3A_653 = tpu.memref_squeeze %dma_wait3A_652 : memref<1x8x128xi32, #tpu.memory_space<vmem>> -> memref<8x128xi32, #tpu.memory_space<vmem>>
      %dma_wait3A_654 = arith.constant 0 : i32
      %dma_wait3A_655 = arith.constant 0 : i32
      %dma_wait3A_656 = tpu.memref_slice %arg2[%run_scoped3A_8, %add3A, %dma_wait3A_654, %dma_wait3A_655] : memref<25x32x8x128xi32, #tpu.memory_space<hbm>> -> memref<1x1x8x128xi32, #tpu.memory_space<hbm>>
      %dma_wait3A_657 = tpu.memref_squeeze %dma_wait3A_656 : memref<1x1x8x128xi32, #tpu.memory_space<hbm>> -> memref<8x128xi32, #tpu.memory_space<hbm>>
      %dma_wait3A_658 = arith.constant 0 : i32
      %dma_wait3A_659 = arith.constant 0 : i32
      %dma_wait3A_660 = tpu.memref_slice %arg5[%run_scoped3A_9, %dma_wait3A_658, %dma_wait3A_659] : memref<25x8x128xi32, #tpu.memory_space<vmem>> -> memref<1x8x128xi32, #tpu.memory_space<vmem>>
      %dma_wait3A_661 = tpu.memref_squeeze %dma_wait3A_660 : memref<1x8x128xi32, #tpu.memory_space<vmem>> -> memref<8x128xi32, #tpu.memory_space<vmem>>
      %dma_wait3A_662 = arith.constant 0 : i32
      %dma_wait3A_663 = arith.constant 0 : i32
      %dma_wait3A_664 = tpu.memref_slice %arg2[%run_scoped3A_8, %add3A, %dma_wait3A_662, %dma_wait3A_663] : memref<25x32x8x128xi32, #tpu.memory_space<hbm>> -> memref<1x1x8x128xi32, #tpu.memory_space<hbm>>
      %dma_wait3A_665 = tpu.memref_squeeze %dma_wait3A_664 : memref<1x1x8x128xi32, #tpu.memory_space<hbm>> -> memref<8x128xi32, #tpu.memory_space<hbm>>
      tpu.wait_dma2 semaphore(%run_scoped3A_633 : memref<!tpu.dma_semaphore, #tpu.memory_space<semaphore_mem>>) src(%dma_wait3A_665 : memref<8x128xi32, #tpu.memory_space<hbm>>) dst(%dma_wait3A_661 : memref<8x128xi32, #tpu.memory_space<vmem>>)
      tpu.yield
    }) : () -> ()
    %run_scoped3A_10 = arith.constant 5 : i32
    %run_scoped3A_11 = arith.constant 5 : i32
    "tpu.region"() ({
      %run_scoped3A_633 = tpu.sem_alloc : memref<!tpu.dma_semaphore, #tpu.memory_space<semaphore_mem>>
      %dma_start3A_634 = arith.constant 0 : i32
      %dma_start3A_635 = arith.constant 0 : i32
      %dma_start3A_636 = tpu.memref_slice %arg5[%run_scoped3A_11, %dma_start3A_634, %dma_start3A_635] : memref<25x8x128xi32, #tpu.memory_space<vmem>> -> memref<1x8x128xi32, #tpu.memory_space<vmem>>
      %dma_start3A_637 = tpu.memref_squeeze %dma_start3A_636 : memref<1x8x128xi32, #tpu.memory_space<vmem>> -> memref<8x128xi32, #tpu.memory_space<vmem>>
      %dma_start3A_638 = arith.constant 0 : i32
      %dma_start3A_639 = arith.constant 0 : i32
      %dma_start3A_640 = tpu.memref_slice %arg2[%run_scoped3A_10, %add3A, %dma_start3A_638, %dma_start3A_639] : memref<25x32x8x128xi32, #tpu.memory_space<hbm>> -> memref<1x1x8x128xi32, #tpu.memory_space<hbm>>
      %dma_start3A_641 = tpu.memref_squeeze %dma_start3A_640 : memref<1x1x8x128xi32, #tpu.memory_space<hbm>> -> memref<8x128xi32, #tpu.memory_space<hbm>>
      %dma_start3A_642 = arith.constant 0 : i32
      %dma_start3A_643 = arith.constant 0 : i32
      %dma_start3A_644 = tpu.memref_slice %arg5[%run_scoped3A_11, %dma_start3A_642, %dma_start3A_643] : memref<25x8x128xi32, #tpu.memory_space<vmem>> -> memref<1x8x128xi32, #tpu.memory_space<vmem>>
      %dma_start3A_645 = tpu.memref_squeeze %dma_start3A_644 : memref<1x8x128xi32, #tpu.memory_space<vmem>> -> memref<8x128xi32, #tpu.memory_space<vmem>>
      %dma_start3A_646 = arith.constant 0 : i32
      %dma_start3A_647 = arith.constant 0 : i32
      %dma_start3A_648 = tpu.memref_slice %arg2[%run_scoped3A_10, %add3A, %dma_start3A_646, %dma_start3A_647] : memref<25x32x8x128xi32, #tpu.memory_space<hbm>> -> memref<1x1x8x128xi32, #tpu.memory_space<hbm>>
      %dma_start3A_649 = tpu.memref_squeeze %dma_start3A_648 : memref<1x1x8x128xi32, #tpu.memory_space<hbm>> -> memref<8x128xi32, #tpu.memory_space<hbm>>
      tpu.enqueue_dma source(%dma_start3A_649 : memref<8x128xi32, #tpu.memory_space<hbm>>) target(%dma_start3A_645 : memref<8x128xi32, #tpu.memory_space<vmem>>) target_semaphore(%run_scoped3A_633 : memref<!tpu.dma_semaphore, #tpu.memory_space<semaphore_mem>>)
      %dma_wait3A_650 = arith.constant 0 : i32
      %dma_wait3A_651 = arith.constant 0 : i32
      %dma_wait3A_652 = tpu.memref_slice %arg5[%run_scoped3A_11, %dma_wait3A_650, %dma_wait3A_651] : memref<25x8x128xi32, #tpu.memory_space<vmem>> -> memref<1x8x128xi32, #tpu.memory_space<vmem>>
      %dma_wait3A_653 = tpu.memref_squeeze %dma_wait3A_652 : memref<1x8x128xi32, #tpu.memory_space<vmem>> -> memref<8x128xi32, #tpu.memory_space<vmem>>
      %dma_wait3A_654 = arith.constant 0 : i32
      %dma_wait3A_655 = arith.constant 0 : i32
      %dma_wait3A_656 = tpu.memref_slice %arg2[%run_scoped3A_10, %add3A, %dma_wait3A_654, %dma_wait3A_655] : memref<25x32x8x128xi32, #tpu.memory_space<hbm>> -> memref<1x1x8x128xi32, #tpu.memory_space<hbm>>
      %dma_wait3A_657 = tpu.memref_squeeze %dma_wait3A_656 : memref<1x1x8x128xi32, #tpu.memory_space<hbm>> -> memref<8x128xi32, #tpu.memory_space<hbm>>
      %dma_wait3A_658 = arith.constant 0 : i32
      %dma_wait3A_659 = arith.constant 0 : i32
      %dma_wait3A_660 = tpu.memref_slice %arg5[%run_scoped3A_11, %dma_wait3A_658, %dma_wait3A_659] : memref<25x8x128xi32, #tpu.memory_space<vmem>> -> memref<1x8x128xi32, #tpu.memory_space<vmem>>
      %dma_wait3A_661 = tpu.memref_squeeze %dma_wait3A_660 : memref<1x8x128xi32, #tpu.memory_space<vmem>> -> memref<8x128xi32, #tpu.memory_space<vmem>>
      %dma_wait3A_662 = arith.constant 0 : i32
      %dma_wait3A_663 = arith.constant 0 : i32
      %dma_wait3A_664 = tpu.memref_slice %arg2[%run_scoped3A_10, %add3A, %dma_wait3A_662, %dma_wait3A_663] : memref<25x32x8x128xi32, #tpu.memory_space<hbm>> -> memref<1x1x8x128xi32, #tpu.memory_space<hbm>>
      %dma_wait3A_665 = tpu.memref_squeeze %dma_wait3A_664 : memref<1x1x8x128xi32, #tpu.memory_space<hbm>> -> memref<8x128xi32, #tpu.memory_space<hbm>>
      tpu.wait_dma2 semaphore(%run_scoped3A_633 : memref<!tpu.dma_semaphore, #tpu.memory_space<semaphore_mem>>) src(%dma_wait3A_665 : memref<8x128xi32, #tpu.memory_space<hbm>>) dst(%dma_wait3A_661 : memref<8x128xi32, #tpu.memory_space<vmem>>)
      tpu.yield
    }) : () -> ()
    %run_scoped3A_12 = arith.constant 6 : i32
    %run_scoped3A_13 = arith.constant 6 : i32
    "tpu.region"() ({
      %run_scoped3A_633 = tpu.sem_alloc : memref<!tpu.dma_semaphore, #tpu.memory_space<semaphore_mem>>
      %dma_start3A_634 = arith.constant 0 : i32
      %dma_start3A_635 = arith.constant 0 : i32
      %dma_start3A_636 = tpu.memref_slice %arg5[%run_scoped3A_13, %dma_start3A_634, %dma_start3A_635] : memref<25x8x128xi32, #tpu.memory_space<vmem>> -> memref<1x8x128xi32, #tpu.memory_space<vmem>>
      %dma_start3A_637 = tpu.memref_squeeze %dma_start3A_636 : memref<1x8x128xi32, #tpu.memory_space<vmem>> -> memref<8x128xi32, #tpu.memory_space<vmem>>
      %dma_start3A_638 = arith.constant 0 : i32
      %dma_start3A_639 = arith.constant 0 : i32
      %dma_start3A_640 = tpu.memref_slice %arg2[%run_scoped3A_12, %add3A, %dma_start3A_638, %dma_start3A_639] : memref<25x32x8x128xi32, #tpu.memory_space<hbm>> -> memref<1x1x8x128xi32, #tpu.memory_space<hbm>>
      %dma_start3A_641 = tpu.memref_squeeze %dma_start3A_640 : memref<1x1x8x128xi32, #tpu.memory_space<hbm>> -> memref<8x128xi32, #tpu.memory_space<hbm>>
      %dma_start3A_642 = arith.constant 0 : i32
      %dma_start3A_643 = arith.constant 0 : i32
      %dma_start3A_644 = tpu.memref_slice %arg5[%run_scoped3A_13, %dma_start3A_642, %dma_start3A_643] : memref<25x8x128xi32, #tpu.memory_space<vmem>> -> memref<1x8x128xi32, #tpu.memory_space<vmem>>
      %dma_start3A_645 = tpu.memref_squeeze %dma_start3A_644 : memref<1x8x128xi32, #tpu.memory_space<vmem>> -> memref<8x128xi32, #tpu.memory_space<vmem>>
      %dma_start3A_646 = arith.constant 0 : i32
      %dma_start3A_647 = arith.constant 0 : i32
      %dma_start3A_648 = tpu.memref_slice %arg2[%run_scoped3A_12, %add3A, %dma_start3A_646, %dma_start3A_647] : memref<25x32x8x128xi32, #tpu.memory_space<hbm>> -> memref<1x1x8x128xi32, #tpu.memory_space<hbm>>
      %dma_start3A_649 = tpu.memref_squeeze %dma_start3A_648 : memref<1x1x8x128xi32, #tpu.memory_space<hbm>> -> memref<8x128xi32, #tpu.memory_space<hbm>>
      tpu.enqueue_dma source(%dma_start3A_649 : memref<8x128xi32, #tpu.memory_space<hbm>>) target(%dma_start3A_645 : memref<8x128xi32, #tpu.memory_space<vmem>>) target_semaphore(%run_scoped3A_633 : memref<!tpu.dma_semaphore, #tpu.memory_space<semaphore_mem>>)
      %dma_wait3A_650 = arith.constant 0 : i32
      %dma_wait3A_651 = arith.constant 0 : i32
      %dma_wait3A_652 = tpu.memref_slice %arg5[%run_scoped3A_13, %dma_wait3A_650, %dma_wait3A_651] : memref<25x8x128xi32, #tpu.memory_space<vmem>> -> memref<1x8x128xi32, #tpu.memory_space<vmem>>
      %dma_wait3A_653 = tpu.memref_squeeze %dma_wait3A_652 : memref<1x8x128xi32, #tpu.memory_space<vmem>> -> memref<8x128xi32, #tpu.memory_space<vmem>>
      %dma_wait3A_654 = arith.constant 0 : i32
      %dma_wait3A_655 = arith.constant 0 : i32
      %dma_wait3A_656 = tpu.memref_slice %arg2[%run_scoped3A_12, %add3A, %dma_wait3A_654, %dma_wait3A_655] : memref<25x32x8x128xi32, #tpu.memory_space<hbm>> -> memref<1x1x8x128xi32, #tpu.memory_space<hbm>>
      %dma_wait3A_657 = tpu.memref_squeeze %dma_wait3A_656 : memref<1x1x8x128xi32, #tpu.memory_space<hbm>> -> memref<8x128xi32, #tpu.memory_space<hbm>>
      %dma_wait3A_658 = arith.constant 0 : i32
      %dma_wait3A_659 = arith.constant 0 : i32
      %dma_wait3A_660 = tpu.memref_slice %arg5[%run_scoped3A_13, %dma_wait3A_658, %dma_wait3A_659] : memref<25x8x128xi32, #tpu.memory_space<vmem>> -> memref<1x8x128xi32, #tpu.memory_space<vmem>>
      %dma_wait3A_661 = tpu.memref_squeeze %dma_wait3A_660 : memref<1x8x128xi32, #tpu.memory_space<vmem>> -> memref<8x128xi32, #tpu.memory_space<vmem>>
      %dma_wait3A_662 = arith.constant 0 : i32
      %dma_wait3A_663 = arith.constant 0 : i32
      %dma_wait3A_664 = tpu.memref_slice %arg2[%run_scoped3A_12, %add3A, %dma_wait3A_662, %dma_wait3A_663] : memref<25x32x8x128xi32, #tpu.memory_space<hbm>> -> memref<1x1x8x128xi32, #tpu.memory_space<hbm>>
      %dma_wait3A_665 = tpu.memref_squeeze %dma_wait3A_664 : memref<1x1x8x128xi32, #tpu.memory_space<hbm>> -> memref<8x128xi32, #tpu.memory_space<hbm>>
      tpu.wait_dma2 semaphore(%run_scoped3A_633 : memref<!tpu.dma_semaphore, #tpu.memory_space<semaphore_mem>>) src(%dma_wait3A_665 : memref<8x128xi32, #tpu.memory_space<hbm>>) dst(%dma_wait3A_661 : memref<8x128xi32, #tpu.memory_space<vmem>>)
      tpu.yield
    }) : () -> ()
    %run_scoped3A_14 = arith.constant 7 : i32
    %run_scoped3A_15 = arith.constant 7 : i32
    "tpu.region"() ({
      %run_scoped3A_633 = tpu.sem_alloc : memref<!tpu.dma_semaphore, #tpu.memory_space<semaphore_mem>>
      %dma_start3A_634 = arith.constant 0 : i32
      %dma_start3A_635 = arith.constant 0 : i32
      %dma_start3A_636 = tpu.memref_slice %arg5[%run_scoped3A_15, %dma_start3A_634, %dma_start3A_635] : memref<25x8x128xi32, #tpu.memory_space<vmem>> -> memref<1x8x128xi32, #tpu.memory_space<vmem>>
      %dma_start3A_637 = tpu.memref_squeeze %dma_start3A_636 : memref<1x8x128xi32, #tpu.memory_space<vmem>> -> memref<8x128xi32, #tpu.memory_space<vmem>>
      %dma_start3A_638 = arith.constant 0 : i32
      %dma_start3A_639 = arith.constant 0 : i32
      %dma_start3A_640 = tpu.memref_slice %arg2[%run_scoped3A_14, %add3A, %dma_start3A_638, %dma_start3A_639] : memref<25x32x8x128xi32, #tpu.memory_space<hbm>> -> memref<1x1x8x128xi32, #tpu.memory_space<hbm>>
      %dma_start3A_641 = tpu.memref_squeeze %dma_start3A_640 : memref<1x1x8x128xi32, #tpu.memory_space<hbm>> -> memref<8x128xi32, #tpu.memory_space<hbm>>
      %dma_start3A_642 = arith.constant 0 : i32
      %dma_start3A_643 = arith.constant 0 : i32
      %dma_start3A_644 = tpu.memref_slice %arg5[%run_scoped3A_15, %dma_start3A_642, %dma_start3A_643] : memref<25x8x128xi32, #tpu.memory_space<vmem>> -> memref<1x8x128xi32, #tpu.memory_space<vmem>>
      %dma_start3A_645 = tpu.memref_squeeze %dma_start3A_644 : memref<1x8x128xi32, #tpu.memory_space<vmem>> -> memref<8x128xi32, #tpu.memory_space<vmem>>
      %dma_start3A_646 = arith.constant 0 : i32
      %dma_start3A_647 = arith.constant 0 : i32
      %dma_start3A_648 = tpu.memref_slice %arg2[%run_scoped3A_14, %add3A, %dma_start3A_646, %dma_start3A_647] : memref<25x32x8x128xi32, #tpu.memory_space<hbm>> -> memref<1x1x8x128xi32, #tpu.memory_space<hbm>>
      %dma_start3A_649 = tpu.memref_squeeze %dma_start3A_648 : memref<1x1x8x128xi32, #tpu.memory_space<hbm>> -> memref<8x128xi32, #tpu.memory_space<hbm>>
      tpu.enqueue_dma source(%dma_start3A_649 : memref<8x128xi32, #tpu.memory_space<hbm>>) target(%dma_start3A_645 : memref<8x128xi32, #tpu.memory_space<vmem>>) target_semaphore(%run_scoped3A_633 : memref<!tpu.dma_semaphore, #tpu.memory_space<semaphore_mem>>)
      %dma_wait3A_650 = arith.constant 0 : i32
      %dma_wait3A_651 = arith.constant 0 : i32
      %dma_wait3A_652 = tpu.memref_slice %arg5[%run_scoped3A_15, %dma_wait3A_650, %dma_wait3A_651] : memref<25x8x128xi32, #tpu.memory_space<vmem>> -> memref<1x8x128xi32, #tpu.memory_space<vmem>>
      %dma_wait3A_653 = tpu.memref_squeeze %dma_wait3A_652 : memref<1x8x128xi32, #tpu.memory_space<vmem>> -> memref<8x128xi32, #tpu.memory_space<vmem>>
      %dma_wait3A_654 = arith.constant 0 : i32
      %dma_wait3A_655 = arith.constant 0 : i32
      %dma_wait3A_656 = tpu.memref_slice %arg2[%run_scoped3A_14, %add3A, %dma_wait3A_654, %dma_wait3A_655] : memref<25x32x8x128xi32, #tpu.memory_space<hbm>> -> memref<1x1x8x128xi32, #tpu.memory_space<hbm>>
      %dma_wait3A_657 = tpu.memref_squeeze %dma_wait3A_656 : memref<1x1x8x128xi32, #tpu.memory_space<hbm>> -> memref<8x128xi32, #tpu.memory_space<hbm>>
      %dma_wait3A_658 = arith.constant 0 : i32
      %dma_wait3A_659 = arith.constant 0 : i32
      %dma_wait3A_660 = tpu.memref_slice %arg5[%run_scoped3A_15, %dma_wait3A_658, %dma_wait3A_659] : memref<25x8x128xi32, #tpu.memory_space<vmem>> -> memref<1x8x128xi32, #tpu.memory_space<vmem>>
      %dma_wait3A_661 = tpu.memref_squeeze %dma_wait3A_660 : memref<1x8x128xi32, #tpu.memory_space<vmem>> -> memref<8x128xi32, #tpu.memory_space<vmem>>
      %dma_wait3A_662 = arith.constant 0 : i32
      %dma_wait3A_663 = arith.constant 0 : i32
      %dma_wait3A_664 = tpu.memref_slice %arg2[%run_scoped3A_14, %add3A, %dma_wait3A_662, %dma_wait3A_663] : memref<25x32x8x128xi32, #tpu.memory_space<hbm>> -> memref<1x1x8x128xi32, #tpu.memory_space<hbm>>
      %dma_wait3A_665 = tpu.memref_squeeze %dma_wait3A_664 : memref<1x1x8x128xi32, #tpu.memory_space<hbm>> -> memref<8x128xi32, #tpu.memory_space<hbm>>
      tpu.wait_dma2 semaphore(%run_scoped3A_633 : memref<!tpu.dma_semaphore, #tpu.memory_space<semaphore_mem>>) src(%dma_wait3A_665 : memref<8x128xi32, #tpu.memory_space<hbm>>) dst(%dma_wait3A_661 : memref<8x128xi32, #tpu.memory_space<vmem>>)
      tpu.yield
    }) : () -> ()
    %run_scoped3A_16 = arith.constant 8 : i32
    %run_scoped3A_17 = arith.constant 8 : i32
    "tpu.region"() ({
      %run_scoped3A_633 = tpu.sem_alloc : memref<!tpu.dma_semaphore, #tpu.memory_space<semaphore_mem>>
      %dma_start3A_634 = arith.constant 0 : i32
      %dma_start3A_635 = arith.constant 0 : i32
      %dma_start3A_636 = tpu.memref_slice %arg5[%run_scoped3A_17, %dma_start3A_634, %dma_start3A_635] : memref<25x8x128xi32, #tpu.memory_space<vmem>> -> memref<1x8x128xi32, #tpu.memory_space<vmem>>
      %dma_start3A_637 = tpu.memref_squeeze %dma_start3A_636 : memref<1x8x128xi32, #tpu.memory_space<vmem>> -> memref<8x128xi32, #tpu.memory_space<vmem>>
      %dma_start3A_638 = arith.constant 0 : i32
      %dma_start3A_639 = arith.constant 0 : i32
      %dma_start3A_640 = tpu.memref_slice %arg2[%run_scoped3A_16, %add3A, %dma_start3A_638, %dma_start3A_639] : memref<25x32x8x128xi32, #tpu.memory_space<hbm>> -> memref<1x1x8x128xi32, #tpu.memory_space<hbm>>
      %dma_start3A_641 = tpu.memref_squeeze %dma_start3A_640 : memref<1x1x8x128xi32, #tpu.memory_space<hbm>> -> memref<8x128xi32, #tpu.memory_space<hbm>>
      %dma_start3A_642 = arith.constant 0 : i32
      %dma_start3A_643 = arith.constant 0 : i32
      %dma_start3A_644 = tpu.memref_slice %arg5[%run_scoped3A_17, %dma_start3A_642, %dma_start3A_643] : memref<25x8x128xi32, #tpu.memory_space<vmem>> -> memref<1x8x128xi32, #tpu.memory_space<vmem>>
      %dma_start3A_645 = tpu.memref_squeeze %dma_start3A_644 : memref<1x8x128xi32, #tpu.memory_space<vmem>> -> memref<8x128xi32, #tpu.memory_space<vmem>>
      %dma_start3A_646 = arith.constant 0 : i32
      %dma_start3A_647 = arith.constant 0 : i32
      %dma_start3A_648 = tpu.memref_slice %arg2[%run_scoped3A_16, %add3A, %dma_start3A_646, %dma_start3A_647] : memref<25x32x8x128xi32, #tpu.memory_space<hbm>> -> memref<1x1x8x128xi32, #tpu.memory_space<hbm>>
      %dma_start3A_649 = tpu.memref_squeeze %dma_start3A_648 : memref<1x1x8x128xi32, #tpu.memory_space<hbm>> -> memref<8x128xi32, #tpu.memory_space<hbm>>
      tpu.enqueue_dma source(%dma_start3A_649 : memref<8x128xi32, #tpu.memory_space<hbm>>) target(%dma_start3A_645 : memref<8x128xi32, #tpu.memory_space<vmem>>) target_semaphore(%run_scoped3A_633 : memref<!tpu.dma_semaphore, #tpu.memory_space<semaphore_mem>>)
      %dma_wait3A_650 = arith.constant 0 : i32
      %dma_wait3A_651 = arith.constant 0 : i32
      %dma_wait3A_652 = tpu.memref_slice %arg5[%run_scoped3A_17, %dma_wait3A_650, %dma_wait3A_651] : memref<25x8x128xi32, #tpu.memory_space<vmem>> -> memref<1x8x128xi32, #tpu.memory_space<vmem>>
      %dma_wait3A_653 = tpu.memref_squeeze %dma_wait3A_652 : memref<1x8x128xi32, #tpu.memory_space<vmem>> -> memref<8x128xi32, #tpu.memory_space<vmem>>
      %dma_wait3A_654 = arith.constant 0 : i32
      %dma_wait3A_655 = arith.constant 0 : i32
      %dma_wait3A_656 = tpu.memref_slice %arg2[%run_scoped3A_16, %add3A, %dma_wait3A_654, %dma_wait3A_655] : memref<25x32x8x128xi32, #tpu.memory_space<hbm>> -> memref<1x1x8x128xi32, #tpu.memory_space<hbm>>
      %dma_wait3A_657 = tpu.memref_squeeze %dma_wait3A_656 : memref<1x1x8x128xi32, #tpu.memory_space<hbm>> -> memref<8x128xi32, #tpu.memory_space<hbm>>
      %dma_wait3A_658 = arith.constant 0 : i32
      %dma_wait3A_659 = arith.constant 0 : i32
      %dma_wait3A_660 = tpu.memref_slice %arg5[%run_scoped3A_17, %dma_wait3A_658, %dma_wait3A_659] : memref<25x8x128xi32, #tpu.memory_space<vmem>> -> memref<1x8x128xi32, #tpu.memory_space<vmem>>
      %dma_wait3A_661 = tpu.memref_squeeze %dma_wait3A_660 : memref<1x8x128xi32, #tpu.memory_space<vmem>> -> memref<8x128xi32, #tpu.memory_space<vmem>>
      %dma_wait3A_662 = arith.constant 0 : i32
      %dma_wait3A_663 = arith.constant 0 : i32
      %dma_wait3A_664 = tpu.memref_slice %arg2[%run_scoped3A_16, %add3A, %dma_wait3A_662, %dma_wait3A_663] : memref<25x32x8x128xi32, #tpu.memory_space<hbm>> -> memref<1x1x8x128xi32, #tpu.memory_space<hbm>>
      %dma_wait3A_665 = tpu.memref_squeeze %dma_wait3A_664 : memref<1x1x8x128xi32, #tpu.memory_space<hbm>> -> memref<8x128xi32, #tpu.memory_space<hbm>>
      tpu.wait_dma2 semaphore(%run_scoped3A_633 : memref<!tpu.dma_semaphore, #tpu.memory_space<semaphore_mem>>) src(%dma_wait3A_665 : memref<8x128xi32, #tpu.memory_space<hbm>>) dst(%dma_wait3A_661 : memref<8x128xi32, #tpu.memory_space<vmem>>)
      tpu.yield
    }) : () -> ()
    %run_scoped3A_18 = arith.constant 9 : i32
    %run_scoped3A_19 = arith.constant 9 : i32
    "tpu.region"() ({
      %run_scoped3A_633 = tpu.sem_alloc : memref<!tpu.dma_semaphore, #tpu.memory_space<semaphore_mem>>
      %dma_start3A_634 = arith.constant 0 : i32
      %dma_start3A_635 = arith.constant 0 : i32
      %dma_start3A_636 = tpu.memref_slice %arg5[%run_scoped3A_19, %dma_start3A_634, %dma_start3A_635] : memref<25x8x128xi32, #tpu.memory_space<vmem>> -> memref<1x8x128xi32, #tpu.memory_space<vmem>>
      %dma_start3A_637 = tpu.memref_squeeze %dma_start3A_636 : memref<1x8x128xi32, #tpu.memory_space<vmem>> -> memref<8x128xi32, #tpu.memory_space<vmem>>
      %dma_start3A_638 = arith.constant 0 : i32
      %dma_start3A_639 = arith.constant 0 : i32
      %dma_start3A_640 = tpu.memref_slice %arg2[%run_scoped3A_18, %add3A, %dma_start3A_638, %dma_start3A_639] : memref<25x32x8x128xi32, #tpu.memory_space<hbm>> -> memref<1x1x8x128xi32, #tpu.memory_space<hbm>>
      %dma_start3A_641 = tpu.memref_squeeze %dma_start3A_640 : memref<1x1x8x128xi32, #tpu.memory_space<hbm>> -> memref<8x128xi32, #tpu.memory_space<hbm>>
      %dma_start3A_642 = arith.constant 0 : i32
      %dma_start3A_643 = arith.constant 0 : i32
      %dma_start3A_644 = tpu.memref_slice %arg5[%run_scoped3A_19, %dma_start3A_642, %dma_start3A_643] : memref<25x8x128xi32, #tpu.memory_space<vmem>> -> memref<1x8x128xi32, #tpu.memory_space<vmem>>
      %dma_start3A_645 = tpu.memref_squeeze %dma_start3A_644 : memref<1x8x128xi32, #tpu.memory_space<vmem>> -> memref<8x128xi32, #tpu.memory_space<vmem>>
      %dma_start3A_646 = arith.constant 0 : i32
      %dma_start3A_647 = arith.constant 0 : i32
      %dma_start3A_648 = tpu.memref_slice %arg2[%run_scoped3A_18, %add3A, %dma_start3A_646, %dma_start3A_647] : memref<25x32x8x128xi32, #tpu.memory_space<hbm>> -> memref<1x1x8x128xi32, #tpu.memory_space<hbm>>
      %dma_start3A_649 = tpu.memref_squeeze %dma_start3A_648 : memref<1x1x8x128xi32, #tpu.memory_space<hbm>> -> memref<8x128xi32, #tpu.memory_space<hbm>>
      tpu.enqueue_dma source(%dma_start3A_649 : memref<8x128xi32, #tpu.memory_space<hbm>>) target(%dma_start3A_645 : memref<8x128xi32, #tpu.memory_space<vmem>>) target_semaphore(%run_scoped3A_633 : memref<!tpu.dma_semaphore, #tpu.memory_space<semaphore_mem>>)
      %dma_wait3A_650 = arith.constant 0 : i32
      %dma_wait3A_651 = arith.constant 0 : i32
      %dma_wait3A_652 = tpu.memref_slice %arg5[%run_scoped3A_19, %dma_wait3A_650, %dma_wait3A_651] : memref<25x8x128xi32, #tpu.memory_space<vmem>> -> memref<1x8x128xi32, #tpu.memory_space<vmem>>
      %dma_wait3A_653 = tpu.memref_squeeze %dma_wait3A_652 : memref<1x8x128xi32, #tpu.memory_space<vmem>> -> memref<8x128xi32, #tpu.memory_space<vmem>>
      %dma_wait3A_654 = arith.constant 0 : i32
      %dma_wait3A_655 = arith.constant 0 : i32
      %dma_wait3A_656 = tpu.memref_slice %arg2[%run_scoped3A_18, %add3A, %dma_wait3A_654, %dma_wait3A_655] : memref<25x32x8x128xi32, #tpu.memory_space<hbm>> -> memref<1x1x8x128xi32, #tpu.memory_space<hbm>>
      %dma_wait3A_657 = tpu.memref_squeeze %dma_wait3A_656 : memref<1x1x8x128xi32, #tpu.memory_space<hbm>> -> memref<8x128xi32, #tpu.memory_space<hbm>>
      %dma_wait3A_658 = arith.constant 0 : i32
      %dma_wait3A_659 = arith.constant 0 : i32
      %dma_wait3A_660 = tpu.memref_slice %arg5[%run_scoped3A_19, %dma_wait3A_658, %dma_wait3A_659] : memref<25x8x128xi32, #tpu.memory_space<vmem>> -> memref<1x8x128xi32, #tpu.memory_space<vmem>>
      %dma_wait3A_661 = tpu.memref_squeeze %dma_wait3A_660 : memref<1x8x128xi32, #tpu.memory_space<vmem>> -> memref<8x128xi32, #tpu.memory_space<vmem>>
      %dma_wait3A_662 = arith.constant 0 : i32
      %dma_wait3A_663 = arith.constant 0 : i32
      %dma_wait3A_664 = tpu.memref_slice %arg2[%run_scoped3A_18, %add3A, %dma_wait3A_662, %dma_wait3A_663] : memref<25x32x8x128xi32, #tpu.memory_space<hbm>> -> memref<1x1x8x128xi32, #tpu.memory_space<hbm>>
      %dma_wait3A_665 = tpu.memref_squeeze %dma_wait3A_664 : memref<1x1x8x128xi32, #tpu.memory_space<hbm>> -> memref<8x128xi32, #tpu.memory_space<hbm>>
      tpu.wait_dma2 semaphore(%run_scoped3A_633 : memref<!tpu.dma_semaphore, #tpu.memory_space<semaphore_mem>>) src(%dma_wait3A_665 : memref<8x128xi32, #tpu.memory_space<hbm>>) dst(%dma_wait3A_661 : memref<8x128xi32, #tpu.memory_space<vmem>>)
      tpu.yield
    }) : () -> ()
    %run_scoped3A_20 = arith.constant 10 : i32
    %run_scoped3A_21 = arith.constant 10 : i32
    "tpu.region"() ({
      %run_scoped3A_633 = tpu.sem_alloc : memref<!tpu.dma_semaphore, #tpu.memory_space<semaphore_mem>>
      %dma_start3A_634 = arith.constant 0 : i32
      %dma_start3A_635 = arith.constant 0 : i32
      %dma_start3A_636 = tpu.memref_slice %arg5[%run_scoped3A_21, %dma_start3A_634, %dma_start3A_635] : memref<25x8x128xi32, #tpu.memory_space<vmem>> -> memref<1x8x128xi32, #tpu.memory_space<vmem>>
      %dma_start3A_637 = tpu.memref_squeeze %dma_start3A_636 : memref<1x8x128xi32, #tpu.memory_space<vmem>> -> memref<8x128xi32, #tpu.memory_space<vmem>>
      %dma_start3A_638 = arith.constant 0 : i32
      %dma_start3A_639 = arith.constant 0 : i32
      %dma_start3A_640 = tpu.memref_slice %arg2[%run_scoped3A_20, %add3A, %dma_start3A_638, %dma_start3A_639] : memref<25x32x8x128xi32, #tpu.memory_space<hbm>> -> memref<1x1x8x128xi32, #tpu.memory_space<hbm>>
      %dma_start3A_641 = tpu.memref_squeeze %dma_start3A_640 : memref<1x1x8x128xi32, #tpu.memory_space<hbm>> -> memref<8x128xi32, #tpu.memory_space<hbm>>
      %dma_start3A_642 = arith.constant 0 : i32
      %dma_start3A_643 = arith.constant 0 : i32
      %dma_start3A_644 = tpu.memref_slice %arg5[%run_scoped3A_21, %dma_start3A_642, %dma_start3A_643] : memref<25x8x128xi32, #tpu.memory_space<vmem>> -> memref<1x8x128xi32, #tpu.memory_space<vmem>>
      %dma_start3A_645 = tpu.memref_squeeze %dma_start3A_644 : memref<1x8x128xi32, #tpu.memory_space<vmem>> -> memref<8x128xi32, #tpu.memory_space<vmem>>
      %dma_start3A_646 = arith.constant 0 : i32
      %dma_start3A_647 = arith.constant 0 : i32
      %dma_start3A_648 = tpu.memref_slice %arg2[%run_scoped3A_20, %add3A, %dma_start3A_646, %dma_start3A_647] : memref<25x32x8x128xi32, #tpu.memory_space<hbm>> -> memref<1x1x8x128xi32, #tpu.memory_space<hbm>>
      %dma_start3A_649 = tpu.memref_squeeze %dma_start3A_648 : memref<1x1x8x128xi32, #tpu.memory_space<hbm>> -> memref<8x128xi32, #tpu.memory_space<hbm>>
      tpu.enqueue_dma source(%dma_start3A_649 : memref<8x128xi32, #tpu.memory_space<hbm>>) target(%dma_start3A_645 : memref<8x128xi32, #tpu.memory_space<vmem>>) target_semaphore(%run_scoped3A_633 : memref<!tpu.dma_semaphore, #tpu.memory_space<semaphore_mem>>)
      %dma_wait3A_650 = arith.constant 0 : i32
      %dma_wait3A_651 = arith.constant 0 : i32
      %dma_wait3A_652 = tpu.memref_slice %arg5[%run_scoped3A_21, %dma_wait3A_650, %dma_wait3A_651] : memref<25x8x128xi32, #tpu.memory_space<vmem>> -> memref<1x8x128xi32, #tpu.memory_space<vmem>>
      %dma_wait3A_653 = tpu.memref_squeeze %dma_wait3A_652 : memref<1x8x128xi32, #tpu.memory_space<vmem>> -> memref<8x128xi32, #tpu.memory_space<vmem>>
      %dma_wait3A_654 = arith.constant 0 : i32
      %dma_wait3A_655 = arith.constant 0 : i32
      %dma_wait3A_656 = tpu.memref_slice %arg2[%run_scoped3A_20, %add3A, %dma_wait3A_654, %dma_wait3A_655] : memref<25x32x8x128xi32, #tpu.memory_space<hbm>> -> memref<1x1x8x128xi32, #tpu.memory_space<hbm>>
      %dma_wait3A_657 = tpu.memref_squeeze %dma_wait3A_656 : memref<1x1x8x128xi32, #tpu.memory_space<hbm>> -> memref<8x128xi32, #tpu.memory_space<hbm>>
      %dma_wait3A_658 = arith.constant 0 : i32
      %dma_wait3A_659 = arith.constant 0 : i32
      %dma_wait3A_660 = tpu.memref_slice %arg5[%run_scoped3A_21, %dma_wait3A_658, %dma_wait3A_659] : memref<25x8x128xi32, #tpu.memory_space<vmem>> -> memref<1x8x128xi32, #tpu.memory_space<vmem>>
      %dma_wait3A_661 = tpu.memref_squeeze %dma_wait3A_660 : memref<1x8x128xi32, #tpu.memory_space<vmem>> -> memref<8x128xi32, #tpu.memory_space<vmem>>
      %dma_wait3A_662 = arith.constant 0 : i32
      %dma_wait3A_663 = arith.constant 0 : i32
      %dma_wait3A_664 = tpu.memref_slice %arg2[%run_scoped3A_20, %add3A, %dma_wait3A_662, %dma_wait3A_663] : memref<25x32x8x128xi32, #tpu.memory_space<hbm>> -> memref<1x1x8x128xi32, #tpu.memory_space<hbm>>
      %dma_wait3A_665 = tpu.memref_squeeze %dma_wait3A_664 : memref<1x1x8x128xi32, #tpu.memory_space<hbm>> -> memref<8x128xi32, #tpu.memory_space<hbm>>
      tpu.wait_dma2 semaphore(%run_scoped3A_633 : memref<!tpu.dma_semaphore, #tpu.memory_space<semaphore_mem>>) src(%dma_wait3A_665 : memref<8x128xi32, #tpu.memory_space<hbm>>) dst(%dma_wait3A_661 : memref<8x128xi32, #tpu.memory_space<vmem>>)
      tpu.yield
    }) : () -> ()
    %run_scoped3A_22 = arith.constant 11 : i32
    %run_scoped3A_23 = arith.constant 11 : i32
    "tpu.region"() ({
      %run_scoped3A_633 = tpu.sem_alloc : memref<!tpu.dma_semaphore, #tpu.memory_space<semaphore_mem>>
      %dma_start3A_634 = arith.constant 0 : i32
      %dma_start3A_635 = arith.constant 0 : i32
      %dma_start3A_636 = tpu.memref_slice %arg5[%run_scoped3A_23, %dma_start3A_634, %dma_start3A_635] : memref<25x8x128xi32, #tpu.memory_space<vmem>> -> memref<1x8x128xi32, #tpu.memory_space<vmem>>
      %dma_start3A_637 = tpu.memref_squeeze %dma_start3A_636 : memref<1x8x128xi32, #tpu.memory_space<vmem>> -> memref<8x128xi32, #tpu.memory_space<vmem>>
      %dma_start3A_638 = arith.constant 0 : i32
      %dma_start3A_639 = arith.constant 0 : i32
      %dma_start3A_640 = tpu.memref_slice %arg2[%run_scoped3A_22, %add3A, %dma_start3A_638, %dma_start3A_639] : memref<25x32x8x128xi32, #tpu.memory_space<hbm>> -> memref<1x1x8x128xi32, #tpu.memory_space<hbm>>
      %dma_start3A_641 = tpu.memref_squeeze %dma_start3A_640 : memref<1x1x8x128xi32, #tpu.memory_space<hbm>> -> memref<8x128xi32, #tpu.memory_space<hbm>>
      %dma_start3A_642 = arith.constant 0 : i32
      %dma_start3A_643 = arith.constant 0 : i32
      %dma_start3A_644 = tpu.memref_slice %arg5[%run_scoped3A_23, %dma_start3A_642, %dma_start3A_643] : memref<25x8x128xi32, #tpu.memory_space<vmem>> -> memref<1x8x128xi32, #tpu.memory_space<vmem>>
      %dma_start3A_645 = tpu.memref_squeeze %dma_start3A_644 : memref<1x8x128xi32, #tpu.memory_space<vmem>> -> memref<8x128xi32, #tpu.memory_space<vmem>>
      %dma_start3A_646 = arith.constant 0 : i32
      %dma_start3A_647 = arith.constant 0 : i32
      %dma_start3A_648 = tpu.memref_slice %arg2[%run_scoped3A_22, %add3A, %dma_start3A_646, %dma_start3A_647] : memref<25x32x8x128xi32, #tpu.memory_space<hbm>> -> memref<1x1x8x128xi32, #tpu.memory_space<hbm>>
      %dma_start3A_649 = tpu.memref_squeeze %dma_start3A_648 : memref<1x1x8x128xi32, #tpu.memory_space<hbm>> -> memref<8x128xi32, #tpu.memory_space<hbm>>
      tpu.enqueue_dma source(%dma_start3A_649 : memref<8x128xi32, #tpu.memory_space<hbm>>) target(%dma_start3A_645 : memref<8x128xi32, #tpu.memory_space<vmem>>) target_semaphore(%run_scoped3A_633 : memref<!tpu.dma_semaphore, #tpu.memory_space<semaphore_mem>>)
      %dma_wait3A_650 = arith.constant 0 : i32
      %dma_wait3A_651 = arith.constant 0 : i32
      %dma_wait3A_652 = tpu.memref_slice %arg5[%run_scoped3A_23, %dma_wait3A_650, %dma_wait3A_651] : memref<25x8x128xi32, #tpu.memory_space<vmem>> -> memref<1x8x128xi32, #tpu.memory_space<vmem>>
      %dma_wait3A_653 = tpu.memref_squeeze %dma_wait3A_652 : memref<1x8x128xi32, #tpu.memory_space<vmem>> -> memref<8x128xi32, #tpu.memory_space<vmem>>
      %dma_wait3A_654 = arith.constant 0 : i32
      %dma_wait3A_655 = arith.constant 0 : i32
      %dma_wait3A_656 = tpu.memref_slice %arg2[%run_scoped3A_22, %add3A, %dma_wait3A_654, %dma_wait3A_655] : memref<25x32x8x128xi32, #tpu.memory_space<hbm>> -> memref<1x1x8x128xi32, #tpu.memory_space<hbm>>
      %dma_wait3A_657 = tpu.memref_squeeze %dma_wait3A_656 : memref<1x1x8x128xi32, #tpu.memory_space<hbm>> -> memref<8x128xi32, #tpu.memory_space<hbm>>
      %dma_wait3A_658 = arith.constant 0 : i32
      %dma_wait3A_659 = arith.constant 0 : i32
      %dma_wait3A_660 = tpu.memref_slice %arg5[%run_scoped3A_23, %dma_wait3A_658, %dma_wait3A_659] : memref<25x8x128xi32, #tpu.memory_space<vmem>> -> memref<1x8x128xi32, #tpu.memory_space<vmem>>
      %dma_wait3A_661 = tpu.memref_squeeze %dma_wait3A_660 : memref<1x8x128xi32, #tpu.memory_space<vmem>> -> memref<8x128xi32, #tpu.memory_space<vmem>>
      %dma_wait3A_662 = arith.constant 0 : i32
      %dma_wait3A_663 = arith.constant 0 : i32
      %dma_wait3A_664 = tpu.memref_slice %arg2[%run_scoped3A_22, %add3A, %dma_wait3A_662, %dma_wait3A_663] : memref<25x32x8x128xi32, #tpu.memory_space<hbm>> -> memref<1x1x8x128xi32, #tpu.memory_space<hbm>>
      %dma_wait3A_665 = tpu.memref_squeeze %dma_wait3A_664 : memref<1x1x8x128xi32, #tpu.memory_space<hbm>> -> memref<8x128xi32, #tpu.memory_space<hbm>>
      tpu.wait_dma2 semaphore(%run_scoped3A_633 : memref<!tpu.dma_semaphore, #tpu.memory_space<semaphore_mem>>) src(%dma_wait3A_665 : memref<8x128xi32, #tpu.memory_space<hbm>>) dst(%dma_wait3A_661 : memref<8x128xi32, #tpu.memory_space<vmem>>)
      tpu.yield
    }) : () -> ()
    %run_scoped3A_24 = arith.constant 12 : i32
    %run_scoped3A_25 = arith.constant 12 : i32
    "tpu.region"() ({
      %run_scoped3A_633 = tpu.sem_alloc : memref<!tpu.dma_semaphore, #tpu.memory_space<semaphore_mem>>
      %dma_start3A_634 = arith.constant 0 : i32
      %dma_start3A_635 = arith.constant 0 : i32
      %dma_start3A_636 = tpu.memref_slice %arg5[%run_scoped3A_25, %dma_start3A_634, %dma_start3A_635] : memref<25x8x128xi32, #tpu.memory_space<vmem>> -> memref<1x8x128xi32, #tpu.memory_space<vmem>>
      %dma_start3A_637 = tpu.memref_squeeze %dma_start3A_636 : memref<1x8x128xi32, #tpu.memory_space<vmem>> -> memref<8x128xi32, #tpu.memory_space<vmem>>
      %dma_start3A_638 = arith.constant 0 : i32
      %dma_start3A_639 = arith.constant 0 : i32
      %dma_start3A_640 = tpu.memref_slice %arg2[%run_scoped3A_24, %add3A, %dma_start3A_638, %dma_start3A_639] : memref<25x32x8x128xi32, #tpu.memory_space<hbm>> -> memref<1x1x8x128xi32, #tpu.memory_space<hbm>>
      %dma_start3A_641 = tpu.memref_squeeze %dma_start3A_640 : memref<1x1x8x128xi32, #tpu.memory_space<hbm>> -> memref<8x128xi32, #tpu.memory_space<hbm>>
      %dma_start3A_642 = arith.constant 0 : i32
      %dma_start3A_643 = arith.constant 0 : i32
      %dma_start3A_644 = tpu.memref_slice %arg5[%run_scoped3A_25, %dma_start3A_642, %dma_start3A_643] : memref<25x8x128xi32, #tpu.memory_space<vmem>> -> memref<1x8x128xi32, #tpu.memory_space<vmem>>
      %dma_start3A_645 = tpu.memref_squeeze %dma_start3A_644 : memref<1x8x128xi32, #tpu.memory_space<vmem>> -> memref<8x128xi32, #tpu.memory_space<vmem>>
      %dma_start3A_646 = arith.constant 0 : i32
      %dma_start3A_647 = arith.constant 0 : i32
      %dma_start3A_648 = tpu.memref_slice %arg2[%run_scoped3A_24, %add3A, %dma_start3A_646, %dma_start3A_647] : memref<25x32x8x128xi32, #tpu.memory_space<hbm>> -> memref<1x1x8x128xi32, #tpu.memory_space<hbm>>
      %dma_start3A_649 = tpu.memref_squeeze %dma_start3A_648 : memref<1x1x8x128xi32, #tpu.memory_space<hbm>> -> memref<8x128xi32, #tpu.memory_space<hbm>>
      tpu.enqueue_dma source(%dma_start3A_649 : memref<8x128xi32, #tpu.memory_space<hbm>>) target(%dma_start3A_645 : memref<8x128xi32, #tpu.memory_space<vmem>>) target_semaphore(%run_scoped3A_633 : memref<!tpu.dma_semaphore, #tpu.memory_space<semaphore_mem>>)
      %dma_wait3A_650 = arith.constant 0 : i32
      %dma_wait3A_651 = arith.constant 0 : i32
      %dma_wait3A_652 = tpu.memref_slice %arg5[%run_scoped3A_25, %dma_wait3A_650, %dma_wait3A_651] : memref<25x8x128xi32, #tpu.memory_space<vmem>> -> memref<1x8x128xi32, #tpu.memory_space<vmem>>
      %dma_wait3A_653 = tpu.memref_squeeze %dma_wait3A_652 : memref<1x8x128xi32, #tpu.memory_space<vmem>> -> memref<8x128xi32, #tpu.memory_space<vmem>>
      %dma_wait3A_654 = arith.constant 0 : i32
      %dma_wait3A_655 = arith.constant 0 : i32
      %dma_wait3A_656 = tpu.memref_slice %arg2[%run_scoped3A_24, %add3A, %dma_wait3A_654, %dma_wait3A_655] : memref<25x32x8x128xi32, #tpu.memory_space<hbm>> -> memref<1x1x8x128xi32, #tpu.memory_space<hbm>>
      %dma_wait3A_657 = tpu.memref_squeeze %dma_wait3A_656 : memref<1x1x8x128xi32, #tpu.memory_space<hbm>> -> memref<8x128xi32, #tpu.memory_space<hbm>>
      %dma_wait3A_658 = arith.constant 0 : i32
      %dma_wait3A_659 = arith.constant 0 : i32
      %dma_wait3A_660 = tpu.memref_slice %arg5[%run_scoped3A_25, %dma_wait3A_658, %dma_wait3A_659] : memref<25x8x128xi32, #tpu.memory_space<vmem>> -> memref<1x8x128xi32, #tpu.memory_space<vmem>>
      %dma_wait3A_661 = tpu.memref_squeeze %dma_wait3A_660 : memref<1x8x128xi32, #tpu.memory_space<vmem>> -> memref<8x128xi32, #tpu.memory_space<vmem>>
      %dma_wait3A_662 = arith.constant 0 : i32
      %dma_wait3A_663 = arith.constant 0 : i32
      %dma_wait3A_664 = tpu.memref_slice %arg2[%run_scoped3A_24, %add3A, %dma_wait3A_662, %dma_wait3A_663] : memref<25x32x8x128xi32, #tpu.memory_space<hbm>> -> memref<1x1x8x128xi32, #tpu.memory_space<hbm>>
      %dma_wait3A_665 = tpu.memref_squeeze %dma_wait3A_664 : memref<1x1x8x128xi32, #tpu.memory_space<hbm>> -> memref<8x128xi32, #tpu.memory_space<hbm>>
      tpu.wait_dma2 semaphore(%run_scoped3A_633 : memref<!tpu.dma_semaphore, #tpu.memory_space<semaphore_mem>>) src(%dma_wait3A_665 : memref<8x128xi32, #tpu.memory_space<hbm>>) dst(%dma_wait3A_661 : memref<8x128xi32, #tpu.memory_space<vmem>>)
      tpu.yield
    }) : () -> ()
    %run_scoped3A_26 = arith.constant 13 : i32
    %run_scoped3A_27 = arith.constant 13 : i32
    "tpu.region"() ({
      %run_scoped3A_633 = tpu.sem_alloc : memref<!tpu.dma_semaphore, #tpu.memory_space<semaphore_mem>>
      %dma_start3A_634 = arith.constant 0 : i32
      %dma_start3A_635 = arith.constant 0 : i32
      %dma_start3A_636 = tpu.memref_slice %arg5[%run_scoped3A_27, %dma_start3A_634, %dma_start3A_635] : memref<25x8x128xi32, #tpu.memory_space<vmem>> -> memref<1x8x128xi32, #tpu.memory_space<vmem>>
      %dma_start3A_637 = tpu.memref_squeeze %dma_start3A_636 : memref<1x8x128xi32, #tpu.memory_space<vmem>> -> memref<8x128xi32, #tpu.memory_space<vmem>>
      %dma_start3A_638 = arith.constant 0 : i32
      %dma_start3A_639 = arith.constant 0 : i32
      %dma_start3A_640 = tpu.memref_slice %arg2[%run_scoped3A_26, %add3A, %dma_start3A_638, %dma_start3A_639] : memref<25x32x8x128xi32, #tpu.memory_space<hbm>> -> memref<1x1x8x128xi32, #tpu.memory_space<hbm>>
      %dma_start3A_641 = tpu.memref_squeeze %dma_start3A_640 : memref<1x1x8x128xi32, #tpu.memory_space<hbm>> -> memref<8x128xi32, #tpu.memory_space<hbm>>
      %dma_start3A_642 = arith.constant 0 : i32
      %dma_start3A_643 = arith.constant 0 : i32
      %dma_start3A_644 = tpu.memref_slice %arg5[%run_scoped3A_27, %dma_start3A_642, %dma_start3A_643] : memref<25x8x128xi32, #tpu.memory_space<vmem>> -> memref<1x8x128xi32, #tpu.memory_space<vmem>>
      %dma_start3A_645 = tpu.memref_squeeze %dma_start3A_644 : memref<1x8x128xi32, #tpu.memory_space<vmem>> -> memref<8x128xi32, #tpu.memory_space<vmem>>
      %dma_start3A_646 = arith.constant 0 : i32
      %dma_start3A_647 = arith.constant 0 : i32
      %dma_start3A_648 = tpu.memref_slice %arg2[%run_scoped3A_26, %add3A, %dma_start3A_646, %dma_start3A_647] : memref<25x32x8x128xi32, #tpu.memory_space<hbm>> -> memref<1x1x8x128xi32, #tpu.memory_space<hbm>>
      %dma_start3A_649 = tpu.memref_squeeze %dma_start3A_648 : memref<1x1x8x128xi32, #tpu.memory_space<hbm>> -> memref<8x128xi32, #tpu.memory_space<hbm>>
      tpu.enqueue_dma source(%dma_start3A_649 : memref<8x128xi32, #tpu.memory_space<hbm>>) target(%dma_start3A_645 : memref<8x128xi32, #tpu.memory_space<vmem>>) target_semaphore(%run_scoped3A_633 : memref<!tpu.dma_semaphore, #tpu.memory_space<semaphore_mem>>)
      %dma_wait3A_650 = arith.constant 0 : i32
      %dma_wait3A_651 = arith.constant 0 : i32
      %dma_wait3A_652 = tpu.memref_slice %arg5[%run_scoped3A_27, %dma_wait3A_650, %dma_wait3A_651] : memref<25x8x128xi32, #tpu.memory_space<vmem>> -> memref<1x8x128xi32, #tpu.memory_space<vmem>>
      %dma_wait3A_653 = tpu.memref_squeeze %dma_wait3A_652 : memref<1x8x128xi32, #tpu.memory_space<vmem>> -> memref<8x128xi32, #tpu.memory_space<vmem>>
      %dma_wait3A_654 = arith.constant 0 : i32
      %dma_wait3A_655 = arith.constant 0 : i32
      %dma_wait3A_656 = tpu.memref_slice %arg2[%run_scoped3A_26, %add3A, %dma_wait3A_654, %dma_wait3A_655] : memref<25x32x8x128xi32, #tpu.memory_space<hbm>> -> memref<1x1x8x128xi32, #tpu.memory_space<hbm>>
      %dma_wait3A_657 = tpu.memref_squeeze %dma_wait3A_656 : memref<1x1x8x128xi32, #tpu.memory_space<hbm>> -> memref<8x128xi32, #tpu.memory_space<hbm>>
      %dma_wait3A_658 = arith.constant 0 : i32
      %dma_wait3A_659 = arith.constant 0 : i32
      %dma_wait3A_660 = tpu.memref_slice %arg5[%run_scoped3A_27, %dma_wait3A_658, %dma_wait3A_659] : memref<25x8x128xi32, #tpu.memory_space<vmem>> -> memref<1x8x128xi32, #tpu.memory_space<vmem>>
      %dma_wait3A_661 = tpu.memref_squeeze %dma_wait3A_660 : memref<1x8x128xi32, #tpu.memory_space<vmem>> -> memref<8x128xi32, #tpu.memory_space<vmem>>
      %dma_wait3A_662 = arith.constant 0 : i32
      %dma_wait3A_663 = arith.constant 0 : i32
      %dma_wait3A_664 = tpu.memref_slice %arg2[%run_scoped3A_26, %add3A, %dma_wait3A_662, %dma_wait3A_663] : memref<25x32x8x128xi32, #tpu.memory_space<hbm>> -> memref<1x1x8x128xi32, #tpu.memory_space<hbm>>
      %dma_wait3A_665 = tpu.memref_squeeze %dma_wait3A_664 : memref<1x1x8x128xi32, #tpu.memory_space<hbm>> -> memref<8x128xi32, #tpu.memory_space<hbm>>
      tpu.wait_dma2 semaphore(%run_scoped3A_633 : memref<!tpu.dma_semaphore, #tpu.memory_space<semaphore_mem>>) src(%dma_wait3A_665 : memref<8x128xi32, #tpu.memory_space<hbm>>) dst(%dma_wait3A_661 : memref<8x128xi32, #tpu.memory_space<vmem>>)
      tpu.yield
    }) : () -> ()
    %run_scoped3A_28 = arith.constant 14 : i32
    %run_scoped3A_29 = arith.constant 14 : i32
    "tpu.region"() ({
      %run_scoped3A_633 = tpu.sem_alloc : memref<!tpu.dma_semaphore, #tpu.memory_space<semaphore_mem>>
      %dma_start3A_634 = arith.constant 0 : i32
      %dma_start3A_635 = arith.constant 0 : i32
      %dma_start3A_636 = tpu.memref_slice %arg5[%run_scoped3A_29, %dma_start3A_634, %dma_start3A_635] : memref<25x8x128xi32, #tpu.memory_space<vmem>> -> memref<1x8x128xi32, #tpu.memory_space<vmem>>
      %dma_start3A_637 = tpu.memref_squeeze %dma_start3A_636 : memref<1x8x128xi32, #tpu.memory_space<vmem>> -> memref<8x128xi32, #tpu.memory_space<vmem>>
      %dma_start3A_638 = arith.constant 0 : i32
      %dma_start3A_639 = arith.constant 0 : i32
      %dma_start3A_640 = tpu.memref_slice %arg2[%run_scoped3A_28, %add3A, %dma_start3A_638, %dma_start3A_639] : memref<25x32x8x128xi32, #tpu.memory_space<hbm>> -> memref<1x1x8x128xi32, #tpu.memory_space<hbm>>
      %dma_start3A_641 = tpu.memref_squeeze %dma_start3A_640 : memref<1x1x8x128xi32, #tpu.memory_space<hbm>> -> memref<8x128xi32, #tpu.memory_space<hbm>>
      %dma_start3A_642 = arith.constant 0 : i32
      %dma_start3A_643 = arith.constant 0 : i32
      %dma_start3A_644 = tpu.memref_slice %arg5[%run_scoped3A_29, %dma_start3A_642, %dma_start3A_643] : memref<25x8x128xi32, #tpu.memory_space<vmem>> -> memref<1x8x128xi32, #tpu.memory_space<vmem>>
      %dma_start3A_645 = tpu.memref_squeeze %dma_start3A_644 : memref<1x8x128xi32, #tpu.memory_space<vmem>> -> memref<8x128xi32, #tpu.memory_space<vmem>>
      %dma_start3A_646 = arith.constant 0 : i32
      %dma_start3A_647 = arith.constant 0 : i32
      %dma_start3A_648 = tpu.memref_slice %arg2[%run_scoped3A_28, %add3A, %dma_start3A_646, %dma_start3A_647] : memref<25x32x8x128xi32, #tpu.memory_space<hbm>> -> memref<1x1x8x128xi32, #tpu.memory_space<hbm>>
      %dma_start3A_649 = tpu.memref_squeeze %dma_start3A_648 : memref<1x1x8x128xi32, #tpu.memory_space<hbm>> -> memref<8x128xi32, #tpu.memory_space<hbm>>
      tpu.enqueue_dma source(%dma_start3A_649 : memref<8x128xi32, #tpu.memory_space<hbm>>) target(%dma_start3A_645 : memref<8x128xi32, #tpu.memory_space<vmem>>) target_semaphore(%run_scoped3A_633 : memref<!tpu.dma_semaphore, #tpu.memory_space<semaphore_mem>>)
      %dma_wait3A_650 = arith.constant 0 : i32
      %dma_wait3A_651 = arith.constant 0 : i32
      %dma_wait3A_652 = tpu.memref_slice %arg5[%run_scoped3A_29, %dma_wait3A_650, %dma_wait3A_651] : memref<25x8x128xi32, #tpu.memory_space<vmem>> -> memref<1x8x128xi32, #tpu.memory_space<vmem>>
      %dma_wait3A_653 = tpu.memref_squeeze %dma_wait3A_652 : memref<1x8x128xi32, #tpu.memory_space<vmem>> -> memref<8x128xi32, #tpu.memory_space<vmem>>
      %dma_wait3A_654 = arith.constant 0 : i32
      %dma_wait3A_655 = arith.constant 0 : i32
      %dma_wait3A_656 = tpu.memref_slice %arg2[%run_scoped3A_28, %add3A, %dma_wait3A_654, %dma_wait3A_655] : memref<25x32x8x128xi32, #tpu.memory_space<hbm>> -> memref<1x1x8x128xi32, #tpu.memory_space<hbm>>
      %dma_wait3A_657 = tpu.memref_squeeze %dma_wait3A_656 : memref<1x1x8x128xi32, #tpu.memory_space<hbm>> -> memref<8x128xi32, #tpu.memory_space<hbm>>
      %dma_wait3A_658 = arith.constant 0 : i32
      %dma_wait3A_659 = arith.constant 0 : i32
      %dma_wait3A_660 = tpu.memref_slice %arg5[%run_scoped3A_29, %dma_wait3A_658, %dma_wait3A_659] : memref<25x8x128xi32, #tpu.memory_space<vmem>> -> memref<1x8x128xi32, #tpu.memory_space<vmem>>
      %dma_wait3A_661 = tpu.memref_squeeze %dma_wait3A_660 : memref<1x8x128xi32, #tpu.memory_space<vmem>> -> memref<8x128xi32, #tpu.memory_space<vmem>>
      %dma_wait3A_662 = arith.constant 0 : i32
      %dma_wait3A_663 = arith.constant 0 : i32
      %dma_wait3A_664 = tpu.memref_slice %arg2[%run_scoped3A_28, %add3A, %dma_wait3A_662, %dma_wait3A_663] : memref<25x32x8x128xi32, #tpu.memory_space<hbm>> -> memref<1x1x8x128xi32, #tpu.memory_space<hbm>>
      %dma_wait3A_665 = tpu.memref_squeeze %dma_wait3A_664 : memref<1x1x8x128xi32, #tpu.memory_space<hbm>> -> memref<8x128xi32, #tpu.memory_space<hbm>>
      tpu.wait_dma2 semaphore(%run_scoped3A_633 : memref<!tpu.dma_semaphore, #tpu.memory_space<semaphore_mem>>) src(%dma_wait3A_665 : memref<8x128xi32, #tpu.memory_space<hbm>>) dst(%dma_wait3A_661 : memref<8x128xi32, #tpu.memory_space<vmem>>)
      tpu.yield
    }) : () -> ()
    %run_scoped3A_30 = arith.constant 15 : i32
    %run_scoped3A_31 = arith.constant 15 : i32
    "tpu.region"() ({
      %run_scoped3A_633 = tpu.sem_alloc : memref<!tpu.dma_semaphore, #tpu.memory_space<semaphore_mem>>
      %dma_start3A_634 = arith.constant 0 : i32
      %dma_start3A_635 = arith.constant 0 : i32
      %dma_start3A_636 = tpu.memref_slice %arg5[%run_scoped3A_31, %dma_start3A_634, %dma_start3A_635] : memref<25x8x128xi32, #tpu.memory_space<vmem>> -> memref<1x8x128xi32, #tpu.memory_space<vmem>>
      %dma_start3A_637 = tpu.memref_squeeze %dma_start3A_636 : memref<1x8x128xi32, #tpu.memory_space<vmem>> -> memref<8x128xi32, #tpu.memory_space<vmem>>
      %dma_start3A_638 = arith.constant 0 : i32
      %dma_start3A_639 = arith.constant 0 : i32
      %dma_start3A_640 = tpu.memref_slice %arg2[%run_scoped3A_30, %add3A, %dma_start3A_638, %dma_start3A_639] : memref<25x32x8x128xi32, #tpu.memory_space<hbm>> -> memref<1x1x8x128xi32, #tpu.memory_space<hbm>>
      %dma_start3A_641 = tpu.memref_squeeze %dma_start3A_640 : memref<1x1x8x128xi32, #tpu.memory_space<hbm>> -> memref<8x128xi32, #tpu.memory_space<hbm>>
      %dma_start3A_642 = arith.constant 0 : i32
      %dma_start3A_643 = arith.constant 0 : i32
      %dma_start3A_644 = tpu.memref_slice %arg5[%run_scoped3A_31, %dma_start3A_642, %dma_start3A_643] : memref<25x8x128xi32, #tpu.memory_space<vmem>> -> memref<1x8x128xi32, #tpu.memory_space<vmem>>
      %dma_start3A_645 = tpu.memref_squeeze %dma_start3A_644 : memref<1x8x128xi32, #tpu.memory_space<vmem>> -> memref<8x128xi32, #tpu.memory_space<vmem>>
      %dma_start3A_646 = arith.constant 0 : i32
      %dma_start3A_647 = arith.constant 0 : i32
      %dma_start3A_648 = tpu.memref_slice %arg2[%run_scoped3A_30, %add3A, %dma_start3A_646, %dma_start3A_647] : memref<25x32x8x128xi32, #tpu.memory_space<hbm>> -> memref<1x1x8x128xi32, #tpu.memory_space<hbm>>
      %dma_start3A_649 = tpu.memref_squeeze %dma_start3A_648 : memref<1x1x8x128xi32, #tpu.memory_space<hbm>> -> memref<8x128xi32, #tpu.memory_space<hbm>>
      tpu.enqueue_dma source(%dma_start3A_649 : memref<8x128xi32, #tpu.memory_space<hbm>>) target(%dma_start3A_645 : memref<8x128xi32, #tpu.memory_space<vmem>>) target_semaphore(%run_scoped3A_633 : memref<!tpu.dma_semaphore, #tpu.memory_space<semaphore_mem>>)
      %dma_wait3A_650 = arith.constant 0 : i32
      %dma_wait3A_651 = arith.constant 0 : i32
      %dma_wait3A_652 = tpu.memref_slice %arg5[%run_scoped3A_31, %dma_wait3A_650, %dma_wait3A_651] : memref<25x8x128xi32, #tpu.memory_space<vmem>> -> memref<1x8x128xi32, #tpu.memory_space<vmem>>
      %dma_wait3A_653 = tpu.memref_squeeze %dma_wait3A_652 : memref<1x8x128xi32, #tpu.memory_space<vmem>> -> memref<8x128xi32, #tpu.memory_space<vmem>>
      %dma_wait3A_654 = arith.constant 0 : i32
      %dma_wait3A_655 = arith.constant 0 : i32
      %dma_wait3A_656 = tpu.memref_slice %arg2[%run_scoped3A_30, %add3A, %dma_wait3A_654, %dma_wait3A_655] : memref<25x32x8x128xi32, #tpu.memory_space<hbm>> -> memref<1x1x8x128xi32, #tpu.memory_space<hbm>>
      %dma_wait3A_657 = tpu.memref_squeeze %dma_wait3A_656 : memref<1x1x8x128xi32, #tpu.memory_space<hbm>> -> memref<8x128xi32, #tpu.memory_space<hbm>>
      %dma_wait3A_658 = arith.constant 0 : i32
      %dma_wait3A_659 = arith.constant 0 : i32
      %dma_wait3A_660 = tpu.memref_slice %arg5[%run_scoped3A_31, %dma_wait3A_658, %dma_wait3A_659] : memref<25x8x128xi32, #tpu.memory_space<vmem>> -> memref<1x8x128xi32, #tpu.memory_space<vmem>>
      %dma_wait3A_661 = tpu.memref_squeeze %dma_wait3A_660 : memref<1x8x128xi32, #tpu.memory_space<vmem>> -> memref<8x128xi32, #tpu.memory_space<vmem>>
      %dma_wait3A_662 = arith.constant 0 : i32
      %dma_wait3A_663 = arith.constant 0 : i32
      %dma_wait3A_664 = tpu.memref_slice %arg2[%run_scoped3A_30, %add3A, %dma_wait3A_662, %dma_wait3A_663] : memref<25x32x8x128xi32, #tpu.memory_space<hbm>> -> memref<1x1x8x128xi32, #tpu.memory_space<hbm>>
      %dma_wait3A_665 = tpu.memref_squeeze %dma_wait3A_664 : memref<1x1x8x128xi32, #tpu.memory_space<hbm>> -> memref<8x128xi32, #tpu.memory_space<hbm>>
      tpu.wait_dma2 semaphore(%run_scoped3A_633 : memref<!tpu.dma_semaphore, #tpu.memory_space<semaphore_mem>>) src(%dma_wait3A_665 : memref<8x128xi32, #tpu.memory_space<hbm>>) dst(%dma_wait3A_661 : memref<8x128xi32, #tpu.memory_space<vmem>>)
      tpu.yield
    }) : () -> ()
    %run_scoped3A_32 = arith.constant 16 : i32
    %run_scoped3A_33 = arith.constant 16 : i32
    "tpu.region"() ({
      %run_scoped3A_633 = tpu.sem_alloc : memref<!tpu.dma_semaphore, #tpu.memory_space<semaphore_mem>>
      %dma_start3A_634 = arith.constant 0 : i32
      %dma_start3A_635 = arith.constant 0 : i32
      %dma_start3A_636 = tpu.memref_slice %arg5[%run_scoped3A_33, %dma_start3A_634, %dma_start3A_635] : memref<25x8x128xi32, #tpu.memory_space<vmem>> -> memref<1x8x128xi32, #tpu.memory_space<vmem>>
      %dma_start3A_637 = tpu.memref_squeeze %dma_start3A_636 : memref<1x8x128xi32, #tpu.memory_space<vmem>> -> memref<8x128xi32, #tpu.memory_space<vmem>>
      %dma_start3A_638 = arith.constant 0 : i32
      %dma_start3A_639 = arith.constant 0 : i32
      %dma_start3A_640 = tpu.memref_slice %arg2[%run_scoped3A_32, %add3A, %dma_start3A_638, %dma_start3A_639] : memref<25x32x8x128xi32, #tpu.memory_space<hbm>> -> memref<1x1x8x128xi32, #tpu.memory_space<hbm>>
      %dma_start3A_641 = tpu.memref_squeeze %dma_start3A_640 : memref<1x1x8x128xi32, #tpu.memory_space<hbm>> -> memref<8x128xi32, #tpu.memory_space<hbm>>
      %dma_start3A_642 = arith.constant 0 : i32
      %dma_start3A_643 = arith.constant 0 : i32
      %dma_start3A_644 = tpu.memref_slice %arg5[%run_scoped3A_33, %dma_start3A_642, %dma_start3A_643] : memref<25x8x128xi32, #tpu.memory_space<vmem>> -> memref<1x8x128xi32, #tpu.memory_space<vmem>>
      %dma_start3A_645 = tpu.memref_squeeze %dma_start3A_644 : memref<1x8x128xi32, #tpu.memory_space<vmem>> -> memref<8x128xi32, #tpu.memory_space<vmem>>
      %dma_start3A_646 = arith.constant 0 : i32
      %dma_start3A_647 = arith.constant 0 : i32
      %dma_start3A_648 = tpu.memref_slice %arg2[%run_scoped3A_32, %add3A, %dma_start3A_646, %dma_start3A_647] : memref<25x32x8x128xi32, #tpu.memory_space<hbm>> -> memref<1x1x8x128xi32, #tpu.memory_space<hbm>>
      %dma_start3A_649 = tpu.memref_squeeze %dma_start3A_648 : memref<1x1x8x128xi32, #tpu.memory_space<hbm>> -> memref<8x128xi32, #tpu.memory_space<hbm>>
      tpu.enqueue_dma source(%dma_start3A_649 : memref<8x128xi32, #tpu.memory_space<hbm>>) target(%dma_start3A_645 : memref<8x128xi32, #tpu.memory_space<vmem>>) target_semaphore(%run_scoped3A_633 : memref<!tpu.dma_semaphore, #tpu.memory_space<semaphore_mem>>)
      %dma_wait3A_650 = arith.constant 0 : i32
      %dma_wait3A_651 = arith.constant 0 : i32
      %dma_wait3A_652 = tpu.memref_slice %arg5[%run_scoped3A_33, %dma_wait3A_650, %dma_wait3A_651] : memref<25x8x128xi32, #tpu.memory_space<vmem>> -> memref<1x8x128xi32, #tpu.memory_space<vmem>>
      %dma_wait3A_653 = tpu.memref_squeeze %dma_wait3A_652 : memref<1x8x128xi32, #tpu.memory_space<vmem>> -> memref<8x128xi32, #tpu.memory_space<vmem>>
      %dma_wait3A_654 = arith.constant 0 : i32
      %dma_wait3A_655 = arith.constant 0 : i32
      %dma_wait3A_656 = tpu.memref_slice %arg2[%run_scoped3A_32, %add3A, %dma_wait3A_654, %dma_wait3A_655] : memref<25x32x8x128xi32, #tpu.memory_space<hbm>> -> memref<1x1x8x128xi32, #tpu.memory_space<hbm>>
      %dma_wait3A_657 = tpu.memref_squeeze %dma_wait3A_656 : memref<1x1x8x128xi32, #tpu.memory_space<hbm>> -> memref<8x128xi32, #tpu.memory_space<hbm>>
      %dma_wait3A_658 = arith.constant 0 : i32
      %dma_wait3A_659 = arith.constant 0 : i32
      %dma_wait3A_660 = tpu.memref_slice %arg5[%run_scoped3A_33, %dma_wait3A_658, %dma_wait3A_659] : memref<25x8x128xi32, #tpu.memory_space<vmem>> -> memref<1x8x128xi32, #tpu.memory_space<vmem>>
      %dma_wait3A_661 = tpu.memref_squeeze %dma_wait3A_660 : memref<1x8x128xi32, #tpu.memory_space<vmem>> -> memref<8x128xi32, #tpu.memory_space<vmem>>
      %dma_wait3A_662 = arith.constant 0 : i32
      %dma_wait3A_663 = arith.constant 0 : i32
      %dma_wait3A_664 = tpu.memref_slice %arg2[%run_scoped3A_32, %add3A, %dma_wait3A_662, %dma_wait3A_663] : memref<25x32x8x128xi32, #tpu.memory_space<hbm>> -> memref<1x1x8x128xi32, #tpu.memory_space<hbm>>
      %dma_wait3A_665 = tpu.memref_squeeze %dma_wait3A_664 : memref<1x1x8x128xi32, #tpu.memory_space<hbm>> -> memref<8x128xi32, #tpu.memory_space<hbm>>
      tpu.wait_dma2 semaphore(%run_scoped3A_633 : memref<!tpu.dma_semaphore, #tpu.memory_space<semaphore_mem>>) src(%dma_wait3A_665 : memref<8x128xi32, #tpu.memory_space<hbm>>) dst(%dma_wait3A_661 : memref<8x128xi32, #tpu.memory_space<vmem>>)
      tpu.yield
    }) : () -> ()
    %run_scoped3A_34 = arith.constant 17 : i32
    %run_scoped3A_35 = arith.constant 17 : i32
    "tpu.region"() ({
      %run_scoped3A_633 = tpu.sem_alloc : memref<!tpu.dma_semaphore, #tpu.memory_space<semaphore_mem>>
      %dma_start3A_634 = arith.constant 0 : i32
      %dma_start3A_635 = arith.constant 0 : i32
      %dma_start3A_636 = tpu.memref_slice %arg5[%run_scoped3A_35, %dma_start3A_634, %dma_start3A_635] : memref<25x8x128xi32, #tpu.memory_space<vmem>> -> memref<1x8x128xi32, #tpu.memory_space<vmem>>
      %dma_start3A_637 = tpu.memref_squeeze %dma_start3A_636 : memref<1x8x128xi32, #tpu.memory_space<vmem>> -> memref<8x128xi32, #tpu.memory_space<vmem>>
      %dma_start3A_638 = arith.constant 0 : i32
      %dma_start3A_639 = arith.constant 0 : i32
      %dma_start3A_640 = tpu.memref_slice %arg2[%run_scoped3A_34, %add3A, %dma_start3A_638, %dma_start3A_639] : memref<25x32x8x128xi32, #tpu.memory_space<hbm>> -> memref<1x1x8x128xi32, #tpu.memory_space<hbm>>
      %dma_start3A_641 = tpu.memref_squeeze %dma_start3A_640 : memref<1x1x8x128xi32, #tpu.memory_space<hbm>> -> memref<8x128xi32, #tpu.memory_space<hbm>>
      %dma_start3A_642 = arith.constant 0 : i32
      %dma_start3A_643 = arith.constant 0 : i32
      %dma_start3A_644 = tpu.memref_slice %arg5[%run_scoped3A_35, %dma_start3A_642, %dma_start3A_643] : memref<25x8x128xi32, #tpu.memory_space<vmem>> -> memref<1x8x128xi32, #tpu.memory_space<vmem>>
      %dma_start3A_645 = tpu.memref_squeeze %dma_start3A_644 : memref<1x8x128xi32, #tpu.memory_space<vmem>> -> memref<8x128xi32, #tpu.memory_space<vmem>>
      %dma_start3A_646 = arith.constant 0 : i32
      %dma_start3A_647 = arith.constant 0 : i32
      %dma_start3A_648 = tpu.memref_slice %arg2[%run_scoped3A_34, %add3A, %dma_start3A_646, %dma_start3A_647] : memref<25x32x8x128xi32, #tpu.memory_space<hbm>> -> memref<1x1x8x128xi32, #tpu.memory_space<hbm>>
      %dma_start3A_649 = tpu.memref_squeeze %dma_start3A_648 : memref<1x1x8x128xi32, #tpu.memory_space<hbm>> -> memref<8x128xi32, #tpu.memory_space<hbm>>
      tpu.enqueue_dma source(%dma_start3A_649 : memref<8x128xi32, #tpu.memory_space<hbm>>) target(%dma_start3A_645 : memref<8x128xi32, #tpu.memory_space<vmem>>) target_semaphore(%run_scoped3A_633 : memref<!tpu.dma_semaphore, #tpu.memory_space<semaphore_mem>>)
      %dma_wait3A_650 = arith.constant 0 : i32
      %dma_wait3A_651 = arith.constant 0 : i32
      %dma_wait3A_652 = tpu.memref_slice %arg5[%run_scoped3A_35, %dma_wait3A_650, %dma_wait3A_651] : memref<25x8x128xi32, #tpu.memory_space<vmem>> -> memref<1x8x128xi32, #tpu.memory_space<vmem>>
      %dma_wait3A_653 = tpu.memref_squeeze %dma_wait3A_652 : memref<1x8x128xi32, #tpu.memory_space<vmem>> -> memref<8x128xi32, #tpu.memory_space<vmem>>
      %dma_wait3A_654 = arith.constant 0 : i32
      %dma_wait3A_655 = arith.constant 0 : i32
      %dma_wait3A_656 = tpu.memref_slice %arg2[%run_scoped3A_34, %add3A, %dma_wait3A_654, %dma_wait3A_655] : memref<25x32x8x128xi32, #tpu.memory_space<hbm>> -> memref<1x1x8x128xi32, #tpu.memory_space<hbm>>
      %dma_wait3A_657 = tpu.memref_squeeze %dma_wait3A_656 : memref<1x1x8x128xi32, #tpu.memory_space<hbm>> -> memref<8x128xi32, #tpu.memory_space<hbm>>
      %dma_wait3A_658 = arith.constant 0 : i32
      %dma_wait3A_659 = arith.constant 0 : i32
      %dma_wait3A_660 = tpu.memref_slice %arg5[%run_scoped3A_35, %dma_wait3A_658, %dma_wait3A_659] : memref<25x8x128xi32, #tpu.memory_space<vmem>> -> memref<1x8x128xi32, #tpu.memory_space<vmem>>
      %dma_wait3A_661 = tpu.memref_squeeze %dma_wait3A_660 : memref<1x8x128xi32, #tpu.memory_space<vmem>> -> memref<8x128xi32, #tpu.memory_space<vmem>>
      %dma_wait3A_662 = arith.constant 0 : i32
      %dma_wait3A_663 = arith.constant 0 : i32
      %dma_wait3A_664 = tpu.memref_slice %arg2[%run_scoped3A_34, %add3A, %dma_wait3A_662, %dma_wait3A_663] : memref<25x32x8x128xi32, #tpu.memory_space<hbm>> -> memref<1x1x8x128xi32, #tpu.memory_space<hbm>>
      %dma_wait3A_665 = tpu.memref_squeeze %dma_wait3A_664 : memref<1x1x8x128xi32, #tpu.memory_space<hbm>> -> memref<8x128xi32, #tpu.memory_space<hbm>>
      tpu.wait_dma2 semaphore(%run_scoped3A_633 : memref<!tpu.dma_semaphore, #tpu.memory_space<semaphore_mem>>) src(%dma_wait3A_665 : memref<8x128xi32, #tpu.memory_space<hbm>>) dst(%dma_wait3A_661 : memref<8x128xi32, #tpu.memory_space<vmem>>)
      tpu.yield
    }) : () -> ()
    %run_scoped3A_36 = arith.constant 18 : i32
    %run_scoped3A_37 = arith.constant 18 : i32
    "tpu.region"() ({
      %run_scoped3A_633 = tpu.sem_alloc : memref<!tpu.dma_semaphore, #tpu.memory_space<semaphore_mem>>
      %dma_start3A_634 = arith.constant 0 : i32
      %dma_start3A_635 = arith.constant 0 : i32
      %dma_start3A_636 = tpu.memref_slice %arg5[%run_scoped3A_37, %dma_start3A_634, %dma_start3A_635] : memref<25x8x128xi32, #tpu.memory_space<vmem>> -> memref<1x8x128xi32, #tpu.memory_space<vmem>>
      %dma_start3A_637 = tpu.memref_squeeze %dma_start3A_636 : memref<1x8x128xi32, #tpu.memory_space<vmem>> -> memref<8x128xi32, #tpu.memory_space<vmem>>
      %dma_start3A_638 = arith.constant 0 : i32
      %dma_start3A_639 = arith.constant 0 : i32
      %dma_start3A_640 = tpu.memref_slice %arg2[%run_scoped3A_36, %add3A, %dma_start3A_638, %dma_start3A_639] : memref<25x32x8x128xi32, #tpu.memory_space<hbm>> -> memref<1x1x8x128xi32, #tpu.memory_space<hbm>>
      %dma_start3A_641 = tpu.memref_squeeze %dma_start3A_640 : memref<1x1x8x128xi32, #tpu.memory_space<hbm>> -> memref<8x128xi32, #tpu.memory_space<hbm>>
      %dma_start3A_642 = arith.constant 0 : i32
      %dma_start3A_643 = arith.constant 0 : i32
      %dma_start3A_644 = tpu.memref_slice %arg5[%run_scoped3A_37, %dma_start3A_642, %dma_start3A_643] : memref<25x8x128xi32, #tpu.memory_space<vmem>> -> memref<1x8x128xi32, #tpu.memory_space<vmem>>
      %dma_start3A_645 = tpu.memref_squeeze %dma_start3A_644 : memref<1x8x128xi32, #tpu.memory_space<vmem>> -> memref<8x128xi32, #tpu.memory_space<vmem>>
      %dma_start3A_646 = arith.constant 0 : i32
      %dma_start3A_647 = arith.constant 0 : i32
      %dma_start3A_648 = tpu.memref_slice %arg2[%run_scoped3A_36, %add3A, %dma_start3A_646, %dma_start3A_647] : memref<25x32x8x128xi32, #tpu.memory_space<hbm>> -> memref<1x1x8x128xi32, #tpu.memory_space<hbm>>
      %dma_start3A_649 = tpu.memref_squeeze %dma_start3A_648 : memref<1x1x8x128xi32, #tpu.memory_space<hbm>> -> memref<8x128xi32, #tpu.memory_space<hbm>>
      tpu.enqueue_dma source(%dma_start3A_649 : memref<8x128xi32, #tpu.memory_space<hbm>>) target(%dma_start3A_645 : memref<8x128xi32, #tpu.memory_space<vmem>>) target_semaphore(%run_scoped3A_633 : memref<!tpu.dma_semaphore, #tpu.memory_space<semaphore_mem>>)
      %dma_wait3A_650 = arith.constant 0 : i32
      %dma_wait3A_651 = arith.constant 0 : i32
      %dma_wait3A_652 = tpu.memref_slice %arg5[%run_scoped3A_37, %dma_wait3A_650, %dma_wait3A_651] : memref<25x8x128xi32, #tpu.memory_space<vmem>> -> memref<1x8x128xi32, #tpu.memory_space<vmem>>
      %dma_wait3A_653 = tpu.memref_squeeze %dma_wait3A_652 : memref<1x8x128xi32, #tpu.memory_space<vmem>> -> memref<8x128xi32, #tpu.memory_space<vmem>>
      %dma_wait3A_654 = arith.constant 0 : i32
      %dma_wait3A_655 = arith.constant 0 : i32
      %dma_wait3A_656 = tpu.memref_slice %arg2[%run_scoped3A_36, %add3A, %dma_wait3A_654, %dma_wait3A_655] : memref<25x32x8x128xi32, #tpu.memory_space<hbm>> -> memref<1x1x8x128xi32, #tpu.memory_space<hbm>>
      %dma_wait3A_657 = tpu.memref_squeeze %dma_wait3A_656 : memref<1x1x8x128xi32, #tpu.memory_space<hbm>> -> memref<8x128xi32, #tpu.memory_space<hbm>>
      %dma_wait3A_658 = arith.constant 0 : i32
      %dma_wait3A_659 = arith.constant 0 : i32
      %dma_wait3A_660 = tpu.memref_slice %arg5[%run_scoped3A_37, %dma_wait3A_658, %dma_wait3A_659] : memref<25x8x128xi32, #tpu.memory_space<vmem>> -> memref<1x8x128xi32, #tpu.memory_space<vmem>>
      %dma_wait3A_661 = tpu.memref_squeeze %dma_wait3A_660 : memref<1x8x128xi32, #tpu.memory_space<vmem>> -> memref<8x128xi32, #tpu.memory_space<vmem>>
      %dma_wait3A_662 = arith.constant 0 : i32
      %dma_wait3A_663 = arith.constant 0 : i32
      %dma_wait3A_664 = tpu.memref_slice %arg2[%run_scoped3A_36, %add3A, %dma_wait3A_662, %dma_wait3A_663] : memref<25x32x8x128xi32, #tpu.memory_space<hbm>> -> memref<1x1x8x128xi32, #tpu.memory_space<hbm>>
      %dma_wait3A_665 = tpu.memref_squeeze %dma_wait3A_664 : memref<1x1x8x128xi32, #tpu.memory_space<hbm>> -> memref<8x128xi32, #tpu.memory_space<hbm>>
      tpu.wait_dma2 semaphore(%run_scoped3A_633 : memref<!tpu.dma_semaphore, #tpu.memory_space<semaphore_mem>>) src(%dma_wait3A_665 : memref<8x128xi32, #tpu.memory_space<hbm>>) dst(%dma_wait3A_661 : memref<8x128xi32, #tpu.memory_space<vmem>>)
      tpu.yield
    }) : () -> ()
    %run_scoped3A_38 = arith.constant 19 : i32
    %run_scoped3A_39 = arith.constant 19 : i32
    "tpu.region"() ({
      %run_scoped3A_633 = tpu.sem_alloc : memref<!tpu.dma_semaphore, #tpu.memory_space<semaphore_mem>>
      %dma_start3A_634 = arith.constant 0 : i32
      %dma_start3A_635 = arith.constant 0 : i32
      %dma_start3A_636 = tpu.memref_slice %arg5[%run_scoped3A_39, %dma_start3A_634, %dma_start3A_635] : memref<25x8x128xi32, #tpu.memory_space<vmem>> -> memref<1x8x128xi32, #tpu.memory_space<vmem>>
      %dma_start3A_637 = tpu.memref_squeeze %dma_start3A_636 : memref<1x8x128xi32, #tpu.memory_space<vmem>> -> memref<8x128xi32, #tpu.memory_space<vmem>>
      %dma_start3A_638 = arith.constant 0 : i32
      %dma_start3A_639 = arith.constant 0 : i32
      %dma_start3A_640 = tpu.memref_slice %arg2[%run_scoped3A_38, %add3A, %dma_start3A_638, %dma_start3A_639] : memref<25x32x8x128xi32, #tpu.memory_space<hbm>> -> memref<1x1x8x128xi32, #tpu.memory_space<hbm>>
      %dma_start3A_641 = tpu.memref_squeeze %dma_start3A_640 : memref<1x1x8x128xi32, #tpu.memory_space<hbm>> -> memref<8x128xi32, #tpu.memory_space<hbm>>
      %dma_start3A_642 = arith.constant 0 : i32
      %dma_start3A_643 = arith.constant 0 : i32
      %dma_start3A_644 = tpu.memref_slice %arg5[%run_scoped3A_39, %dma_start3A_642, %dma_start3A_643] : memref<25x8x128xi32, #tpu.memory_space<vmem>> -> memref<1x8x128xi32, #tpu.memory_space<vmem>>
      %dma_start3A_645 = tpu.memref_squeeze %dma_start3A_644 : memref<1x8x128xi32, #tpu.memory_space<vmem>> -> memref<8x128xi32, #tpu.memory_space<vmem>>
      %dma_start3A_646 = arith.constant 0 : i32
      %dma_start3A_647 = arith.constant 0 : i32
      %dma_start3A_648 = tpu.memref_slice %arg2[%run_scoped3A_38, %add3A, %dma_start3A_646, %dma_start3A_647] : memref<25x32x8x128xi32, #tpu.memory_space<hbm>> -> memref<1x1x8x128xi32, #tpu.memory_space<hbm>>
      %dma_start3A_649 = tpu.memref_squeeze %dma_start3A_648 : memref<1x1x8x128xi32, #tpu.memory_space<hbm>> -> memref<8x128xi32, #tpu.memory_space<hbm>>
      tpu.enqueue_dma source(%dma_start3A_649 : memref<8x128xi32, #tpu.memory_space<hbm>>) target(%dma_start3A_645 : memref<8x128xi32, #tpu.memory_space<vmem>>) target_semaphore(%run_scoped3A_633 : memref<!tpu.dma_semaphore, #tpu.memory_space<semaphore_mem>>)
      %dma_wait3A_650 = arith.constant 0 : i32
      %dma_wait3A_651 = arith.constant 0 : i32
      %dma_wait3A_652 = tpu.memref_slice %arg5[%run_scoped3A_39, %dma_wait3A_650, %dma_wait3A_651] : memref<25x8x128xi32, #tpu.memory_space<vmem>> -> memref<1x8x128xi32, #tpu.memory_space<vmem>>
      %dma_wait3A_653 = tpu.memref_squeeze %dma_wait3A_652 : memref<1x8x128xi32, #tpu.memory_space<vmem>> -> memref<8x128xi32, #tpu.memory_space<vmem>>
      %dma_wait3A_654 = arith.constant 0 : i32
      %dma_wait3A_655 = arith.constant 0 : i32
      %dma_wait3A_656 = tpu.memref_slice %arg2[%run_scoped3A_38, %add3A, %dma_wait3A_654, %dma_wait3A_655] : memref<25x32x8x128xi32, #tpu.memory_space<hbm>> -> memref<1x1x8x128xi32, #tpu.memory_space<hbm>>
      %dma_wait3A_657 = tpu.memref_squeeze %dma_wait3A_656 : memref<1x1x8x128xi32, #tpu.memory_space<hbm>> -> memref<8x128xi32, #tpu.memory_space<hbm>>
      %dma_wait3A_658 = arith.constant 0 : i32
      %dma_wait3A_659 = arith.constant 0 : i32
      %dma_wait3A_660 = tpu.memref_slice %arg5[%run_scoped3A_39, %dma_wait3A_658, %dma_wait3A_659] : memref<25x8x128xi32, #tpu.memory_space<vmem>> -> memref<1x8x128xi32, #tpu.memory_space<vmem>>
      %dma_wait3A_661 = tpu.memref_squeeze %dma_wait3A_660 : memref<1x8x128xi32, #tpu.memory_space<vmem>> -> memref<8x128xi32, #tpu.memory_space<vmem>>
      %dma_wait3A_662 = arith.constant 0 : i32
      %dma_wait3A_663 = arith.constant 0 : i32
      %dma_wait3A_664 = tpu.memref_slice %arg2[%run_scoped3A_38, %add3A, %dma_wait3A_662, %dma_wait3A_663] : memref<25x32x8x128xi32, #tpu.memory_space<hbm>> -> memref<1x1x8x128xi32, #tpu.memory_space<hbm>>
      %dma_wait3A_665 = tpu.memref_squeeze %dma_wait3A_664 : memref<1x1x8x128xi32, #tpu.memory_space<hbm>> -> memref<8x128xi32, #tpu.memory_space<hbm>>
      tpu.wait_dma2 semaphore(%run_scoped3A_633 : memref<!tpu.dma_semaphore, #tpu.memory_space<semaphore_mem>>) src(%dma_wait3A_665 : memref<8x128xi32, #tpu.memory_space<hbm>>) dst(%dma_wait3A_661 : memref<8x128xi32, #tpu.memory_space<vmem>>)
      tpu.yield
    }) : () -> ()
    %run_scoped3A_40 = arith.constant 20 : i32
    %run_scoped3A_41 = arith.constant 20 : i32
    "tpu.region"() ({
      %run_scoped3A_633 = tpu.sem_alloc : memref<!tpu.dma_semaphore, #tpu.memory_space<semaphore_mem>>
      %dma_start3A_634 = arith.constant 0 : i32
      %dma_start3A_635 = arith.constant 0 : i32
      %dma_start3A_636 = tpu.memref_slice %arg5[%run_scoped3A_41, %dma_start3A_634, %dma_start3A_635] : memref<25x8x128xi32, #tpu.memory_space<vmem>> -> memref<1x8x128xi32, #tpu.memory_space<vmem>>
      %dma_start3A_637 = tpu.memref_squeeze %dma_start3A_636 : memref<1x8x128xi32, #tpu.memory_space<vmem>> -> memref<8x128xi32, #tpu.memory_space<vmem>>
      %dma_start3A_638 = arith.constant 0 : i32
      %dma_start3A_639 = arith.constant 0 : i32
      %dma_start3A_640 = tpu.memref_slice %arg2[%run_scoped3A_40, %add3A, %dma_start3A_638, %dma_start3A_639] : memref<25x32x8x128xi32, #tpu.memory_space<hbm>> -> memref<1x1x8x128xi32, #tpu.memory_space<hbm>>
      %dma_start3A_641 = tpu.memref_squeeze %dma_start3A_640 : memref<1x1x8x128xi32, #tpu.memory_space<hbm>> -> memref<8x128xi32, #tpu.memory_space<hbm>>
      %dma_start3A_642 = arith.constant 0 : i32
      %dma_start3A_643 = arith.constant 0 : i32
      %dma_start3A_644 = tpu.memref_slice %arg5[%run_scoped3A_41, %dma_start3A_642, %dma_start3A_643] : memref<25x8x128xi32, #tpu.memory_space<vmem>> -> memref<1x8x128xi32, #tpu.memory_space<vmem>>
      %dma_start3A_645 = tpu.memref_squeeze %dma_start3A_644 : memref<1x8x128xi32, #tpu.memory_space<vmem>> -> memref<8x128xi32, #tpu.memory_space<vmem>>
      %dma_start3A_646 = arith.constant 0 : i32
      %dma_start3A_647 = arith.constant 0 : i32
      %dma_start3A_648 = tpu.memref_slice %arg2[%run_scoped3A_40, %add3A, %dma_start3A_646, %dma_start3A_647] : memref<25x32x8x128xi32, #tpu.memory_space<hbm>> -> memref<1x1x8x128xi32, #tpu.memory_space<hbm>>
      %dma_start3A_649 = tpu.memref_squeeze %dma_start3A_648 : memref<1x1x8x128xi32, #tpu.memory_space<hbm>> -> memref<8x128xi32, #tpu.memory_space<hbm>>
      tpu.enqueue_dma source(%dma_start3A_649 : memref<8x128xi32, #tpu.memory_space<hbm>>) target(%dma_start3A_645 : memref<8x128xi32, #tpu.memory_space<vmem>>) target_semaphore(%run_scoped3A_633 : memref<!tpu.dma_semaphore, #tpu.memory_space<semaphore_mem>>)
      %dma_wait3A_650 = arith.constant 0 : i32
      %dma_wait3A_651 = arith.constant 0 : i32
      %dma_wait3A_652 = tpu.memref_slice %arg5[%run_scoped3A_41, %dma_wait3A_650, %dma_wait3A_651] : memref<25x8x128xi32, #tpu.memory_space<vmem>> -> memref<1x8x128xi32, #tpu.memory_space<vmem>>
      %dma_wait3A_653 = tpu.memref_squeeze %dma_wait3A_652 : memref<1x8x128xi32, #tpu.memory_space<vmem>> -> memref<8x128xi32, #tpu.memory_space<vmem>>
      %dma_wait3A_654 = arith.constant 0 : i32
      %dma_wait3A_655 = arith.constant 0 : i32
      %dma_wait3A_656 = tpu.memref_slice %arg2[%run_scoped3A_40, %add3A, %dma_wait3A_654, %dma_wait3A_655] : memref<25x32x8x128xi32, #tpu.memory_space<hbm>> -> memref<1x1x8x128xi32, #tpu.memory_space<hbm>>
      %dma_wait3A_657 = tpu.memref_squeeze %dma_wait3A_656 : memref<1x1x8x128xi32, #tpu.memory_space<hbm>> -> memref<8x128xi32, #tpu.memory_space<hbm>>
      %dma_wait3A_658 = arith.constant 0 : i32
      %dma_wait3A_659 = arith.constant 0 : i32
      %dma_wait3A_660 = tpu.memref_slice %arg5[%run_scoped3A_41, %dma_wait3A_658, %dma_wait3A_659] : memref<25x8x128xi32, #tpu.memory_space<vmem>> -> memref<1x8x128xi32, #tpu.memory_space<vmem>>
      %dma_wait3A_661 = tpu.memref_squeeze %dma_wait3A_660 : memref<1x8x128xi32, #tpu.memory_space<vmem>> -> memref<8x128xi32, #tpu.memory_space<vmem>>
      %dma_wait3A_662 = arith.constant 0 : i32
      %dma_wait3A_663 = arith.constant 0 : i32
      %dma_wait3A_664 = tpu.memref_slice %arg2[%run_scoped3A_40, %add3A, %dma_wait3A_662, %dma_wait3A_663] : memref<25x32x8x128xi32, #tpu.memory_space<hbm>> -> memref<1x1x8x128xi32, #tpu.memory_space<hbm>>
      %dma_wait3A_665 = tpu.memref_squeeze %dma_wait3A_664 : memref<1x1x8x128xi32, #tpu.memory_space<hbm>> -> memref<8x128xi32, #tpu.memory_space<hbm>>
      tpu.wait_dma2 semaphore(%run_scoped3A_633 : memref<!tpu.dma_semaphore, #tpu.memory_space<semaphore_mem>>) src(%dma_wait3A_665 : memref<8x128xi32, #tpu.memory_space<hbm>>) dst(%dma_wait3A_661 : memref<8x128xi32, #tpu.memory_space<vmem>>)
      tpu.yield
    }) : () -> ()
    %run_scoped3A_42 = arith.constant 21 : i32
    %run_scoped3A_43 = arith.constant 21 : i32
    "tpu.region"() ({
      %run_scoped3A_633 = tpu.sem_alloc : memref<!tpu.dma_semaphore, #tpu.memory_space<semaphore_mem>>
      %dma_start3A_634 = arith.constant 0 : i32
      %dma_start3A_635 = arith.constant 0 : i32
      %dma_start3A_636 = tpu.memref_slice %arg5[%run_scoped3A_43, %dma_start3A_634, %dma_start3A_635] : memref<25x8x128xi32, #tpu.memory_space<vmem>> -> memref<1x8x128xi32, #tpu.memory_space<vmem>>
      %dma_start3A_637 = tpu.memref_squeeze %dma_start3A_636 : memref<1x8x128xi32, #tpu.memory_space<vmem>> -> memref<8x128xi32, #tpu.memory_space<vmem>>
      %dma_start3A_638 = arith.constant 0 : i32
      %dma_start3A_639 = arith.constant 0 : i32
      %dma_start3A_640 = tpu.memref_slice %arg2[%run_scoped3A_42, %add3A, %dma_start3A_638, %dma_start3A_639] : memref<25x32x8x128xi32, #tpu.memory_space<hbm>> -> memref<1x1x8x128xi32, #tpu.memory_space<hbm>>
      %dma_start3A_641 = tpu.memref_squeeze %dma_start3A_640 : memref<1x1x8x128xi32, #tpu.memory_space<hbm>> -> memref<8x128xi32, #tpu.memory_space<hbm>>
      %dma_start3A_642 = arith.constant 0 : i32
      %dma_start3A_643 = arith.constant 0 : i32
      %dma_start3A_644 = tpu.memref_slice %arg5[%run_scoped3A_43, %dma_start3A_642, %dma_start3A_643] : memref<25x8x128xi32, #tpu.memory_space<vmem>> -> memref<1x8x128xi32, #tpu.memory_space<vmem>>
      %dma_start3A_645 = tpu.memref_squeeze %dma_start3A_644 : memref<1x8x128xi32, #tpu.memory_space<vmem>> -> memref<8x128xi32, #tpu.memory_space<vmem>>
      %dma_start3A_646 = arith.constant 0 : i32
      %dma_start3A_647 = arith.constant 0 : i32
      %dma_start3A_648 = tpu.memref_slice %arg2[%run_scoped3A_42, %add3A, %dma_start3A_646, %dma_start3A_647] : memref<25x32x8x128xi32, #tpu.memory_space<hbm>> -> memref<1x1x8x128xi32, #tpu.memory_space<hbm>>
      %dma_start3A_649 = tpu.memref_squeeze %dma_start3A_648 : memref<1x1x8x128xi32, #tpu.memory_space<hbm>> -> memref<8x128xi32, #tpu.memory_space<hbm>>
      tpu.enqueue_dma source(%dma_start3A_649 : memref<8x128xi32, #tpu.memory_space<hbm>>) target(%dma_start3A_645 : memref<8x128xi32, #tpu.memory_space<vmem>>) target_semaphore(%run_scoped3A_633 : memref<!tpu.dma_semaphore, #tpu.memory_space<semaphore_mem>>)
      %dma_wait3A_650 = arith.constant 0 : i32
      %dma_wait3A_651 = arith.constant 0 : i32
      %dma_wait3A_652 = tpu.memref_slice %arg5[%run_scoped3A_43, %dma_wait3A_650, %dma_wait3A_651] : memref<25x8x128xi32, #tpu.memory_space<vmem>> -> memref<1x8x128xi32, #tpu.memory_space<vmem>>
      %dma_wait3A_653 = tpu.memref_squeeze %dma_wait3A_652 : memref<1x8x128xi32, #tpu.memory_space<vmem>> -> memref<8x128xi32, #tpu.memory_space<vmem>>
      %dma_wait3A_654 = arith.constant 0 : i32
      %dma_wait3A_655 = arith.constant 0 : i32
      %dma_wait3A_656 = tpu.memref_slice %arg2[%run_scoped3A_42, %add3A, %dma_wait3A_654, %dma_wait3A_655] : memref<25x32x8x128xi32, #tpu.memory_space<hbm>> -> memref<1x1x8x128xi32, #tpu.memory_space<hbm>>
      %dma_wait3A_657 = tpu.memref_squeeze %dma_wait3A_656 : memref<1x1x8x128xi32, #tpu.memory_space<hbm>> -> memref<8x128xi32, #tpu.memory_space<hbm>>
      %dma_wait3A_658 = arith.constant 0 : i32
      %dma_wait3A_659 = arith.constant 0 : i32
      %dma_wait3A_660 = tpu.memref_slice %arg5[%run_scoped3A_43, %dma_wait3A_658, %dma_wait3A_659] : memref<25x8x128xi32, #tpu.memory_space<vmem>> -> memref<1x8x128xi32, #tpu.memory_space<vmem>>
      %dma_wait3A_661 = tpu.memref_squeeze %dma_wait3A_660 : memref<1x8x128xi32, #tpu.memory_space<vmem>> -> memref<8x128xi32, #tpu.memory_space<vmem>>
      %dma_wait3A_662 = arith.constant 0 : i32
      %dma_wait3A_663 = arith.constant 0 : i32
      %dma_wait3A_664 = tpu.memref_slice %arg2[%run_scoped3A_42, %add3A, %dma_wait3A_662, %dma_wait3A_663] : memref<25x32x8x128xi32, #tpu.memory_space<hbm>> -> memref<1x1x8x128xi32, #tpu.memory_space<hbm>>
      %dma_wait3A_665 = tpu.memref_squeeze %dma_wait3A_664 : memref<1x1x8x128xi32, #tpu.memory_space<hbm>> -> memref<8x128xi32, #tpu.memory_space<hbm>>
      tpu.wait_dma2 semaphore(%run_scoped3A_633 : memref<!tpu.dma_semaphore, #tpu.memory_space<semaphore_mem>>) src(%dma_wait3A_665 : memref<8x128xi32, #tpu.memory_space<hbm>>) dst(%dma_wait3A_661 : memref<8x128xi32, #tpu.memory_space<vmem>>)
      tpu.yield
    }) : () -> ()
    %run_scoped3A_44 = arith.constant 22 : i32
    %run_scoped3A_45 = arith.constant 22 : i32
    "tpu.region"() ({
      %run_scoped3A_633 = tpu.sem_alloc : memref<!tpu.dma_semaphore, #tpu.memory_space<semaphore_mem>>
      %dma_start3A_634 = arith.constant 0 : i32
      %dma_start3A_635 = arith.constant 0 : i32
      %dma_start3A_636 = tpu.memref_slice %arg5[%run_scoped3A_45, %dma_start3A_634, %dma_start3A_635] : memref<25x8x128xi32, #tpu.memory_space<vmem>> -> memref<1x8x128xi32, #tpu.memory_space<vmem>>
      %dma_start3A_637 = tpu.memref_squeeze %dma_start3A_636 : memref<1x8x128xi32, #tpu.memory_space<vmem>> -> memref<8x128xi32, #tpu.memory_space<vmem>>
      %dma_start3A_638 = arith.constant 0 : i32
      %dma_start3A_639 = arith.constant 0 : i32
      %dma_start3A_640 = tpu.memref_slice %arg2[%run_scoped3A_44, %add3A, %dma_start3A_638, %dma_start3A_639] : memref<25x32x8x128xi32, #tpu.memory_space<hbm>> -> memref<1x1x8x128xi32, #tpu.memory_space<hbm>>
      %dma_start3A_641 = tpu.memref_squeeze %dma_start3A_640 : memref<1x1x8x128xi32, #tpu.memory_space<hbm>> -> memref<8x128xi32, #tpu.memory_space<hbm>>
      %dma_start3A_642 = arith.constant 0 : i32
      %dma_start3A_643 = arith.constant 0 : i32
      %dma_start3A_644 = tpu.memref_slice %arg5[%run_scoped3A_45, %dma_start3A_642, %dma_start3A_643] : memref<25x8x128xi32, #tpu.memory_space<vmem>> -> memref<1x8x128xi32, #tpu.memory_space<vmem>>
      %dma_start3A_645 = tpu.memref_squeeze %dma_start3A_644 : memref<1x8x128xi32, #tpu.memory_space<vmem>> -> memref<8x128xi32, #tpu.memory_space<vmem>>
      %dma_start3A_646 = arith.constant 0 : i32
      %dma_start3A_647 = arith.constant 0 : i32
      %dma_start3A_648 = tpu.memref_slice %arg2[%run_scoped3A_44, %add3A, %dma_start3A_646, %dma_start3A_647] : memref<25x32x8x128xi32, #tpu.memory_space<hbm>> -> memref<1x1x8x128xi32, #tpu.memory_space<hbm>>
      %dma_start3A_649 = tpu.memref_squeeze %dma_start3A_648 : memref<1x1x8x128xi32, #tpu.memory_space<hbm>> -> memref<8x128xi32, #tpu.memory_space<hbm>>
      tpu.enqueue_dma source(%dma_start3A_649 : memref<8x128xi32, #tpu.memory_space<hbm>>) target(%dma_start3A_645 : memref<8x128xi32, #tpu.memory_space<vmem>>) target_semaphore(%run_scoped3A_633 : memref<!tpu.dma_semaphore, #tpu.memory_space<semaphore_mem>>)
      %dma_wait3A_650 = arith.constant 0 : i32
      %dma_wait3A_651 = arith.constant 0 : i32
      %dma_wait3A_652 = tpu.memref_slice %arg5[%run_scoped3A_45, %dma_wait3A_650, %dma_wait3A_651] : memref<25x8x128xi32, #tpu.memory_space<vmem>> -> memref<1x8x128xi32, #tpu.memory_space<vmem>>
      %dma_wait3A_653 = tpu.memref_squeeze %dma_wait3A_652 : memref<1x8x128xi32, #tpu.memory_space<vmem>> -> memref<8x128xi32, #tpu.memory_space<vmem>>
      %dma_wait3A_654 = arith.constant 0 : i32
      %dma_wait3A_655 = arith.constant 0 : i32
      %dma_wait3A_656 = tpu.memref_slice %arg2[%run_scoped3A_44, %add3A, %dma_wait3A_654, %dma_wait3A_655] : memref<25x32x8x128xi32, #tpu.memory_space<hbm>> -> memref<1x1x8x128xi32, #tpu.memory_space<hbm>>
      %dma_wait3A_657 = tpu.memref_squeeze %dma_wait3A_656 : memref<1x1x8x128xi32, #tpu.memory_space<hbm>> -> memref<8x128xi32, #tpu.memory_space<hbm>>
      %dma_wait3A_658 = arith.constant 0 : i32
      %dma_wait3A_659 = arith.constant 0 : i32
      %dma_wait3A_660 = tpu.memref_slice %arg5[%run_scoped3A_45, %dma_wait3A_658, %dma_wait3A_659] : memref<25x8x128xi32, #tpu.memory_space<vmem>> -> memref<1x8x128xi32, #tpu.memory_space<vmem>>
      %dma_wait3A_661 = tpu.memref_squeeze %dma_wait3A_660 : memref<1x8x128xi32, #tpu.memory_space<vmem>> -> memref<8x128xi32, #tpu.memory_space<vmem>>
      %dma_wait3A_662 = arith.constant 0 : i32
      %dma_wait3A_663 = arith.constant 0 : i32
      %dma_wait3A_664 = tpu.memref_slice %arg2[%run_scoped3A_44, %add3A, %dma_wait3A_662, %dma_wait3A_663] : memref<25x32x8x128xi32, #tpu.memory_space<hbm>> -> memref<1x1x8x128xi32, #tpu.memory_space<hbm>>
      %dma_wait3A_665 = tpu.memref_squeeze %dma_wait3A_664 : memref<1x1x8x128xi32, #tpu.memory_space<hbm>> -> memref<8x128xi32, #tpu.memory_space<hbm>>
      tpu.wait_dma2 semaphore(%run_scoped3A_633 : memref<!tpu.dma_semaphore, #tpu.memory_space<semaphore_mem>>) src(%dma_wait3A_665 : memref<8x128xi32, #tpu.memory_space<hbm>>) dst(%dma_wait3A_661 : memref<8x128xi32, #tpu.memory_space<vmem>>)
      tpu.yield
    }) : () -> ()
    %run_scoped3A_46 = arith.constant 23 : i32
    %run_scoped3A_47 = arith.constant 23 : i32
    "tpu.region"() ({
      %run_scoped3A_633 = tpu.sem_alloc : memref<!tpu.dma_semaphore, #tpu.memory_space<semaphore_mem>>
      %dma_start3A_634 = arith.constant 0 : i32
      %dma_start3A_635 = arith.constant 0 : i32
      %dma_start3A_636 = tpu.memref_slice %arg5[%run_scoped3A_47, %dma_start3A_634, %dma_start3A_635] : memref<25x8x128xi32, #tpu.memory_space<vmem>> -> memref<1x8x128xi32, #tpu.memory_space<vmem>>
      %dma_start3A_637 = tpu.memref_squeeze %dma_start3A_636 : memref<1x8x128xi32, #tpu.memory_space<vmem>> -> memref<8x128xi32, #tpu.memory_space<vmem>>
      %dma_start3A_638 = arith.constant 0 : i32
      %dma_start3A_639 = arith.constant 0 : i32
      %dma_start3A_640 = tpu.memref_slice %arg2[%run_scoped3A_46, %add3A, %dma_start3A_638, %dma_start3A_639] : memref<25x32x8x128xi32, #tpu.memory_space<hbm>> -> memref<1x1x8x128xi32, #tpu.memory_space<hbm>>
      %dma_start3A_641 = tpu.memref_squeeze %dma_start3A_640 : memref<1x1x8x128xi32, #tpu.memory_space<hbm>> -> memref<8x128xi32, #tpu.memory_space<hbm>>
      %dma_start3A_642 = arith.constant 0 : i32
      %dma_start3A_643 = arith.constant 0 : i32
      %dma_start3A_644 = tpu.memref_slice %arg5[%run_scoped3A_47, %dma_start3A_642, %dma_start3A_643] : memref<25x8x128xi32, #tpu.memory_space<vmem>> -> memref<1x8x128xi32, #tpu.memory_space<vmem>>
      %dma_start3A_645 = tpu.memref_squeeze %dma_start3A_644 : memref<1x8x128xi32, #tpu.memory_space<vmem>> -> memref<8x128xi32, #tpu.memory_space<vmem>>
      %dma_start3A_646 = arith.constant 0 : i32
      %dma_start3A_647 = arith.constant 0 : i32
      %dma_start3A_648 = tpu.memref_slice %arg2[%run_scoped3A_46, %add3A, %dma_start3A_646, %dma_start3A_647] : memref<25x32x8x128xi32, #tpu.memory_space<hbm>> -> memref<1x1x8x128xi32, #tpu.memory_space<hbm>>
      %dma_start3A_649 = tpu.memref_squeeze %dma_start3A_648 : memref<1x1x8x128xi32, #tpu.memory_space<hbm>> -> memref<8x128xi32, #tpu.memory_space<hbm>>
      tpu.enqueue_dma source(%dma_start3A_649 : memref<8x128xi32, #tpu.memory_space<hbm>>) target(%dma_start3A_645 : memref<8x128xi32, #tpu.memory_space<vmem>>) target_semaphore(%run_scoped3A_633 : memref<!tpu.dma_semaphore, #tpu.memory_space<semaphore_mem>>)
      %dma_wait3A_650 = arith.constant 0 : i32
      %dma_wait3A_651 = arith.constant 0 : i32
      %dma_wait3A_652 = tpu.memref_slice %arg5[%run_scoped3A_47, %dma_wait3A_650, %dma_wait3A_651] : memref<25x8x128xi32, #tpu.memory_space<vmem>> -> memref<1x8x128xi32, #tpu.memory_space<vmem>>
      %dma_wait3A_653 = tpu.memref_squeeze %dma_wait3A_652 : memref<1x8x128xi32, #tpu.memory_space<vmem>> -> memref<8x128xi32, #tpu.memory_space<vmem>>
      %dma_wait3A_654 = arith.constant 0 : i32
      %dma_wait3A_655 = arith.constant 0 : i32
      %dma_wait3A_656 = tpu.memref_slice %arg2[%run_scoped3A_46, %add3A, %dma_wait3A_654, %dma_wait3A_655] : memref<25x32x8x128xi32, #tpu.memory_space<hbm>> -> memref<1x1x8x128xi32, #tpu.memory_space<hbm>>
      %dma_wait3A_657 = tpu.memref_squeeze %dma_wait3A_656 : memref<1x1x8x128xi32, #tpu.memory_space<hbm>> -> memref<8x128xi32, #tpu.memory_space<hbm>>
      %dma_wait3A_658 = arith.constant 0 : i32
      %dma_wait3A_659 = arith.constant 0 : i32
      %dma_wait3A_660 = tpu.memref_slice %arg5[%run_scoped3A_47, %dma_wait3A_658, %dma_wait3A_659] : memref<25x8x128xi32, #tpu.memory_space<vmem>> -> memref<1x8x128xi32, #tpu.memory_space<vmem>>
      %dma_wait3A_661 = tpu.memref_squeeze %dma_wait3A_660 : memref<1x8x128xi32, #tpu.memory_space<vmem>> -> memref<8x128xi32, #tpu.memory_space<vmem>>
      %dma_wait3A_662 = arith.constant 0 : i32
      %dma_wait3A_663 = arith.constant 0 : i32
      %dma_wait3A_664 = tpu.memref_slice %arg2[%run_scoped3A_46, %add3A, %dma_wait3A_662, %dma_wait3A_663] : memref<25x32x8x128xi32, #tpu.memory_space<hbm>> -> memref<1x1x8x128xi32, #tpu.memory_space<hbm>>
      %dma_wait3A_665 = tpu.memref_squeeze %dma_wait3A_664 : memref<1x1x8x128xi32, #tpu.memory_space<hbm>> -> memref<8x128xi32, #tpu.memory_space<hbm>>
      tpu.wait_dma2 semaphore(%run_scoped3A_633 : memref<!tpu.dma_semaphore, #tpu.memory_space<semaphore_mem>>) src(%dma_wait3A_665 : memref<8x128xi32, #tpu.memory_space<hbm>>) dst(%dma_wait3A_661 : memref<8x128xi32, #tpu.memory_space<vmem>>)
      tpu.yield
    }) : () -> ()
    %run_scoped3A_48 = arith.constant 24 : i32
    %run_scoped3A_49 = arith.constant 24 : i32
    "tpu.region"() ({
      %run_scoped3A_633 = tpu.sem_alloc : memref<!tpu.dma_semaphore, #tpu.memory_space<semaphore_mem>>
      %dma_start3A_634 = arith.constant 0 : i32
      %dma_start3A_635 = arith.constant 0 : i32
      %dma_start3A_636 = tpu.memref_slice %arg5[%run_scoped3A_49, %dma_start3A_634, %dma_start3A_635] : memref<25x8x128xi32, #tpu.memory_space<vmem>> -> memref<1x8x128xi32, #tpu.memory_space<vmem>>
      %dma_start3A_637 = tpu.memref_squeeze %dma_start3A_636 : memref<1x8x128xi32, #tpu.memory_space<vmem>> -> memref<8x128xi32, #tpu.memory_space<vmem>>
      %dma_start3A_638 = arith.constant 0 : i32
      %dma_start3A_639 = arith.constant 0 : i32
      %dma_start3A_640 = tpu.memref_slice %arg2[%run_scoped3A_48, %add3A, %dma_start3A_638, %dma_start3A_639] : memref<25x32x8x128xi32, #tpu.memory_space<hbm>> -> memref<1x1x8x128xi32, #tpu.memory_space<hbm>>
      %dma_start3A_641 = tpu.memref_squeeze %dma_start3A_640 : memref<1x1x8x128xi32, #tpu.memory_space<hbm>> -> memref<8x128xi32, #tpu.memory_space<hbm>>
      %dma_start3A_642 = arith.constant 0 : i32
      %dma_start3A_643 = arith.constant 0 : i32
      %dma_start3A_644 = tpu.memref_slice %arg5[%run_scoped3A_49, %dma_start3A_642, %dma_start3A_643] : memref<25x8x128xi32, #tpu.memory_space<vmem>> -> memref<1x8x128xi32, #tpu.memory_space<vmem>>
      %dma_start3A_645 = tpu.memref_squeeze %dma_start3A_644 : memref<1x8x128xi32, #tpu.memory_space<vmem>> -> memref<8x128xi32, #tpu.memory_space<vmem>>
      %dma_start3A_646 = arith.constant 0 : i32
      %dma_start3A_647 = arith.constant 0 : i32
      %dma_start3A_648 = tpu.memref_slice %arg2[%run_scoped3A_48, %add3A, %dma_start3A_646, %dma_start3A_647] : memref<25x32x8x128xi32, #tpu.memory_space<hbm>> -> memref<1x1x8x128xi32, #tpu.memory_space<hbm>>
      %dma_start3A_649 = tpu.memref_squeeze %dma_start3A_648 : memref<1x1x8x128xi32, #tpu.memory_space<hbm>> -> memref<8x128xi32, #tpu.memory_space<hbm>>
      tpu.enqueue_dma source(%dma_start3A_649 : memref<8x128xi32, #tpu.memory_space<hbm>>) target(%dma_start3A_645 : memref<8x128xi32, #tpu.memory_space<vmem>>) target_semaphore(%run_scoped3A_633 : memref<!tpu.dma_semaphore, #tpu.memory_space<semaphore_mem>>)
      %dma_wait3A_650 = arith.constant 0 : i32
      %dma_wait3A_651 = arith.constant 0 : i32
      %dma_wait3A_652 = tpu.memref_slice %arg5[%run_scoped3A_49, %dma_wait3A_650, %dma_wait3A_651] : memref<25x8x128xi32, #tpu.memory_space<vmem>> -> memref<1x8x128xi32, #tpu.memory_space<vmem>>
      %dma_wait3A_653 = tpu.memref_squeeze %dma_wait3A_652 : memref<1x8x128xi32, #tpu.memory_space<vmem>> -> memref<8x128xi32, #tpu.memory_space<vmem>>
      %dma_wait3A_654 = arith.constant 0 : i32
      %dma_wait3A_655 = arith.constant 0 : i32
      %dma_wait3A_656 = tpu.memref_slice %arg2[%run_scoped3A_48, %add3A, %dma_wait3A_654, %dma_wait3A_655] : memref<25x32x8x128xi32, #tpu.memory_space<hbm>> -> memref<1x1x8x128xi32, #tpu.memory_space<hbm>>
      %dma_wait3A_657 = tpu.memref_squeeze %dma_wait3A_656 : memref<1x1x8x128xi32, #tpu.memory_space<hbm>> -> memref<8x128xi32, #tpu.memory_space<hbm>>
      %dma_wait3A_658 = arith.constant 0 : i32
      %dma_wait3A_659 = arith.constant 0 : i32
      %dma_wait3A_660 = tpu.memref_slice %arg5[%run_scoped3A_49, %dma_wait3A_658, %dma_wait3A_659] : memref<25x8x128xi32, #tpu.memory_space<vmem>> -> memref<1x8x128xi32, #tpu.memory_space<vmem>>
      %dma_wait3A_661 = tpu.memref_squeeze %dma_wait3A_660 : memref<1x8x128xi32, #tpu.memory_space<vmem>> -> memref<8x128xi32, #tpu.memory_space<vmem>>
      %dma_wait3A_662 = arith.constant 0 : i32
      %dma_wait3A_663 = arith.constant 0 : i32
      %dma_wait3A_664 = tpu.memref_slice %arg2[%run_scoped3A_48, %add3A, %dma_wait3A_662, %dma_wait3A_663] : memref<25x32x8x128xi32, #tpu.memory_space<hbm>> -> memref<1x1x8x128xi32, #tpu.memory_space<hbm>>
      %dma_wait3A_665 = tpu.memref_squeeze %dma_wait3A_664 : memref<1x1x8x128xi32, #tpu.memory_space<hbm>> -> memref<8x128xi32, #tpu.memory_space<hbm>>
      tpu.wait_dma2 semaphore(%run_scoped3A_633 : memref<!tpu.dma_semaphore, #tpu.memory_space<semaphore_mem>>) src(%dma_wait3A_665 : memref<8x128xi32, #tpu.memory_space<hbm>>) dst(%dma_wait3A_661 : memref<8x128xi32, #tpu.memory_space<vmem>>)
      tpu.yield
    }) : () -> ()
    %iota3A = tpu.iota {dimensions = array<i32: 0>} : vector<16xi32>
    %add3A_50 = arith.constant 0 : i32
    %add3A_51 = vector.broadcast %add3A_50 : i32 to vector<16xi32>
    %add3A_52 = arith.addi %add3A_51, %iota3A : vector<16xi32>
    %add3A_53 = arith.constant 16 : i32
    %add3A_54 = vector.broadcast %add3A_53 : i32 to vector<16xi32>
    %add3A_55 = arith.addi %add3A_54, %iota3A : vector<16xi32>
    %add3A_56 = arith.constant 32 : i32
    %add3A_57 = vector.broadcast %add3A_56 : i32 to vector<16xi32>
    %add3A_58 = arith.addi %add3A_57, %iota3A : vector<16xi32>
    %add3A_59 = arith.constant 48 : i32
    %add3A_60 = vector.broadcast %add3A_59 : i32 to vector<16xi32>
    %add3A_61 = arith.addi %add3A_60, %iota3A : vector<16xi32>
    %add3A_62 = arith.constant 64 : i32
    %add3A_63 = vector.broadcast %add3A_62 : i32 to vector<16xi32>
    %add3A_64 = arith.addi %add3A_63, %iota3A : vector<16xi32>
    %add3A_65 = arith.constant 80 : i32
    %add3A_66 = vector.broadcast %add3A_65 : i32 to vector<16xi32>
    %add3A_67 = arith.addi %add3A_66, %iota3A : vector<16xi32>
    %add3A_68 = arith.constant 96 : i32
    %add3A_69 = vector.broadcast %add3A_68 : i32 to vector<16xi32>
    %add3A_70 = arith.addi %add3A_69, %iota3A : vector<16xi32>
    %add3A_71 = arith.constant 112 : i32
    %add3A_72 = vector.broadcast %add3A_71 : i32 to vector<16xi32>
    %add3A_73 = arith.addi %add3A_72, %iota3A : vector<16xi32>
    %dma_start3A = arith.constant 0 : i32
    %dma_start3A_74 = arith.constant 0 : i32
    %dma_start3A_75 = arith.constant 0 : i32
    %dma_start3A_76 = arith.constant 0 : i32
    %dma_start3A_77 = tpu.memref_slice %arg6[%dma_start3A_75, %dma_start3A_76] : memref<256x64xf32, #tpu.memory_space<vmem>> -> memref<128x64xf32, #tpu.memory_space<vmem>>
    %dma_start3A_78 = arith.constant 0 : i32
    %dma_start3A_79 = tpu.memref_slice %arg5[%dma_start3A, %dma_start3A_74, %dma_start3A_78] : memref<25x8x128xi32, #tpu.memory_space<vmem>> -> memref<1x1x128xi32, #tpu.memory_space<vmem>>
    %dma_start3A_80 = tpu.memref_squeeze %dma_start3A_79 : memref<1x1x128xi32, #tpu.memory_space<vmem>> -> memref<128xi32, #tpu.memory_space<vmem>>
    %dma_start3A_81 = arith.constant 0 : i32
    %dma_start3A_82 = arith.constant 0 : i32
    %dma_start3A_83 = tpu.memref_slice %arg3[%dma_start3A_81, %dma_start3A_82] : memref<1000000x64xf32, #tpu.memory_space<hbm>> -> memref<1000000x64xf32, #tpu.memory_space<hbm>>
    tpu.enqueue_indirect_dma source(%dma_start3A_83 : memref<1000000x64xf32, #tpu.memory_space<hbm>>) target(%dma_start3A_77 : memref<128x64xf32, #tpu.memory_space<vmem>>) offsets(%dma_start3A_80 : memref<128xi32, #tpu.memory_space<vmem>>) semaphore(%arg10 : memref<!tpu.dma_semaphore, #tpu.memory_space<semaphore_mem>>)
    %dma_start3A_84 = arith.constant 0 : i32
    %dma_start3A_85 = arith.constant 1 : i32
    %dma_start3A_86 = arith.constant 128 : i32
    %dma_start3A_87 = arith.constant 0 : i32
    %dma_start3A_88 = tpu.memref_slice %arg6[%dma_start3A_86, %dma_start3A_87] : memref<256x64xf32, #tpu.memory_space<vmem>> -> memref<128x64xf32, #tpu.memory_space<vmem>>
    %dma_start3A_89 = arith.constant 0 : i32
    %dma_start3A_90 = tpu.memref_slice %arg5[%dma_start3A_84, %dma_start3A_85, %dma_start3A_89] : memref<25x8x128xi32, #tpu.memory_space<vmem>> -> memref<1x1x128xi32, #tpu.memory_space<vmem>>
    %dma_start3A_91 = tpu.memref_squeeze %dma_start3A_90 : memref<1x1x128xi32, #tpu.memory_space<vmem>> -> memref<128xi32, #tpu.memory_space<vmem>>
    %dma_start3A_92 = arith.constant 0 : i32
    %dma_start3A_93 = arith.constant 0 : i32
    %dma_start3A_94 = tpu.memref_slice %arg3[%dma_start3A_92, %dma_start3A_93] : memref<1000000x64xf32, #tpu.memory_space<hbm>> -> memref<1000000x64xf32, #tpu.memory_space<hbm>>
    tpu.enqueue_indirect_dma source(%dma_start3A_94 : memref<1000000x64xf32, #tpu.memory_space<hbm>>) target(%dma_start3A_88 : memref<128x64xf32, #tpu.memory_space<vmem>>) offsets(%dma_start3A_91 : memref<128xi32, #tpu.memory_space<vmem>>) semaphore(%arg10 : memref<!tpu.dma_semaphore, #tpu.memory_space<semaphore_mem>>)
    %dma_start3A_95 = arith.constant 0 : i32
    %dma_start3A_96 = arith.constant 2 : i32
    %dma_start3A_97 = arith.constant 0 : i32
    %dma_start3A_98 = arith.constant 0 : i32
    %dma_start3A_99 = tpu.memref_slice %arg7[%dma_start3A_97, %dma_start3A_98] : memref<256x64xf32, #tpu.memory_space<vmem>> -> memref<128x64xf32, #tpu.memory_space<vmem>>
    %dma_start3A_100 = arith.constant 0 : i32
    %dma_start3A_101 = tpu.memref_slice %arg5[%dma_start3A_95, %dma_start3A_96, %dma_start3A_100] : memref<25x8x128xi32, #tpu.memory_space<vmem>> -> memref<1x1x128xi32, #tpu.memory_space<vmem>>
    %dma_start3A_102 = tpu.memref_squeeze %dma_start3A_101 : memref<1x1x128xi32, #tpu.memory_space<vmem>> -> memref<128xi32, #tpu.memory_space<vmem>>
    %dma_start3A_103 = arith.constant 0 : i32
    %dma_start3A_104 = arith.constant 0 : i32
    %dma_start3A_105 = tpu.memref_slice %arg3[%dma_start3A_103, %dma_start3A_104] : memref<1000000x64xf32, #tpu.memory_space<hbm>> -> memref<1000000x64xf32, #tpu.memory_space<hbm>>
    tpu.enqueue_indirect_dma source(%dma_start3A_105 : memref<1000000x64xf32, #tpu.memory_space<hbm>>) target(%dma_start3A_99 : memref<128x64xf32, #tpu.memory_space<vmem>>) offsets(%dma_start3A_102 : memref<128xi32, #tpu.memory_space<vmem>>) semaphore(%arg11 : memref<!tpu.dma_semaphore, #tpu.memory_space<semaphore_mem>>)
    %dma_start3A_106 = arith.constant 0 : i32
    %dma_start3A_107 = arith.constant 3 : i32
    %dma_start3A_108 = arith.constant 128 : i32
    %dma_start3A_109 = arith.constant 0 : i32
    %dma_start3A_110 = tpu.memref_slice %arg7[%dma_start3A_108, %dma_start3A_109] : memref<256x64xf32, #tpu.memory_space<vmem>> -> memref<128x64xf32, #tpu.memory_space<vmem>>
    %dma_start3A_111 = arith.constant 0 : i32
    %dma_start3A_112 = tpu.memref_slice %arg5[%dma_start3A_106, %dma_start3A_107, %dma_start3A_111] : memref<25x8x128xi32, #tpu.memory_space<vmem>> -> memref<1x1x128xi32, #tpu.memory_space<vmem>>
    %dma_start3A_113 = tpu.memref_squeeze %dma_start3A_112 : memref<1x1x128xi32, #tpu.memory_space<vmem>> -> memref<128xi32, #tpu.memory_space<vmem>>
    %dma_start3A_114 = arith.constant 0 : i32
    %dma_start3A_115 = arith.constant 0 : i32
    %dma_start3A_116 = tpu.memref_slice %arg3[%dma_start3A_114, %dma_start3A_115] : memref<1000000x64xf32, #tpu.memory_space<hbm>> -> memref<1000000x64xf32, #tpu.memory_space<hbm>>
    tpu.enqueue_indirect_dma source(%dma_start3A_116 : memref<1000000x64xf32, #tpu.memory_space<hbm>>) target(%dma_start3A_110 : memref<128x64xf32, #tpu.memory_space<vmem>>) offsets(%dma_start3A_113 : memref<128xi32, #tpu.memory_space<vmem>>) semaphore(%arg11 : memref<!tpu.dma_semaphore, #tpu.memory_space<semaphore_mem>>)
    %scan3A = arith.constant 0 : i32
    %scan3A_117 = arith.constant 0 : i32
    %scan3A_118 = arith.constant 50 : i32
    %scan3A_119 = arith.addi %scan3A_117, %scan3A_118 : i32
    %scan3A_120 = arith.constant 1 : i32
    scf.for %scan3A_633 = %scan3A_117 to %scan3A_119 step %scan3A_120  : i32 {
      %mul3A_634 = arith.constant 2 : i32
      %mul3A_635 = arith.muli %mul3A_634, %scan3A_633 : i32
      %add3A_636 = arith.constant 0 : i32
      %add3A_637 = arith.addi %mul3A_635, %add3A_636 : i32
      %dma_wait3A_638 = arith.constant 0 : i32
      %dma_wait3A_639 = arith.constant 0 : i32
      %dma_wait3A_640 = arith.constant 0 : i32
      %dma_wait3A_641 = arith.constant 0 : i32
      %dma_wait3A_642 = tpu.memref_slice %arg6[%dma_wait3A_640, %dma_wait3A_641] : memref<256x64xf32, #tpu.memory_space<vmem>> -> memref<128x64xf32, #tpu.memory_space<vmem>>
      %dma_wait3A_643 = arith.constant 0 : i32
      %dma_wait3A_644 = tpu.memref_slice %arg5[%dma_wait3A_638, %dma_wait3A_639, %dma_wait3A_643] : memref<25x8x128xi32, #tpu.memory_space<vmem>> -> memref<1x1x128xi32, #tpu.memory_space<vmem>>
      %dma_wait3A_645 = tpu.memref_squeeze %dma_wait3A_644 : memref<1x1x128xi32, #tpu.memory_space<vmem>> -> memref<128xi32, #tpu.memory_space<vmem>>
      %dma_wait3A_646 = arith.constant 0 : i32
      %dma_wait3A_647 = arith.constant 0 : i32
      %dma_wait3A_648 = tpu.memref_slice %arg3[%dma_wait3A_646, %dma_wait3A_647] : memref<1000000x64xf32, #tpu.memory_space<hbm>> -> memref<1000000x64xf32, #tpu.memory_space<hbm>>
      tpu.wait_indirect_dma semaphore(%arg10 : memref<!tpu.dma_semaphore, #tpu.memory_space<semaphore_mem>>) src(%dma_wait3A_648 : memref<1000000x64xf32, #tpu.memory_space<hbm>>) dst(%dma_wait3A_642 : memref<128x64xf32, #tpu.memory_space<vmem>>)
      %dma_wait3A_649 = arith.constant 0 : i32
      %dma_wait3A_650 = arith.constant 0 : i32
      %dma_wait3A_651 = arith.constant 128 : i32
      %dma_wait3A_652 = arith.constant 0 : i32
      %dma_wait3A_653 = tpu.memref_slice %arg6[%dma_wait3A_651, %dma_wait3A_652] : memref<256x64xf32, #tpu.memory_space<vmem>> -> memref<128x64xf32, #tpu.memory_space<vmem>>
      %dma_wait3A_654 = arith.constant 0 : i32
      %dma_wait3A_655 = tpu.memref_slice %arg5[%dma_wait3A_649, %dma_wait3A_650, %dma_wait3A_654] : memref<25x8x128xi32, #tpu.memory_space<vmem>> -> memref<1x1x128xi32, #tpu.memory_space<vmem>>
      %dma_wait3A_656 = tpu.memref_squeeze %dma_wait3A_655 : memref<1x1x128xi32, #tpu.memory_space<vmem>> -> memref<128xi32, #tpu.memory_space<vmem>>
      %dma_wait3A_657 = arith.constant 0 : i32
      %dma_wait3A_658 = arith.constant 0 : i32
      %dma_wait3A_659 = tpu.memref_slice %arg3[%dma_wait3A_657, %dma_wait3A_658] : memref<1000000x64xf32, #tpu.memory_space<hbm>> -> memref<1000000x64xf32, #tpu.memory_space<hbm>>
      tpu.wait_indirect_dma semaphore(%arg10 : memref<!tpu.dma_semaphore, #tpu.memory_space<semaphore_mem>>) src(%dma_wait3A_659 : memref<1000000x64xf32, #tpu.memory_space<hbm>>) dst(%dma_wait3A_653 : memref<128x64xf32, #tpu.memory_space<vmem>>)
      %ge3A = arith.constant 1 : i32
      %ge3A_660 = arith.cmpi sge, %scan3A_633, %ge3A : i32
      %convert_element_type3A = arith.extui %ge3A_660 : i1 to i32
      %cond3A = arith.constant 0 : i32
      %cond3A_661 = arith.cmpi ne, %convert_element_type3A, %cond3A : i32
      scf.if %cond3A_661 {
        %dma_wait3A_1322 = arith.constant 0 : i32
        %dma_wait3A_1323 = arith.constant 0 : i32
        %dma_wait3A_1324 = arith.constant 0 : i32
        %dma_wait3A_1325 = arith.constant 0 : i32
        %dma_wait3A_1326 = tpu.memref_slice %arg8[%dma_wait3A_1324, %dma_wait3A_1325] : memref<128x136xf32, #tpu.memory_space<vmem>> -> memref<8x128xf32, #tpu.memory_space<vmem>>
        %dma_wait3A_1327 = arith.constant 0 : i32
        %dma_wait3A_1328 = arith.constant 0 : i32
        %dma_wait3A_1329 = tpu.memref_slice %arg4[%dma_wait3A_1322, %dma_wait3A_1323, %add3A, %dma_wait3A_1327, %dma_wait3A_1328] : memref<200x8x32x8x128xf32, #tpu.memory_space<hbm>> -> memref<1x1x1x8x128xf32, #tpu.memory_space<hbm>>
        %dma_wait3A_1330 = tpu.memref_squeeze %dma_wait3A_1329 : memref<1x1x1x8x128xf32, #tpu.memory_space<hbm>> -> memref<8x128xf32, #tpu.memory_space<hbm>>
        %dma_wait3A_1331 = arith.constant 0 : i32
        %dma_wait3A_1332 = arith.constant 0 : i32
        %dma_wait3A_1333 = tpu.memref_slice %arg4[%dma_wait3A_1322, %dma_wait3A_1323, %add3A, %dma_wait3A_1331, %dma_wait3A_1332] : memref<200x8x32x8x128xf32, #tpu.memory_space<hbm>> -> memref<1x1x1x8x128xf32, #tpu.memory_space<hbm>>
        %dma_wait3A_1334 = tpu.memref_squeeze %dma_wait3A_1333 : memref<1x1x1x8x128xf32, #tpu.memory_space<hbm>> -> memref<8x128xf32, #tpu.memory_space<hbm>>
        %dma_wait3A_1335 = arith.constant 0 : i32
        %dma_wait3A_1336 = arith.constant 0 : i32
        %dma_wait3A_1337 = tpu.memref_slice %arg8[%dma_wait3A_1335, %dma_wait3A_1336] : memref<128x136xf32, #tpu.memory_space<vmem>> -> memref<8x128xf32, #tpu.memory_space<vmem>>
        tpu.wait_dma2 semaphore(%arg12 : memref<!tpu.dma_semaphore, #tpu.memory_space<semaphore_mem>>) src(%dma_wait3A_1337 : memref<8x128xf32, #tpu.memory_space<vmem>>) dst(%dma_wait3A_1334 : memref<8x128xf32, #tpu.memory_space<hbm>>)
        %dma_wait3A_1338 = arith.constant 0 : i32
        %dma_wait3A_1339 = arith.constant 0 : i32
        %dma_wait3A_1340 = arith.constant 0 : i32
        %dma_wait3A_1341 = arith.constant 0 : i32
        %dma_wait3A_1342 = tpu.memref_slice %arg8[%dma_wait3A_1340, %dma_wait3A_1341] : memref<128x136xf32, #tpu.memory_space<vmem>> -> memref<8x128xf32, #tpu.memory_space<vmem>>
        %dma_wait3A_1343 = arith.constant 0 : i32
        %dma_wait3A_1344 = arith.constant 0 : i32
        %dma_wait3A_1345 = tpu.memref_slice %arg4[%dma_wait3A_1338, %dma_wait3A_1339, %add3A, %dma_wait3A_1343, %dma_wait3A_1344] : memref<200x8x32x8x128xf32, #tpu.memory_space<hbm>> -> memref<1x1x1x8x128xf32, #tpu.memory_space<hbm>>
        %dma_wait3A_1346 = tpu.memref_squeeze %dma_wait3A_1345 : memref<1x1x1x8x128xf32, #tpu.memory_space<hbm>> -> memref<8x128xf32, #tpu.memory_space<hbm>>
        %dma_wait3A_1347 = arith.constant 0 : i32
        %dma_wait3A_1348 = arith.constant 0 : i32
        %dma_wait3A_1349 = tpu.memref_slice %arg4[%dma_wait3A_1338, %dma_wait3A_1339, %add3A, %dma_wait3A_1347, %dma_wait3A_1348] : memref<200x8x32x8x128xf32, #tpu.memory_space<hbm>> -> memref<1x1x1x8x128xf32, #tpu.memory_space<hbm>>
        %dma_wait3A_1350 = tpu.memref_squeeze %dma_wait3A_1349 : memref<1x1x1x8x128xf32, #tpu.memory_space<hbm>> -> memref<8x128xf32, #tpu.memory_space<hbm>>
        %dma_wait3A_1351 = arith.constant 0 : i32
        %dma_wait3A_1352 = arith.constant 0 : i32
        %dma_wait3A_1353 = tpu.memref_slice %arg8[%dma_wait3A_1351, %dma_wait3A_1352] : memref<128x136xf32, #tpu.memory_space<vmem>> -> memref<8x128xf32, #tpu.memory_space<vmem>>
        tpu.wait_dma2 semaphore(%arg12 : memref<!tpu.dma_semaphore, #tpu.memory_space<semaphore_mem>>) src(%dma_wait3A_1353 : memref<8x128xf32, #tpu.memory_space<vmem>>) dst(%dma_wait3A_1350 : memref<8x128xf32, #tpu.memory_space<hbm>>)
        %dma_wait3A_1354 = arith.constant 0 : i32
        %dma_wait3A_1355 = arith.constant 0 : i32
        %dma_wait3A_1356 = arith.constant 0 : i32
        %dma_wait3A_1357 = arith.constant 0 : i32
        %dma_wait3A_1358 = tpu.memref_slice %arg8[%dma_wait3A_1356, %dma_wait3A_1357] : memref<128x136xf32, #tpu.memory_space<vmem>> -> memref<8x128xf32, #tpu.memory_space<vmem>>
        %dma_wait3A_1359 = arith.constant 0 : i32
        %dma_wait3A_1360 = arith.constant 0 : i32
        %dma_wait3A_1361 = tpu.memref_slice %arg4[%dma_wait3A_1354, %dma_wait3A_1355, %add3A, %dma_wait3A_1359, %dma_wait3A_1360] : memref<200x8x32x8x128xf32, #tpu.memory_space<hbm>> -> memref<1x1x1x8x128xf32, #tpu.memory_space<hbm>>
        %dma_wait3A_1362 = tpu.memref_squeeze %dma_wait3A_1361 : memref<1x1x1x8x128xf32, #tpu.memory_space<hbm>> -> memref<8x128xf32, #tpu.memory_space<hbm>>
        %dma_wait3A_1363 = arith.constant 0 : i32
        %dma_wait3A_1364 = arith.constant 0 : i32
        %dma_wait3A_1365 = tpu.memref_slice %arg4[%dma_wait3A_1354, %dma_wait3A_1355, %add3A, %dma_wait3A_1363, %dma_wait3A_1364] : memref<200x8x32x8x128xf32, #tpu.memory_space<hbm>> -> memref<1x1x1x8x128xf32, #tpu.memory_space<hbm>>
        %dma_wait3A_1366 = tpu.memref_squeeze %dma_wait3A_1365 : memref<1x1x1x8x128xf32, #tpu.memory_space<hbm>> -> memref<8x128xf32, #tpu.memory_space<hbm>>
        %dma_wait3A_1367 = arith.constant 0 : i32
        %dma_wait3A_1368 = arith.constant 0 : i32
        %dma_wait3A_1369 = tpu.memref_slice %arg8[%dma_wait3A_1367, %dma_wait3A_1368] : memref<128x136xf32, #tpu.memory_space<vmem>> -> memref<8x128xf32, #tpu.memory_space<vmem>>
        tpu.wait_dma2 semaphore(%arg12 : memref<!tpu.dma_semaphore, #tpu.memory_space<semaphore_mem>>) src(%dma_wait3A_1369 : memref<8x128xf32, #tpu.memory_space<vmem>>) dst(%dma_wait3A_1366 : memref<8x128xf32, #tpu.memory_space<hbm>>)
        %dma_wait3A_1370 = arith.constant 0 : i32
        %dma_wait3A_1371 = arith.constant 0 : i32
        %dma_wait3A_1372 = arith.constant 0 : i32
        %dma_wait3A_1373 = arith.constant 0 : i32
        %dma_wait3A_1374 = tpu.memref_slice %arg8[%dma_wait3A_1372, %dma_wait3A_1373] : memref<128x136xf32, #tpu.memory_space<vmem>> -> memref<8x128xf32, #tpu.memory_space<vmem>>
        %dma_wait3A_1375 = arith.constant 0 : i32
        %dma_wait3A_1376 = arith.constant 0 : i32
        %dma_wait3A_1377 = tpu.memref_slice %arg4[%dma_wait3A_1370, %dma_wait3A_1371, %add3A, %dma_wait3A_1375, %dma_wait3A_1376] : memref<200x8x32x8x128xf32, #tpu.memory_space<hbm>> -> memref<1x1x1x8x128xf32, #tpu.memory_space<hbm>>
        %dma_wait3A_1378 = tpu.memref_squeeze %dma_wait3A_1377 : memref<1x1x1x8x128xf32, #tpu.memory_space<hbm>> -> memref<8x128xf32, #tpu.memory_space<hbm>>
        %dma_wait3A_1379 = arith.constant 0 : i32
        %dma_wait3A_1380 = arith.constant 0 : i32
        %dma_wait3A_1381 = tpu.memref_slice %arg4[%dma_wait3A_1370, %dma_wait3A_1371, %add3A, %dma_wait3A_1379, %dma_wait3A_1380] : memref<200x8x32x8x128xf32, #tpu.memory_space<hbm>> -> memref<1x1x1x8x128xf32, #tpu.memory_space<hbm>>
        %dma_wait3A_1382 = tpu.memref_squeeze %dma_wait3A_1381 : memref<1x1x1x8x128xf32, #tpu.memory_space<hbm>> -> memref<8x128xf32, #tpu.memory_space<hbm>>
        %dma_wait3A_1383 = arith.constant 0 : i32
        %dma_wait3A_1384 = arith.constant 0 : i32
        %dma_wait3A_1385 = tpu.memref_slice %arg8[%dma_wait3A_1383, %dma_wait3A_1384] : memref<128x136xf32, #tpu.memory_space<vmem>> -> memref<8x128xf32, #tpu.memory_space<vmem>>
        tpu.wait_dma2 semaphore(%arg12 : memref<!tpu.dma_semaphore, #tpu.memory_space<semaphore_mem>>) src(%dma_wait3A_1385 : memref<8x128xf32, #tpu.memory_space<vmem>>) dst(%dma_wait3A_1382 : memref<8x128xf32, #tpu.memory_space<hbm>>)
        %dma_wait3A_1386 = arith.constant 0 : i32
        %dma_wait3A_1387 = arith.constant 0 : i32
        %dma_wait3A_1388 = arith.constant 0 : i32
        %dma_wait3A_1389 = arith.constant 0 : i32
        %dma_wait3A_1390 = tpu.memref_slice %arg8[%dma_wait3A_1388, %dma_wait3A_1389] : memref<128x136xf32, #tpu.memory_space<vmem>> -> memref<8x128xf32, #tpu.memory_space<vmem>>
        %dma_wait3A_1391 = arith.constant 0 : i32
        %dma_wait3A_1392 = arith.constant 0 : i32
        %dma_wait3A_1393 = tpu.memref_slice %arg4[%dma_wait3A_1386, %dma_wait3A_1387, %add3A, %dma_wait3A_1391, %dma_wait3A_1392] : memref<200x8x32x8x128xf32, #tpu.memory_space<hbm>> -> memref<1x1x1x8x128xf32, #tpu.memory_space<hbm>>
        %dma_wait3A_1394 = tpu.memref_squeeze %dma_wait3A_1393 : memref<1x1x1x8x128xf32, #tpu.memory_space<hbm>> -> memref<8x128xf32, #tpu.memory_space<hbm>>
        %dma_wait3A_1395 = arith.constant 0 : i32
        %dma_wait3A_1396 = arith.constant 0 : i32
        %dma_wait3A_1397 = tpu.memref_slice %arg4[%dma_wait3A_1386, %dma_wait3A_1387, %add3A, %dma_wait3A_1395, %dma_wait3A_1396] : memref<200x8x32x8x128xf32, #tpu.memory_space<hbm>> -> memref<1x1x1x8x128xf32, #tpu.memory_space<hbm>>
        %dma_wait3A_1398 = tpu.memref_squeeze %dma_wait3A_1397 : memref<1x1x1x8x128xf32, #tpu.memory_space<hbm>> -> memref<8x128xf32, #tpu.memory_space<hbm>>
        %dma_wait3A_1399 = arith.constant 0 : i32
        %dma_wait3A_1400 = arith.constant 0 : i32
        %dma_wait3A_1401 = tpu.memref_slice %arg8[%dma_wait3A_1399, %dma_wait3A_1400] : memref<128x136xf32, #tpu.memory_space<vmem>> -> memref<8x128xf32, #tpu.memory_space<vmem>>
        tpu.wait_dma2 semaphore(%arg12 : memref<!tpu.dma_semaphore, #tpu.memory_space<semaphore_mem>>) src(%dma_wait3A_1401 : memref<8x128xf32, #tpu.memory_space<vmem>>) dst(%dma_wait3A_1398 : memref<8x128xf32, #tpu.memory_space<hbm>>)
        %dma_wait3A_1402 = arith.constant 0 : i32
        %dma_wait3A_1403 = arith.constant 0 : i32
        %dma_wait3A_1404 = arith.constant 0 : i32
        %dma_wait3A_1405 = arith.constant 0 : i32
        %dma_wait3A_1406 = tpu.memref_slice %arg8[%dma_wait3A_1404, %dma_wait3A_1405] : memref<128x136xf32, #tpu.memory_space<vmem>> -> memref<8x128xf32, #tpu.memory_space<vmem>>
        %dma_wait3A_1407 = arith.constant 0 : i32
        %dma_wait3A_1408 = arith.constant 0 : i32
        %dma_wait3A_1409 = tpu.memref_slice %arg4[%dma_wait3A_1402, %dma_wait3A_1403, %add3A, %dma_wait3A_1407, %dma_wait3A_1408] : memref<200x8x32x8x128xf32, #tpu.memory_space<hbm>> -> memref<1x1x1x8x128xf32, #tpu.memory_space<hbm>>
        %dma_wait3A_1410 = tpu.memref_squeeze %dma_wait3A_1409 : memref<1x1x1x8x128xf32, #tpu.memory_space<hbm>> -> memref<8x128xf32, #tpu.memory_space<hbm>>
        %dma_wait3A_1411 = arith.constant 0 : i32
        %dma_wait3A_1412 = arith.constant 0 : i32
        %dma_wait3A_1413 = tpu.memref_slice %arg4[%dma_wait3A_1402, %dma_wait3A_1403, %add3A, %dma_wait3A_1411, %dma_wait3A_1412] : memref<200x8x32x8x128xf32, #tpu.memory_space<hbm>> -> memref<1x1x1x8x128xf32, #tpu.memory_space<hbm>>
        %dma_wait3A_1414 = tpu.memref_squeeze %dma_wait3A_1413 : memref<1x1x1x8x128xf32, #tpu.memory_space<hbm>> -> memref<8x128xf32, #tpu.memory_space<hbm>>
        %dma_wait3A_1415 = arith.constant 0 : i32
        %dma_wait3A_1416 = arith.constant 0 : i32
        %dma_wait3A_1417 = tpu.memref_slice %arg8[%dma_wait3A_1415, %dma_wait3A_1416] : memref<128x136xf32, #tpu.memory_space<vmem>> -> memref<8x128xf32, #tpu.memory_space<vmem>>
        tpu.wait_dma2 semaphore(%arg12 : memref<!tpu.dma_semaphore, #tpu.memory_space<semaphore_mem>>) src(%dma_wait3A_1417 : memref<8x128xf32, #tpu.memory_space<vmem>>) dst(%dma_wait3A_1414 : memref<8x128xf32, #tpu.memory_space<hbm>>)
        %dma_wait3A_1418 = arith.constant 0 : i32
        %dma_wait3A_1419 = arith.constant 0 : i32
        %dma_wait3A_1420 = arith.constant 0 : i32
        %dma_wait3A_1421 = arith.constant 0 : i32
        %dma_wait3A_1422 = tpu.memref_slice %arg8[%dma_wait3A_1420, %dma_wait3A_1421] : memref<128x136xf32, #tpu.memory_space<vmem>> -> memref<8x128xf32, #tpu.memory_space<vmem>>
        %dma_wait3A_1423 = arith.constant 0 : i32
        %dma_wait3A_1424 = arith.constant 0 : i32
        %dma_wait3A_1425 = tpu.memref_slice %arg4[%dma_wait3A_1418, %dma_wait3A_1419, %add3A, %dma_wait3A_1423, %dma_wait3A_1424] : memref<200x8x32x8x128xf32, #tpu.memory_space<hbm>> -> memref<1x1x1x8x128xf32, #tpu.memory_space<hbm>>
        %dma_wait3A_1426 = tpu.memref_squeeze %dma_wait3A_1425 : memref<1x1x1x8x128xf32, #tpu.memory_space<hbm>> -> memref<8x128xf32, #tpu.memory_space<hbm>>
        %dma_wait3A_1427 = arith.constant 0 : i32
        %dma_wait3A_1428 = arith.constant 0 : i32
        %dma_wait3A_1429 = tpu.memref_slice %arg4[%dma_wait3A_1418, %dma_wait3A_1419, %add3A, %dma_wait3A_1427, %dma_wait3A_1428] : memref<200x8x32x8x128xf32, #tpu.memory_space<hbm>> -> memref<1x1x1x8x128xf32, #tpu.memory_space<hbm>>
        %dma_wait3A_1430 = tpu.memref_squeeze %dma_wait3A_1429 : memref<1x1x1x8x128xf32, #tpu.memory_space<hbm>> -> memref<8x128xf32, #tpu.memory_space<hbm>>
        %dma_wait3A_1431 = arith.constant 0 : i32
        %dma_wait3A_1432 = arith.constant 0 : i32
        %dma_wait3A_1433 = tpu.memref_slice %arg8[%dma_wait3A_1431, %dma_wait3A_1432] : memref<128x136xf32, #tpu.memory_space<vmem>> -> memref<8x128xf32, #tpu.memory_space<vmem>>
        tpu.wait_dma2 semaphore(%arg12 : memref<!tpu.dma_semaphore, #tpu.memory_space<semaphore_mem>>) src(%dma_wait3A_1433 : memref<8x128xf32, #tpu.memory_space<vmem>>) dst(%dma_wait3A_1430 : memref<8x128xf32, #tpu.memory_space<hbm>>)
        %dma_wait3A_1434 = arith.constant 0 : i32
        %dma_wait3A_1435 = arith.constant 0 : i32
        %dma_wait3A_1436 = arith.constant 0 : i32
        %dma_wait3A_1437 = arith.constant 0 : i32
        %dma_wait3A_1438 = tpu.memref_slice %arg8[%dma_wait3A_1436, %dma_wait3A_1437] : memref<128x136xf32, #tpu.memory_space<vmem>> -> memref<8x128xf32, #tpu.memory_space<vmem>>
        %dma_wait3A_1439 = arith.constant 0 : i32
        %dma_wait3A_1440 = arith.constant 0 : i32
        %dma_wait3A_1441 = tpu.memref_slice %arg4[%dma_wait3A_1434, %dma_wait3A_1435, %add3A, %dma_wait3A_1439, %dma_wait3A_1440] : memref<200x8x32x8x128xf32, #tpu.memory_space<hbm>> -> memref<1x1x1x8x128xf32, #tpu.memory_space<hbm>>
        %dma_wait3A_1442 = tpu.memref_squeeze %dma_wait3A_1441 : memref<1x1x1x8x128xf32, #tpu.memory_space<hbm>> -> memref<8x128xf32, #tpu.memory_space<hbm>>
        %dma_wait3A_1443 = arith.constant 0 : i32
        %dma_wait3A_1444 = arith.constant 0 : i32
        %dma_wait3A_1445 = tpu.memref_slice %arg4[%dma_wait3A_1434, %dma_wait3A_1435, %add3A, %dma_wait3A_1443, %dma_wait3A_1444] : memref<200x8x32x8x128xf32, #tpu.memory_space<hbm>> -> memref<1x1x1x8x128xf32, #tpu.memory_space<hbm>>
        %dma_wait3A_1446 = tpu.memref_squeeze %dma_wait3A_1445 : memref<1x1x1x8x128xf32, #tpu.memory_space<hbm>> -> memref<8x128xf32, #tpu.memory_space<hbm>>
        %dma_wait3A_1447 = arith.constant 0 : i32
        %dma_wait3A_1448 = arith.constant 0 : i32
        %dma_wait3A_1449 = tpu.memref_slice %arg8[%dma_wait3A_1447, %dma_wait3A_1448] : memref<128x136xf32, #tpu.memory_space<vmem>> -> memref<8x128xf32, #tpu.memory_space<vmem>>
        tpu.wait_dma2 semaphore(%arg12 : memref<!tpu.dma_semaphore, #tpu.memory_space<semaphore_mem>>) src(%dma_wait3A_1449 : memref<8x128xf32, #tpu.memory_space<vmem>>) dst(%dma_wait3A_1446 : memref<8x128xf32, #tpu.memory_space<hbm>>)
        %dma_wait3A_1450 = arith.constant 0 : i32
        %dma_wait3A_1451 = arith.constant 0 : i32
        %dma_wait3A_1452 = arith.constant 0 : i32
        %dma_wait3A_1453 = arith.constant 0 : i32
        %dma_wait3A_1454 = tpu.memref_slice %arg8[%dma_wait3A_1452, %dma_wait3A_1453] : memref<128x136xf32, #tpu.memory_space<vmem>> -> memref<8x128xf32, #tpu.memory_space<vmem>>
        %dma_wait3A_1455 = arith.constant 0 : i32
        %dma_wait3A_1456 = arith.constant 0 : i32
        %dma_wait3A_1457 = tpu.memref_slice %arg4[%dma_wait3A_1450, %dma_wait3A_1451, %add3A, %dma_wait3A_1455, %dma_wait3A_1456] : memref<200x8x32x8x128xf32, #tpu.memory_space<hbm>> -> memref<1x1x1x8x128xf32, #tpu.memory_space<hbm>>
        %dma_wait3A_1458 = tpu.memref_squeeze %dma_wait3A_1457 : memref<1x1x1x8x128xf32, #tpu.memory_space<hbm>> -> memref<8x128xf32, #tpu.memory_space<hbm>>
        %dma_wait3A_1459 = arith.constant 0 : i32
        %dma_wait3A_1460 = arith.constant 0 : i32
        %dma_wait3A_1461 = tpu.memref_slice %arg4[%dma_wait3A_1450, %dma_wait3A_1451, %add3A, %dma_wait3A_1459, %dma_wait3A_1460] : memref<200x8x32x8x128xf32, #tpu.memory_space<hbm>> -> memref<1x1x1x8x128xf32, #tpu.memory_space<hbm>>
        %dma_wait3A_1462 = tpu.memref_squeeze %dma_wait3A_1461 : memref<1x1x1x8x128xf32, #tpu.memory_space<hbm>> -> memref<8x128xf32, #tpu.memory_space<hbm>>
        %dma_wait3A_1463 = arith.constant 0 : i32
        %dma_wait3A_1464 = arith.constant 0 : i32
        %dma_wait3A_1465 = tpu.memref_slice %arg8[%dma_wait3A_1463, %dma_wait3A_1464] : memref<128x136xf32, #tpu.memory_space<vmem>> -> memref<8x128xf32, #tpu.memory_space<vmem>>
        tpu.wait_dma2 semaphore(%arg12 : memref<!tpu.dma_semaphore, #tpu.memory_space<semaphore_mem>>) src(%dma_wait3A_1465 : memref<8x128xf32, #tpu.memory_space<vmem>>) dst(%dma_wait3A_1462 : memref<8x128xf32, #tpu.memory_space<hbm>>)
        %dma_wait3A_1466 = arith.constant 0 : i32
        %dma_wait3A_1467 = arith.constant 0 : i32
        %dma_wait3A_1468 = arith.constant 0 : i32
        %dma_wait3A_1469 = arith.constant 0 : i32
        %dma_wait3A_1470 = tpu.memref_slice %arg8[%dma_wait3A_1468, %dma_wait3A_1469] : memref<128x136xf32, #tpu.memory_space<vmem>> -> memref<8x128xf32, #tpu.memory_space<vmem>>
        %dma_wait3A_1471 = arith.constant 0 : i32
        %dma_wait3A_1472 = arith.constant 0 : i32
        %dma_wait3A_1473 = tpu.memref_slice %arg4[%dma_wait3A_1466, %dma_wait3A_1467, %add3A, %dma_wait3A_1471, %dma_wait3A_1472] : memref<200x8x32x8x128xf32, #tpu.memory_space<hbm>> -> memref<1x1x1x8x128xf32, #tpu.memory_space<hbm>>
        %dma_wait3A_1474 = tpu.memref_squeeze %dma_wait3A_1473 : memref<1x1x1x8x128xf32, #tpu.memory_space<hbm>> -> memref<8x128xf32, #tpu.memory_space<hbm>>
        %dma_wait3A_1475 = arith.constant 0 : i32
        %dma_wait3A_1476 = arith.constant 0 : i32
        %dma_wait3A_1477 = tpu.memref_slice %arg4[%dma_wait3A_1466, %dma_wait3A_1467, %add3A, %dma_wait3A_1475, %dma_wait3A_1476] : memref<200x8x32x8x128xf32, #tpu.memory_space<hbm>> -> memref<1x1x1x8x128xf32, #tpu.memory_space<hbm>>
        %dma_wait3A_1478 = tpu.memref_squeeze %dma_wait3A_1477 : memref<1x1x1x8x128xf32, #tpu.memory_space<hbm>> -> memref<8x128xf32, #tpu.memory_space<hbm>>
        %dma_wait3A_1479 = arith.constant 0 : i32
        %dma_wait3A_1480 = arith.constant 0 : i32
        %dma_wait3A_1481 = tpu.memref_slice %arg8[%dma_wait3A_1479, %dma_wait3A_1480] : memref<128x136xf32, #tpu.memory_space<vmem>> -> memref<8x128xf32, #tpu.memory_space<vmem>>
        tpu.wait_dma2 semaphore(%arg12 : memref<!tpu.dma_semaphore, #tpu.memory_space<semaphore_mem>>) src(%dma_wait3A_1481 : memref<8x128xf32, #tpu.memory_space<vmem>>) dst(%dma_wait3A_1478 : memref<8x128xf32, #tpu.memory_space<hbm>>)
        %dma_wait3A_1482 = arith.constant 0 : i32
        %dma_wait3A_1483 = arith.constant 0 : i32
        %dma_wait3A_1484 = arith.constant 0 : i32
        %dma_wait3A_1485 = arith.constant 0 : i32
        %dma_wait3A_1486 = tpu.memref_slice %arg8[%dma_wait3A_1484, %dma_wait3A_1485] : memref<128x136xf32, #tpu.memory_space<vmem>> -> memref<8x128xf32, #tpu.memory_space<vmem>>
        %dma_wait3A_1487 = arith.constant 0 : i32
        %dma_wait3A_1488 = arith.constant 0 : i32
        %dma_wait3A_1489 = tpu.memref_slice %arg4[%dma_wait3A_1482, %dma_wait3A_1483, %add3A, %dma_wait3A_1487, %dma_wait3A_1488] : memref<200x8x32x8x128xf32, #tpu.memory_space<hbm>> -> memref<1x1x1x8x128xf32, #tpu.memory_space<hbm>>
        %dma_wait3A_1490 = tpu.memref_squeeze %dma_wait3A_1489 : memref<1x1x1x8x128xf32, #tpu.memory_space<hbm>> -> memref<8x128xf32, #tpu.memory_space<hbm>>
        %dma_wait3A_1491 = arith.constant 0 : i32
        %dma_wait3A_1492 = arith.constant 0 : i32
        %dma_wait3A_1493 = tpu.memref_slice %arg4[%dma_wait3A_1482, %dma_wait3A_1483, %add3A, %dma_wait3A_1491, %dma_wait3A_1492] : memref<200x8x32x8x128xf32, #tpu.memory_space<hbm>> -> memref<1x1x1x8x128xf32, #tpu.memory_space<hbm>>
        %dma_wait3A_1494 = tpu.memref_squeeze %dma_wait3A_1493 : memref<1x1x1x8x128xf32, #tpu.memory_space<hbm>> -> memref<8x128xf32, #tpu.memory_space<hbm>>
        %dma_wait3A_1495 = arith.constant 0 : i32
        %dma_wait3A_1496 = arith.constant 0 : i32
        %dma_wait3A_1497 = tpu.memref_slice %arg8[%dma_wait3A_1495, %dma_wait3A_1496] : memref<128x136xf32, #tpu.memory_space<vmem>> -> memref<8x128xf32, #tpu.memory_space<vmem>>
        tpu.wait_dma2 semaphore(%arg12 : memref<!tpu.dma_semaphore, #tpu.memory_space<semaphore_mem>>) src(%dma_wait3A_1497 : memref<8x128xf32, #tpu.memory_space<vmem>>) dst(%dma_wait3A_1494 : memref<8x128xf32, #tpu.memory_space<hbm>>)
        %dma_wait3A_1498 = arith.constant 0 : i32
        %dma_wait3A_1499 = arith.constant 0 : i32
        %dma_wait3A_1500 = arith.constant 0 : i32
        %dma_wait3A_1501 = arith.constant 0 : i32
        %dma_wait3A_1502 = tpu.memref_slice %arg8[%dma_wait3A_1500, %dma_wait3A_1501] : memref<128x136xf32, #tpu.memory_space<vmem>> -> memref<8x128xf32, #tpu.memory_space<vmem>>
        %dma_wait3A_1503 = arith.constant 0 : i32
        %dma_wait3A_1504 = arith.constant 0 : i32
        %dma_wait3A_1505 = tpu.memref_slice %arg4[%dma_wait3A_1498, %dma_wait3A_1499, %add3A, %dma_wait3A_1503, %dma_wait3A_1504] : memref<200x8x32x8x128xf32, #tpu.memory_space<hbm>> -> memref<1x1x1x8x128xf32, #tpu.memory_space<hbm>>
        %dma_wait3A_1506 = tpu.memref_squeeze %dma_wait3A_1505 : memref<1x1x1x8x128xf32, #tpu.memory_space<hbm>> -> memref<8x128xf32, #tpu.memory_space<hbm>>
        %dma_wait3A_1507 = arith.constant 0 : i32
        %dma_wait3A_1508 = arith.constant 0 : i32
        %dma_wait3A_1509 = tpu.memref_slice %arg4[%dma_wait3A_1498, %dma_wait3A_1499, %add3A, %dma_wait3A_1507, %dma_wait3A_1508] : memref<200x8x32x8x128xf32, #tpu.memory_space<hbm>> -> memref<1x1x1x8x128xf32, #tpu.memory_space<hbm>>
        %dma_wait3A_1510 = tpu.memref_squeeze %dma_wait3A_1509 : memref<1x1x1x8x128xf32, #tpu.memory_space<hbm>> -> memref<8x128xf32, #tpu.memory_space<hbm>>
        %dma_wait3A_1511 = arith.constant 0 : i32
        %dma_wait3A_1512 = arith.constant 0 : i32
        %dma_wait3A_1513 = tpu.memref_slice %arg8[%dma_wait3A_1511, %dma_wait3A_1512] : memref<128x136xf32, #tpu.memory_space<vmem>> -> memref<8x128xf32, #tpu.memory_space<vmem>>
        tpu.wait_dma2 semaphore(%arg12 : memref<!tpu.dma_semaphore, #tpu.memory_space<semaphore_mem>>) src(%dma_wait3A_1513 : memref<8x128xf32, #tpu.memory_space<vmem>>) dst(%dma_wait3A_1510 : memref<8x128xf32, #tpu.memory_space<hbm>>)
        %dma_wait3A_1514 = arith.constant 0 : i32
        %dma_wait3A_1515 = arith.constant 0 : i32
        %dma_wait3A_1516 = arith.constant 0 : i32
        %dma_wait3A_1517 = arith.constant 0 : i32
        %dma_wait3A_1518 = tpu.memref_slice %arg8[%dma_wait3A_1516, %dma_wait3A_1517] : memref<128x136xf32, #tpu.memory_space<vmem>> -> memref<8x128xf32, #tpu.memory_space<vmem>>
        %dma_wait3A_1519 = arith.constant 0 : i32
        %dma_wait3A_1520 = arith.constant 0 : i32
        %dma_wait3A_1521 = tpu.memref_slice %arg4[%dma_wait3A_1514, %dma_wait3A_1515, %add3A, %dma_wait3A_1519, %dma_wait3A_1520] : memref<200x8x32x8x128xf32, #tpu.memory_space<hbm>> -> memref<1x1x1x8x128xf32, #tpu.memory_space<hbm>>
        %dma_wait3A_1522 = tpu.memref_squeeze %dma_wait3A_1521 : memref<1x1x1x8x128xf32, #tpu.memory_space<hbm>> -> memref<8x128xf32, #tpu.memory_space<hbm>>
        %dma_wait3A_1523 = arith.constant 0 : i32
        %dma_wait3A_1524 = arith.constant 0 : i32
        %dma_wait3A_1525 = tpu.memref_slice %arg4[%dma_wait3A_1514, %dma_wait3A_1515, %add3A, %dma_wait3A_1523, %dma_wait3A_1524] : memref<200x8x32x8x128xf32, #tpu.memory_space<hbm>> -> memref<1x1x1x8x128xf32, #tpu.memory_space<hbm>>
        %dma_wait3A_1526 = tpu.memref_squeeze %dma_wait3A_1525 : memref<1x1x1x8x128xf32, #tpu.memory_space<hbm>> -> memref<8x128xf32, #tpu.memory_space<hbm>>
        %dma_wait3A_1527 = arith.constant 0 : i32
        %dma_wait3A_1528 = arith.constant 0 : i32
        %dma_wait3A_1529 = tpu.memref_slice %arg8[%dma_wait3A_1527, %dma_wait3A_1528] : memref<128x136xf32, #tpu.memory_space<vmem>> -> memref<8x128xf32, #tpu.memory_space<vmem>>
        tpu.wait_dma2 semaphore(%arg12 : memref<!tpu.dma_semaphore, #tpu.memory_space<semaphore_mem>>) src(%dma_wait3A_1529 : memref<8x128xf32, #tpu.memory_space<vmem>>) dst(%dma_wait3A_1526 : memref<8x128xf32, #tpu.memory_space<hbm>>)
        %dma_wait3A_1530 = arith.constant 0 : i32
        %dma_wait3A_1531 = arith.constant 0 : i32
        %dma_wait3A_1532 = arith.constant 0 : i32
        %dma_wait3A_1533 = arith.constant 0 : i32
        %dma_wait3A_1534 = tpu.memref_slice %arg8[%dma_wait3A_1532, %dma_wait3A_1533] : memref<128x136xf32, #tpu.memory_space<vmem>> -> memref<8x128xf32, #tpu.memory_space<vmem>>
        %dma_wait3A_1535 = arith.constant 0 : i32
        %dma_wait3A_1536 = arith.constant 0 : i32
        %dma_wait3A_1537 = tpu.memref_slice %arg4[%dma_wait3A_1530, %dma_wait3A_1531, %add3A, %dma_wait3A_1535, %dma_wait3A_1536] : memref<200x8x32x8x128xf32, #tpu.memory_space<hbm>> -> memref<1x1x1x8x128xf32, #tpu.memory_space<hbm>>
        %dma_wait3A_1538 = tpu.memref_squeeze %dma_wait3A_1537 : memref<1x1x1x8x128xf32, #tpu.memory_space<hbm>> -> memref<8x128xf32, #tpu.memory_space<hbm>>
        %dma_wait3A_1539 = arith.constant 0 : i32
        %dma_wait3A_1540 = arith.constant 0 : i32
        %dma_wait3A_1541 = tpu.memref_slice %arg4[%dma_wait3A_1530, %dma_wait3A_1531, %add3A, %dma_wait3A_1539, %dma_wait3A_1540] : memref<200x8x32x8x128xf32, #tpu.memory_space<hbm>> -> memref<1x1x1x8x128xf32, #tpu.memory_space<hbm>>
        %dma_wait3A_1542 = tpu.memref_squeeze %dma_wait3A_1541 : memref<1x1x1x8x128xf32, #tpu.memory_space<hbm>> -> memref<8x128xf32, #tpu.memory_space<hbm>>
        %dma_wait3A_1543 = arith.constant 0 : i32
        %dma_wait3A_1544 = arith.constant 0 : i32
        %dma_wait3A_1545 = tpu.memref_slice %arg8[%dma_wait3A_1543, %dma_wait3A_1544] : memref<128x136xf32, #tpu.memory_space<vmem>> -> memref<8x128xf32, #tpu.memory_space<vmem>>
        tpu.wait_dma2 semaphore(%arg12 : memref<!tpu.dma_semaphore, #tpu.memory_space<semaphore_mem>>) src(%dma_wait3A_1545 : memref<8x128xf32, #tpu.memory_space<vmem>>) dst(%dma_wait3A_1542 : memref<8x128xf32, #tpu.memory_space<hbm>>)
        %dma_wait3A_1546 = arith.constant 0 : i32
        %dma_wait3A_1547 = arith.constant 0 : i32
        %dma_wait3A_1548 = arith.constant 0 : i32
        %dma_wait3A_1549 = arith.constant 0 : i32
        %dma_wait3A_1550 = tpu.memref_slice %arg8[%dma_wait3A_1548, %dma_wait3A_1549] : memref<128x136xf32, #tpu.memory_space<vmem>> -> memref<8x128xf32, #tpu.memory_space<vmem>>
        %dma_wait3A_1551 = arith.constant 0 : i32
        %dma_wait3A_1552 = arith.constant 0 : i32
        %dma_wait3A_1553 = tpu.memref_slice %arg4[%dma_wait3A_1546, %dma_wait3A_1547, %add3A, %dma_wait3A_1551, %dma_wait3A_1552] : memref<200x8x32x8x128xf32, #tpu.memory_space<hbm>> -> memref<1x1x1x8x128xf32, #tpu.memory_space<hbm>>
        %dma_wait3A_1554 = tpu.memref_squeeze %dma_wait3A_1553 : memref<1x1x1x8x128xf32, #tpu.memory_space<hbm>> -> memref<8x128xf32, #tpu.memory_space<hbm>>
        %dma_wait3A_1555 = arith.constant 0 : i32
        %dma_wait3A_1556 = arith.constant 0 : i32
        %dma_wait3A_1557 = tpu.memref_slice %arg4[%dma_wait3A_1546, %dma_wait3A_1547, %add3A, %dma_wait3A_1555, %dma_wait3A_1556] : memref<200x8x32x8x128xf32, #tpu.memory_space<hbm>> -> memref<1x1x1x8x128xf32, #tpu.memory_space<hbm>>
        %dma_wait3A_1558 = tpu.memref_squeeze %dma_wait3A_1557 : memref<1x1x1x8x128xf32, #tpu.memory_space<hbm>> -> memref<8x128xf32, #tpu.memory_space<hbm>>
        %dma_wait3A_1559 = arith.constant 0 : i32
        %dma_wait3A_1560 = arith.constant 0 : i32
        %dma_wait3A_1561 = tpu.memref_slice %arg8[%dma_wait3A_1559, %dma_wait3A_1560] : memref<128x136xf32, #tpu.memory_space<vmem>> -> memref<8x128xf32, #tpu.memory_space<vmem>>
        tpu.wait_dma2 semaphore(%arg12 : memref<!tpu.dma_semaphore, #tpu.memory_space<semaphore_mem>>) src(%dma_wait3A_1561 : memref<8x128xf32, #tpu.memory_space<vmem>>) dst(%dma_wait3A_1558 : memref<8x128xf32, #tpu.memory_space<hbm>>)
        %dma_wait3A_1562 = arith.constant 0 : i32
        %dma_wait3A_1563 = arith.constant 0 : i32
        %dma_wait3A_1564 = arith.constant 0 : i32
        %dma_wait3A_1565 = arith.constant 0 : i32
        %dma_wait3A_1566 = tpu.memref_slice %arg8[%dma_wait3A_1564, %dma_wait3A_1565] : memref<128x136xf32, #tpu.memory_space<vmem>> -> memref<8x128xf32, #tpu.memory_space<vmem>>
        %dma_wait3A_1567 = arith.constant 0 : i32
        %dma_wait3A_1568 = arith.constant 0 : i32
        %dma_wait3A_1569 = tpu.memref_slice %arg4[%dma_wait3A_1562, %dma_wait3A_1563, %add3A, %dma_wait3A_1567, %dma_wait3A_1568] : memref<200x8x32x8x128xf32, #tpu.memory_space<hbm>> -> memref<1x1x1x8x128xf32, #tpu.memory_space<hbm>>
        %dma_wait3A_1570 = tpu.memref_squeeze %dma_wait3A_1569 : memref<1x1x1x8x128xf32, #tpu.memory_space<hbm>> -> memref<8x128xf32, #tpu.memory_space<hbm>>
        %dma_wait3A_1571 = arith.constant 0 : i32
        %dma_wait3A_1572 = arith.constant 0 : i32
        %dma_wait3A_1573 = tpu.memref_slice %arg4[%dma_wait3A_1562, %dma_wait3A_1563, %add3A, %dma_wait3A_1571, %dma_wait3A_1572] : memref<200x8x32x8x128xf32, #tpu.memory_space<hbm>> -> memref<1x1x1x8x128xf32, #tpu.memory_space<hbm>>
        %dma_wait3A_1574 = tpu.memref_squeeze %dma_wait3A_1573 : memref<1x1x1x8x128xf32, #tpu.memory_space<hbm>> -> memref<8x128xf32, #tpu.memory_space<hbm>>
        %dma_wait3A_1575 = arith.constant 0 : i32
        %dma_wait3A_1576 = arith.constant 0 : i32
        %dma_wait3A_1577 = tpu.memref_slice %arg8[%dma_wait3A_1575, %dma_wait3A_1576] : memref<128x136xf32, #tpu.memory_space<vmem>> -> memref<8x128xf32, #tpu.memory_space<vmem>>
        tpu.wait_dma2 semaphore(%arg12 : memref<!tpu.dma_semaphore, #tpu.memory_space<semaphore_mem>>) src(%dma_wait3A_1577 : memref<8x128xf32, #tpu.memory_space<vmem>>) dst(%dma_wait3A_1574 : memref<8x128xf32, #tpu.memory_space<hbm>>)
      } else {
      }
      %scan3A_662 = arith.constant 0 : i32
      %scan3A_663 = arith.constant 0 : i32
      %scan3A_664 = arith.constant 128 : i32
      %scan3A_665 = arith.addi %scan3A_663, %scan3A_664 : i32
      %scan3A_666 = arith.constant 4 : i32
      scf.for %scan3A_1322 = %scan3A_663 to %scan3A_665 step %scan3A_666  : i32 {
        %broadcast_in_dim3A = vector.broadcast %scan3A_1322 : i32 to vector<16xi32>
        %add3A_1323 = arith.constant 0 : i32
        %add3A_1324 = arith.addi %add3A_1323, %scan3A_1322 : i32
        %get3A = arith.index_cast %add3A_1324 : i32 to index
        %get3A_1325 = arith.constant 0 : index
        %get3A_1326 = tpu.vector_load %arg6[%get3A, %get3A_1325] {strides = array<i32>} : memref<256x64xf32, #tpu.memory_space<vmem>>, vector<16xf32>,
        %mul3A_1327 = arith.constant 8.000000e+00 : f32
        %mul3A_1328 = vector.broadcast %mul3A_1327 : f32 to vector<16xf32>
        %mul3A_1329 = arith.mulf %get3A_1326, %mul3A_1328 : vector<16xf32>
        tpu.vector_store_idx %arg8[%add3A_52, %broadcast_in_dim3A], %mul3A_1329 : memref<128x136xf32, #tpu.memory_space<vmem>>[vector<16xi32>, vector<16xi32>], vector<16xf32>,
        %get3A_1330 = arith.index_cast %add3A_1324 : i32 to index
        %get3A_1331 = arith.constant 16 : index
        %get3A_1332 = tpu.vector_load %arg6[%get3A_1330, %get3A_1331] {strides = array<i32>} : memref<256x64xf32, #tpu.memory_space<vmem>>, vector<16xf32>,
        %mul3A_1333 = arith.constant 8.000000e+00 : f32
        %mul3A_1334 = vector.broadcast %mul3A_1333 : f32 to vector<16xf32>
        %mul3A_1335 = arith.mulf %get3A_1332, %mul3A_1334 : vector<16xf32>
        tpu.vector_store_idx %arg8[%add3A_55, %broadcast_in_dim3A], %mul3A_1335 : memref<128x136xf32, #tpu.memory_space<vmem>>[vector<16xi32>, vector<16xi32>], vector<16xf32>,
        %get3A_1336 = arith.index_cast %add3A_1324 : i32 to index
        %get3A_1337 = arith.constant 32 : index
        %get3A_1338 = tpu.vector_load %arg6[%get3A_1336, %get3A_1337] {strides = array<i32>} : memref<256x64xf32, #tpu.memory_space<vmem>>, vector<16xf32>,
        %mul3A_1339 = arith.constant 8.000000e+00 : f32
        %mul3A_1340 = vector.broadcast %mul3A_1339 : f32 to vector<16xf32>
        %mul3A_1341 = arith.mulf %get3A_1338, %mul3A_1340 : vector<16xf32>
        tpu.vector_store_idx %arg8[%add3A_58, %broadcast_in_dim3A], %mul3A_1341 : memref<128x136xf32, #tpu.memory_space<vmem>>[vector<16xi32>, vector<16xi32>], vector<16xf32>,
        %get3A_1342 = arith.index_cast %add3A_1324 : i32 to index
        %get3A_1343 = arith.constant 48 : index
        %get3A_1344 = tpu.vector_load %arg6[%get3A_1342, %get3A_1343] {strides = array<i32>} : memref<256x64xf32, #tpu.memory_space<vmem>>, vector<16xf32>,
        %mul3A_1345 = arith.constant 8.000000e+00 : f32
        %mul3A_1346 = vector.broadcast %mul3A_1345 : f32 to vector<16xf32>
        %mul3A_1347 = arith.mulf %get3A_1344, %mul3A_1346 : vector<16xf32>
        tpu.vector_store_idx %arg8[%add3A_61, %broadcast_in_dim3A], %mul3A_1347 : memref<128x136xf32, #tpu.memory_space<vmem>>[vector<16xi32>, vector<16xi32>], vector<16xf32>,
        %add3A_1348 = arith.constant 128 : i32
        %add3A_1349 = arith.addi %add3A_1348, %scan3A_1322 : i32
        %get3A_1350 = arith.index_cast %add3A_1349 : i32 to index
        %get3A_1351 = arith.constant 0 : index
        %get3A_1352 = tpu.vector_load %arg6[%get3A_1350, %get3A_1351] {strides = array<i32>} : memref<256x64xf32, #tpu.memory_space<vmem>>, vector<16xf32>,
        %mul3A_1353 = arith.constant 8.000000e+00 : f32
        %mul3A_1354 = vector.broadcast %mul3A_1353 : f32 to vector<16xf32>
        %mul3A_1355 = arith.mulf %get3A_1352, %mul3A_1354 : vector<16xf32>
        tpu.vector_store_idx %arg8[%add3A_64, %broadcast_in_dim3A], %mul3A_1355 : memref<128x136xf32, #tpu.memory_space<vmem>>[vector<16xi32>, vector<16xi32>], vector<16xf32>,
        %get3A_1356 = arith.index_cast %add3A_1349 : i32 to index
        %get3A_1357 = arith.constant 16 : index
        %get3A_1358 = tpu.vector_load %arg6[%get3A_1356, %get3A_1357] {strides = array<i32>} : memref<256x64xf32, #tpu.memory_space<vmem>>, vector<16xf32>,
        %mul3A_1359 = arith.constant 8.000000e+00 : f32
        %mul3A_1360 = vector.broadcast %mul3A_1359 : f32 to vector<16xf32>
        %mul3A_1361 = arith.mulf %get3A_1358, %mul3A_1360 : vector<16xf32>
        tpu.vector_store_idx %arg8[%add3A_67, %broadcast_in_dim3A], %mul3A_1361 : memref<128x136xf32, #tpu.memory_space<vmem>>[vector<16xi32>, vector<16xi32>], vector<16xf32>,
        %get3A_1362 = arith.index_cast %add3A_1349 : i32 to index
        %get3A_1363 = arith.constant 32 : index
        %get3A_1364 = tpu.vector_load %arg6[%get3A_1362, %get3A_1363] {strides = array<i32>} : memref<256x64xf32, #tpu.memory_space<vmem>>, vector<16xf32>,
        %mul3A_1365 = arith.constant 8.000000e+00 : f32
        %mul3A_1366 = vector.broadcast %mul3A_1365 : f32 to vector<16xf32>
        %mul3A_1367 = arith.mulf %get3A_1364, %mul3A_1366 : vector<16xf32>
        tpu.vector_store_idx %arg8[%add3A_70, %broadcast_in_dim3A], %mul3A_1367 : memref<128x136xf32, #tpu.memory_space<vmem>>[vector<16xi32>, vector<16xi32>], vector<16xf32>,
        %get3A_1368 = arith.index_cast %add3A_1349 : i32 to index
        %get3A_1369 = arith.constant 48 : index
        %get3A_1370 = tpu.vector_load %arg6[%get3A_1368, %get3A_1369] {strides = array<i32>} : memref<256x64xf32, #tpu.memory_space<vmem>>, vector<16xf32>,
        %mul3A_1371 = arith.constant 8.000000e+00 : f32
        %mul3A_1372 = vector.broadcast %mul3A_1371 : f32 to vector<16xf32>
        %mul3A_1373 = arith.mulf %get3A_1370, %mul3A_1372 : vector<16xf32>
        tpu.vector_store_idx %arg8[%add3A_73, %broadcast_in_dim3A], %mul3A_1373 : memref<128x136xf32, #tpu.memory_space<vmem>>[vector<16xi32>, vector<16xi32>], vector<16xf32>,
        %scan3A_1374 = arith.constant 1 : i32
        %scan3A_1375 = arith.addi %scan3A_1322, %scan3A_1374 : i32
        %broadcast_in_dim3A_1376 = vector.broadcast %scan3A_1375 : i32 to vector<16xi32>
        %add3A_1377 = arith.constant 0 : i32
        %add3A_1378 = arith.addi %add3A_1377, %scan3A_1375 : i32
        %get3A_1379 = arith.index_cast %add3A_1378 : i32 to index
        %get3A_1380 = arith.constant 0 : index
        %get3A_1381 = tpu.vector_load %arg6[%get3A_1379, %get3A_1380] {strides = array<i32>} : memref<256x64xf32, #tpu.memory_space<vmem>>, vector<16xf32>,
        %mul3A_1382 = arith.constant 8.000000e+00 : f32
        %mul3A_1383 = vector.broadcast %mul3A_1382 : f32 to vector<16xf32>
        %mul3A_1384 = arith.mulf %get3A_1381, %mul3A_1383 : vector<16xf32>
        tpu.vector_store_idx %arg8[%add3A_52, %broadcast_in_dim3A_1376], %mul3A_1384 : memref<128x136xf32, #tpu.memory_space<vmem>>[vector<16xi32>, vector<16xi32>], vector<16xf32>,
        %get3A_1385 = arith.index_cast %add3A_1378 : i32 to index
        %get3A_1386 = arith.constant 16 : index
        %get3A_1387 = tpu.vector_load %arg6[%get3A_1385, %get3A_1386] {strides = array<i32>} : memref<256x64xf32, #tpu.memory_space<vmem>>, vector<16xf32>,
        %mul3A_1388 = arith.constant 8.000000e+00 : f32
        %mul3A_1389 = vector.broadcast %mul3A_1388 : f32 to vector<16xf32>
        %mul3A_1390 = arith.mulf %get3A_1387, %mul3A_1389 : vector<16xf32>
        tpu.vector_store_idx %arg8[%add3A_55, %broadcast_in_dim3A_1376], %mul3A_1390 : memref<128x136xf32, #tpu.memory_space<vmem>>[vector<16xi32>, vector<16xi32>], vector<16xf32>,
        %get3A_1391 = arith.index_cast %add3A_1378 : i32 to index
        %get3A_1392 = arith.constant 32 : index
        %get3A_1393 = tpu.vector_load %arg6[%get3A_1391, %get3A_1392] {strides = array<i32>} : memref<256x64xf32, #tpu.memory_space<vmem>>, vector<16xf32>,
        %mul3A_1394 = arith.constant 8.000000e+00 : f32
        %mul3A_1395 = vector.broadcast %mul3A_1394 : f32 to vector<16xf32>
        %mul3A_1396 = arith.mulf %get3A_1393, %mul3A_1395 : vector<16xf32>
        tpu.vector_store_idx %arg8[%add3A_58, %broadcast_in_dim3A_1376], %mul3A_1396 : memref<128x136xf32, #tpu.memory_space<vmem>>[vector<16xi32>, vector<16xi32>], vector<16xf32>,
        %get3A_1397 = arith.index_cast %add3A_1378 : i32 to index
        %get3A_1398 = arith.constant 48 : index
        %get3A_1399 = tpu.vector_load %arg6[%get3A_1397, %get3A_1398] {strides = array<i32>} : memref<256x64xf32, #tpu.memory_space<vmem>>, vector<16xf32>,
        %mul3A_1400 = arith.constant 8.000000e+00 : f32
        %mul3A_1401 = vector.broadcast %mul3A_1400 : f32 to vector<16xf32>
        %mul3A_1402 = arith.mulf %get3A_1399, %mul3A_1401 : vector<16xf32>
        tpu.vector_store_idx %arg8[%add3A_61, %broadcast_in_dim3A_1376], %mul3A_1402 : memref<128x136xf32, #tpu.memory_space<vmem>>[vector<16xi32>, vector<16xi32>], vector<16xf32>,
        %add3A_1403 = arith.constant 128 : i32
        %add3A_1404 = arith.addi %add3A_1403, %scan3A_1375 : i32
        %get3A_1405 = arith.index_cast %add3A_1404 : i32 to index
        %get3A_1406 = arith.constant 0 : index
        %get3A_1407 = tpu.vector_load %arg6[%get3A_1405, %get3A_1406] {strides = array<i32>} : memref<256x64xf32, #tpu.memory_space<vmem>>, vector<16xf32>,
        %mul3A_1408 = arith.constant 8.000000e+00 : f32
        %mul3A_1409 = vector.broadcast %mul3A_1408 : f32 to vector<16xf32>
        %mul3A_1410 = arith.mulf %get3A_1407, %mul3A_1409 : vector<16xf32>
        tpu.vector_store_idx %arg8[%add3A_64, %broadcast_in_dim3A_1376], %mul3A_1410 : memref<128x136xf32, #tpu.memory_space<vmem>>[vector<16xi32>, vector<16xi32>], vector<16xf32>,
        %get3A_1411 = arith.index_cast %add3A_1404 : i32 to index
        %get3A_1412 = arith.constant 16 : index
        %get3A_1413 = tpu.vector_load %arg6[%get3A_1411, %get3A_1412] {strides = array<i32>} : memref<256x64xf32, #tpu.memory_space<vmem>>, vector<16xf32>,
        %mul3A_1414 = arith.constant 8.000000e+00 : f32
        %mul3A_1415 = vector.broadcast %mul3A_1414 : f32 to vector<16xf32>
        %mul3A_1416 = arith.mulf %get3A_1413, %mul3A_1415 : vector<16xf32>
        tpu.vector_store_idx %arg8[%add3A_67, %broadcast_in_dim3A_1376], %mul3A_1416 : memref<128x136xf32, #tpu.memory_space<vmem>>[vector<16xi32>, vector<16xi32>], vector<16xf32>,
        %get3A_1417 = arith.index_cast %add3A_1404 : i32 to index
        %get3A_1418 = arith.constant 32 : index
        %get3A_1419 = tpu.vector_load %arg6[%get3A_1417, %get3A_1418] {strides = array<i32>} : memref<256x64xf32, #tpu.memory_space<vmem>>, vector<16xf32>,
        %mul3A_1420 = arith.constant 8.000000e+00 : f32
        %mul3A_1421 = vector.broadcast %mul3A_1420 : f32 to vector<16xf32>
        %mul3A_1422 = arith.mulf %get3A_1419, %mul3A_1421 : vector<16xf32>
        tpu.vector_store_idx %arg8[%add3A_70, %broadcast_in_dim3A_1376], %mul3A_1422 : memref<128x136xf32, #tpu.memory_space<vmem>>[vector<16xi32>, vector<16xi32>], vector<16xf32>,
        %get3A_1423 = arith.index_cast %add3A_1404 : i32 to index
        %get3A_1424 = arith.constant 48 : index
        %get3A_1425 = tpu.vector_load %arg6[%get3A_1423, %get3A_1424] {strides = array<i32>} : memref<256x64xf32, #tpu.memory_space<vmem>>, vector<16xf32>,
        %mul3A_1426 = arith.constant 8.000000e+00 : f32
        %mul3A_1427 = vector.broadcast %mul3A_1426 : f32 to vector<16xf32>
        %mul3A_1428 = arith.mulf %get3A_1425, %mul3A_1427 : vector<16xf32>
        tpu.vector_store_idx %arg8[%add3A_73, %broadcast_in_dim3A_1376], %mul3A_1428 : memref<128x136xf32, #tpu.memory_space<vmem>>[vector<16xi32>, vector<16xi32>], vector<16xf32>,
        %scan3A_1429 = arith.constant 2 : i32
        %scan3A_1430 = arith.addi %scan3A_1322, %scan3A_1429 : i32
        %broadcast_in_dim3A_1431 = vector.broadcast %scan3A_1430 : i32 to vector<16xi32>
        %add3A_1432 = arith.constant 0 : i32
        %add3A_1433 = arith.addi %add3A_1432, %scan3A_1430 : i32
        %get3A_1434 = arith.index_cast %add3A_1433 : i32 to index
        %get3A_1435 = arith.constant 0 : index
        %get3A_1436 = tpu.vector_load %arg6[%get3A_1434, %get3A_1435] {strides = array<i32>} : memref<256x64xf32, #tpu.memory_space<vmem>>, vector<16xf32>,
        %mul3A_1437 = arith.constant 8.000000e+00 : f32
        %mul3A_1438 = vector.broadcast %mul3A_1437 : f32 to vector<16xf32>
        %mul3A_1439 = arith.mulf %get3A_1436, %mul3A_1438 : vector<16xf32>
        tpu.vector_store_idx %arg8[%add3A_52, %broadcast_in_dim3A_1431], %mul3A_1439 : memref<128x136xf32, #tpu.memory_space<vmem>>[vector<16xi32>, vector<16xi32>], vector<16xf32>,
        %get3A_1440 = arith.index_cast %add3A_1433 : i32 to index
        %get3A_1441 = arith.constant 16 : index
        %get3A_1442 = tpu.vector_load %arg6[%get3A_1440, %get3A_1441] {strides = array<i32>} : memref<256x64xf32, #tpu.memory_space<vmem>>, vector<16xf32>,
        %mul3A_1443 = arith.constant 8.000000e+00 : f32
        %mul3A_1444 = vector.broadcast %mul3A_1443 : f32 to vector<16xf32>
        %mul3A_1445 = arith.mulf %get3A_1442, %mul3A_1444 : vector<16xf32>
        tpu.vector_store_idx %arg8[%add3A_55, %broadcast_in_dim3A_1431], %mul3A_1445 : memref<128x136xf32, #tpu.memory_space<vmem>>[vector<16xi32>, vector<16xi32>], vector<16xf32>,
        %get3A_1446 = arith.index_cast %add3A_1433 : i32 to index
        %get3A_1447 = arith.constant 32 : index
        %get3A_1448 = tpu.vector_load %arg6[%get3A_1446, %get3A_1447] {strides = array<i32>} : memref<256x64xf32, #tpu.memory_space<vmem>>, vector<16xf32>,
        %mul3A_1449 = arith.constant 8.000000e+00 : f32
        %mul3A_1450 = vector.broadcast %mul3A_1449 : f32 to vector<16xf32>
        %mul3A_1451 = arith.mulf %get3A_1448, %mul3A_1450 : vector<16xf32>
        tpu.vector_store_idx %arg8[%add3A_58, %broadcast_in_dim3A_1431], %mul3A_1451 : memref<128x136xf32, #tpu.memory_space<vmem>>[vector<16xi32>, vector<16xi32>], vector<16xf32>,
        %get3A_1452 = arith.index_cast %add3A_1433 : i32 to index
        %get3A_1453 = arith.constant 48 : index
        %get3A_1454 = tpu.vector_load %arg6[%get3A_1452, %get3A_1453] {strides = array<i32>} : memref<256x64xf32, #tpu.memory_space<vmem>>, vector<16xf32>,
        %mul3A_1455 = arith.constant 8.000000e+00 : f32
        %mul3A_1456 = vector.broadcast %mul3A_1455 : f32 to vector<16xf32>
        %mul3A_1457 = arith.mulf %get3A_1454, %mul3A_1456 : vector<16xf32>
        tpu.vector_store_idx %arg8[%add3A_61, %broadcast_in_dim3A_1431], %mul3A_1457 : memref<128x136xf32, #tpu.memory_space<vmem>>[vector<16xi32>, vector<16xi32>], vector<16xf32>,
        %add3A_1458 = arith.constant 128 : i32
        %add3A_1459 = arith.addi %add3A_1458, %scan3A_1430 : i32
        %get3A_1460 = arith.index_cast %add3A_1459 : i32 to index
        %get3A_1461 = arith.constant 0 : index
        %get3A_1462 = tpu.vector_load %arg6[%get3A_1460, %get3A_1461] {strides = array<i32>} : memref<256x64xf32, #tpu.memory_space<vmem>>, vector<16xf32>,
        %mul3A_1463 = arith.constant 8.000000e+00 : f32
        %mul3A_1464 = vector.broadcast %mul3A_1463 : f32 to vector<16xf32>
        %mul3A_1465 = arith.mulf %get3A_1462, %mul3A_1464 : vector<16xf32>
        tpu.vector_store_idx %arg8[%add3A_64, %broadcast_in_dim3A_1431], %mul3A_1465 : memref<128x136xf32, #tpu.memory_space<vmem>>[vector<16xi32>, vector<16xi32>], vector<16xf32>,
        %get3A_1466 = arith.index_cast %add3A_1459 : i32 to index
        %get3A_1467 = arith.constant 16 : index
        %get3A_1468 = tpu.vector_load %arg6[%get3A_1466, %get3A_1467] {strides = array<i32>} : memref<256x64xf32, #tpu.memory_space<vmem>>, vector<16xf32>,
        %mul3A_1469 = arith.constant 8.000000e+00 : f32
        %mul3A_1470 = vector.broadcast %mul3A_1469 : f32 to vector<16xf32>
        %mul3A_1471 = arith.mulf %get3A_1468, %mul3A_1470 : vector<16xf32>
        tpu.vector_store_idx %arg8[%add3A_67, %broadcast_in_dim3A_1431], %mul3A_1471 : memref<128x136xf32, #tpu.memory_space<vmem>>[vector<16xi32>, vector<16xi32>], vector<16xf32>,
        %get3A_1472 = arith.index_cast %add3A_1459 : i32 to index
        %get3A_1473 = arith.constant 32 : index
        %get3A_1474 = tpu.vector_load %arg6[%get3A_1472, %get3A_1473] {strides = array<i32>} : memref<256x64xf32, #tpu.memory_space<vmem>>, vector<16xf32>,
        %mul3A_1475 = arith.constant 8.000000e+00 : f32
        %mul3A_1476 = vector.broadcast %mul3A_1475 : f32 to vector<16xf32>
        %mul3A_1477 = arith.mulf %get3A_1474, %mul3A_1476 : vector<16xf32>
        tpu.vector_store_idx %arg8[%add3A_70, %broadcast_in_dim3A_1431], %mul3A_1477 : memref<128x136xf32, #tpu.memory_space<vmem>>[vector<16xi32>, vector<16xi32>], vector<16xf32>,
        %get3A_1478 = arith.index_cast %add3A_1459 : i32 to index
        %get3A_1479 = arith.constant 48 : index
        %get3A_1480 = tpu.vector_load %arg6[%get3A_1478, %get3A_1479] {strides = array<i32>} : memref<256x64xf32, #tpu.memory_space<vmem>>, vector<16xf32>,
        %mul3A_1481 = arith.constant 8.000000e+00 : f32
        %mul3A_1482 = vector.broadcast %mul3A_1481 : f32 to vector<16xf32>
        %mul3A_1483 = arith.mulf %get3A_1480, %mul3A_1482 : vector<16xf32>
        tpu.vector_store_idx %arg8[%add3A_73, %broadcast_in_dim3A_1431], %mul3A_1483 : memref<128x136xf32, #tpu.memory_space<vmem>>[vector<16xi32>, vector<16xi32>], vector<16xf32>,
        %scan3A_1484 = arith.constant 3 : i32
        %scan3A_1485 = arith.addi %scan3A_1322, %scan3A_1484 : i32
        %broadcast_in_dim3A_1486 = vector.broadcast %scan3A_1485 : i32 to vector<16xi32>
        %add3A_1487 = arith.constant 0 : i32
        %add3A_1488 = arith.addi %add3A_1487, %scan3A_1485 : i32
        %get3A_1489 = arith.index_cast %add3A_1488 : i32 to index
        %get3A_1490 = arith.constant 0 : index
        %get3A_1491 = tpu.vector_load %arg6[%get3A_1489, %get3A_1490] {strides = array<i32>} : memref<256x64xf32, #tpu.memory_space<vmem>>, vector<16xf32>,
        %mul3A_1492 = arith.constant 8.000000e+00 : f32
        %mul3A_1493 = vector.broadcast %mul3A_1492 : f32 to vector<16xf32>
        %mul3A_1494 = arith.mulf %get3A_1491, %mul3A_1493 : vector<16xf32>
        tpu.vector_store_idx %arg8[%add3A_52, %broadcast_in_dim3A_1486], %mul3A_1494 : memref<128x136xf32, #tpu.memory_space<vmem>>[vector<16xi32>, vector<16xi32>], vector<16xf32>,
        %get3A_1495 = arith.index_cast %add3A_1488 : i32 to index
        %get3A_1496 = arith.constant 16 : index
        %get3A_1497 = tpu.vector_load %arg6[%get3A_1495, %get3A_1496] {strides = array<i32>} : memref<256x64xf32, #tpu.memory_space<vmem>>, vector<16xf32>,
        %mul3A_1498 = arith.constant 8.000000e+00 : f32
        %mul3A_1499 = vector.broadcast %mul3A_1498 : f32 to vector<16xf32>
        %mul3A_1500 = arith.mulf %get3A_1497, %mul3A_1499 : vector<16xf32>
        tpu.vector_store_idx %arg8[%add3A_55, %broadcast_in_dim3A_1486], %mul3A_1500 : memref<128x136xf32, #tpu.memory_space<vmem>>[vector<16xi32>, vector<16xi32>], vector<16xf32>,
        %get3A_1501 = arith.index_cast %add3A_1488 : i32 to index
        %get3A_1502 = arith.constant 32 : index
        %get3A_1503 = tpu.vector_load %arg6[%get3A_1501, %get3A_1502] {strides = array<i32>} : memref<256x64xf32, #tpu.memory_space<vmem>>, vector<16xf32>,
        %mul3A_1504 = arith.constant 8.000000e+00 : f32
        %mul3A_1505 = vector.broadcast %mul3A_1504 : f32 to vector<16xf32>
        %mul3A_1506 = arith.mulf %get3A_1503, %mul3A_1505 : vector<16xf32>
        tpu.vector_store_idx %arg8[%add3A_58, %broadcast_in_dim3A_1486], %mul3A_1506 : memref<128x136xf32, #tpu.memory_space<vmem>>[vector<16xi32>, vector<16xi32>], vector<16xf32>,
        %get3A_1507 = arith.index_cast %add3A_1488 : i32 to index
        %get3A_1508 = arith.constant 48 : index
        %get3A_1509 = tpu.vector_load %arg6[%get3A_1507, %get3A_1508] {strides = array<i32>} : memref<256x64xf32, #tpu.memory_space<vmem>>, vector<16xf32>,
        %mul3A_1510 = arith.constant 8.000000e+00 : f32
        %mul3A_1511 = vector.broadcast %mul3A_1510 : f32 to vector<16xf32>
        %mul3A_1512 = arith.mulf %get3A_1509, %mul3A_1511 : vector<16xf32>
        tpu.vector_store_idx %arg8[%add3A_61, %broadcast_in_dim3A_1486], %mul3A_1512 : memref<128x136xf32, #tpu.memory_space<vmem>>[vector<16xi32>, vector<16xi32>], vector<16xf32>,
        %add3A_1513 = arith.constant 128 : i32
        %add3A_1514 = arith.addi %add3A_1513, %scan3A_1485 : i32
        %get3A_1515 = arith.index_cast %add3A_1514 : i32 to index
        %get3A_1516 = arith.constant 0 : index
        %get3A_1517 = tpu.vector_load %arg6[%get3A_1515, %get3A_1516] {strides = array<i32>} : memref<256x64xf32, #tpu.memory_space<vmem>>, vector<16xf32>,
        %mul3A_1518 = arith.constant 8.000000e+00 : f32
        %mul3A_1519 = vector.broadcast %mul3A_1518 : f32 to vector<16xf32>
        %mul3A_1520 = arith.mulf %get3A_1517, %mul3A_1519 : vector<16xf32>
        tpu.vector_store_idx %arg8[%add3A_64, %broadcast_in_dim3A_1486], %mul3A_1520 : memref<128x136xf32, #tpu.memory_space<vmem>>[vector<16xi32>, vector<16xi32>], vector<16xf32>,
        %get3A_1521 = arith.index_cast %add3A_1514 : i32 to index
        %get3A_1522 = arith.constant 16 : index
        %get3A_1523 = tpu.vector_load %arg6[%get3A_1521, %get3A_1522] {strides = array<i32>} : memref<256x64xf32, #tpu.memory_space<vmem>>, vector<16xf32>,
        %mul3A_1524 = arith.constant 8.000000e+00 : f32
        %mul3A_1525 = vector.broadcast %mul3A_1524 : f32 to vector<16xf32>
        %mul3A_1526 = arith.mulf %get3A_1523, %mul3A_1525 : vector<16xf32>
        tpu.vector_store_idx %arg8[%add3A_67, %broadcast_in_dim3A_1486], %mul3A_1526 : memref<128x136xf32, #tpu.memory_space<vmem>>[vector<16xi32>, vector<16xi32>], vector<16xf32>,
        %get3A_1527 = arith.index_cast %add3A_1514 : i32 to index
        %get3A_1528 = arith.constant 32 : index
        %get3A_1529 = tpu.vector_load %arg6[%get3A_1527, %get3A_1528] {strides = array<i32>} : memref<256x64xf32, #tpu.memory_space<vmem>>, vector<16xf32>,
        %mul3A_1530 = arith.constant 8.000000e+00 : f32
        %mul3A_1531 = vector.broadcast %mul3A_1530 : f32 to vector<16xf32>
        %mul3A_1532 = arith.mulf %get3A_1529, %mul3A_1531 : vector<16xf32>
        tpu.vector_store_idx %arg8[%add3A_70, %broadcast_in_dim3A_1486], %mul3A_1532 : memref<128x136xf32, #tpu.memory_space<vmem>>[vector<16xi32>, vector<16xi32>], vector<16xf32>,
        %get3A_1533 = arith.index_cast %add3A_1514 : i32 to index
        %get3A_1534 = arith.constant 48 : index
        %get3A_1535 = tpu.vector_load %arg6[%get3A_1533, %get3A_1534] {strides = array<i32>} : memref<256x64xf32, #tpu.memory_space<vmem>>, vector<16xf32>,
        %mul3A_1536 = arith.constant 8.000000e+00 : f32
        %mul3A_1537 = vector.broadcast %mul3A_1536 : f32 to vector<16xf32>
        %mul3A_1538 = arith.mulf %get3A_1535, %mul3A_1537 : vector<16xf32>
        tpu.vector_store_idx %arg8[%add3A_73, %broadcast_in_dim3A_1486], %mul3A_1538 : memref<128x136xf32, #tpu.memory_space<vmem>>[vector<16xi32>, vector<16xi32>], vector<16xf32>,
      }
      %scan3A_667 = arith.constant 128 : i32
      %le3A = arith.constant 48 : i32
      %le3A_668 = arith.cmpi sle, %scan3A_633, %le3A : i32
      %convert_element_type3A_669 = arith.extui %le3A_668 : i1 to i32
      %cond3A_670 = arith.constant 0 : i32
      %cond3A_671 = arith.cmpi ne, %convert_element_type3A_669, %cond3A_670 : i32
      scf.if %cond3A_671 {
        %add3A_1322 = arith.constant 2 : i32
        %add3A_1323 = arith.addi %add3A_637, %add3A_1322 : i32
        %mul3A_1324 = arith.constant 2 : i32
        %mul3A_1325 = arith.muli %add3A_1323, %mul3A_1324 : i32
        %add3A_1326 = arith.constant 0 : i32
        %add3A_1327 = arith.addi %mul3A_1325, %add3A_1326 : i32
        %jit3A = arith.constant 8 : i32
        %div3A = arith.divsi %add3A_1327, %jit3A : i32
        %sign3A = arith.constant 0 : i32
        %sign3A_1328 = arith.cmpi sgt, %add3A_1327, %sign3A : i32
        %sign3A_1329 = arith.extui %sign3A_1328 : i1 to i32
        %sign3A_1330 = arith.constant 0 : i32
        %sign3A_1331 = arith.cmpi slt, %add3A_1327, %sign3A_1330 : i32
        %sign3A_1332 = arith.extui %sign3A_1331 : i1 to i32
        %sign3A_1333 = arith.subi %sign3A_1329, %sign3A_1332 : i32
        %sign3A_1334 = arith.constant 0 : i32
        %sign3A_1335 = arith.cmpi sgt, %jit3A, %sign3A_1334 : i32
        %sign3A_1336 = arith.extui %sign3A_1335 : i1 to i32
        %sign3A_1337 = arith.constant 0 : i32
        %sign3A_1338 = arith.cmpi slt, %jit3A, %sign3A_1337 : i32
        %sign3A_1339 = arith.extui %sign3A_1338 : i1 to i32
        %sign3A_1340 = arith.subi %sign3A_1336, %sign3A_1339 : i32
        %ne3A = arith.cmpi ne, %sign3A_1333, %sign3A_1340 : i32
        %rem3A = arith.remsi %add3A_1327, %jit3A : i32
        %ne3A_1341 = arith.constant 0 : i32
        %ne3A_1342 = arith.cmpi ne, %rem3A, %ne3A_1341 : i32
        %and3A = arith.andi %ne3A, %ne3A_1342 : i1
        %sub3A = arith.constant 1 : i32
        %sub3A_1343 = arith.subi %div3A, %sub3A : i32
        %select_n3A = arith.select %and3A, %sub3A_1343, %div3A : i32
        %jit3A_1344 = arith.constant 8 : i32
        %eq3A = arith.constant 0 : i32
        %eq3A_1345 = arith.cmpi eq, %jit3A_1344, %eq3A : i32
        %jit3A_1346 = arith.constant 1 : i32
        %select_n3A_1347 = arith.select %eq3A_1345, %jit3A_1346, %jit3A_1344 : i32
        %rem3A_1348 = arith.remsi %add3A_1327, %select_n3A_1347 : i32
        %ne3A_1349 = arith.constant 0 : i32
        %ne3A_1350 = arith.cmpi ne, %rem3A_1348, %ne3A_1349 : i32
        %lt3A = arith.constant 0 : i32
        %lt3A_1351 = arith.cmpi slt, %rem3A_1348, %lt3A : i32
        %lt3A_1352 = arith.constant 0 : i32
        %lt3A_1353 = arith.cmpi slt, %select_n3A_1347, %lt3A_1352 : i32
        %ne3A_1354 = arith.xori %lt3A_1351, %lt3A_1353 : i1
        %and3A_1355 = arith.andi %ne3A_1354, %ne3A_1350 : i1
        %add3A_1356 = arith.addi %rem3A_1348, %select_n3A_1347 : i32
        %select_n3A_1357 = arith.select %and3A_1355, %add3A_1356, %rem3A_1348 : i32
        %dma_start3A_1358 = arith.constant 0 : i32
        %dma_start3A_1359 = arith.constant 0 : i32
        %dma_start3A_1360 = tpu.memref_slice %arg6[%dma_start3A_1358, %dma_start3A_1359] : memref<256x64xf32, #tpu.memory_space<vmem>> -> memref<128x64xf32, #tpu.memory_space<vmem>>
        %dma_start3A_1361 = arith.constant 0 : i32
        %dma_start3A_1362 = tpu.memref_slice %arg5[%select_n3A, %select_n3A_1357, %dma_start3A_1361] : memref<25x8x128xi32, #tpu.memory_space<vmem>> -> memref<1x1x128xi32, #tpu.memory_space<vmem>>
        %dma_start3A_1363 = tpu.memref_squeeze %dma_start3A_1362 : memref<1x1x128xi32, #tpu.memory_space<vmem>> -> memref<128xi32, #tpu.memory_space<vmem>>
        %dma_start3A_1364 = arith.constant 0 : i32
        %dma_start3A_1365 = arith.constant 0 : i32
        %dma_start3A_1366 = tpu.memref_slice %arg3[%dma_start3A_1364, %dma_start3A_1365] : memref<1000000x64xf32, #tpu.memory_space<hbm>> -> memref<1000000x64xf32, #tpu.memory_space<hbm>>
        tpu.enqueue_indirect_dma source(%dma_start3A_1366 : memref<1000000x64xf32, #tpu.memory_space<hbm>>) target(%dma_start3A_1360 : memref<128x64xf32, #tpu.memory_space<vmem>>) offsets(%dma_start3A_1363 : memref<128xi32, #tpu.memory_space<vmem>>) semaphore(%arg10 : memref<!tpu.dma_semaphore, #tpu.memory_space<semaphore_mem>>)
        %mul3A_1367 = arith.constant 2 : i32
        %mul3A_1368 = arith.muli %add3A_1323, %mul3A_1367 : i32
        %add3A_1369 = arith.constant 1 : i32
        %add3A_1370 = arith.addi %mul3A_1368, %add3A_1369 : i32
        %jit3A_1371 = arith.constant 8 : i32
        %div3A_1372 = arith.divsi %add3A_1370, %jit3A_1371 : i32
        %sign3A_1373 = arith.constant 0 : i32
        %sign3A_1374 = arith.cmpi sgt, %add3A_1370, %sign3A_1373 : i32
        %sign3A_1375 = arith.extui %sign3A_1374 : i1 to i32
        %sign3A_1376 = arith.constant 0 : i32
        %sign3A_1377 = arith.cmpi slt, %add3A_1370, %sign3A_1376 : i32
        %sign3A_1378 = arith.extui %sign3A_1377 : i1 to i32
        %sign3A_1379 = arith.subi %sign3A_1375, %sign3A_1378 : i32
        %sign3A_1380 = arith.constant 0 : i32
        %sign3A_1381 = arith.cmpi sgt, %jit3A_1371, %sign3A_1380 : i32
        %sign3A_1382 = arith.extui %sign3A_1381 : i1 to i32
        %sign3A_1383 = arith.constant 0 : i32
        %sign3A_1384 = arith.cmpi slt, %jit3A_1371, %sign3A_1383 : i32
        %sign3A_1385 = arith.extui %sign3A_1384 : i1 to i32
        %sign3A_1386 = arith.subi %sign3A_1382, %sign3A_1385 : i32
        %ne3A_1387 = arith.cmpi ne, %sign3A_1379, %sign3A_1386 : i32
        %rem3A_1388 = arith.remsi %add3A_1370, %jit3A_1371 : i32
        %ne3A_1389 = arith.constant 0 : i32
        %ne3A_1390 = arith.cmpi ne, %rem3A_1388, %ne3A_1389 : i32
        %and3A_1391 = arith.andi %ne3A_1387, %ne3A_1390 : i1
        %sub3A_1392 = arith.constant 1 : i32
        %sub3A_1393 = arith.subi %div3A_1372, %sub3A_1392 : i32
        %select_n3A_1394 = arith.select %and3A_1391, %sub3A_1393, %div3A_1372 : i32
        %jit3A_1395 = arith.constant 8 : i32
        %eq3A_1396 = arith.constant 0 : i32
        %eq3A_1397 = arith.cmpi eq, %jit3A_1395, %eq3A_1396 : i32
        %jit3A_1398 = arith.constant 1 : i32
        %select_n3A_1399 = arith.select %eq3A_1397, %jit3A_1398, %jit3A_1395 : i32
        %rem3A_1400 = arith.remsi %add3A_1370, %select_n3A_1399 : i32
        %ne3A_1401 = arith.constant 0 : i32
        %ne3A_1402 = arith.cmpi ne, %rem3A_1400, %ne3A_1401 : i32
        %lt3A_1403 = arith.constant 0 : i32
        %lt3A_1404 = arith.cmpi slt, %rem3A_1400, %lt3A_1403 : i32
        %lt3A_1405 = arith.constant 0 : i32
        %lt3A_1406 = arith.cmpi slt, %select_n3A_1399, %lt3A_1405 : i32
        %ne3A_1407 = arith.xori %lt3A_1404, %lt3A_1406 : i1
        %and3A_1408 = arith.andi %ne3A_1407, %ne3A_1402 : i1
        %add3A_1409 = arith.addi %rem3A_1400, %select_n3A_1399 : i32
        %select_n3A_1410 = arith.select %and3A_1408, %add3A_1409, %rem3A_1400 : i32
        %dma_start3A_1411 = arith.constant 128 : i32
        %dma_start3A_1412 = arith.constant 0 : i32
        %dma_start3A_1413 = tpu.memref_slice %arg6[%dma_start3A_1411, %dma_start3A_1412] : memref<256x64xf32, #tpu.memory_space<vmem>> -> memref<128x64xf32, #tpu.memory_space<vmem>>
        %dma_start3A_1414 = arith.constant 0 : i32
        %dma_start3A_1415 = tpu.memref_slice %arg5[%select_n3A_1394, %select_n3A_1410, %dma_start3A_1414] : memref<25x8x128xi32, #tpu.memory_space<vmem>> -> memref<1x1x128xi32, #tpu.memory_space<vmem>>
        %dma_start3A_1416 = tpu.memref_squeeze %dma_start3A_1415 : memref<1x1x128xi32, #tpu.memory_space<vmem>> -> memref<128xi32, #tpu.memory_space<vmem>>
        %dma_start3A_1417 = arith.constant 0 : i32
        %dma_start3A_1418 = arith.constant 0 : i32
        %dma_start3A_1419 = tpu.memref_slice %arg3[%dma_start3A_1417, %dma_start3A_1418] : memref<1000000x64xf32, #tpu.memory_space<hbm>> -> memref<1000000x64xf32, #tpu.memory_space<hbm>>
        tpu.enqueue_indirect_dma source(%dma_start3A_1419 : memref<1000000x64xf32, #tpu.memory_space<hbm>>) target(%dma_start3A_1413 : memref<128x64xf32, #tpu.memory_space<vmem>>) offsets(%dma_start3A_1416 : memref<128xi32, #tpu.memory_space<vmem>>) semaphore(%arg10 : memref<!tpu.dma_semaphore, #tpu.memory_space<semaphore_mem>>)
      } else {
      }
      %mul3A_672 = arith.constant 2 : i32
      %mul3A_673 = arith.muli %add3A_637, %mul3A_672 : i32
      %add3A_674 = arith.constant 0 : i32
      %add3A_675 = arith.addi %mul3A_673, %add3A_674 : i32
      %dma_start3A_676 = arith.constant 0 : i32
      %dma_start3A_677 = arith.constant 0 : i32
      %dma_start3A_678 = arith.constant 0 : i32
      %dma_start3A_679 = tpu.memref_slice %arg8[%dma_start3A_677, %dma_start3A_678] : memref<128x136xf32, #tpu.memory_space<vmem>> -> memref<8x128xf32, #tpu.memory_space<vmem>>
      %dma_start3A_680 = arith.constant 0 : i32
      %dma_start3A_681 = arith.constant 0 : i32
      %dma_start3A_682 = tpu.memref_slice %arg4[%add3A_675, %dma_start3A_676, %add3A, %dma_start3A_680, %dma_start3A_681] : memref<200x8x32x8x128xf32, #tpu.memory_space<hbm>> -> memref<1x1x1x8x128xf32, #tpu.memory_space<hbm>>
      %dma_start3A_683 = tpu.memref_squeeze %dma_start3A_682 : memref<1x1x1x8x128xf32, #tpu.memory_space<hbm>> -> memref<8x128xf32, #tpu.memory_space<hbm>>
      %dma_start3A_684 = arith.constant 0 : i32
      %dma_start3A_685 = arith.constant 0 : i32
      %dma_start3A_686 = tpu.memref_slice %arg4[%add3A_675, %dma_start3A_676, %add3A, %dma_start3A_684, %dma_start3A_685] : memref<200x8x32x8x128xf32, #tpu.memory_space<hbm>> -> memref<1x1x1x8x128xf32, #tpu.memory_space<hbm>>
      %dma_start3A_687 = tpu.memref_squeeze %dma_start3A_686 : memref<1x1x1x8x128xf32, #tpu.memory_space<hbm>> -> memref<8x128xf32, #tpu.memory_space<hbm>>
      %dma_start3A_688 = arith.constant 0 : i32
      %dma_start3A_689 = arith.constant 0 : i32
      %dma_start3A_690 = tpu.memref_slice %arg8[%dma_start3A_688, %dma_start3A_689] : memref<128x136xf32, #tpu.memory_space<vmem>> -> memref<8x128xf32, #tpu.memory_space<vmem>>
      tpu.enqueue_dma source(%dma_start3A_690 : memref<8x128xf32, #tpu.memory_space<vmem>>) target(%dma_start3A_687 : memref<8x128xf32, #tpu.memory_space<hbm>>) target_semaphore(%arg12 : memref<!tpu.dma_semaphore, #tpu.memory_space<semaphore_mem>>)
      %mul3A_691 = arith.constant 2 : i32
      %mul3A_692 = arith.muli %add3A_637, %mul3A_691 : i32
      %add3A_693 = arith.constant 0 : i32
      %add3A_694 = arith.addi %mul3A_692, %add3A_693 : i32
      %dma_start3A_695 = arith.constant 1 : i32
      %dma_start3A_696 = arith.constant 8 : i32
      %dma_start3A_697 = arith.constant 0 : i32
      %dma_start3A_698 = tpu.memref_slice %arg8[%dma_start3A_696, %dma_start3A_697] : memref<128x136xf32, #tpu.memory_space<vmem>> -> memref<8x128xf32, #tpu.memory_space<vmem>>
      %dma_start3A_699 = arith.constant 0 : i32
      %dma_start3A_700 = arith.constant 0 : i32
      %dma_start3A_701 = tpu.memref_slice %arg4[%add3A_694, %dma_start3A_695, %add3A, %dma_start3A_699, %dma_start3A_700] : memref<200x8x32x8x128xf32, #tpu.memory_space<hbm>> -> memref<1x1x1x8x128xf32, #tpu.memory_space<hbm>>
      %dma_start3A_702 = tpu.memref_squeeze %dma_start3A_701 : memref<1x1x1x8x128xf32, #tpu.memory_space<hbm>> -> memref<8x128xf32, #tpu.memory_space<hbm>>
      %dma_start3A_703 = arith.constant 0 : i32
      %dma_start3A_704 = arith.constant 0 : i32
      %dma_start3A_705 = tpu.memref_slice %arg4[%add3A_694, %dma_start3A_695, %add3A, %dma_start3A_703, %dma_start3A_704] : memref<200x8x32x8x128xf32, #tpu.memory_space<hbm>> -> memref<1x1x1x8x128xf32, #tpu.memory_space<hbm>>
      %dma_start3A_706 = tpu.memref_squeeze %dma_start3A_705 : memref<1x1x1x8x128xf32, #tpu.memory_space<hbm>> -> memref<8x128xf32, #tpu.memory_space<hbm>>
      %dma_start3A_707 = arith.constant 8 : i32
      %dma_start3A_708 = arith.constant 0 : i32
      %dma_start3A_709 = tpu.memref_slice %arg8[%dma_start3A_707, %dma_start3A_708] : memref<128x136xf32, #tpu.memory_space<vmem>> -> memref<8x128xf32, #tpu.memory_space<vmem>>
      tpu.enqueue_dma source(%dma_start3A_709 : memref<8x128xf32, #tpu.memory_space<vmem>>) target(%dma_start3A_706 : memref<8x128xf32, #tpu.memory_space<hbm>>) target_semaphore(%arg12 : memref<!tpu.dma_semaphore, #tpu.memory_space<semaphore_mem>>)
      %mul3A_710 = arith.constant 2 : i32
      %mul3A_711 = arith.muli %add3A_637, %mul3A_710 : i32
      %add3A_712 = arith.constant 0 : i32
      %add3A_713 = arith.addi %mul3A_711, %add3A_712 : i32
      %dma_start3A_714 = arith.constant 2 : i32
      %dma_start3A_715 = arith.constant 16 : i32
      %dma_start3A_716 = arith.constant 0 : i32
      %dma_start3A_717 = tpu.memref_slice %arg8[%dma_start3A_715, %dma_start3A_716] : memref<128x136xf32, #tpu.memory_space<vmem>> -> memref<8x128xf32, #tpu.memory_space<vmem>>
      %dma_start3A_718 = arith.constant 0 : i32
      %dma_start3A_719 = arith.constant 0 : i32
      %dma_start3A_720 = tpu.memref_slice %arg4[%add3A_713, %dma_start3A_714, %add3A, %dma_start3A_718, %dma_start3A_719] : memref<200x8x32x8x128xf32, #tpu.memory_space<hbm>> -> memref<1x1x1x8x128xf32, #tpu.memory_space<hbm>>
      %dma_start3A_721 = tpu.memref_squeeze %dma_start3A_720 : memref<1x1x1x8x128xf32, #tpu.memory_space<hbm>> -> memref<8x128xf32, #tpu.memory_space<hbm>>
      %dma_start3A_722 = arith.constant 0 : i32
      %dma_start3A_723 = arith.constant 0 : i32
      %dma_start3A_724 = tpu.memref_slice %arg4[%add3A_713, %dma_start3A_714, %add3A, %dma_start3A_722, %dma_start3A_723] : memref<200x8x32x8x128xf32, #tpu.memory_space<hbm>> -> memref<1x1x1x8x128xf32, #tpu.memory_space<hbm>>
      %dma_start3A_725 = tpu.memref_squeeze %dma_start3A_724 : memref<1x1x1x8x128xf32, #tpu.memory_space<hbm>> -> memref<8x128xf32, #tpu.memory_space<hbm>>
      %dma_start3A_726 = arith.constant 16 : i32
      %dma_start3A_727 = arith.constant 0 : i32
      %dma_start3A_728 = tpu.memref_slice %arg8[%dma_start3A_726, %dma_start3A_727] : memref<128x136xf32, #tpu.memory_space<vmem>> -> memref<8x128xf32, #tpu.memory_space<vmem>>
      tpu.enqueue_dma source(%dma_start3A_728 : memref<8x128xf32, #tpu.memory_space<vmem>>) target(%dma_start3A_725 : memref<8x128xf32, #tpu.memory_space<hbm>>) target_semaphore(%arg12 : memref<!tpu.dma_semaphore, #tpu.memory_space<semaphore_mem>>)
      %mul3A_729 = arith.constant 2 : i32
      %mul3A_730 = arith.muli %add3A_637, %mul3A_729 : i32
      %add3A_731 = arith.constant 0 : i32
      %add3A_732 = arith.addi %mul3A_730, %add3A_731 : i32
      %dma_start3A_733 = arith.constant 3 : i32
      %dma_start3A_734 = arith.constant 24 : i32
      %dma_start3A_735 = arith.constant 0 : i32
      %dma_start3A_736 = tpu.memref_slice %arg8[%dma_start3A_734, %dma_start3A_735] : memref<128x136xf32, #tpu.memory_space<vmem>> -> memref<8x128xf32, #tpu.memory_space<vmem>>
      %dma_start3A_737 = arith.constant 0 : i32
      %dma_start3A_738 = arith.constant 0 : i32
      %dma_start3A_739 = tpu.memref_slice %arg4[%add3A_732, %dma_start3A_733, %add3A, %dma_start3A_737, %dma_start3A_738] : memref<200x8x32x8x128xf32, #tpu.memory_space<hbm>> -> memref<1x1x1x8x128xf32, #tpu.memory_space<hbm>>
      %dma_start3A_740 = tpu.memref_squeeze %dma_start3A_739 : memref<1x1x1x8x128xf32, #tpu.memory_space<hbm>> -> memref<8x128xf32, #tpu.memory_space<hbm>>
      %dma_start3A_741 = arith.constant 0 : i32
      %dma_start3A_742 = arith.constant 0 : i32
      %dma_start3A_743 = tpu.memref_slice %arg4[%add3A_732, %dma_start3A_733, %add3A, %dma_start3A_741, %dma_start3A_742] : memref<200x8x32x8x128xf32, #tpu.memory_space<hbm>> -> memref<1x1x1x8x128xf32, #tpu.memory_space<hbm>>
      %dma_start3A_744 = tpu.memref_squeeze %dma_start3A_743 : memref<1x1x1x8x128xf32, #tpu.memory_space<hbm>> -> memref<8x128xf32, #tpu.memory_space<hbm>>
      %dma_start3A_745 = arith.constant 24 : i32
      %dma_start3A_746 = arith.constant 0 : i32
      %dma_start3A_747 = tpu.memref_slice %arg8[%dma_start3A_745, %dma_start3A_746] : memref<128x136xf32, #tpu.memory_space<vmem>> -> memref<8x128xf32, #tpu.memory_space<vmem>>
      tpu.enqueue_dma source(%dma_start3A_747 : memref<8x128xf32, #tpu.memory_space<vmem>>) target(%dma_start3A_744 : memref<8x128xf32, #tpu.memory_space<hbm>>) target_semaphore(%arg12 : memref<!tpu.dma_semaphore, #tpu.memory_space<semaphore_mem>>)
      %mul3A_748 = arith.constant 2 : i32
      %mul3A_749 = arith.muli %add3A_637, %mul3A_748 : i32
      %add3A_750 = arith.constant 0 : i32
      %add3A_751 = arith.addi %mul3A_749, %add3A_750 : i32
      %dma_start3A_752 = arith.constant 4 : i32
      %dma_start3A_753 = arith.constant 32 : i32
      %dma_start3A_754 = arith.constant 0 : i32
      %dma_start3A_755 = tpu.memref_slice %arg8[%dma_start3A_753, %dma_start3A_754] : memref<128x136xf32, #tpu.memory_space<vmem>> -> memref<8x128xf32, #tpu.memory_space<vmem>>
      %dma_start3A_756 = arith.constant 0 : i32
      %dma_start3A_757 = arith.constant 0 : i32
      %dma_start3A_758 = tpu.memref_slice %arg4[%add3A_751, %dma_start3A_752, %add3A, %dma_start3A_756, %dma_start3A_757] : memref<200x8x32x8x128xf32, #tpu.memory_space<hbm>> -> memref<1x1x1x8x128xf32, #tpu.memory_space<hbm>>
      %dma_start3A_759 = tpu.memref_squeeze %dma_start3A_758 : memref<1x1x1x8x128xf32, #tpu.memory_space<hbm>> -> memref<8x128xf32, #tpu.memory_space<hbm>>
      %dma_start3A_760 = arith.constant 0 : i32
      %dma_start3A_761 = arith.constant 0 : i32
      %dma_start3A_762 = tpu.memref_slice %arg4[%add3A_751, %dma_start3A_752, %add3A, %dma_start3A_760, %dma_start3A_761] : memref<200x8x32x8x128xf32, #tpu.memory_space<hbm>> -> memref<1x1x1x8x128xf32, #tpu.memory_space<hbm>>
      %dma_start3A_763 = tpu.memref_squeeze %dma_start3A_762 : memref<1x1x1x8x128xf32, #tpu.memory_space<hbm>> -> memref<8x128xf32, #tpu.memory_space<hbm>>
      %dma_start3A_764 = arith.constant 32 : i32
      %dma_start3A_765 = arith.constant 0 : i32
      %dma_start3A_766 = tpu.memref_slice %arg8[%dma_start3A_764, %dma_start3A_765] : memref<128x136xf32, #tpu.memory_space<vmem>> -> memref<8x128xf32, #tpu.memory_space<vmem>>
      tpu.enqueue_dma source(%dma_start3A_766 : memref<8x128xf32, #tpu.memory_space<vmem>>) target(%dma_start3A_763 : memref<8x128xf32, #tpu.memory_space<hbm>>) target_semaphore(%arg12 : memref<!tpu.dma_semaphore, #tpu.memory_space<semaphore_mem>>)
      %mul3A_767 = arith.constant 2 : i32
      %mul3A_768 = arith.muli %add3A_637, %mul3A_767 : i32
      %add3A_769 = arith.constant 0 : i32
      %add3A_770 = arith.addi %mul3A_768, %add3A_769 : i32
      %dma_start3A_771 = arith.constant 5 : i32
      %dma_start3A_772 = arith.constant 40 : i32
      %dma_start3A_773 = arith.constant 0 : i32
      %dma_start3A_774 = tpu.memref_slice %arg8[%dma_start3A_772, %dma_start3A_773] : memref<128x136xf32, #tpu.memory_space<vmem>> -> memref<8x128xf32, #tpu.memory_space<vmem>>
      %dma_start3A_775 = arith.constant 0 : i32
      %dma_start3A_776 = arith.constant 0 : i32
      %dma_start3A_777 = tpu.memref_slice %arg4[%add3A_770, %dma_start3A_771, %add3A, %dma_start3A_775, %dma_start3A_776] : memref<200x8x32x8x128xf32, #tpu.memory_space<hbm>> -> memref<1x1x1x8x128xf32, #tpu.memory_space<hbm>>
      %dma_start3A_778 = tpu.memref_squeeze %dma_start3A_777 : memref<1x1x1x8x128xf32, #tpu.memory_space<hbm>> -> memref<8x128xf32, #tpu.memory_space<hbm>>
      %dma_start3A_779 = arith.constant 0 : i32
      %dma_start3A_780 = arith.constant 0 : i32
      %dma_start3A_781 = tpu.memref_slice %arg4[%add3A_770, %dma_start3A_771, %add3A, %dma_start3A_779, %dma_start3A_780] : memref<200x8x32x8x128xf32, #tpu.memory_space<hbm>> -> memref<1x1x1x8x128xf32, #tpu.memory_space<hbm>>
      %dma_start3A_782 = tpu.memref_squeeze %dma_start3A_781 : memref<1x1x1x8x128xf32, #tpu.memory_space<hbm>> -> memref<8x128xf32, #tpu.memory_space<hbm>>
      %dma_start3A_783 = arith.constant 40 : i32
      %dma_start3A_784 = arith.constant 0 : i32
      %dma_start3A_785 = tpu.memref_slice %arg8[%dma_start3A_783, %dma_start3A_784] : memref<128x136xf32, #tpu.memory_space<vmem>> -> memref<8x128xf32, #tpu.memory_space<vmem>>
      tpu.enqueue_dma source(%dma_start3A_785 : memref<8x128xf32, #tpu.memory_space<vmem>>) target(%dma_start3A_782 : memref<8x128xf32, #tpu.memory_space<hbm>>) target_semaphore(%arg12 : memref<!tpu.dma_semaphore, #tpu.memory_space<semaphore_mem>>)
      %mul3A_786 = arith.constant 2 : i32
      %mul3A_787 = arith.muli %add3A_637, %mul3A_786 : i32
      %add3A_788 = arith.constant 0 : i32
      %add3A_789 = arith.addi %mul3A_787, %add3A_788 : i32
      %dma_start3A_790 = arith.constant 6 : i32
      %dma_start3A_791 = arith.constant 48 : i32
      %dma_start3A_792 = arith.constant 0 : i32
      %dma_start3A_793 = tpu.memref_slice %arg8[%dma_start3A_791, %dma_start3A_792] : memref<128x136xf32, #tpu.memory_space<vmem>> -> memref<8x128xf32, #tpu.memory_space<vmem>>
      %dma_start3A_794 = arith.constant 0 : i32
      %dma_start3A_795 = arith.constant 0 : i32
      %dma_start3A_796 = tpu.memref_slice %arg4[%add3A_789, %dma_start3A_790, %add3A, %dma_start3A_794, %dma_start3A_795] : memref<200x8x32x8x128xf32, #tpu.memory_space<hbm>> -> memref<1x1x1x8x128xf32, #tpu.memory_space<hbm>>
      %dma_start3A_797 = tpu.memref_squeeze %dma_start3A_796 : memref<1x1x1x8x128xf32, #tpu.memory_space<hbm>> -> memref<8x128xf32, #tpu.memory_space<hbm>>
      %dma_start3A_798 = arith.constant 0 : i32
      %dma_start3A_799 = arith.constant 0 : i32
      %dma_start3A_800 = tpu.memref_slice %arg4[%add3A_789, %dma_start3A_790, %add3A, %dma_start3A_798, %dma_start3A_799] : memref<200x8x32x8x128xf32, #tpu.memory_space<hbm>> -> memref<1x1x1x8x128xf32, #tpu.memory_space<hbm>>
      %dma_start3A_801 = tpu.memref_squeeze %dma_start3A_800 : memref<1x1x1x8x128xf32, #tpu.memory_space<hbm>> -> memref<8x128xf32, #tpu.memory_space<hbm>>
      %dma_start3A_802 = arith.constant 48 : i32
      %dma_start3A_803 = arith.constant 0 : i32
      %dma_start3A_804 = tpu.memref_slice %arg8[%dma_start3A_802, %dma_start3A_803] : memref<128x136xf32, #tpu.memory_space<vmem>> -> memref<8x128xf32, #tpu.memory_space<vmem>>
      tpu.enqueue_dma source(%dma_start3A_804 : memref<8x128xf32, #tpu.memory_space<vmem>>) target(%dma_start3A_801 : memref<8x128xf32, #tpu.memory_space<hbm>>) target_semaphore(%arg12 : memref<!tpu.dma_semaphore, #tpu.memory_space<semaphore_mem>>)
      %mul3A_805 = arith.constant 2 : i32
      %mul3A_806 = arith.muli %add3A_637, %mul3A_805 : i32
      %add3A_807 = arith.constant 0 : i32
      %add3A_808 = arith.addi %mul3A_806, %add3A_807 : i32
      %dma_start3A_809 = arith.constant 7 : i32
      %dma_start3A_810 = arith.constant 56 : i32
      %dma_start3A_811 = arith.constant 0 : i32
      %dma_start3A_812 = tpu.memref_slice %arg8[%dma_start3A_810, %dma_start3A_811] : memref<128x136xf32, #tpu.memory_space<vmem>> -> memref<8x128xf32, #tpu.memory_space<vmem>>
      %dma_start3A_813 = arith.constant 0 : i32
      %dma_start3A_814 = arith.constant 0 : i32
      %dma_start3A_815 = tpu.memref_slice %arg4[%add3A_808, %dma_start3A_809, %add3A, %dma_start3A_813, %dma_start3A_814] : memref<200x8x32x8x128xf32, #tpu.memory_space<hbm>> -> memref<1x1x1x8x128xf32, #tpu.memory_space<hbm>>
      %dma_start3A_816 = tpu.memref_squeeze %dma_start3A_815 : memref<1x1x1x8x128xf32, #tpu.memory_space<hbm>> -> memref<8x128xf32, #tpu.memory_space<hbm>>
      %dma_start3A_817 = arith.constant 0 : i32
      %dma_start3A_818 = arith.constant 0 : i32
      %dma_start3A_819 = tpu.memref_slice %arg4[%add3A_808, %dma_start3A_809, %add3A, %dma_start3A_817, %dma_start3A_818] : memref<200x8x32x8x128xf32, #tpu.memory_space<hbm>> -> memref<1x1x1x8x128xf32, #tpu.memory_space<hbm>>
      %dma_start3A_820 = tpu.memref_squeeze %dma_start3A_819 : memref<1x1x1x8x128xf32, #tpu.memory_space<hbm>> -> memref<8x128xf32, #tpu.memory_space<hbm>>
      %dma_start3A_821 = arith.constant 56 : i32
      %dma_start3A_822 = arith.constant 0 : i32
      %dma_start3A_823 = tpu.memref_slice %arg8[%dma_start3A_821, %dma_start3A_822] : memref<128x136xf32, #tpu.memory_space<vmem>> -> memref<8x128xf32, #tpu.memory_space<vmem>>
      tpu.enqueue_dma source(%dma_start3A_823 : memref<8x128xf32, #tpu.memory_space<vmem>>) target(%dma_start3A_820 : memref<8x128xf32, #tpu.memory_space<hbm>>) target_semaphore(%arg12 : memref<!tpu.dma_semaphore, #tpu.memory_space<semaphore_mem>>)
      %mul3A_824 = arith.constant 2 : i32
      %mul3A_825 = arith.muli %add3A_637, %mul3A_824 : i32
      %add3A_826 = arith.constant 1 : i32
      %add3A_827 = arith.addi %mul3A_825, %add3A_826 : i32
      %dma_start3A_828 = arith.constant 0 : i32
      %dma_start3A_829 = arith.constant 64 : i32
      %dma_start3A_830 = arith.constant 0 : i32
      %dma_start3A_831 = tpu.memref_slice %arg8[%dma_start3A_829, %dma_start3A_830] : memref<128x136xf32, #tpu.memory_space<vmem>> -> memref<8x128xf32, #tpu.memory_space<vmem>>
      %dma_start3A_832 = arith.constant 0 : i32
      %dma_start3A_833 = arith.constant 0 : i32
      %dma_start3A_834 = tpu.memref_slice %arg4[%add3A_827, %dma_start3A_828, %add3A, %dma_start3A_832, %dma_start3A_833] : memref<200x8x32x8x128xf32, #tpu.memory_space<hbm>> -> memref<1x1x1x8x128xf32, #tpu.memory_space<hbm>>
      %dma_start3A_835 = tpu.memref_squeeze %dma_start3A_834 : memref<1x1x1x8x128xf32, #tpu.memory_space<hbm>> -> memref<8x128xf32, #tpu.memory_space<hbm>>
      %dma_start3A_836 = arith.constant 0 : i32
      %dma_start3A_837 = arith.constant 0 : i32
      %dma_start3A_838 = tpu.memref_slice %arg4[%add3A_827, %dma_start3A_828, %add3A, %dma_start3A_836, %dma_start3A_837] : memref<200x8x32x8x128xf32, #tpu.memory_space<hbm>> -> memref<1x1x1x8x128xf32, #tpu.memory_space<hbm>>
      %dma_start3A_839 = tpu.memref_squeeze %dma_start3A_838 : memref<1x1x1x8x128xf32, #tpu.memory_space<hbm>> -> memref<8x128xf32, #tpu.memory_space<hbm>>
      %dma_start3A_840 = arith.constant 64 : i32
      %dma_start3A_841 = arith.constant 0 : i32
      %dma_start3A_842 = tpu.memref_slice %arg8[%dma_start3A_840, %dma_start3A_841] : memref<128x136xf32, #tpu.memory_space<vmem>> -> memref<8x128xf32, #tpu.memory_space<vmem>>
      tpu.enqueue_dma source(%dma_start3A_842 : memref<8x128xf32, #tpu.memory_space<vmem>>) target(%dma_start3A_839 : memref<8x128xf32, #tpu.memory_space<hbm>>) target_semaphore(%arg12 : memref<!tpu.dma_semaphore, #tpu.memory_space<semaphore_mem>>)
      %mul3A_843 = arith.constant 2 : i32
      %mul3A_844 = arith.muli %add3A_637, %mul3A_843 : i32
      %add3A_845 = arith.constant 1 : i32
      %add3A_846 = arith.addi %mul3A_844, %add3A_845 : i32
      %dma_start3A_847 = arith.constant 1 : i32
      %dma_start3A_848 = arith.constant 72 : i32
      %dma_start3A_849 = arith.constant 0 : i32
      %dma_start3A_850 = tpu.memref_slice %arg8[%dma_start3A_848, %dma_start3A_849] : memref<128x136xf32, #tpu.memory_space<vmem>> -> memref<8x128xf32, #tpu.memory_space<vmem>>
      %dma_start3A_851 = arith.constant 0 : i32
      %dma_start3A_852 = arith.constant 0 : i32
      %dma_start3A_853 = tpu.memref_slice %arg4[%add3A_846, %dma_start3A_847, %add3A, %dma_start3A_851, %dma_start3A_852] : memref<200x8x32x8x128xf32, #tpu.memory_space<hbm>> -> memref<1x1x1x8x128xf32, #tpu.memory_space<hbm>>
      %dma_start3A_854 = tpu.memref_squeeze %dma_start3A_853 : memref<1x1x1x8x128xf32, #tpu.memory_space<hbm>> -> memref<8x128xf32, #tpu.memory_space<hbm>>
      %dma_start3A_855 = arith.constant 0 : i32
      %dma_start3A_856 = arith.constant 0 : i32
      %dma_start3A_857 = tpu.memref_slice %arg4[%add3A_846, %dma_start3A_847, %add3A, %dma_start3A_855, %dma_start3A_856] : memref<200x8x32x8x128xf32, #tpu.memory_space<hbm>> -> memref<1x1x1x8x128xf32, #tpu.memory_space<hbm>>
      %dma_start3A_858 = tpu.memref_squeeze %dma_start3A_857 : memref<1x1x1x8x128xf32, #tpu.memory_space<hbm>> -> memref<8x128xf32, #tpu.memory_space<hbm>>
      %dma_start3A_859 = arith.constant 72 : i32
      %dma_start3A_860 = arith.constant 0 : i32
      %dma_start3A_861 = tpu.memref_slice %arg8[%dma_start3A_859, %dma_start3A_860] : memref<128x136xf32, #tpu.memory_space<vmem>> -> memref<8x128xf32, #tpu.memory_space<vmem>>
      tpu.enqueue_dma source(%dma_start3A_861 : memref<8x128xf32, #tpu.memory_space<vmem>>) target(%dma_start3A_858 : memref<8x128xf32, #tpu.memory_space<hbm>>) target_semaphore(%arg12 : memref<!tpu.dma_semaphore, #tpu.memory_space<semaphore_mem>>)
      %mul3A_862 = arith.constant 2 : i32
      %mul3A_863 = arith.muli %add3A_637, %mul3A_862 : i32
      %add3A_864 = arith.constant 1 : i32
      %add3A_865 = arith.addi %mul3A_863, %add3A_864 : i32
      %dma_start3A_866 = arith.constant 2 : i32
      %dma_start3A_867 = arith.constant 80 : i32
      %dma_start3A_868 = arith.constant 0 : i32
      %dma_start3A_869 = tpu.memref_slice %arg8[%dma_start3A_867, %dma_start3A_868] : memref<128x136xf32, #tpu.memory_space<vmem>> -> memref<8x128xf32, #tpu.memory_space<vmem>>
      %dma_start3A_870 = arith.constant 0 : i32
      %dma_start3A_871 = arith.constant 0 : i32
      %dma_start3A_872 = tpu.memref_slice %arg4[%add3A_865, %dma_start3A_866, %add3A, %dma_start3A_870, %dma_start3A_871] : memref<200x8x32x8x128xf32, #tpu.memory_space<hbm>> -> memref<1x1x1x8x128xf32, #tpu.memory_space<hbm>>
      %dma_start3A_873 = tpu.memref_squeeze %dma_start3A_872 : memref<1x1x1x8x128xf32, #tpu.memory_space<hbm>> -> memref<8x128xf32, #tpu.memory_space<hbm>>
      %dma_start3A_874 = arith.constant 0 : i32
      %dma_start3A_875 = arith.constant 0 : i32
      %dma_start3A_876 = tpu.memref_slice %arg4[%add3A_865, %dma_start3A_866, %add3A, %dma_start3A_874, %dma_start3A_875] : memref<200x8x32x8x128xf32, #tpu.memory_space<hbm>> -> memref<1x1x1x8x128xf32, #tpu.memory_space<hbm>>
      %dma_start3A_877 = tpu.memref_squeeze %dma_start3A_876 : memref<1x1x1x8x128xf32, #tpu.memory_space<hbm>> -> memref<8x128xf32, #tpu.memory_space<hbm>>
      %dma_start3A_878 = arith.constant 80 : i32
      %dma_start3A_879 = arith.constant 0 : i32
      %dma_start3A_880 = tpu.memref_slice %arg8[%dma_start3A_878, %dma_start3A_879] : memref<128x136xf32, #tpu.memory_space<vmem>> -> memref<8x128xf32, #tpu.memory_space<vmem>>
      tpu.enqueue_dma source(%dma_start3A_880 : memref<8x128xf32, #tpu.memory_space<vmem>>) target(%dma_start3A_877 : memref<8x128xf32, #tpu.memory_space<hbm>>) target_semaphore(%arg12 : memref<!tpu.dma_semaphore, #tpu.memory_space<semaphore_mem>>)
      %mul3A_881 = arith.constant 2 : i32
      %mul3A_882 = arith.muli %add3A_637, %mul3A_881 : i32
      %add3A_883 = arith.constant 1 : i32
      %add3A_884 = arith.addi %mul3A_882, %add3A_883 : i32
      %dma_start3A_885 = arith.constant 3 : i32
      %dma_start3A_886 = arith.constant 88 : i32
      %dma_start3A_887 = arith.constant 0 : i32
      %dma_start3A_888 = tpu.memref_slice %arg8[%dma_start3A_886, %dma_start3A_887] : memref<128x136xf32, #tpu.memory_space<vmem>> -> memref<8x128xf32, #tpu.memory_space<vmem>>
      %dma_start3A_889 = arith.constant 0 : i32
      %dma_start3A_890 = arith.constant 0 : i32
      %dma_start3A_891 = tpu.memref_slice %arg4[%add3A_884, %dma_start3A_885, %add3A, %dma_start3A_889, %dma_start3A_890] : memref<200x8x32x8x128xf32, #tpu.memory_space<hbm>> -> memref<1x1x1x8x128xf32, #tpu.memory_space<hbm>>
      %dma_start3A_892 = tpu.memref_squeeze %dma_start3A_891 : memref<1x1x1x8x128xf32, #tpu.memory_space<hbm>> -> memref<8x128xf32, #tpu.memory_space<hbm>>
      %dma_start3A_893 = arith.constant 0 : i32
      %dma_start3A_894 = arith.constant 0 : i32
      %dma_start3A_895 = tpu.memref_slice %arg4[%add3A_884, %dma_start3A_885, %add3A, %dma_start3A_893, %dma_start3A_894] : memref<200x8x32x8x128xf32, #tpu.memory_space<hbm>> -> memref<1x1x1x8x128xf32, #tpu.memory_space<hbm>>
      %dma_start3A_896 = tpu.memref_squeeze %dma_start3A_895 : memref<1x1x1x8x128xf32, #tpu.memory_space<hbm>> -> memref<8x128xf32, #tpu.memory_space<hbm>>
      %dma_start3A_897 = arith.constant 88 : i32
      %dma_start3A_898 = arith.constant 0 : i32
      %dma_start3A_899 = tpu.memref_slice %arg8[%dma_start3A_897, %dma_start3A_898] : memref<128x136xf32, #tpu.memory_space<vmem>> -> memref<8x128xf32, #tpu.memory_space<vmem>>
      tpu.enqueue_dma source(%dma_start3A_899 : memref<8x128xf32, #tpu.memory_space<vmem>>) target(%dma_start3A_896 : memref<8x128xf32, #tpu.memory_space<hbm>>) target_semaphore(%arg12 : memref<!tpu.dma_semaphore, #tpu.memory_space<semaphore_mem>>)
      %mul3A_900 = arith.constant 2 : i32
      %mul3A_901 = arith.muli %add3A_637, %mul3A_900 : i32
      %add3A_902 = arith.constant 1 : i32
      %add3A_903 = arith.addi %mul3A_901, %add3A_902 : i32
      %dma_start3A_904 = arith.constant 4 : i32
      %dma_start3A_905 = arith.constant 96 : i32
      %dma_start3A_906 = arith.constant 0 : i32
      %dma_start3A_907 = tpu.memref_slice %arg8[%dma_start3A_905, %dma_start3A_906] : memref<128x136xf32, #tpu.memory_space<vmem>> -> memref<8x128xf32, #tpu.memory_space<vmem>>
      %dma_start3A_908 = arith.constant 0 : i32
      %dma_start3A_909 = arith.constant 0 : i32
      %dma_start3A_910 = tpu.memref_slice %arg4[%add3A_903, %dma_start3A_904, %add3A, %dma_start3A_908, %dma_start3A_909] : memref<200x8x32x8x128xf32, #tpu.memory_space<hbm>> -> memref<1x1x1x8x128xf32, #tpu.memory_space<hbm>>
      %dma_start3A_911 = tpu.memref_squeeze %dma_start3A_910 : memref<1x1x1x8x128xf32, #tpu.memory_space<hbm>> -> memref<8x128xf32, #tpu.memory_space<hbm>>
      %dma_start3A_912 = arith.constant 0 : i32
      %dma_start3A_913 = arith.constant 0 : i32
      %dma_start3A_914 = tpu.memref_slice %arg4[%add3A_903, %dma_start3A_904, %add3A, %dma_start3A_912, %dma_start3A_913] : memref<200x8x32x8x128xf32, #tpu.memory_space<hbm>> -> memref<1x1x1x8x128xf32, #tpu.memory_space<hbm>>
      %dma_start3A_915 = tpu.memref_squeeze %dma_start3A_914 : memref<1x1x1x8x128xf32, #tpu.memory_space<hbm>> -> memref<8x128xf32, #tpu.memory_space<hbm>>
      %dma_start3A_916 = arith.constant 96 : i32
      %dma_start3A_917 = arith.constant 0 : i32
      %dma_start3A_918 = tpu.memref_slice %arg8[%dma_start3A_916, %dma_start3A_917] : memref<128x136xf32, #tpu.memory_space<vmem>> -> memref<8x128xf32, #tpu.memory_space<vmem>>
      tpu.enqueue_dma source(%dma_start3A_918 : memref<8x128xf32, #tpu.memory_space<vmem>>) target(%dma_start3A_915 : memref<8x128xf32, #tpu.memory_space<hbm>>) target_semaphore(%arg12 : memref<!tpu.dma_semaphore, #tpu.memory_space<semaphore_mem>>)
      %mul3A_919 = arith.constant 2 : i32
      %mul3A_920 = arith.muli %add3A_637, %mul3A_919 : i32
      %add3A_921 = arith.constant 1 : i32
      %add3A_922 = arith.addi %mul3A_920, %add3A_921 : i32
      %dma_start3A_923 = arith.constant 5 : i32
      %dma_start3A_924 = arith.constant 104 : i32
      %dma_start3A_925 = arith.constant 0 : i32
      %dma_start3A_926 = tpu.memref_slice %arg8[%dma_start3A_924, %dma_start3A_925] : memref<128x136xf32, #tpu.memory_space<vmem>> -> memref<8x128xf32, #tpu.memory_space<vmem>>
      %dma_start3A_927 = arith.constant 0 : i32
      %dma_start3A_928 = arith.constant 0 : i32
      %dma_start3A_929 = tpu.memref_slice %arg4[%add3A_922, %dma_start3A_923, %add3A, %dma_start3A_927, %dma_start3A_928] : memref<200x8x32x8x128xf32, #tpu.memory_space<hbm>> -> memref<1x1x1x8x128xf32, #tpu.memory_space<hbm>>
      %dma_start3A_930 = tpu.memref_squeeze %dma_start3A_929 : memref<1x1x1x8x128xf32, #tpu.memory_space<hbm>> -> memref<8x128xf32, #tpu.memory_space<hbm>>
      %dma_start3A_931 = arith.constant 0 : i32
      %dma_start3A_932 = arith.constant 0 : i32
      %dma_start3A_933 = tpu.memref_slice %arg4[%add3A_922, %dma_start3A_923, %add3A, %dma_start3A_931, %dma_start3A_932] : memref<200x8x32x8x128xf32, #tpu.memory_space<hbm>> -> memref<1x1x1x8x128xf32, #tpu.memory_space<hbm>>
      %dma_start3A_934 = tpu.memref_squeeze %dma_start3A_933 : memref<1x1x1x8x128xf32, #tpu.memory_space<hbm>> -> memref<8x128xf32, #tpu.memory_space<hbm>>
      %dma_start3A_935 = arith.constant 104 : i32
      %dma_start3A_936 = arith.constant 0 : i32
      %dma_start3A_937 = tpu.memref_slice %arg8[%dma_start3A_935, %dma_start3A_936] : memref<128x136xf32, #tpu.memory_space<vmem>> -> memref<8x128xf32, #tpu.memory_space<vmem>>
      tpu.enqueue_dma source(%dma_start3A_937 : memref<8x128xf32, #tpu.memory_space<vmem>>) target(%dma_start3A_934 : memref<8x128xf32, #tpu.memory_space<hbm>>) target_semaphore(%arg12 : memref<!tpu.dma_semaphore, #tpu.memory_space<semaphore_mem>>)
      %mul3A_938 = arith.constant 2 : i32
      %mul3A_939 = arith.muli %add3A_637, %mul3A_938 : i32
      %add3A_940 = arith.constant 1 : i32
      %add3A_941 = arith.addi %mul3A_939, %add3A_940 : i32
      %dma_start3A_942 = arith.constant 6 : i32
      %dma_start3A_943 = arith.constant 112 : i32
      %dma_start3A_944 = arith.constant 0 : i32
      %dma_start3A_945 = tpu.memref_slice %arg8[%dma_start3A_943, %dma_start3A_944] : memref<128x136xf32, #tpu.memory_space<vmem>> -> memref<8x128xf32, #tpu.memory_space<vmem>>
      %dma_start3A_946 = arith.constant 0 : i32
      %dma_start3A_947 = arith.constant 0 : i32
      %dma_start3A_948 = tpu.memref_slice %arg4[%add3A_941, %dma_start3A_942, %add3A, %dma_start3A_946, %dma_start3A_947] : memref<200x8x32x8x128xf32, #tpu.memory_space<hbm>> -> memref<1x1x1x8x128xf32, #tpu.memory_space<hbm>>
      %dma_start3A_949 = tpu.memref_squeeze %dma_start3A_948 : memref<1x1x1x8x128xf32, #tpu.memory_space<hbm>> -> memref<8x128xf32, #tpu.memory_space<hbm>>
      %dma_start3A_950 = arith.constant 0 : i32
      %dma_start3A_951 = arith.constant 0 : i32
      %dma_start3A_952 = tpu.memref_slice %arg4[%add3A_941, %dma_start3A_942, %add3A, %dma_start3A_950, %dma_start3A_951] : memref<200x8x32x8x128xf32, #tpu.memory_space<hbm>> -> memref<1x1x1x8x128xf32, #tpu.memory_space<hbm>>
      %dma_start3A_953 = tpu.memref_squeeze %dma_start3A_952 : memref<1x1x1x8x128xf32, #tpu.memory_space<hbm>> -> memref<8x128xf32, #tpu.memory_space<hbm>>
      %dma_start3A_954 = arith.constant 112 : i32
      %dma_start3A_955 = arith.constant 0 : i32
      %dma_start3A_956 = tpu.memref_slice %arg8[%dma_start3A_954, %dma_start3A_955] : memref<128x136xf32, #tpu.memory_space<vmem>> -> memref<8x128xf32, #tpu.memory_space<vmem>>
      tpu.enqueue_dma source(%dma_start3A_956 : memref<8x128xf32, #tpu.memory_space<vmem>>) target(%dma_start3A_953 : memref<8x128xf32, #tpu.memory_space<hbm>>) target_semaphore(%arg12 : memref<!tpu.dma_semaphore, #tpu.memory_space<semaphore_mem>>)
      %mul3A_957 = arith.constant 2 : i32
      %mul3A_958 = arith.muli %add3A_637, %mul3A_957 : i32
      %add3A_959 = arith.constant 1 : i32
      %add3A_960 = arith.addi %mul3A_958, %add3A_959 : i32
      %dma_start3A_961 = arith.constant 7 : i32
      %dma_start3A_962 = arith.constant 120 : i32
      %dma_start3A_963 = arith.constant 0 : i32
      %dma_start3A_964 = tpu.memref_slice %arg8[%dma_start3A_962, %dma_start3A_963] : memref<128x136xf32, #tpu.memory_space<vmem>> -> memref<8x128xf32, #tpu.memory_space<vmem>>
      %dma_start3A_965 = arith.constant 0 : i32
      %dma_start3A_966 = arith.constant 0 : i32
      %dma_start3A_967 = tpu.memref_slice %arg4[%add3A_960, %dma_start3A_961, %add3A, %dma_start3A_965, %dma_start3A_966] : memref<200x8x32x8x128xf32, #tpu.memory_space<hbm>> -> memref<1x1x1x8x128xf32, #tpu.memory_space<hbm>>
      %dma_start3A_968 = tpu.memref_squeeze %dma_start3A_967 : memref<1x1x1x8x128xf32, #tpu.memory_space<hbm>> -> memref<8x128xf32, #tpu.memory_space<hbm>>
      %dma_start3A_969 = arith.constant 0 : i32
      %dma_start3A_970 = arith.constant 0 : i32
      %dma_start3A_971 = tpu.memref_slice %arg4[%add3A_960, %dma_start3A_961, %add3A, %dma_start3A_969, %dma_start3A_970] : memref<200x8x32x8x128xf32, #tpu.memory_space<hbm>> -> memref<1x1x1x8x128xf32, #tpu.memory_space<hbm>>
      %dma_start3A_972 = tpu.memref_squeeze %dma_start3A_971 : memref<1x1x1x8x128xf32, #tpu.memory_space<hbm>> -> memref<8x128xf32, #tpu.memory_space<hbm>>
      %dma_start3A_973 = arith.constant 120 : i32
      %dma_start3A_974 = arith.constant 0 : i32
      %dma_start3A_975 = tpu.memref_slice %arg8[%dma_start3A_973, %dma_start3A_974] : memref<128x136xf32, #tpu.memory_space<vmem>> -> memref<8x128xf32, #tpu.memory_space<vmem>>
      tpu.enqueue_dma source(%dma_start3A_975 : memref<8x128xf32, #tpu.memory_space<vmem>>) target(%dma_start3A_972 : memref<8x128xf32, #tpu.memory_space<hbm>>) target_semaphore(%arg12 : memref<!tpu.dma_semaphore, #tpu.memory_space<semaphore_mem>>)
      %mul3A_976 = arith.constant 2 : i32
      %mul3A_977 = arith.muli %mul3A_976, %scan3A_633 : i32
      %add3A_978 = arith.constant 1 : i32
      %add3A_979 = arith.addi %mul3A_977, %add3A_978 : i32
      %dma_wait3A_980 = arith.constant 0 : i32
      %dma_wait3A_981 = arith.constant 0 : i32
      %dma_wait3A_982 = arith.constant 0 : i32
      %dma_wait3A_983 = arith.constant 0 : i32
      %dma_wait3A_984 = tpu.memref_slice %arg7[%dma_wait3A_982, %dma_wait3A_983] : memref<256x64xf32, #tpu.memory_space<vmem>> -> memref<128x64xf32, #tpu.memory_space<vmem>>
      %dma_wait3A_985 = arith.constant 0 : i32
      %dma_wait3A_986 = tpu.memref_slice %arg5[%dma_wait3A_980, %dma_wait3A_981, %dma_wait3A_985] : memref<25x8x128xi32, #tpu.memory_space<vmem>> -> memref<1x1x128xi32, #tpu.memory_space<vmem>>
      %dma_wait3A_987 = tpu.memref_squeeze %dma_wait3A_986 : memref<1x1x128xi32, #tpu.memory_space<vmem>> -> memref<128xi32, #tpu.memory_space<vmem>>
      %dma_wait3A_988 = arith.constant 0 : i32
      %dma_wait3A_989 = arith.constant 0 : i32
      %dma_wait3A_990 = tpu.memref_slice %arg3[%dma_wait3A_988, %dma_wait3A_989] : memref<1000000x64xf32, #tpu.memory_space<hbm>> -> memref<1000000x64xf32, #tpu.memory_space<hbm>>
      tpu.wait_indirect_dma semaphore(%arg11 : memref<!tpu.dma_semaphore, #tpu.memory_space<semaphore_mem>>) src(%dma_wait3A_990 : memref<1000000x64xf32, #tpu.memory_space<hbm>>) dst(%dma_wait3A_984 : memref<128x64xf32, #tpu.memory_space<vmem>>)
      %dma_wait3A_991 = arith.constant 0 : i32
      %dma_wait3A_992 = arith.constant 0 : i32
      %dma_wait3A_993 = arith.constant 128 : i32
      %dma_wait3A_994 = arith.constant 0 : i32
      %dma_wait3A_995 = tpu.memref_slice %arg7[%dma_wait3A_993, %dma_wait3A_994] : memref<256x64xf32, #tpu.memory_space<vmem>> -> memref<128x64xf32, #tpu.memory_space<vmem>>
      %dma_wait3A_996 = arith.constant 0 : i32
      %dma_wait3A_997 = tpu.memref_slice %arg5[%dma_wait3A_991, %dma_wait3A_992, %dma_wait3A_996] : memref<25x8x128xi32, #tpu.memory_space<vmem>> -> memref<1x1x128xi32, #tpu.memory_space<vmem>>
      %dma_wait3A_998 = tpu.memref_squeeze %dma_wait3A_997 : memref<1x1x128xi32, #tpu.memory_space<vmem>> -> memref<128xi32, #tpu.memory_space<vmem>>
      %dma_wait3A_999 = arith.constant 0 : i32
      %dma_wait3A_1000 = arith.constant 0 : i32
      %dma_wait3A_1001 = tpu.memref_slice %arg3[%dma_wait3A_999, %dma_wait3A_1000] : memref<1000000x64xf32, #tpu.memory_space<hbm>> -> memref<1000000x64xf32, #tpu.memory_space<hbm>>
      tpu.wait_indirect_dma semaphore(%arg11 : memref<!tpu.dma_semaphore, #tpu.memory_space<semaphore_mem>>) src(%dma_wait3A_1001 : memref<1000000x64xf32, #tpu.memory_space<hbm>>) dst(%dma_wait3A_995 : memref<128x64xf32, #tpu.memory_space<vmem>>)
      %ge3A_1002 = arith.constant 1 : i32
      %ge3A_1003 = arith.cmpi sge, %scan3A_633, %ge3A_1002 : i32
      %convert_element_type3A_1004 = arith.extui %ge3A_1003 : i1 to i32
      %cond3A_1005 = arith.constant 0 : i32
      %cond3A_1006 = arith.cmpi ne, %convert_element_type3A_1004, %cond3A_1005 : i32
      scf.if %cond3A_1006 {
        %dma_wait3A_1322 = arith.constant 0 : i32
        %dma_wait3A_1323 = arith.constant 0 : i32
        %dma_wait3A_1324 = arith.constant 0 : i32
        %dma_wait3A_1325 = arith.constant 0 : i32
        %dma_wait3A_1326 = tpu.memref_slice %arg9[%dma_wait3A_1324, %dma_wait3A_1325] : memref<128x136xf32, #tpu.memory_space<vmem>> -> memref<8x128xf32, #tpu.memory_space<vmem>>
        %dma_wait3A_1327 = arith.constant 0 : i32
        %dma_wait3A_1328 = arith.constant 0 : i32
        %dma_wait3A_1329 = tpu.memref_slice %arg4[%dma_wait3A_1322, %dma_wait3A_1323, %add3A, %dma_wait3A_1327, %dma_wait3A_1328] : memref<200x8x32x8x128xf32, #tpu.memory_space<hbm>> -> memref<1x1x1x8x128xf32, #tpu.memory_space<hbm>>
        %dma_wait3A_1330 = tpu.memref_squeeze %dma_wait3A_1329 : memref<1x1x1x8x128xf32, #tpu.memory_space<hbm>> -> memref<8x128xf32, #tpu.memory_space<hbm>>
        %dma_wait3A_1331 = arith.constant 0 : i32
        %dma_wait3A_1332 = arith.constant 0 : i32
        %dma_wait3A_1333 = tpu.memref_slice %arg4[%dma_wait3A_1322, %dma_wait3A_1323, %add3A, %dma_wait3A_1331, %dma_wait3A_1332] : memref<200x8x32x8x128xf32, #tpu.memory_space<hbm>> -> memref<1x1x1x8x128xf32, #tpu.memory_space<hbm>>
        %dma_wait3A_1334 = tpu.memref_squeeze %dma_wait3A_1333 : memref<1x1x1x8x128xf32, #tpu.memory_space<hbm>> -> memref<8x128xf32, #tpu.memory_space<hbm>>
        %dma_wait3A_1335 = arith.constant 0 : i32
        %dma_wait3A_1336 = arith.constant 0 : i32
        %dma_wait3A_1337 = tpu.memref_slice %arg9[%dma_wait3A_1335, %dma_wait3A_1336] : memref<128x136xf32, #tpu.memory_space<vmem>> -> memref<8x128xf32, #tpu.memory_space<vmem>>
        tpu.wait_dma2 semaphore(%arg13 : memref<!tpu.dma_semaphore, #tpu.memory_space<semaphore_mem>>) src(%dma_wait3A_1337 : memref<8x128xf32, #tpu.memory_space<vmem>>) dst(%dma_wait3A_1334 : memref<8x128xf32, #tpu.memory_space<hbm>>)
        %dma_wait3A_1338 = arith.constant 0 : i32
        %dma_wait3A_1339 = arith.constant 0 : i32
        %dma_wait3A_1340 = arith.constant 0 : i32
        %dma_wait3A_1341 = arith.constant 0 : i32
        %dma_wait3A_1342 = tpu.memref_slice %arg9[%dma_wait3A_1340, %dma_wait3A_1341] : memref<128x136xf32, #tpu.memory_space<vmem>> -> memref<8x128xf32, #tpu.memory_space<vmem>>
        %dma_wait3A_1343 = arith.constant 0 : i32
        %dma_wait3A_1344 = arith.constant 0 : i32
        %dma_wait3A_1345 = tpu.memref_slice %arg4[%dma_wait3A_1338, %dma_wait3A_1339, %add3A, %dma_wait3A_1343, %dma_wait3A_1344] : memref<200x8x32x8x128xf32, #tpu.memory_space<hbm>> -> memref<1x1x1x8x128xf32, #tpu.memory_space<hbm>>
        %dma_wait3A_1346 = tpu.memref_squeeze %dma_wait3A_1345 : memref<1x1x1x8x128xf32, #tpu.memory_space<hbm>> -> memref<8x128xf32, #tpu.memory_space<hbm>>
        %dma_wait3A_1347 = arith.constant 0 : i32
        %dma_wait3A_1348 = arith.constant 0 : i32
        %dma_wait3A_1349 = tpu.memref_slice %arg4[%dma_wait3A_1338, %dma_wait3A_1339, %add3A, %dma_wait3A_1347, %dma_wait3A_1348] : memref<200x8x32x8x128xf32, #tpu.memory_space<hbm>> -> memref<1x1x1x8x128xf32, #tpu.memory_space<hbm>>
        %dma_wait3A_1350 = tpu.memref_squeeze %dma_wait3A_1349 : memref<1x1x1x8x128xf32, #tpu.memory_space<hbm>> -> memref<8x128xf32, #tpu.memory_space<hbm>>
        %dma_wait3A_1351 = arith.constant 0 : i32
        %dma_wait3A_1352 = arith.constant 0 : i32
        %dma_wait3A_1353 = tpu.memref_slice %arg9[%dma_wait3A_1351, %dma_wait3A_1352] : memref<128x136xf32, #tpu.memory_space<vmem>> -> memref<8x128xf32, #tpu.memory_space<vmem>>
        tpu.wait_dma2 semaphore(%arg13 : memref<!tpu.dma_semaphore, #tpu.memory_space<semaphore_mem>>) src(%dma_wait3A_1353 : memref<8x128xf32, #tpu.memory_space<vmem>>) dst(%dma_wait3A_1350 : memref<8x128xf32, #tpu.memory_space<hbm>>)
        %dma_wait3A_1354 = arith.constant 0 : i32
        %dma_wait3A_1355 = arith.constant 0 : i32
        %dma_wait3A_1356 = arith.constant 0 : i32
        %dma_wait3A_1357 = arith.constant 0 : i32
        %dma_wait3A_1358 = tpu.memref_slice %arg9[%dma_wait3A_1356, %dma_wait3A_1357] : memref<128x136xf32, #tpu.memory_space<vmem>> -> memref<8x128xf32, #tpu.memory_space<vmem>>
        %dma_wait3A_1359 = arith.constant 0 : i32
        %dma_wait3A_1360 = arith.constant 0 : i32
        %dma_wait3A_1361 = tpu.memref_slice %arg4[%dma_wait3A_1354, %dma_wait3A_1355, %add3A, %dma_wait3A_1359, %dma_wait3A_1360] : memref<200x8x32x8x128xf32, #tpu.memory_space<hbm>> -> memref<1x1x1x8x128xf32, #tpu.memory_space<hbm>>
        %dma_wait3A_1362 = tpu.memref_squeeze %dma_wait3A_1361 : memref<1x1x1x8x128xf32, #tpu.memory_space<hbm>> -> memref<8x128xf32, #tpu.memory_space<hbm>>
        %dma_wait3A_1363 = arith.constant 0 : i32
        %dma_wait3A_1364 = arith.constant 0 : i32
        %dma_wait3A_1365 = tpu.memref_slice %arg4[%dma_wait3A_1354, %dma_wait3A_1355, %add3A, %dma_wait3A_1363, %dma_wait3A_1364] : memref<200x8x32x8x128xf32, #tpu.memory_space<hbm>> -> memref<1x1x1x8x128xf32, #tpu.memory_space<hbm>>
        %dma_wait3A_1366 = tpu.memref_squeeze %dma_wait3A_1365 : memref<1x1x1x8x128xf32, #tpu.memory_space<hbm>> -> memref<8x128xf32, #tpu.memory_space<hbm>>
        %dma_wait3A_1367 = arith.constant 0 : i32
        %dma_wait3A_1368 = arith.constant 0 : i32
        %dma_wait3A_1369 = tpu.memref_slice %arg9[%dma_wait3A_1367, %dma_wait3A_1368] : memref<128x136xf32, #tpu.memory_space<vmem>> -> memref<8x128xf32, #tpu.memory_space<vmem>>
        tpu.wait_dma2 semaphore(%arg13 : memref<!tpu.dma_semaphore, #tpu.memory_space<semaphore_mem>>) src(%dma_wait3A_1369 : memref<8x128xf32, #tpu.memory_space<vmem>>) dst(%dma_wait3A_1366 : memref<8x128xf32, #tpu.memory_space<hbm>>)
        %dma_wait3A_1370 = arith.constant 0 : i32
        %dma_wait3A_1371 = arith.constant 0 : i32
        %dma_wait3A_1372 = arith.constant 0 : i32
        %dma_wait3A_1373 = arith.constant 0 : i32
        %dma_wait3A_1374 = tpu.memref_slice %arg9[%dma_wait3A_1372, %dma_wait3A_1373] : memref<128x136xf32, #tpu.memory_space<vmem>> -> memref<8x128xf32, #tpu.memory_space<vmem>>
        %dma_wait3A_1375 = arith.constant 0 : i32
        %dma_wait3A_1376 = arith.constant 0 : i32
        %dma_wait3A_1377 = tpu.memref_slice %arg4[%dma_wait3A_1370, %dma_wait3A_1371, %add3A, %dma_wait3A_1375, %dma_wait3A_1376] : memref<200x8x32x8x128xf32, #tpu.memory_space<hbm>> -> memref<1x1x1x8x128xf32, #tpu.memory_space<hbm>>
        %dma_wait3A_1378 = tpu.memref_squeeze %dma_wait3A_1377 : memref<1x1x1x8x128xf32, #tpu.memory_space<hbm>> -> memref<8x128xf32, #tpu.memory_space<hbm>>
        %dma_wait3A_1379 = arith.constant 0 : i32
        %dma_wait3A_1380 = arith.constant 0 : i32
        %dma_wait3A_1381 = tpu.memref_slice %arg4[%dma_wait3A_1370, %dma_wait3A_1371, %add3A, %dma_wait3A_1379, %dma_wait3A_1380] : memref<200x8x32x8x128xf32, #tpu.memory_space<hbm>> -> memref<1x1x1x8x128xf32, #tpu.memory_space<hbm>>
        %dma_wait3A_1382 = tpu.memref_squeeze %dma_wait3A_1381 : memref<1x1x1x8x128xf32, #tpu.memory_space<hbm>> -> memref<8x128xf32, #tpu.memory_space<hbm>>
        %dma_wait3A_1383 = arith.constant 0 : i32
        %dma_wait3A_1384 = arith.constant 0 : i32
        %dma_wait3A_1385 = tpu.memref_slice %arg9[%dma_wait3A_1383, %dma_wait3A_1384] : memref<128x136xf32, #tpu.memory_space<vmem>> -> memref<8x128xf32, #tpu.memory_space<vmem>>
        tpu.wait_dma2 semaphore(%arg13 : memref<!tpu.dma_semaphore, #tpu.memory_space<semaphore_mem>>) src(%dma_wait3A_1385 : memref<8x128xf32, #tpu.memory_space<vmem>>) dst(%dma_wait3A_1382 : memref<8x128xf32, #tpu.memory_space<hbm>>)
        %dma_wait3A_1386 = arith.constant 0 : i32
        %dma_wait3A_1387 = arith.constant 0 : i32
        %dma_wait3A_1388 = arith.constant 0 : i32
        %dma_wait3A_1389 = arith.constant 0 : i32
        %dma_wait3A_1390 = tpu.memref_slice %arg9[%dma_wait3A_1388, %dma_wait3A_1389] : memref<128x136xf32, #tpu.memory_space<vmem>> -> memref<8x128xf32, #tpu.memory_space<vmem>>
        %dma_wait3A_1391 = arith.constant 0 : i32
        %dma_wait3A_1392 = arith.constant 0 : i32
        %dma_wait3A_1393 = tpu.memref_slice %arg4[%dma_wait3A_1386, %dma_wait3A_1387, %add3A, %dma_wait3A_1391, %dma_wait3A_1392] : memref<200x8x32x8x128xf32, #tpu.memory_space<hbm>> -> memref<1x1x1x8x128xf32, #tpu.memory_space<hbm>>
        %dma_wait3A_1394 = tpu.memref_squeeze %dma_wait3A_1393 : memref<1x1x1x8x128xf32, #tpu.memory_space<hbm>> -> memref<8x128xf32, #tpu.memory_space<hbm>>
        %dma_wait3A_1395 = arith.constant 0 : i32
        %dma_wait3A_1396 = arith.constant 0 : i32
        %dma_wait3A_1397 = tpu.memref_slice %arg4[%dma_wait3A_1386, %dma_wait3A_1387, %add3A, %dma_wait3A_1395, %dma_wait3A_1396] : memref<200x8x32x8x128xf32, #tpu.memory_space<hbm>> -> memref<1x1x1x8x128xf32, #tpu.memory_space<hbm>>
        %dma_wait3A_1398 = tpu.memref_squeeze %dma_wait3A_1397 : memref<1x1x1x8x128xf32, #tpu.memory_space<hbm>> -> memref<8x128xf32, #tpu.memory_space<hbm>>
        %dma_wait3A_1399 = arith.constant 0 : i32
        %dma_wait3A_1400 = arith.constant 0 : i32
        %dma_wait3A_1401 = tpu.memref_slice %arg9[%dma_wait3A_1399, %dma_wait3A_1400] : memref<128x136xf32, #tpu.memory_space<vmem>> -> memref<8x128xf32, #tpu.memory_space<vmem>>
        tpu.wait_dma2 semaphore(%arg13 : memref<!tpu.dma_semaphore, #tpu.memory_space<semaphore_mem>>) src(%dma_wait3A_1401 : memref<8x128xf32, #tpu.memory_space<vmem>>) dst(%dma_wait3A_1398 : memref<8x128xf32, #tpu.memory_space<hbm>>)
        %dma_wait3A_1402 = arith.constant 0 : i32
        %dma_wait3A_1403 = arith.constant 0 : i32
        %dma_wait3A_1404 = arith.constant 0 : i32
        %dma_wait3A_1405 = arith.constant 0 : i32
        %dma_wait3A_1406 = tpu.memref_slice %arg9[%dma_wait3A_1404, %dma_wait3A_1405] : memref<128x136xf32, #tpu.memory_space<vmem>> -> memref<8x128xf32, #tpu.memory_space<vmem>>
        %dma_wait3A_1407 = arith.constant 0 : i32
        %dma_wait3A_1408 = arith.constant 0 : i32
        %dma_wait3A_1409 = tpu.memref_slice %arg4[%dma_wait3A_1402, %dma_wait3A_1403, %add3A, %dma_wait3A_1407, %dma_wait3A_1408] : memref<200x8x32x8x128xf32, #tpu.memory_space<hbm>> -> memref<1x1x1x8x128xf32, #tpu.memory_space<hbm>>
        %dma_wait3A_1410 = tpu.memref_squeeze %dma_wait3A_1409 : memref<1x1x1x8x128xf32, #tpu.memory_space<hbm>> -> memref<8x128xf32, #tpu.memory_space<hbm>>
        %dma_wait3A_1411 = arith.constant 0 : i32
        %dma_wait3A_1412 = arith.constant 0 : i32
        %dma_wait3A_1413 = tpu.memref_slice %arg4[%dma_wait3A_1402, %dma_wait3A_1403, %add3A, %dma_wait3A_1411, %dma_wait3A_1412] : memref<200x8x32x8x128xf32, #tpu.memory_space<hbm>> -> memref<1x1x1x8x128xf32, #tpu.memory_space<hbm>>
        %dma_wait3A_1414 = tpu.memref_squeeze %dma_wait3A_1413 : memref<1x1x1x8x128xf32, #tpu.memory_space<hbm>> -> memref<8x128xf32, #tpu.memory_space<hbm>>
        %dma_wait3A_1415 = arith.constant 0 : i32
        %dma_wait3A_1416 = arith.constant 0 : i32
        %dma_wait3A_1417 = tpu.memref_slice %arg9[%dma_wait3A_1415, %dma_wait3A_1416] : memref<128x136xf32, #tpu.memory_space<vmem>> -> memref<8x128xf32, #tpu.memory_space<vmem>>
        tpu.wait_dma2 semaphore(%arg13 : memref<!tpu.dma_semaphore, #tpu.memory_space<semaphore_mem>>) src(%dma_wait3A_1417 : memref<8x128xf32, #tpu.memory_space<vmem>>) dst(%dma_wait3A_1414 : memref<8x128xf32, #tpu.memory_space<hbm>>)
        %dma_wait3A_1418 = arith.constant 0 : i32
        %dma_wait3A_1419 = arith.constant 0 : i32
        %dma_wait3A_1420 = arith.constant 0 : i32
        %dma_wait3A_1421 = arith.constant 0 : i32
        %dma_wait3A_1422 = tpu.memref_slice %arg9[%dma_wait3A_1420, %dma_wait3A_1421] : memref<128x136xf32, #tpu.memory_space<vmem>> -> memref<8x128xf32, #tpu.memory_space<vmem>>
        %dma_wait3A_1423 = arith.constant 0 : i32
        %dma_wait3A_1424 = arith.constant 0 : i32
        %dma_wait3A_1425 = tpu.memref_slice %arg4[%dma_wait3A_1418, %dma_wait3A_1419, %add3A, %dma_wait3A_1423, %dma_wait3A_1424] : memref<200x8x32x8x128xf32, #tpu.memory_space<hbm>> -> memref<1x1x1x8x128xf32, #tpu.memory_space<hbm>>
        %dma_wait3A_1426 = tpu.memref_squeeze %dma_wait3A_1425 : memref<1x1x1x8x128xf32, #tpu.memory_space<hbm>> -> memref<8x128xf32, #tpu.memory_space<hbm>>
        %dma_wait3A_1427 = arith.constant 0 : i32
        %dma_wait3A_1428 = arith.constant 0 : i32
        %dma_wait3A_1429 = tpu.memref_slice %arg4[%dma_wait3A_1418, %dma_wait3A_1419, %add3A, %dma_wait3A_1427, %dma_wait3A_1428] : memref<200x8x32x8x128xf32, #tpu.memory_space<hbm>> -> memref<1x1x1x8x128xf32, #tpu.memory_space<hbm>>
        %dma_wait3A_1430 = tpu.memref_squeeze %dma_wait3A_1429 : memref<1x1x1x8x128xf32, #tpu.memory_space<hbm>> -> memref<8x128xf32, #tpu.memory_space<hbm>>
        %dma_wait3A_1431 = arith.constant 0 : i32
        %dma_wait3A_1432 = arith.constant 0 : i32
        %dma_wait3A_1433 = tpu.memref_slice %arg9[%dma_wait3A_1431, %dma_wait3A_1432] : memref<128x136xf32, #tpu.memory_space<vmem>> -> memref<8x128xf32, #tpu.memory_space<vmem>>
        tpu.wait_dma2 semaphore(%arg13 : memref<!tpu.dma_semaphore, #tpu.memory_space<semaphore_mem>>) src(%dma_wait3A_1433 : memref<8x128xf32, #tpu.memory_space<vmem>>) dst(%dma_wait3A_1430 : memref<8x128xf32, #tpu.memory_space<hbm>>)
        %dma_wait3A_1434 = arith.constant 0 : i32
        %dma_wait3A_1435 = arith.constant 0 : i32
        %dma_wait3A_1436 = arith.constant 0 : i32
        %dma_wait3A_1437 = arith.constant 0 : i32
        %dma_wait3A_1438 = tpu.memref_slice %arg9[%dma_wait3A_1436, %dma_wait3A_1437] : memref<128x136xf32, #tpu.memory_space<vmem>> -> memref<8x128xf32, #tpu.memory_space<vmem>>
        %dma_wait3A_1439 = arith.constant 0 : i32
        %dma_wait3A_1440 = arith.constant 0 : i32
        %dma_wait3A_1441 = tpu.memref_slice %arg4[%dma_wait3A_1434, %dma_wait3A_1435, %add3A, %dma_wait3A_1439, %dma_wait3A_1440] : memref<200x8x32x8x128xf32, #tpu.memory_space<hbm>> -> memref<1x1x1x8x128xf32, #tpu.memory_space<hbm>>
        %dma_wait3A_1442 = tpu.memref_squeeze %dma_wait3A_1441 : memref<1x1x1x8x128xf32, #tpu.memory_space<hbm>> -> memref<8x128xf32, #tpu.memory_space<hbm>>
        %dma_wait3A_1443 = arith.constant 0 : i32
        %dma_wait3A_1444 = arith.constant 0 : i32
        %dma_wait3A_1445 = tpu.memref_slice %arg4[%dma_wait3A_1434, %dma_wait3A_1435, %add3A, %dma_wait3A_1443, %dma_wait3A_1444] : memref<200x8x32x8x128xf32, #tpu.memory_space<hbm>> -> memref<1x1x1x8x128xf32, #tpu.memory_space<hbm>>
        %dma_wait3A_1446 = tpu.memref_squeeze %dma_wait3A_1445 : memref<1x1x1x8x128xf32, #tpu.memory_space<hbm>> -> memref<8x128xf32, #tpu.memory_space<hbm>>
        %dma_wait3A_1447 = arith.constant 0 : i32
        %dma_wait3A_1448 = arith.constant 0 : i32
        %dma_wait3A_1449 = tpu.memref_slice %arg9[%dma_wait3A_1447, %dma_wait3A_1448] : memref<128x136xf32, #tpu.memory_space<vmem>> -> memref<8x128xf32, #tpu.memory_space<vmem>>
        tpu.wait_dma2 semaphore(%arg13 : memref<!tpu.dma_semaphore, #tpu.memory_space<semaphore_mem>>) src(%dma_wait3A_1449 : memref<8x128xf32, #tpu.memory_space<vmem>>) dst(%dma_wait3A_1446 : memref<8x128xf32, #tpu.memory_space<hbm>>)
        %dma_wait3A_1450 = arith.constant 0 : i32
        %dma_wait3A_1451 = arith.constant 0 : i32
        %dma_wait3A_1452 = arith.constant 0 : i32
        %dma_wait3A_1453 = arith.constant 0 : i32
        %dma_wait3A_1454 = tpu.memref_slice %arg9[%dma_wait3A_1452, %dma_wait3A_1453] : memref<128x136xf32, #tpu.memory_space<vmem>> -> memref<8x128xf32, #tpu.memory_space<vmem>>
        %dma_wait3A_1455 = arith.constant 0 : i32
        %dma_wait3A_1456 = arith.constant 0 : i32
        %dma_wait3A_1457 = tpu.memref_slice %arg4[%dma_wait3A_1450, %dma_wait3A_1451, %add3A, %dma_wait3A_1455, %dma_wait3A_1456] : memref<200x8x32x8x128xf32, #tpu.memory_space<hbm>> -> memref<1x1x1x8x128xf32, #tpu.memory_space<hbm>>
        %dma_wait3A_1458 = tpu.memref_squeeze %dma_wait3A_1457 : memref<1x1x1x8x128xf32, #tpu.memory_space<hbm>> -> memref<8x128xf32, #tpu.memory_space<hbm>>
        %dma_wait3A_1459 = arith.constant 0 : i32
        %dma_wait3A_1460 = arith.constant 0 : i32
        %dma_wait3A_1461 = tpu.memref_slice %arg4[%dma_wait3A_1450, %dma_wait3A_1451, %add3A, %dma_wait3A_1459, %dma_wait3A_1460] : memref<200x8x32x8x128xf32, #tpu.memory_space<hbm>> -> memref<1x1x1x8x128xf32, #tpu.memory_space<hbm>>
        %dma_wait3A_1462 = tpu.memref_squeeze %dma_wait3A_1461 : memref<1x1x1x8x128xf32, #tpu.memory_space<hbm>> -> memref<8x128xf32, #tpu.memory_space<hbm>>
        %dma_wait3A_1463 = arith.constant 0 : i32
        %dma_wait3A_1464 = arith.constant 0 : i32
        %dma_wait3A_1465 = tpu.memref_slice %arg9[%dma_wait3A_1463, %dma_wait3A_1464] : memref<128x136xf32, #tpu.memory_space<vmem>> -> memref<8x128xf32, #tpu.memory_space<vmem>>
        tpu.wait_dma2 semaphore(%arg13 : memref<!tpu.dma_semaphore, #tpu.memory_space<semaphore_mem>>) src(%dma_wait3A_1465 : memref<8x128xf32, #tpu.memory_space<vmem>>) dst(%dma_wait3A_1462 : memref<8x128xf32, #tpu.memory_space<hbm>>)
        %dma_wait3A_1466 = arith.constant 0 : i32
        %dma_wait3A_1467 = arith.constant 0 : i32
        %dma_wait3A_1468 = arith.constant 0 : i32
        %dma_wait3A_1469 = arith.constant 0 : i32
        %dma_wait3A_1470 = tpu.memref_slice %arg9[%dma_wait3A_1468, %dma_wait3A_1469] : memref<128x136xf32, #tpu.memory_space<vmem>> -> memref<8x128xf32, #tpu.memory_space<vmem>>
        %dma_wait3A_1471 = arith.constant 0 : i32
        %dma_wait3A_1472 = arith.constant 0 : i32
        %dma_wait3A_1473 = tpu.memref_slice %arg4[%dma_wait3A_1466, %dma_wait3A_1467, %add3A, %dma_wait3A_1471, %dma_wait3A_1472] : memref<200x8x32x8x128xf32, #tpu.memory_space<hbm>> -> memref<1x1x1x8x128xf32, #tpu.memory_space<hbm>>
        %dma_wait3A_1474 = tpu.memref_squeeze %dma_wait3A_1473 : memref<1x1x1x8x128xf32, #tpu.memory_space<hbm>> -> memref<8x128xf32, #tpu.memory_space<hbm>>
        %dma_wait3A_1475 = arith.constant 0 : i32
        %dma_wait3A_1476 = arith.constant 0 : i32
        %dma_wait3A_1477 = tpu.memref_slice %arg4[%dma_wait3A_1466, %dma_wait3A_1467, %add3A, %dma_wait3A_1475, %dma_wait3A_1476] : memref<200x8x32x8x128xf32, #tpu.memory_space<hbm>> -> memref<1x1x1x8x128xf32, #tpu.memory_space<hbm>>
        %dma_wait3A_1478 = tpu.memref_squeeze %dma_wait3A_1477 : memref<1x1x1x8x128xf32, #tpu.memory_space<hbm>> -> memref<8x128xf32, #tpu.memory_space<hbm>>
        %dma_wait3A_1479 = arith.constant 0 : i32
        %dma_wait3A_1480 = arith.constant 0 : i32
        %dma_wait3A_1481 = tpu.memref_slice %arg9[%dma_wait3A_1479, %dma_wait3A_1480] : memref<128x136xf32, #tpu.memory_space<vmem>> -> memref<8x128xf32, #tpu.memory_space<vmem>>
        tpu.wait_dma2 semaphore(%arg13 : memref<!tpu.dma_semaphore, #tpu.memory_space<semaphore_mem>>) src(%dma_wait3A_1481 : memref<8x128xf32, #tpu.memory_space<vmem>>) dst(%dma_wait3A_1478 : memref<8x128xf32, #tpu.memory_space<hbm>>)
        %dma_wait3A_1482 = arith.constant 0 : i32
        %dma_wait3A_1483 = arith.constant 0 : i32
        %dma_wait3A_1484 = arith.constant 0 : i32
        %dma_wait3A_1485 = arith.constant 0 : i32
        %dma_wait3A_1486 = tpu.memref_slice %arg9[%dma_wait3A_1484, %dma_wait3A_1485] : memref<128x136xf32, #tpu.memory_space<vmem>> -> memref<8x128xf32, #tpu.memory_space<vmem>>
        %dma_wait3A_1487 = arith.constant 0 : i32
        %dma_wait3A_1488 = arith.constant 0 : i32
        %dma_wait3A_1489 = tpu.memref_slice %arg4[%dma_wait3A_1482, %dma_wait3A_1483, %add3A, %dma_wait3A_1487, %dma_wait3A_1488] : memref<200x8x32x8x128xf32, #tpu.memory_space<hbm>> -> memref<1x1x1x8x128xf32, #tpu.memory_space<hbm>>
        %dma_wait3A_1490 = tpu.memref_squeeze %dma_wait3A_1489 : memref<1x1x1x8x128xf32, #tpu.memory_space<hbm>> -> memref<8x128xf32, #tpu.memory_space<hbm>>
        %dma_wait3A_1491 = arith.constant 0 : i32
        %dma_wait3A_1492 = arith.constant 0 : i32
        %dma_wait3A_1493 = tpu.memref_slice %arg4[%dma_wait3A_1482, %dma_wait3A_1483, %add3A, %dma_wait3A_1491, %dma_wait3A_1492] : memref<200x8x32x8x128xf32, #tpu.memory_space<hbm>> -> memref<1x1x1x8x128xf32, #tpu.memory_space<hbm>>
        %dma_wait3A_1494 = tpu.memref_squeeze %dma_wait3A_1493 : memref<1x1x1x8x128xf32, #tpu.memory_space<hbm>> -> memref<8x128xf32, #tpu.memory_space<hbm>>
        %dma_wait3A_1495 = arith.constant 0 : i32
        %dma_wait3A_1496 = arith.constant 0 : i32
        %dma_wait3A_1497 = tpu.memref_slice %arg9[%dma_wait3A_1495, %dma_wait3A_1496] : memref<128x136xf32, #tpu.memory_space<vmem>> -> memref<8x128xf32, #tpu.memory_space<vmem>>
        tpu.wait_dma2 semaphore(%arg13 : memref<!tpu.dma_semaphore, #tpu.memory_space<semaphore_mem>>) src(%dma_wait3A_1497 : memref<8x128xf32, #tpu.memory_space<vmem>>) dst(%dma_wait3A_1494 : memref<8x128xf32, #tpu.memory_space<hbm>>)
        %dma_wait3A_1498 = arith.constant 0 : i32
        %dma_wait3A_1499 = arith.constant 0 : i32
        %dma_wait3A_1500 = arith.constant 0 : i32
        %dma_wait3A_1501 = arith.constant 0 : i32
        %dma_wait3A_1502 = tpu.memref_slice %arg9[%dma_wait3A_1500, %dma_wait3A_1501] : memref<128x136xf32, #tpu.memory_space<vmem>> -> memref<8x128xf32, #tpu.memory_space<vmem>>
        %dma_wait3A_1503 = arith.constant 0 : i32
        %dma_wait3A_1504 = arith.constant 0 : i32
        %dma_wait3A_1505 = tpu.memref_slice %arg4[%dma_wait3A_1498, %dma_wait3A_1499, %add3A, %dma_wait3A_1503, %dma_wait3A_1504] : memref<200x8x32x8x128xf32, #tpu.memory_space<hbm>> -> memref<1x1x1x8x128xf32, #tpu.memory_space<hbm>>
        %dma_wait3A_1506 = tpu.memref_squeeze %dma_wait3A_1505 : memref<1x1x1x8x128xf32, #tpu.memory_space<hbm>> -> memref<8x128xf32, #tpu.memory_space<hbm>>
        %dma_wait3A_1507 = arith.constant 0 : i32
        %dma_wait3A_1508 = arith.constant 0 : i32
        %dma_wait3A_1509 = tpu.memref_slice %arg4[%dma_wait3A_1498, %dma_wait3A_1499, %add3A, %dma_wait3A_1507, %dma_wait3A_1508] : memref<200x8x32x8x128xf32, #tpu.memory_space<hbm>> -> memref<1x1x1x8x128xf32, #tpu.memory_space<hbm>>
        %dma_wait3A_1510 = tpu.memref_squeeze %dma_wait3A_1509 : memref<1x1x1x8x128xf32, #tpu.memory_space<hbm>> -> memref<8x128xf32, #tpu.memory_space<hbm>>
        %dma_wait3A_1511 = arith.constant 0 : i32
        %dma_wait3A_1512 = arith.constant 0 : i32
        %dma_wait3A_1513 = tpu.memref_slice %arg9[%dma_wait3A_1511, %dma_wait3A_1512] : memref<128x136xf32, #tpu.memory_space<vmem>> -> memref<8x128xf32, #tpu.memory_space<vmem>>
        tpu.wait_dma2 semaphore(%arg13 : memref<!tpu.dma_semaphore, #tpu.memory_space<semaphore_mem>>) src(%dma_wait3A_1513 : memref<8x128xf32, #tpu.memory_space<vmem>>) dst(%dma_wait3A_1510 : memref<8x128xf32, #tpu.memory_space<hbm>>)
        %dma_wait3A_1514 = arith.constant 0 : i32
        %dma_wait3A_1515 = arith.constant 0 : i32
        %dma_wait3A_1516 = arith.constant 0 : i32
        %dma_wait3A_1517 = arith.constant 0 : i32
        %dma_wait3A_1518 = tpu.memref_slice %arg9[%dma_wait3A_1516, %dma_wait3A_1517] : memref<128x136xf32, #tpu.memory_space<vmem>> -> memref<8x128xf32, #tpu.memory_space<vmem>>
        %dma_wait3A_1519 = arith.constant 0 : i32
        %dma_wait3A_1520 = arith.constant 0 : i32
        %dma_wait3A_1521 = tpu.memref_slice %arg4[%dma_wait3A_1514, %dma_wait3A_1515, %add3A, %dma_wait3A_1519, %dma_wait3A_1520] : memref<200x8x32x8x128xf32, #tpu.memory_space<hbm>> -> memref<1x1x1x8x128xf32, #tpu.memory_space<hbm>>
        %dma_wait3A_1522 = tpu.memref_squeeze %dma_wait3A_1521 : memref<1x1x1x8x128xf32, #tpu.memory_space<hbm>> -> memref<8x128xf32, #tpu.memory_space<hbm>>
        %dma_wait3A_1523 = arith.constant 0 : i32
        %dma_wait3A_1524 = arith.constant 0 : i32
        %dma_wait3A_1525 = tpu.memref_slice %arg4[%dma_wait3A_1514, %dma_wait3A_1515, %add3A, %dma_wait3A_1523, %dma_wait3A_1524] : memref<200x8x32x8x128xf32, #tpu.memory_space<hbm>> -> memref<1x1x1x8x128xf32, #tpu.memory_space<hbm>>
        %dma_wait3A_1526 = tpu.memref_squeeze %dma_wait3A_1525 : memref<1x1x1x8x128xf32, #tpu.memory_space<hbm>> -> memref<8x128xf32, #tpu.memory_space<hbm>>
        %dma_wait3A_1527 = arith.constant 0 : i32
        %dma_wait3A_1528 = arith.constant 0 : i32
        %dma_wait3A_1529 = tpu.memref_slice %arg9[%dma_wait3A_1527, %dma_wait3A_1528] : memref<128x136xf32, #tpu.memory_space<vmem>> -> memref<8x128xf32, #tpu.memory_space<vmem>>
        tpu.wait_dma2 semaphore(%arg13 : memref<!tpu.dma_semaphore, #tpu.memory_space<semaphore_mem>>) src(%dma_wait3A_1529 : memref<8x128xf32, #tpu.memory_space<vmem>>) dst(%dma_wait3A_1526 : memref<8x128xf32, #tpu.memory_space<hbm>>)
        %dma_wait3A_1530 = arith.constant 0 : i32
        %dma_wait3A_1531 = arith.constant 0 : i32
        %dma_wait3A_1532 = arith.constant 0 : i32
        %dma_wait3A_1533 = arith.constant 0 : i32
        %dma_wait3A_1534 = tpu.memref_slice %arg9[%dma_wait3A_1532, %dma_wait3A_1533] : memref<128x136xf32, #tpu.memory_space<vmem>> -> memref<8x128xf32, #tpu.memory_space<vmem>>
        %dma_wait3A_1535 = arith.constant 0 : i32
        %dma_wait3A_1536 = arith.constant 0 : i32
        %dma_wait3A_1537 = tpu.memref_slice %arg4[%dma_wait3A_1530, %dma_wait3A_1531, %add3A, %dma_wait3A_1535, %dma_wait3A_1536] : memref<200x8x32x8x128xf32, #tpu.memory_space<hbm>> -> memref<1x1x1x8x128xf32, #tpu.memory_space<hbm>>
        %dma_wait3A_1538 = tpu.memref_squeeze %dma_wait3A_1537 : memref<1x1x1x8x128xf32, #tpu.memory_space<hbm>> -> memref<8x128xf32, #tpu.memory_space<hbm>>
        %dma_wait3A_1539 = arith.constant 0 : i32
        %dma_wait3A_1540 = arith.constant 0 : i32
        %dma_wait3A_1541 = tpu.memref_slice %arg4[%dma_wait3A_1530, %dma_wait3A_1531, %add3A, %dma_wait3A_1539, %dma_wait3A_1540] : memref<200x8x32x8x128xf32, #tpu.memory_space<hbm>> -> memref<1x1x1x8x128xf32, #tpu.memory_space<hbm>>
        %dma_wait3A_1542 = tpu.memref_squeeze %dma_wait3A_1541 : memref<1x1x1x8x128xf32, #tpu.memory_space<hbm>> -> memref<8x128xf32, #tpu.memory_space<hbm>>
        %dma_wait3A_1543 = arith.constant 0 : i32
        %dma_wait3A_1544 = arith.constant 0 : i32
        %dma_wait3A_1545 = tpu.memref_slice %arg9[%dma_wait3A_1543, %dma_wait3A_1544] : memref<128x136xf32, #tpu.memory_space<vmem>> -> memref<8x128xf32, #tpu.memory_space<vmem>>
        tpu.wait_dma2 semaphore(%arg13 : memref<!tpu.dma_semaphore, #tpu.memory_space<semaphore_mem>>) src(%dma_wait3A_1545 : memref<8x128xf32, #tpu.memory_space<vmem>>) dst(%dma_wait3A_1542 : memref<8x128xf32, #tpu.memory_space<hbm>>)
        %dma_wait3A_1546 = arith.constant 0 : i32
        %dma_wait3A_1547 = arith.constant 0 : i32
        %dma_wait3A_1548 = arith.constant 0 : i32
        %dma_wait3A_1549 = arith.constant 0 : i32
        %dma_wait3A_1550 = tpu.memref_slice %arg9[%dma_wait3A_1548, %dma_wait3A_1549] : memref<128x136xf32, #tpu.memory_space<vmem>> -> memref<8x128xf32, #tpu.memory_space<vmem>>
        %dma_wait3A_1551 = arith.constant 0 : i32
        %dma_wait3A_1552 = arith.constant 0 : i32
        %dma_wait3A_1553 = tpu.memref_slice %arg4[%dma_wait3A_1546, %dma_wait3A_1547, %add3A, %dma_wait3A_1551, %dma_wait3A_1552] : memref<200x8x32x8x128xf32, #tpu.memory_space<hbm>> -> memref<1x1x1x8x128xf32, #tpu.memory_space<hbm>>
        %dma_wait3A_1554 = tpu.memref_squeeze %dma_wait3A_1553 : memref<1x1x1x8x128xf32, #tpu.memory_space<hbm>> -> memref<8x128xf32, #tpu.memory_space<hbm>>
        %dma_wait3A_1555 = arith.constant 0 : i32
        %dma_wait3A_1556 = arith.constant 0 : i32
        %dma_wait3A_1557 = tpu.memref_slice %arg4[%dma_wait3A_1546, %dma_wait3A_1547, %add3A, %dma_wait3A_1555, %dma_wait3A_1556] : memref<200x8x32x8x128xf32, #tpu.memory_space<hbm>> -> memref<1x1x1x8x128xf32, #tpu.memory_space<hbm>>
        %dma_wait3A_1558 = tpu.memref_squeeze %dma_wait3A_1557 : memref<1x1x1x8x128xf32, #tpu.memory_space<hbm>> -> memref<8x128xf32, #tpu.memory_space<hbm>>
        %dma_wait3A_1559 = arith.constant 0 : i32
        %dma_wait3A_1560 = arith.constant 0 : i32
        %dma_wait3A_1561 = tpu.memref_slice %arg9[%dma_wait3A_1559, %dma_wait3A_1560] : memref<128x136xf32, #tpu.memory_space<vmem>> -> memref<8x128xf32, #tpu.memory_space<vmem>>
        tpu.wait_dma2 semaphore(%arg13 : memref<!tpu.dma_semaphore, #tpu.memory_space<semaphore_mem>>) src(%dma_wait3A_1561 : memref<8x128xf32, #tpu.memory_space<vmem>>) dst(%dma_wait3A_1558 : memref<8x128xf32, #tpu.memory_space<hbm>>)
        %dma_wait3A_1562 = arith.constant 0 : i32
        %dma_wait3A_1563 = arith.constant 0 : i32
        %dma_wait3A_1564 = arith.constant 0 : i32
        %dma_wait3A_1565 = arith.constant 0 : i32
        %dma_wait3A_1566 = tpu.memref_slice %arg9[%dma_wait3A_1564, %dma_wait3A_1565] : memref<128x136xf32, #tpu.memory_space<vmem>> -> memref<8x128xf32, #tpu.memory_space<vmem>>
        %dma_wait3A_1567 = arith.constant 0 : i32
        %dma_wait3A_1568 = arith.constant 0 : i32
        %dma_wait3A_1569 = tpu.memref_slice %arg4[%dma_wait3A_1562, %dma_wait3A_1563, %add3A, %dma_wait3A_1567, %dma_wait3A_1568] : memref<200x8x32x8x128xf32, #tpu.memory_space<hbm>> -> memref<1x1x1x8x128xf32, #tpu.memory_space<hbm>>
        %dma_wait3A_1570 = tpu.memref_squeeze %dma_wait3A_1569 : memref<1x1x1x8x128xf32, #tpu.memory_space<hbm>> -> memref<8x128xf32, #tpu.memory_space<hbm>>
        %dma_wait3A_1571 = arith.constant 0 : i32
        %dma_wait3A_1572 = arith.constant 0 : i32
        %dma_wait3A_1573 = tpu.memref_slice %arg4[%dma_wait3A_1562, %dma_wait3A_1563, %add3A, %dma_wait3A_1571, %dma_wait3A_1572] : memref<200x8x32x8x128xf32, #tpu.memory_space<hbm>> -> memref<1x1x1x8x128xf32, #tpu.memory_space<hbm>>
        %dma_wait3A_1574 = tpu.memref_squeeze %dma_wait3A_1573 : memref<1x1x1x8x128xf32, #tpu.memory_space<hbm>> -> memref<8x128xf32, #tpu.memory_space<hbm>>
        %dma_wait3A_1575 = arith.constant 0 : i32
        %dma_wait3A_1576 = arith.constant 0 : i32
        %dma_wait3A_1577 = tpu.memref_slice %arg9[%dma_wait3A_1575, %dma_wait3A_1576] : memref<128x136xf32, #tpu.memory_space<vmem>> -> memref<8x128xf32, #tpu.memory_space<vmem>>
        tpu.wait_dma2 semaphore(%arg13 : memref<!tpu.dma_semaphore, #tpu.memory_space<semaphore_mem>>) src(%dma_wait3A_1577 : memref<8x128xf32, #tpu.memory_space<vmem>>) dst(%dma_wait3A_1574 : memref<8x128xf32, #tpu.memory_space<hbm>>)
      } else {
      }
      %scan3A_1007 = arith.constant 0 : i32
      %scan3A_1008 = arith.constant 0 : i32
      %scan3A_1009 = arith.constant 128 : i32
      %scan3A_1010 = arith.addi %scan3A_1008, %scan3A_1009 : i32
      %scan3A_1011 = arith.constant 4 : i32
      scf.for %scan3A_1322 = %scan3A_1008 to %scan3A_1010 step %scan3A_1011  : i32 {
        %broadcast_in_dim3A = vector.broadcast %scan3A_1322 : i32 to vector<16xi32>
        %add3A_1323 = arith.constant 0 : i32
        %add3A_1324 = arith.addi %add3A_1323, %scan3A_1322 : i32
        %get3A = arith.index_cast %add3A_1324 : i32 to index
        %get3A_1325 = arith.constant 0 : index
        %get3A_1326 = tpu.vector_load %arg7[%get3A, %get3A_1325] {strides = array<i32>} : memref<256x64xf32, #tpu.memory_space<vmem>>, vector<16xf32>,
        %mul3A_1327 = arith.constant 8.000000e+00 : f32
        %mul3A_1328 = vector.broadcast %mul3A_1327 : f32 to vector<16xf32>
        %mul3A_1329 = arith.mulf %get3A_1326, %mul3A_1328 : vector<16xf32>
        tpu.vector_store_idx %arg9[%add3A_52, %broadcast_in_dim3A], %mul3A_1329 : memref<128x136xf32, #tpu.memory_space<vmem>>[vector<16xi32>, vector<16xi32>], vector<16xf32>,
        %get3A_1330 = arith.index_cast %add3A_1324 : i32 to index
        %get3A_1331 = arith.constant 16 : index
        %get3A_1332 = tpu.vector_load %arg7[%get3A_1330, %get3A_1331] {strides = array<i32>} : memref<256x64xf32, #tpu.memory_space<vmem>>, vector<16xf32>,
        %mul3A_1333 = arith.constant 8.000000e+00 : f32
        %mul3A_1334 = vector.broadcast %mul3A_1333 : f32 to vector<16xf32>
        %mul3A_1335 = arith.mulf %get3A_1332, %mul3A_1334 : vector<16xf32>
        tpu.vector_store_idx %arg9[%add3A_55, %broadcast_in_dim3A], %mul3A_1335 : memref<128x136xf32, #tpu.memory_space<vmem>>[vector<16xi32>, vector<16xi32>], vector<16xf32>,
        %get3A_1336 = arith.index_cast %add3A_1324 : i32 to index
        %get3A_1337 = arith.constant 32 : index
        %get3A_1338 = tpu.vector_load %arg7[%get3A_1336, %get3A_1337] {strides = array<i32>} : memref<256x64xf32, #tpu.memory_space<vmem>>, vector<16xf32>,
        %mul3A_1339 = arith.constant 8.000000e+00 : f32
        %mul3A_1340 = vector.broadcast %mul3A_1339 : f32 to vector<16xf32>
        %mul3A_1341 = arith.mulf %get3A_1338, %mul3A_1340 : vector<16xf32>
        tpu.vector_store_idx %arg9[%add3A_58, %broadcast_in_dim3A], %mul3A_1341 : memref<128x136xf32, #tpu.memory_space<vmem>>[vector<16xi32>, vector<16xi32>], vector<16xf32>,
        %get3A_1342 = arith.index_cast %add3A_1324 : i32 to index
        %get3A_1343 = arith.constant 48 : index
        %get3A_1344 = tpu.vector_load %arg7[%get3A_1342, %get3A_1343] {strides = array<i32>} : memref<256x64xf32, #tpu.memory_space<vmem>>, vector<16xf32>,
        %mul3A_1345 = arith.constant 8.000000e+00 : f32
        %mul3A_1346 = vector.broadcast %mul3A_1345 : f32 to vector<16xf32>
        %mul3A_1347 = arith.mulf %get3A_1344, %mul3A_1346 : vector<16xf32>
        tpu.vector_store_idx %arg9[%add3A_61, %broadcast_in_dim3A], %mul3A_1347 : memref<128x136xf32, #tpu.memory_space<vmem>>[vector<16xi32>, vector<16xi32>], vector<16xf32>,
        %add3A_1348 = arith.constant 128 : i32
        %add3A_1349 = arith.addi %add3A_1348, %scan3A_1322 : i32
        %get3A_1350 = arith.index_cast %add3A_1349 : i32 to index
        %get3A_1351 = arith.constant 0 : index
        %get3A_1352 = tpu.vector_load %arg7[%get3A_1350, %get3A_1351] {strides = array<i32>} : memref<256x64xf32, #tpu.memory_space<vmem>>, vector<16xf32>,
        %mul3A_1353 = arith.constant 8.000000e+00 : f32
        %mul3A_1354 = vector.broadcast %mul3A_1353 : f32 to vector<16xf32>
        %mul3A_1355 = arith.mulf %get3A_1352, %mul3A_1354 : vector<16xf32>
        tpu.vector_store_idx %arg9[%add3A_64, %broadcast_in_dim3A], %mul3A_1355 : memref<128x136xf32, #tpu.memory_space<vmem>>[vector<16xi32>, vector<16xi32>], vector<16xf32>,
        %get3A_1356 = arith.index_cast %add3A_1349 : i32 to index
        %get3A_1357 = arith.constant 16 : index
        %get3A_1358 = tpu.vector_load %arg7[%get3A_1356, %get3A_1357] {strides = array<i32>} : memref<256x64xf32, #tpu.memory_space<vmem>>, vector<16xf32>,
        %mul3A_1359 = arith.constant 8.000000e+00 : f32
        %mul3A_1360 = vector.broadcast %mul3A_1359 : f32 to vector<16xf32>
        %mul3A_1361 = arith.mulf %get3A_1358, %mul3A_1360 : vector<16xf32>
        tpu.vector_store_idx %arg9[%add3A_67, %broadcast_in_dim3A], %mul3A_1361 : memref<128x136xf32, #tpu.memory_space<vmem>>[vector<16xi32>, vector<16xi32>], vector<16xf32>,
        %get3A_1362 = arith.index_cast %add3A_1349 : i32 to index
        %get3A_1363 = arith.constant 32 : index
        %get3A_1364 = tpu.vector_load %arg7[%get3A_1362, %get3A_1363] {strides = array<i32>} : memref<256x64xf32, #tpu.memory_space<vmem>>, vector<16xf32>,
        %mul3A_1365 = arith.constant 8.000000e+00 : f32
        %mul3A_1366 = vector.broadcast %mul3A_1365 : f32 to vector<16xf32>
        %mul3A_1367 = arith.mulf %get3A_1364, %mul3A_1366 : vector<16xf32>
        tpu.vector_store_idx %arg9[%add3A_70, %broadcast_in_dim3A], %mul3A_1367 : memref<128x136xf32, #tpu.memory_space<vmem>>[vector<16xi32>, vector<16xi32>], vector<16xf32>,
        %get3A_1368 = arith.index_cast %add3A_1349 : i32 to index
        %get3A_1369 = arith.constant 48 : index
        %get3A_1370 = tpu.vector_load %arg7[%get3A_1368, %get3A_1369] {strides = array<i32>} : memref<256x64xf32, #tpu.memory_space<vmem>>, vector<16xf32>,
        %mul3A_1371 = arith.constant 8.000000e+00 : f32
        %mul3A_1372 = vector.broadcast %mul3A_1371 : f32 to vector<16xf32>
        %mul3A_1373 = arith.mulf %get3A_1370, %mul3A_1372 : vector<16xf32>
        tpu.vector_store_idx %arg9[%add3A_73, %broadcast_in_dim3A], %mul3A_1373 : memref<128x136xf32, #tpu.memory_space<vmem>>[vector<16xi32>, vector<16xi32>], vector<16xf32>,
        %scan3A_1374 = arith.constant 1 : i32
        %scan3A_1375 = arith.addi %scan3A_1322, %scan3A_1374 : i32
        %broadcast_in_dim3A_1376 = vector.broadcast %scan3A_1375 : i32 to vector<16xi32>
        %add3A_1377 = arith.constant 0 : i32
        %add3A_1378 = arith.addi %add3A_1377, %scan3A_1375 : i32
        %get3A_1379 = arith.index_cast %add3A_1378 : i32 to index
        %get3A_1380 = arith.constant 0 : index
        %get3A_1381 = tpu.vector_load %arg7[%get3A_1379, %get3A_1380] {strides = array<i32>} : memref<256x64xf32, #tpu.memory_space<vmem>>, vector<16xf32>,
        %mul3A_1382 = arith.constant 8.000000e+00 : f32
        %mul3A_1383 = vector.broadcast %mul3A_1382 : f32 to vector<16xf32>
        %mul3A_1384 = arith.mulf %get3A_1381, %mul3A_1383 : vector<16xf32>
        tpu.vector_store_idx %arg9[%add3A_52, %broadcast_in_dim3A_1376], %mul3A_1384 : memref<128x136xf32, #tpu.memory_space<vmem>>[vector<16xi32>, vector<16xi32>], vector<16xf32>,
        %get3A_1385 = arith.index_cast %add3A_1378 : i32 to index
        %get3A_1386 = arith.constant 16 : index
        %get3A_1387 = tpu.vector_load %arg7[%get3A_1385, %get3A_1386] {strides = array<i32>} : memref<256x64xf32, #tpu.memory_space<vmem>>, vector<16xf32>,
        %mul3A_1388 = arith.constant 8.000000e+00 : f32
        %mul3A_1389 = vector.broadcast %mul3A_1388 : f32 to vector<16xf32>
        %mul3A_1390 = arith.mulf %get3A_1387, %mul3A_1389 : vector<16xf32>
        tpu.vector_store_idx %arg9[%add3A_55, %broadcast_in_dim3A_1376], %mul3A_1390 : memref<128x136xf32, #tpu.memory_space<vmem>>[vector<16xi32>, vector<16xi32>], vector<16xf32>,
        %get3A_1391 = arith.index_cast %add3A_1378 : i32 to index
        %get3A_1392 = arith.constant 32 : index
        %get3A_1393 = tpu.vector_load %arg7[%get3A_1391, %get3A_1392] {strides = array<i32>} : memref<256x64xf32, #tpu.memory_space<vmem>>, vector<16xf32>,
        %mul3A_1394 = arith.constant 8.000000e+00 : f32
        %mul3A_1395 = vector.broadcast %mul3A_1394 : f32 to vector<16xf32>
        %mul3A_1396 = arith.mulf %get3A_1393, %mul3A_1395 : vector<16xf32>
        tpu.vector_store_idx %arg9[%add3A_58, %broadcast_in_dim3A_1376], %mul3A_1396 : memref<128x136xf32, #tpu.memory_space<vmem>>[vector<16xi32>, vector<16xi32>], vector<16xf32>,
        %get3A_1397 = arith.index_cast %add3A_1378 : i32 to index
        %get3A_1398 = arith.constant 48 : index
        %get3A_1399 = tpu.vector_load %arg7[%get3A_1397, %get3A_1398] {strides = array<i32>} : memref<256x64xf32, #tpu.memory_space<vmem>>, vector<16xf32>,
        %mul3A_1400 = arith.constant 8.000000e+00 : f32
        %mul3A_1401 = vector.broadcast %mul3A_1400 : f32 to vector<16xf32>
        %mul3A_1402 = arith.mulf %get3A_1399, %mul3A_1401 : vector<16xf32>
        tpu.vector_store_idx %arg9[%add3A_61, %broadcast_in_dim3A_1376], %mul3A_1402 : memref<128x136xf32, #tpu.memory_space<vmem>>[vector<16xi32>, vector<16xi32>], vector<16xf32>,
        %add3A_1403 = arith.constant 128 : i32
        %add3A_1404 = arith.addi %add3A_1403, %scan3A_1375 : i32
        %get3A_1405 = arith.index_cast %add3A_1404 : i32 to index
        %get3A_1406 = arith.constant 0 : index
        %get3A_1407 = tpu.vector_load %arg7[%get3A_1405, %get3A_1406] {strides = array<i32>} : memref<256x64xf32, #tpu.memory_space<vmem>>, vector<16xf32>,
        %mul3A_1408 = arith.constant 8.000000e+00 : f32
        %mul3A_1409 = vector.broadcast %mul3A_1408 : f32 to vector<16xf32>
        %mul3A_1410 = arith.mulf %get3A_1407, %mul3A_1409 : vector<16xf32>
        tpu.vector_store_idx %arg9[%add3A_64, %broadcast_in_dim3A_1376], %mul3A_1410 : memref<128x136xf32, #tpu.memory_space<vmem>>[vector<16xi32>, vector<16xi32>], vector<16xf32>,
        %get3A_1411 = arith.index_cast %add3A_1404 : i32 to index
        %get3A_1412 = arith.constant 16 : index
        %get3A_1413 = tpu.vector_load %arg7[%get3A_1411, %get3A_1412] {strides = array<i32>} : memref<256x64xf32, #tpu.memory_space<vmem>>, vector<16xf32>,
        %mul3A_1414 = arith.constant 8.000000e+00 : f32
        %mul3A_1415 = vector.broadcast %mul3A_1414 : f32 to vector<16xf32>
        %mul3A_1416 = arith.mulf %get3A_1413, %mul3A_1415 : vector<16xf32>
        tpu.vector_store_idx %arg9[%add3A_67, %broadcast_in_dim3A_1376], %mul3A_1416 : memref<128x136xf32, #tpu.memory_space<vmem>>[vector<16xi32>, vector<16xi32>], vector<16xf32>,
        %get3A_1417 = arith.index_cast %add3A_1404 : i32 to index
        %get3A_1418 = arith.constant 32 : index
        %get3A_1419 = tpu.vector_load %arg7[%get3A_1417, %get3A_1418] {strides = array<i32>} : memref<256x64xf32, #tpu.memory_space<vmem>>, vector<16xf32>,
        %mul3A_1420 = arith.constant 8.000000e+00 : f32
        %mul3A_1421 = vector.broadcast %mul3A_1420 : f32 to vector<16xf32>
        %mul3A_1422 = arith.mulf %get3A_1419, %mul3A_1421 : vector<16xf32>
        tpu.vector_store_idx %arg9[%add3A_70, %broadcast_in_dim3A_1376], %mul3A_1422 : memref<128x136xf32, #tpu.memory_space<vmem>>[vector<16xi32>, vector<16xi32>], vector<16xf32>,
        %get3A_1423 = arith.index_cast %add3A_1404 : i32 to index
        %get3A_1424 = arith.constant 48 : index
        %get3A_1425 = tpu.vector_load %arg7[%get3A_1423, %get3A_1424] {strides = array<i32>} : memref<256x64xf32, #tpu.memory_space<vmem>>, vector<16xf32>,
        %mul3A_1426 = arith.constant 8.000000e+00 : f32
        %mul3A_1427 = vector.broadcast %mul3A_1426 : f32 to vector<16xf32>
        %mul3A_1428 = arith.mulf %get3A_1425, %mul3A_1427 : vector<16xf32>
        tpu.vector_store_idx %arg9[%add3A_73, %broadcast_in_dim3A_1376], %mul3A_1428 : memref<128x136xf32, #tpu.memory_space<vmem>>[vector<16xi32>, vector<16xi32>], vector<16xf32>,
        %scan3A_1429 = arith.constant 2 : i32
        %scan3A_1430 = arith.addi %scan3A_1322, %scan3A_1429 : i32
        %broadcast_in_dim3A_1431 = vector.broadcast %scan3A_1430 : i32 to vector<16xi32>
        %add3A_1432 = arith.constant 0 : i32
        %add3A_1433 = arith.addi %add3A_1432, %scan3A_1430 : i32
        %get3A_1434 = arith.index_cast %add3A_1433 : i32 to index
        %get3A_1435 = arith.constant 0 : index
        %get3A_1436 = tpu.vector_load %arg7[%get3A_1434, %get3A_1435] {strides = array<i32>} : memref<256x64xf32, #tpu.memory_space<vmem>>, vector<16xf32>,
        %mul3A_1437 = arith.constant 8.000000e+00 : f32
        %mul3A_1438 = vector.broadcast %mul3A_1437 : f32 to vector<16xf32>
        %mul3A_1439 = arith.mulf %get3A_1436, %mul3A_1438 : vector<16xf32>
        tpu.vector_store_idx %arg9[%add3A_52, %broadcast_in_dim3A_1431], %mul3A_1439 : memref<128x136xf32, #tpu.memory_space<vmem>>[vector<16xi32>, vector<16xi32>], vector<16xf32>,
        %get3A_1440 = arith.index_cast %add3A_1433 : i32 to index
        %get3A_1441 = arith.constant 16 : index
        %get3A_1442 = tpu.vector_load %arg7[%get3A_1440, %get3A_1441] {strides = array<i32>} : memref<256x64xf32, #tpu.memory_space<vmem>>, vector<16xf32>,
        %mul3A_1443 = arith.constant 8.000000e+00 : f32
        %mul3A_1444 = vector.broadcast %mul3A_1443 : f32 to vector<16xf32>
        %mul3A_1445 = arith.mulf %get3A_1442, %mul3A_1444 : vector<16xf32>
        tpu.vector_store_idx %arg9[%add3A_55, %broadcast_in_dim3A_1431], %mul3A_1445 : memref<128x136xf32, #tpu.memory_space<vmem>>[vector<16xi32>, vector<16xi32>], vector<16xf32>,
        %get3A_1446 = arith.index_cast %add3A_1433 : i32 to index
        %get3A_1447 = arith.constant 32 : index
        %get3A_1448 = tpu.vector_load %arg7[%get3A_1446, %get3A_1447] {strides = array<i32>} : memref<256x64xf32, #tpu.memory_space<vmem>>, vector<16xf32>,
        %mul3A_1449 = arith.constant 8.000000e+00 : f32
        %mul3A_1450 = vector.broadcast %mul3A_1449 : f32 to vector<16xf32>
        %mul3A_1451 = arith.mulf %get3A_1448, %mul3A_1450 : vector<16xf32>
        tpu.vector_store_idx %arg9[%add3A_58, %broadcast_in_dim3A_1431], %mul3A_1451 : memref<128x136xf32, #tpu.memory_space<vmem>>[vector<16xi32>, vector<16xi32>], vector<16xf32>,
        %get3A_1452 = arith.index_cast %add3A_1433 : i32 to index
        %get3A_1453 = arith.constant 48 : index
        %get3A_1454 = tpu.vector_load %arg7[%get3A_1452, %get3A_1453] {strides = array<i32>} : memref<256x64xf32, #tpu.memory_space<vmem>>, vector<16xf32>,
        %mul3A_1455 = arith.constant 8.000000e+00 : f32
        %mul3A_1456 = vector.broadcast %mul3A_1455 : f32 to vector<16xf32>
        %mul3A_1457 = arith.mulf %get3A_1454, %mul3A_1456 : vector<16xf32>
        tpu.vector_store_idx %arg9[%add3A_61, %broadcast_in_dim3A_1431], %mul3A_1457 : memref<128x136xf32, #tpu.memory_space<vmem>>[vector<16xi32>, vector<16xi32>], vector<16xf32>,
        %add3A_1458 = arith.constant 128 : i32
        %add3A_1459 = arith.addi %add3A_1458, %scan3A_1430 : i32
        %get3A_1460 = arith.index_cast %add3A_1459 : i32 to index
        %get3A_1461 = arith.constant 0 : index
        %get3A_1462 = tpu.vector_load %arg7[%get3A_1460, %get3A_1461] {strides = array<i32>} : memref<256x64xf32, #tpu.memory_space<vmem>>, vector<16xf32>,
        %mul3A_1463 = arith.constant 8.000000e+00 : f32
        %mul3A_1464 = vector.broadcast %mul3A_1463 : f32 to vector<16xf32>
        %mul3A_1465 = arith.mulf %get3A_1462, %mul3A_1464 : vector<16xf32>
        tpu.vector_store_idx %arg9[%add3A_64, %broadcast_in_dim3A_1431], %mul3A_1465 : memref<128x136xf32, #tpu.memory_space<vmem>>[vector<16xi32>, vector<16xi32>], vector<16xf32>,
        %get3A_1466 = arith.index_cast %add3A_1459 : i32 to index
        %get3A_1467 = arith.constant 16 : index
        %get3A_1468 = tpu.vector_load %arg7[%get3A_1466, %get3A_1467] {strides = array<i32>} : memref<256x64xf32, #tpu.memory_space<vmem>>, vector<16xf32>,
        %mul3A_1469 = arith.constant 8.000000e+00 : f32
        %mul3A_1470 = vector.broadcast %mul3A_1469 : f32 to vector<16xf32>
        %mul3A_1471 = arith.mulf %get3A_1468, %mul3A_1470 : vector<16xf32>
        tpu.vector_store_idx %arg9[%add3A_67, %broadcast_in_dim3A_1431], %mul3A_1471 : memref<128x136xf32, #tpu.memory_space<vmem>>[vector<16xi32>, vector<16xi32>], vector<16xf32>,
        %get3A_1472 = arith.index_cast %add3A_1459 : i32 to index
        %get3A_1473 = arith.constant 32 : index
        %get3A_1474 = tpu.vector_load %arg7[%get3A_1472, %get3A_1473] {strides = array<i32>} : memref<256x64xf32, #tpu.memory_space<vmem>>, vector<16xf32>,
        %mul3A_1475 = arith.constant 8.000000e+00 : f32
        %mul3A_1476 = vector.broadcast %mul3A_1475 : f32 to vector<16xf32>
        %mul3A_1477 = arith.mulf %get3A_1474, %mul3A_1476 : vector<16xf32>
        tpu.vector_store_idx %arg9[%add3A_70, %broadcast_in_dim3A_1431], %mul3A_1477 : memref<128x136xf32, #tpu.memory_space<vmem>>[vector<16xi32>, vector<16xi32>], vector<16xf32>,
        %get3A_1478 = arith.index_cast %add3A_1459 : i32 to index
        %get3A_1479 = arith.constant 48 : index
        %get3A_1480 = tpu.vector_load %arg7[%get3A_1478, %get3A_1479] {strides = array<i32>} : memref<256x64xf32, #tpu.memory_space<vmem>>, vector<16xf32>,
        %mul3A_1481 = arith.constant 8.000000e+00 : f32
        %mul3A_1482 = vector.broadcast %mul3A_1481 : f32 to vector<16xf32>
        %mul3A_1483 = arith.mulf %get3A_1480, %mul3A_1482 : vector<16xf32>
        tpu.vector_store_idx %arg9[%add3A_73, %broadcast_in_dim3A_1431], %mul3A_1483 : memref<128x136xf32, #tpu.memory_space<vmem>>[vector<16xi32>, vector<16xi32>], vector<16xf32>,
        %scan3A_1484 = arith.constant 3 : i32
        %scan3A_1485 = arith.addi %scan3A_1322, %scan3A_1484 : i32
        %broadcast_in_dim3A_1486 = vector.broadcast %scan3A_1485 : i32 to vector<16xi32>
        %add3A_1487 = arith.constant 0 : i32
        %add3A_1488 = arith.addi %add3A_1487, %scan3A_1485 : i32
        %get3A_1489 = arith.index_cast %add3A_1488 : i32 to index
        %get3A_1490 = arith.constant 0 : index
        %get3A_1491 = tpu.vector_load %arg7[%get3A_1489, %get3A_1490] {strides = array<i32>} : memref<256x64xf32, #tpu.memory_space<vmem>>, vector<16xf32>,
        %mul3A_1492 = arith.constant 8.000000e+00 : f32
        %mul3A_1493 = vector.broadcast %mul3A_1492 : f32 to vector<16xf32>
        %mul3A_1494 = arith.mulf %get3A_1491, %mul3A_1493 : vector<16xf32>
        tpu.vector_store_idx %arg9[%add3A_52, %broadcast_in_dim3A_1486], %mul3A_1494 : memref<128x136xf32, #tpu.memory_space<vmem>>[vector<16xi32>, vector<16xi32>], vector<16xf32>,
        %get3A_1495 = arith.index_cast %add3A_1488 : i32 to index
        %get3A_1496 = arith.constant 16 : index
        %get3A_1497 = tpu.vector_load %arg7[%get3A_1495, %get3A_1496] {strides = array<i32>} : memref<256x64xf32, #tpu.memory_space<vmem>>, vector<16xf32>,
        %mul3A_1498 = arith.constant 8.000000e+00 : f32
        %mul3A_1499 = vector.broadcast %mul3A_1498 : f32 to vector<16xf32>
        %mul3A_1500 = arith.mulf %get3A_1497, %mul3A_1499 : vector<16xf32>
        tpu.vector_store_idx %arg9[%add3A_55, %broadcast_in_dim3A_1486], %mul3A_1500 : memref<128x136xf32, #tpu.memory_space<vmem>>[vector<16xi32>, vector<16xi32>], vector<16xf32>,
        %get3A_1501 = arith.index_cast %add3A_1488 : i32 to index
        %get3A_1502 = arith.constant 32 : index
        %get3A_1503 = tpu.vector_load %arg7[%get3A_1501, %get3A_1502] {strides = array<i32>} : memref<256x64xf32, #tpu.memory_space<vmem>>, vector<16xf32>,
        %mul3A_1504 = arith.constant 8.000000e+00 : f32
        %mul3A_1505 = vector.broadcast %mul3A_1504 : f32 to vector<16xf32>
        %mul3A_1506 = arith.mulf %get3A_1503, %mul3A_1505 : vector<16xf32>
        tpu.vector_store_idx %arg9[%add3A_58, %broadcast_in_dim3A_1486], %mul3A_1506 : memref<128x136xf32, #tpu.memory_space<vmem>>[vector<16xi32>, vector<16xi32>], vector<16xf32>,
        %get3A_1507 = arith.index_cast %add3A_1488 : i32 to index
        %get3A_1508 = arith.constant 48 : index
        %get3A_1509 = tpu.vector_load %arg7[%get3A_1507, %get3A_1508] {strides = array<i32>} : memref<256x64xf32, #tpu.memory_space<vmem>>, vector<16xf32>,
        %mul3A_1510 = arith.constant 8.000000e+00 : f32
        %mul3A_1511 = vector.broadcast %mul3A_1510 : f32 to vector<16xf32>
        %mul3A_1512 = arith.mulf %get3A_1509, %mul3A_1511 : vector<16xf32>
        tpu.vector_store_idx %arg9[%add3A_61, %broadcast_in_dim3A_1486], %mul3A_1512 : memref<128x136xf32, #tpu.memory_space<vmem>>[vector<16xi32>, vector<16xi32>], vector<16xf32>,
        %add3A_1513 = arith.constant 128 : i32
        %add3A_1514 = arith.addi %add3A_1513, %scan3A_1485 : i32
        %get3A_1515 = arith.index_cast %add3A_1514 : i32 to index
        %get3A_1516 = arith.constant 0 : index
        %get3A_1517 = tpu.vector_load %arg7[%get3A_1515, %get3A_1516] {strides = array<i32>} : memref<256x64xf32, #tpu.memory_space<vmem>>, vector<16xf32>,
        %mul3A_1518 = arith.constant 8.000000e+00 : f32
        %mul3A_1519 = vector.broadcast %mul3A_1518 : f32 to vector<16xf32>
        %mul3A_1520 = arith.mulf %get3A_1517, %mul3A_1519 : vector<16xf32>
        tpu.vector_store_idx %arg9[%add3A_64, %broadcast_in_dim3A_1486], %mul3A_1520 : memref<128x136xf32, #tpu.memory_space<vmem>>[vector<16xi32>, vector<16xi32>], vector<16xf32>,
        %get3A_1521 = arith.index_cast %add3A_1514 : i32 to index
        %get3A_1522 = arith.constant 16 : index
        %get3A_1523 = tpu.vector_load %arg7[%get3A_1521, %get3A_1522] {strides = array<i32>} : memref<256x64xf32, #tpu.memory_space<vmem>>, vector<16xf32>,
        %mul3A_1524 = arith.constant 8.000000e+00 : f32
        %mul3A_1525 = vector.broadcast %mul3A_1524 : f32 to vector<16xf32>
        %mul3A_1526 = arith.mulf %get3A_1523, %mul3A_1525 : vector<16xf32>
        tpu.vector_store_idx %arg9[%add3A_67, %broadcast_in_dim3A_1486], %mul3A_1526 : memref<128x136xf32, #tpu.memory_space<vmem>>[vector<16xi32>, vector<16xi32>], vector<16xf32>,
        %get3A_1527 = arith.index_cast %add3A_1514 : i32 to index
        %get3A_1528 = arith.constant 32 : index
        %get3A_1529 = tpu.vector_load %arg7[%get3A_1527, %get3A_1528] {strides = array<i32>} : memref<256x64xf32, #tpu.memory_space<vmem>>, vector<16xf32>,
        %mul3A_1530 = arith.constant 8.000000e+00 : f32
        %mul3A_1531 = vector.broadcast %mul3A_1530 : f32 to vector<16xf32>
        %mul3A_1532 = arith.mulf %get3A_1529, %mul3A_1531 : vector<16xf32>
        tpu.vector_store_idx %arg9[%add3A_70, %broadcast_in_dim3A_1486], %mul3A_1532 : memref<128x136xf32, #tpu.memory_space<vmem>>[vector<16xi32>, vector<16xi32>], vector<16xf32>,
        %get3A_1533 = arith.index_cast %add3A_1514 : i32 to index
        %get3A_1534 = arith.constant 48 : index
        %get3A_1535 = tpu.vector_load %arg7[%get3A_1533, %get3A_1534] {strides = array<i32>} : memref<256x64xf32, #tpu.memory_space<vmem>>, vector<16xf32>,
        %mul3A_1536 = arith.constant 8.000000e+00 : f32
        %mul3A_1537 = vector.broadcast %mul3A_1536 : f32 to vector<16xf32>
        %mul3A_1538 = arith.mulf %get3A_1535, %mul3A_1537 : vector<16xf32>
        tpu.vector_store_idx %arg9[%add3A_73, %broadcast_in_dim3A_1486], %mul3A_1538 : memref<128x136xf32, #tpu.memory_space<vmem>>[vector<16xi32>, vector<16xi32>], vector<16xf32>,
      }
      %scan3A_1012 = arith.constant 128 : i32
      %le3A_1013 = arith.constant 48 : i32
      %le3A_1014 = arith.cmpi sle, %scan3A_633, %le3A_1013 : i32
      %convert_element_type3A_1015 = arith.extui %le3A_1014 : i1 to i32
      %cond3A_1016 = arith.constant 0 : i32
      %cond3A_1017 = arith.cmpi ne, %convert_element_type3A_1015, %cond3A_1016 : i32
      scf.if %cond3A_1017 {
        %add3A_1322 = arith.constant 2 : i32
        %add3A_1323 = arith.addi %add3A_979, %add3A_1322 : i32
        %mul3A_1324 = arith.constant 2 : i32
        %mul3A_1325 = arith.muli %add3A_1323, %mul3A_1324 : i32
        %add3A_1326 = arith.constant 0 : i32
        %add3A_1327 = arith.addi %mul3A_1325, %add3A_1326 : i32
        %jit3A = arith.constant 8 : i32
        %div3A = arith.divsi %add3A_1327, %jit3A : i32
        %sign3A = arith.constant 0 : i32
        %sign3A_1328 = arith.cmpi sgt, %add3A_1327, %sign3A : i32
        %sign3A_1329 = arith.extui %sign3A_1328 : i1 to i32
        %sign3A_1330 = arith.constant 0 : i32
        %sign3A_1331 = arith.cmpi slt, %add3A_1327, %sign3A_1330 : i32
        %sign3A_1332 = arith.extui %sign3A_1331 : i1 to i32
        %sign3A_1333 = arith.subi %sign3A_1329, %sign3A_1332 : i32
        %sign3A_1334 = arith.constant 0 : i32
        %sign3A_1335 = arith.cmpi sgt, %jit3A, %sign3A_1334 : i32
        %sign3A_1336 = arith.extui %sign3A_1335 : i1 to i32
        %sign3A_1337 = arith.constant 0 : i32
        %sign3A_1338 = arith.cmpi slt, %jit3A, %sign3A_1337 : i32
        %sign3A_1339 = arith.extui %sign3A_1338 : i1 to i32
        %sign3A_1340 = arith.subi %sign3A_1336, %sign3A_1339 : i32
        %ne3A = arith.cmpi ne, %sign3A_1333, %sign3A_1340 : i32
        %rem3A = arith.remsi %add3A_1327, %jit3A : i32
        %ne3A_1341 = arith.constant 0 : i32
        %ne3A_1342 = arith.cmpi ne, %rem3A, %ne3A_1341 : i32
        %and3A = arith.andi %ne3A, %ne3A_1342 : i1
        %sub3A = arith.constant 1 : i32
        %sub3A_1343 = arith.subi %div3A, %sub3A : i32
        %select_n3A = arith.select %and3A, %sub3A_1343, %div3A : i32
        %jit3A_1344 = arith.constant 8 : i32
        %eq3A = arith.constant 0 : i32
        %eq3A_1345 = arith.cmpi eq, %jit3A_1344, %eq3A : i32
        %jit3A_1346 = arith.constant 1 : i32
        %select_n3A_1347 = arith.select %eq3A_1345, %jit3A_1346, %jit3A_1344 : i32
        %rem3A_1348 = arith.remsi %add3A_1327, %select_n3A_1347 : i32
        %ne3A_1349 = arith.constant 0 : i32
        %ne3A_1350 = arith.cmpi ne, %rem3A_1348, %ne3A_1349 : i32
        %lt3A = arith.constant 0 : i32
        %lt3A_1351 = arith.cmpi slt, %rem3A_1348, %lt3A : i32
        %lt3A_1352 = arith.constant 0 : i32
        %lt3A_1353 = arith.cmpi slt, %select_n3A_1347, %lt3A_1352 : i32
        %ne3A_1354 = arith.xori %lt3A_1351, %lt3A_1353 : i1
        %and3A_1355 = arith.andi %ne3A_1354, %ne3A_1350 : i1
        %add3A_1356 = arith.addi %rem3A_1348, %select_n3A_1347 : i32
        %select_n3A_1357 = arith.select %and3A_1355, %add3A_1356, %rem3A_1348 : i32
        %dma_start3A_1358 = arith.constant 0 : i32
        %dma_start3A_1359 = arith.constant 0 : i32
        %dma_start3A_1360 = tpu.memref_slice %arg7[%dma_start3A_1358, %dma_start3A_1359] : memref<256x64xf32, #tpu.memory_space<vmem>> -> memref<128x64xf32, #tpu.memory_space<vmem>>
        %dma_start3A_1361 = arith.constant 0 : i32
        %dma_start3A_1362 = tpu.memref_slice %arg5[%select_n3A, %select_n3A_1357, %dma_start3A_1361] : memref<25x8x128xi32, #tpu.memory_space<vmem>> -> memref<1x1x128xi32, #tpu.memory_space<vmem>>
        %dma_start3A_1363 = tpu.memref_squeeze %dma_start3A_1362 : memref<1x1x128xi32, #tpu.memory_space<vmem>> -> memref<128xi32, #tpu.memory_space<vmem>>
        %dma_start3A_1364 = arith.constant 0 : i32
        %dma_start3A_1365 = arith.constant 0 : i32
        %dma_start3A_1366 = tpu.memref_slice %arg3[%dma_start3A_1364, %dma_start3A_1365] : memref<1000000x64xf32, #tpu.memory_space<hbm>> -> memref<1000000x64xf32, #tpu.memory_space<hbm>>
        tpu.enqueue_indirect_dma source(%dma_start3A_1366 : memref<1000000x64xf32, #tpu.memory_space<hbm>>) target(%dma_start3A_1360 : memref<128x64xf32, #tpu.memory_space<vmem>>) offsets(%dma_start3A_1363 : memref<128xi32, #tpu.memory_space<vmem>>) semaphore(%arg11 : memref<!tpu.dma_semaphore, #tpu.memory_space<semaphore_mem>>)
        %mul3A_1367 = arith.constant 2 : i32
        %mul3A_1368 = arith.muli %add3A_1323, %mul3A_1367 : i32
        %add3A_1369 = arith.constant 1 : i32
        %add3A_1370 = arith.addi %mul3A_1368, %add3A_1369 : i32
        %jit3A_1371 = arith.constant 8 : i32
        %div3A_1372 = arith.divsi %add3A_1370, %jit3A_1371 : i32
        %sign3A_1373 = arith.constant 0 : i32
        %sign3A_1374 = arith.cmpi sgt, %add3A_1370, %sign3A_1373 : i32
        %sign3A_1375 = arith.extui %sign3A_1374 : i1 to i32
        %sign3A_1376 = arith.constant 0 : i32
        %sign3A_1377 = arith.cmpi slt, %add3A_1370, %sign3A_1376 : i32
        %sign3A_1378 = arith.extui %sign3A_1377 : i1 to i32
        %sign3A_1379 = arith.subi %sign3A_1375, %sign3A_1378 : i32
        %sign3A_1380 = arith.constant 0 : i32
        %sign3A_1381 = arith.cmpi sgt, %jit3A_1371, %sign3A_1380 : i32
        %sign3A_1382 = arith.extui %sign3A_1381 : i1 to i32
        %sign3A_1383 = arith.constant 0 : i32
        %sign3A_1384 = arith.cmpi slt, %jit3A_1371, %sign3A_1383 : i32
        %sign3A_1385 = arith.extui %sign3A_1384 : i1 to i32
        %sign3A_1386 = arith.subi %sign3A_1382, %sign3A_1385 : i32
        %ne3A_1387 = arith.cmpi ne, %sign3A_1379, %sign3A_1386 : i32
        %rem3A_1388 = arith.remsi %add3A_1370, %jit3A_1371 : i32
        %ne3A_1389 = arith.constant 0 : i32
        %ne3A_1390 = arith.cmpi ne, %rem3A_1388, %ne3A_1389 : i32
        %and3A_1391 = arith.andi %ne3A_1387, %ne3A_1390 : i1
        %sub3A_1392 = arith.constant 1 : i32
        %sub3A_1393 = arith.subi %div3A_1372, %sub3A_1392 : i32
        %select_n3A_1394 = arith.select %and3A_1391, %sub3A_1393, %div3A_1372 : i32
        %jit3A_1395 = arith.constant 8 : i32
        %eq3A_1396 = arith.constant 0 : i32
        %eq3A_1397 = arith.cmpi eq, %jit3A_1395, %eq3A_1396 : i32
        %jit3A_1398 = arith.constant 1 : i32
        %select_n3A_1399 = arith.select %eq3A_1397, %jit3A_1398, %jit3A_1395 : i32
        %rem3A_1400 = arith.remsi %add3A_1370, %select_n3A_1399 : i32
        %ne3A_1401 = arith.constant 0 : i32
        %ne3A_1402 = arith.cmpi ne, %rem3A_1400, %ne3A_1401 : i32
        %lt3A_1403 = arith.constant 0 : i32
        %lt3A_1404 = arith.cmpi slt, %rem3A_1400, %lt3A_1403 : i32
        %lt3A_1405 = arith.constant 0 : i32
        %lt3A_1406 = arith.cmpi slt, %select_n3A_1399, %lt3A_1405 : i32
        %ne3A_1407 = arith.xori %lt3A_1404, %lt3A_1406 : i1
        %and3A_1408 = arith.andi %ne3A_1407, %ne3A_1402 : i1
        %add3A_1409 = arith.addi %rem3A_1400, %select_n3A_1399 : i32
        %select_n3A_1410 = arith.select %and3A_1408, %add3A_1409, %rem3A_1400 : i32
        %dma_start3A_1411 = arith.constant 128 : i32
        %dma_start3A_1412 = arith.constant 0 : i32
        %dma_start3A_1413 = tpu.memref_slice %arg7[%dma_start3A_1411, %dma_start3A_1412] : memref<256x64xf32, #tpu.memory_space<vmem>> -> memref<128x64xf32, #tpu.memory_space<vmem>>
        %dma_start3A_1414 = arith.constant 0 : i32
        %dma_start3A_1415 = tpu.memref_slice %arg5[%select_n3A_1394, %select_n3A_1410, %dma_start3A_1414] : memref<25x8x128xi32, #tpu.memory_space<vmem>> -> memref<1x1x128xi32, #tpu.memory_space<vmem>>
        %dma_start3A_1416 = tpu.memref_squeeze %dma_start3A_1415 : memref<1x1x128xi32, #tpu.memory_space<vmem>> -> memref<128xi32, #tpu.memory_space<vmem>>
        %dma_start3A_1417 = arith.constant 0 : i32
        %dma_start3A_1418 = arith.constant 0 : i32
        %dma_start3A_1419 = tpu.memref_slice %arg3[%dma_start3A_1417, %dma_start3A_1418] : memref<1000000x64xf32, #tpu.memory_space<hbm>> -> memref<1000000x64xf32, #tpu.memory_space<hbm>>
        tpu.enqueue_indirect_dma source(%dma_start3A_1419 : memref<1000000x64xf32, #tpu.memory_space<hbm>>) target(%dma_start3A_1413 : memref<128x64xf32, #tpu.memory_space<vmem>>) offsets(%dma_start3A_1416 : memref<128xi32, #tpu.memory_space<vmem>>) semaphore(%arg11 : memref<!tpu.dma_semaphore, #tpu.memory_space<semaphore_mem>>)
      } else {
      }
      %mul3A_1018 = arith.constant 2 : i32
      %mul3A_1019 = arith.muli %add3A_979, %mul3A_1018 : i32
      %add3A_1020 = arith.constant 0 : i32
      %add3A_1021 = arith.addi %mul3A_1019, %add3A_1020 : i32
      %dma_start3A_1022 = arith.constant 0 : i32
      %dma_start3A_1023 = arith.constant 0 : i32
      %dma_start3A_1024 = arith.constant 0 : i32
      %dma_start3A_1025 = tpu.memref_slice %arg9[%dma_start3A_1023, %dma_start3A_1024] : memref<128x136xf32, #tpu.memory_space<vmem>> -> memref<8x128xf32, #tpu.memory_space<vmem>>
      %dma_start3A_1026 = arith.constant 0 : i32
      %dma_start3A_1027 = arith.constant 0 : i32
      %dma_start3A_1028 = tpu.memref_slice %arg4[%add3A_1021, %dma_start3A_1022, %add3A, %dma_start3A_1026, %dma_start3A_1027] : memref<200x8x32x8x128xf32, #tpu.memory_space<hbm>> -> memref<1x1x1x8x128xf32, #tpu.memory_space<hbm>>
      %dma_start3A_1029 = tpu.memref_squeeze %dma_start3A_1028 : memref<1x1x1x8x128xf32, #tpu.memory_space<hbm>> -> memref<8x128xf32, #tpu.memory_space<hbm>>
      %dma_start3A_1030 = arith.constant 0 : i32
      %dma_start3A_1031 = arith.constant 0 : i32
      %dma_start3A_1032 = tpu.memref_slice %arg4[%add3A_1021, %dma_start3A_1022, %add3A, %dma_start3A_1030, %dma_start3A_1031] : memref<200x8x32x8x128xf32, #tpu.memory_space<hbm>> -> memref<1x1x1x8x128xf32, #tpu.memory_space<hbm>>
      %dma_start3A_1033 = tpu.memref_squeeze %dma_start3A_1032 : memref<1x1x1x8x128xf32, #tpu.memory_space<hbm>> -> memref<8x128xf32, #tpu.memory_space<hbm>>
      %dma_start3A_1034 = arith.constant 0 : i32
      %dma_start3A_1035 = arith.constant 0 : i32
      %dma_start3A_1036 = tpu.memref_slice %arg9[%dma_start3A_1034, %dma_start3A_1035] : memref<128x136xf32, #tpu.memory_space<vmem>> -> memref<8x128xf32, #tpu.memory_space<vmem>>
      tpu.enqueue_dma source(%dma_start3A_1036 : memref<8x128xf32, #tpu.memory_space<vmem>>) target(%dma_start3A_1033 : memref<8x128xf32, #tpu.memory_space<hbm>>) target_semaphore(%arg13 : memref<!tpu.dma_semaphore, #tpu.memory_space<semaphore_mem>>)
      %mul3A_1037 = arith.constant 2 : i32
      %mul3A_1038 = arith.muli %add3A_979, %mul3A_1037 : i32
      %add3A_1039 = arith.constant 0 : i32
      %add3A_1040 = arith.addi %mul3A_1038, %add3A_1039 : i32
      %dma_start3A_1041 = arith.constant 1 : i32
      %dma_start3A_1042 = arith.constant 8 : i32
      %dma_start3A_1043 = arith.constant 0 : i32
      %dma_start3A_1044 = tpu.memref_slice %arg9[%dma_start3A_1042, %dma_start3A_1043] : memref<128x136xf32, #tpu.memory_space<vmem>> -> memref<8x128xf32, #tpu.memory_space<vmem>>
      %dma_start3A_1045 = arith.constant 0 : i32
      %dma_start3A_1046 = arith.constant 0 : i32
      %dma_start3A_1047 = tpu.memref_slice %arg4[%add3A_1040, %dma_start3A_1041, %add3A, %dma_start3A_1045, %dma_start3A_1046] : memref<200x8x32x8x128xf32, #tpu.memory_space<hbm>> -> memref<1x1x1x8x128xf32, #tpu.memory_space<hbm>>
      %dma_start3A_1048 = tpu.memref_squeeze %dma_start3A_1047 : memref<1x1x1x8x128xf32, #tpu.memory_space<hbm>> -> memref<8x128xf32, #tpu.memory_space<hbm>>
      %dma_start3A_1049 = arith.constant 0 : i32
      %dma_start3A_1050 = arith.constant 0 : i32
      %dma_start3A_1051 = tpu.memref_slice %arg4[%add3A_1040, %dma_start3A_1041, %add3A, %dma_start3A_1049, %dma_start3A_1050] : memref<200x8x32x8x128xf32, #tpu.memory_space<hbm>> -> memref<1x1x1x8x128xf32, #tpu.memory_space<hbm>>
      %dma_start3A_1052 = tpu.memref_squeeze %dma_start3A_1051 : memref<1x1x1x8x128xf32, #tpu.memory_space<hbm>> -> memref<8x128xf32, #tpu.memory_space<hbm>>
      %dma_start3A_1053 = arith.constant 8 : i32
      %dma_start3A_1054 = arith.constant 0 : i32
      %dma_start3A_1055 = tpu.memref_slice %arg9[%dma_start3A_1053, %dma_start3A_1054] : memref<128x136xf32, #tpu.memory_space<vmem>> -> memref<8x128xf32, #tpu.memory_space<vmem>>
      tpu.enqueue_dma source(%dma_start3A_1055 : memref<8x128xf32, #tpu.memory_space<vmem>>) target(%dma_start3A_1052 : memref<8x128xf32, #tpu.memory_space<hbm>>) target_semaphore(%arg13 : memref<!tpu.dma_semaphore, #tpu.memory_space<semaphore_mem>>)
      %mul3A_1056 = arith.constant 2 : i32
      %mul3A_1057 = arith.muli %add3A_979, %mul3A_1056 : i32
      %add3A_1058 = arith.constant 0 : i32
      %add3A_1059 = arith.addi %mul3A_1057, %add3A_1058 : i32
      %dma_start3A_1060 = arith.constant 2 : i32
      %dma_start3A_1061 = arith.constant 16 : i32
      %dma_start3A_1062 = arith.constant 0 : i32
      %dma_start3A_1063 = tpu.memref_slice %arg9[%dma_start3A_1061, %dma_start3A_1062] : memref<128x136xf32, #tpu.memory_space<vmem>> -> memref<8x128xf32, #tpu.memory_space<vmem>>
      %dma_start3A_1064 = arith.constant 0 : i32
      %dma_start3A_1065 = arith.constant 0 : i32
      %dma_start3A_1066 = tpu.memref_slice %arg4[%add3A_1059, %dma_start3A_1060, %add3A, %dma_start3A_1064, %dma_start3A_1065] : memref<200x8x32x8x128xf32, #tpu.memory_space<hbm>> -> memref<1x1x1x8x128xf32, #tpu.memory_space<hbm>>
      %dma_start3A_1067 = tpu.memref_squeeze %dma_start3A_1066 : memref<1x1x1x8x128xf32, #tpu.memory_space<hbm>> -> memref<8x128xf32, #tpu.memory_space<hbm>>
      %dma_start3A_1068 = arith.constant 0 : i32
      %dma_start3A_1069 = arith.constant 0 : i32
      %dma_start3A_1070 = tpu.memref_slice %arg4[%add3A_1059, %dma_start3A_1060, %add3A, %dma_start3A_1068, %dma_start3A_1069] : memref<200x8x32x8x128xf32, #tpu.memory_space<hbm>> -> memref<1x1x1x8x128xf32, #tpu.memory_space<hbm>>
      %dma_start3A_1071 = tpu.memref_squeeze %dma_start3A_1070 : memref<1x1x1x8x128xf32, #tpu.memory_space<hbm>> -> memref<8x128xf32, #tpu.memory_space<hbm>>
      %dma_start3A_1072 = arith.constant 16 : i32
      %dma_start3A_1073 = arith.constant 0 : i32
      %dma_start3A_1074 = tpu.memref_slice %arg9[%dma_start3A_1072, %dma_start3A_1073] : memref<128x136xf32, #tpu.memory_space<vmem>> -> memref<8x128xf32, #tpu.memory_space<vmem>>
      tpu.enqueue_dma source(%dma_start3A_1074 : memref<8x128xf32, #tpu.memory_space<vmem>>) target(%dma_start3A_1071 : memref<8x128xf32, #tpu.memory_space<hbm>>) target_semaphore(%arg13 : memref<!tpu.dma_semaphore, #tpu.memory_space<semaphore_mem>>)
      %mul3A_1075 = arith.constant 2 : i32
      %mul3A_1076 = arith.muli %add3A_979, %mul3A_1075 : i32
      %add3A_1077 = arith.constant 0 : i32
      %add3A_1078 = arith.addi %mul3A_1076, %add3A_1077 : i32
      %dma_start3A_1079 = arith.constant 3 : i32
      %dma_start3A_1080 = arith.constant 24 : i32
      %dma_start3A_1081 = arith.constant 0 : i32
      %dma_start3A_1082 = tpu.memref_slice %arg9[%dma_start3A_1080, %dma_start3A_1081] : memref<128x136xf32, #tpu.memory_space<vmem>> -> memref<8x128xf32, #tpu.memory_space<vmem>>
      %dma_start3A_1083 = arith.constant 0 : i32
      %dma_start3A_1084 = arith.constant 0 : i32
      %dma_start3A_1085 = tpu.memref_slice %arg4[%add3A_1078, %dma_start3A_1079, %add3A, %dma_start3A_1083, %dma_start3A_1084] : memref<200x8x32x8x128xf32, #tpu.memory_space<hbm>> -> memref<1x1x1x8x128xf32, #tpu.memory_space<hbm>>
      %dma_start3A_1086 = tpu.memref_squeeze %dma_start3A_1085 : memref<1x1x1x8x128xf32, #tpu.memory_space<hbm>> -> memref<8x128xf32, #tpu.memory_space<hbm>>
      %dma_start3A_1087 = arith.constant 0 : i32
      %dma_start3A_1088 = arith.constant 0 : i32
      %dma_start3A_1089 = tpu.memref_slice %arg4[%add3A_1078, %dma_start3A_1079, %add3A, %dma_start3A_1087, %dma_start3A_1088] : memref<200x8x32x8x128xf32, #tpu.memory_space<hbm>> -> memref<1x1x1x8x128xf32, #tpu.memory_space<hbm>>
      %dma_start3A_1090 = tpu.memref_squeeze %dma_start3A_1089 : memref<1x1x1x8x128xf32, #tpu.memory_space<hbm>> -> memref<8x128xf32, #tpu.memory_space<hbm>>
      %dma_start3A_1091 = arith.constant 24 : i32
      %dma_start3A_1092 = arith.constant 0 : i32
      %dma_start3A_1093 = tpu.memref_slice %arg9[%dma_start3A_1091, %dma_start3A_1092] : memref<128x136xf32, #tpu.memory_space<vmem>> -> memref<8x128xf32, #tpu.memory_space<vmem>>
      tpu.enqueue_dma source(%dma_start3A_1093 : memref<8x128xf32, #tpu.memory_space<vmem>>) target(%dma_start3A_1090 : memref<8x128xf32, #tpu.memory_space<hbm>>) target_semaphore(%arg13 : memref<!tpu.dma_semaphore, #tpu.memory_space<semaphore_mem>>)
      %mul3A_1094 = arith.constant 2 : i32
      %mul3A_1095 = arith.muli %add3A_979, %mul3A_1094 : i32
      %add3A_1096 = arith.constant 0 : i32
      %add3A_1097 = arith.addi %mul3A_1095, %add3A_1096 : i32
      %dma_start3A_1098 = arith.constant 4 : i32
      %dma_start3A_1099 = arith.constant 32 : i32
      %dma_start3A_1100 = arith.constant 0 : i32
      %dma_start3A_1101 = tpu.memref_slice %arg9[%dma_start3A_1099, %dma_start3A_1100] : memref<128x136xf32, #tpu.memory_space<vmem>> -> memref<8x128xf32, #tpu.memory_space<vmem>>
      %dma_start3A_1102 = arith.constant 0 : i32
      %dma_start3A_1103 = arith.constant 0 : i32
      %dma_start3A_1104 = tpu.memref_slice %arg4[%add3A_1097, %dma_start3A_1098, %add3A, %dma_start3A_1102, %dma_start3A_1103] : memref<200x8x32x8x128xf32, #tpu.memory_space<hbm>> -> memref<1x1x1x8x128xf32, #tpu.memory_space<hbm>>
      %dma_start3A_1105 = tpu.memref_squeeze %dma_start3A_1104 : memref<1x1x1x8x128xf32, #tpu.memory_space<hbm>> -> memref<8x128xf32, #tpu.memory_space<hbm>>
      %dma_start3A_1106 = arith.constant 0 : i32
      %dma_start3A_1107 = arith.constant 0 : i32
      %dma_start3A_1108 = tpu.memref_slice %arg4[%add3A_1097, %dma_start3A_1098, %add3A, %dma_start3A_1106, %dma_start3A_1107] : memref<200x8x32x8x128xf32, #tpu.memory_space<hbm>> -> memref<1x1x1x8x128xf32, #tpu.memory_space<hbm>>
      %dma_start3A_1109 = tpu.memref_squeeze %dma_start3A_1108 : memref<1x1x1x8x128xf32, #tpu.memory_space<hbm>> -> memref<8x128xf32, #tpu.memory_space<hbm>>
      %dma_start3A_1110 = arith.constant 32 : i32
      %dma_start3A_1111 = arith.constant 0 : i32
      %dma_start3A_1112 = tpu.memref_slice %arg9[%dma_start3A_1110, %dma_start3A_1111] : memref<128x136xf32, #tpu.memory_space<vmem>> -> memref<8x128xf32, #tpu.memory_space<vmem>>
      tpu.enqueue_dma source(%dma_start3A_1112 : memref<8x128xf32, #tpu.memory_space<vmem>>) target(%dma_start3A_1109 : memref<8x128xf32, #tpu.memory_space<hbm>>) target_semaphore(%arg13 : memref<!tpu.dma_semaphore, #tpu.memory_space<semaphore_mem>>)
      %mul3A_1113 = arith.constant 2 : i32
      %mul3A_1114 = arith.muli %add3A_979, %mul3A_1113 : i32
      %add3A_1115 = arith.constant 0 : i32
      %add3A_1116 = arith.addi %mul3A_1114, %add3A_1115 : i32
      %dma_start3A_1117 = arith.constant 5 : i32
      %dma_start3A_1118 = arith.constant 40 : i32
      %dma_start3A_1119 = arith.constant 0 : i32
      %dma_start3A_1120 = tpu.memref_slice %arg9[%dma_start3A_1118, %dma_start3A_1119] : memref<128x136xf32, #tpu.memory_space<vmem>> -> memref<8x128xf32, #tpu.memory_space<vmem>>
      %dma_start3A_1121 = arith.constant 0 : i32
      %dma_start3A_1122 = arith.constant 0 : i32
      %dma_start3A_1123 = tpu.memref_slice %arg4[%add3A_1116, %dma_start3A_1117, %add3A, %dma_start3A_1121, %dma_start3A_1122] : memref<200x8x32x8x128xf32, #tpu.memory_space<hbm>> -> memref<1x1x1x8x128xf32, #tpu.memory_space<hbm>>
      %dma_start3A_1124 = tpu.memref_squeeze %dma_start3A_1123 : memref<1x1x1x8x128xf32, #tpu.memory_space<hbm>> -> memref<8x128xf32, #tpu.memory_space<hbm>>
      %dma_start3A_1125 = arith.constant 0 : i32
      %dma_start3A_1126 = arith.constant 0 : i32
      %dma_start3A_1127 = tpu.memref_slice %arg4[%add3A_1116, %dma_start3A_1117, %add3A, %dma_start3A_1125, %dma_start3A_1126] : memref<200x8x32x8x128xf32, #tpu.memory_space<hbm>> -> memref<1x1x1x8x128xf32, #tpu.memory_space<hbm>>
      %dma_start3A_1128 = tpu.memref_squeeze %dma_start3A_1127 : memref<1x1x1x8x128xf32, #tpu.memory_space<hbm>> -> memref<8x128xf32, #tpu.memory_space<hbm>>
      %dma_start3A_1129 = arith.constant 40 : i32
      %dma_start3A_1130 = arith.constant 0 : i32
      %dma_start3A_1131 = tpu.memref_slice %arg9[%dma_start3A_1129, %dma_start3A_1130] : memref<128x136xf32, #tpu.memory_space<vmem>> -> memref<8x128xf32, #tpu.memory_space<vmem>>
      tpu.enqueue_dma source(%dma_start3A_1131 : memref<8x128xf32, #tpu.memory_space<vmem>>) target(%dma_start3A_1128 : memref<8x128xf32, #tpu.memory_space<hbm>>) target_semaphore(%arg13 : memref<!tpu.dma_semaphore, #tpu.memory_space<semaphore_mem>>)
      %mul3A_1132 = arith.constant 2 : i32
      %mul3A_1133 = arith.muli %add3A_979, %mul3A_1132 : i32
      %add3A_1134 = arith.constant 0 : i32
      %add3A_1135 = arith.addi %mul3A_1133, %add3A_1134 : i32
      %dma_start3A_1136 = arith.constant 6 : i32
      %dma_start3A_1137 = arith.constant 48 : i32
      %dma_start3A_1138 = arith.constant 0 : i32
      %dma_start3A_1139 = tpu.memref_slice %arg9[%dma_start3A_1137, %dma_start3A_1138] : memref<128x136xf32, #tpu.memory_space<vmem>> -> memref<8x128xf32, #tpu.memory_space<vmem>>
      %dma_start3A_1140 = arith.constant 0 : i32
      %dma_start3A_1141 = arith.constant 0 : i32
      %dma_start3A_1142 = tpu.memref_slice %arg4[%add3A_1135, %dma_start3A_1136, %add3A, %dma_start3A_1140, %dma_start3A_1141] : memref<200x8x32x8x128xf32, #tpu.memory_space<hbm>> -> memref<1x1x1x8x128xf32, #tpu.memory_space<hbm>>
      %dma_start3A_1143 = tpu.memref_squeeze %dma_start3A_1142 : memref<1x1x1x8x128xf32, #tpu.memory_space<hbm>> -> memref<8x128xf32, #tpu.memory_space<hbm>>
      %dma_start3A_1144 = arith.constant 0 : i32
      %dma_start3A_1145 = arith.constant 0 : i32
      %dma_start3A_1146 = tpu.memref_slice %arg4[%add3A_1135, %dma_start3A_1136, %add3A, %dma_start3A_1144, %dma_start3A_1145] : memref<200x8x32x8x128xf32, #tpu.memory_space<hbm>> -> memref<1x1x1x8x128xf32, #tpu.memory_space<hbm>>
      %dma_start3A_1147 = tpu.memref_squeeze %dma_start3A_1146 : memref<1x1x1x8x128xf32, #tpu.memory_space<hbm>> -> memref<8x128xf32, #tpu.memory_space<hbm>>
      %dma_start3A_1148 = arith.constant 48 : i32
      %dma_start3A_1149 = arith.constant 0 : i32
      %dma_start3A_1150 = tpu.memref_slice %arg9[%dma_start3A_1148, %dma_start3A_1149] : memref<128x136xf32, #tpu.memory_space<vmem>> -> memref<8x128xf32, #tpu.memory_space<vmem>>
      tpu.enqueue_dma source(%dma_start3A_1150 : memref<8x128xf32, #tpu.memory_space<vmem>>) target(%dma_start3A_1147 : memref<8x128xf32, #tpu.memory_space<hbm>>) target_semaphore(%arg13 : memref<!tpu.dma_semaphore, #tpu.memory_space<semaphore_mem>>)
      %mul3A_1151 = arith.constant 2 : i32
      %mul3A_1152 = arith.muli %add3A_979, %mul3A_1151 : i32
      %add3A_1153 = arith.constant 0 : i32
      %add3A_1154 = arith.addi %mul3A_1152, %add3A_1153 : i32
      %dma_start3A_1155 = arith.constant 7 : i32
      %dma_start3A_1156 = arith.constant 56 : i32
      %dma_start3A_1157 = arith.constant 0 : i32
      %dma_start3A_1158 = tpu.memref_slice %arg9[%dma_start3A_1156, %dma_start3A_1157] : memref<128x136xf32, #tpu.memory_space<vmem>> -> memref<8x128xf32, #tpu.memory_space<vmem>>
      %dma_start3A_1159 = arith.constant 0 : i32
      %dma_start3A_1160 = arith.constant 0 : i32
      %dma_start3A_1161 = tpu.memref_slice %arg4[%add3A_1154, %dma_start3A_1155, %add3A, %dma_start3A_1159, %dma_start3A_1160] : memref<200x8x32x8x128xf32, #tpu.memory_space<hbm>> -> memref<1x1x1x8x128xf32, #tpu.memory_space<hbm>>
      %dma_start3A_1162 = tpu.memref_squeeze %dma_start3A_1161 : memref<1x1x1x8x128xf32, #tpu.memory_space<hbm>> -> memref<8x128xf32, #tpu.memory_space<hbm>>
      %dma_start3A_1163 = arith.constant 0 : i32
      %dma_start3A_1164 = arith.constant 0 : i32
      %dma_start3A_1165 = tpu.memref_slice %arg4[%add3A_1154, %dma_start3A_1155, %add3A, %dma_start3A_1163, %dma_start3A_1164] : memref<200x8x32x8x128xf32, #tpu.memory_space<hbm>> -> memref<1x1x1x8x128xf32, #tpu.memory_space<hbm>>
      %dma_start3A_1166 = tpu.memref_squeeze %dma_start3A_1165 : memref<1x1x1x8x128xf32, #tpu.memory_space<hbm>> -> memref<8x128xf32, #tpu.memory_space<hbm>>
      %dma_start3A_1167 = arith.constant 56 : i32
      %dma_start3A_1168 = arith.constant 0 : i32
      %dma_start3A_1169 = tpu.memref_slice %arg9[%dma_start3A_1167, %dma_start3A_1168] : memref<128x136xf32, #tpu.memory_space<vmem>> -> memref<8x128xf32, #tpu.memory_space<vmem>>
      tpu.enqueue_dma source(%dma_start3A_1169 : memref<8x128xf32, #tpu.memory_space<vmem>>) target(%dma_start3A_1166 : memref<8x128xf32, #tpu.memory_space<hbm>>) target_semaphore(%arg13 : memref<!tpu.dma_semaphore, #tpu.memory_space<semaphore_mem>>)
      %mul3A_1170 = arith.constant 2 : i32
      %mul3A_1171 = arith.muli %add3A_979, %mul3A_1170 : i32
      %add3A_1172 = arith.constant 1 : i32
      %add3A_1173 = arith.addi %mul3A_1171, %add3A_1172 : i32
      %dma_start3A_1174 = arith.constant 0 : i32
      %dma_start3A_1175 = arith.constant 64 : i32
      %dma_start3A_1176 = arith.constant 0 : i32
      %dma_start3A_1177 = tpu.memref_slice %arg9[%dma_start3A_1175, %dma_start3A_1176] : memref<128x136xf32, #tpu.memory_space<vmem>> -> memref<8x128xf32, #tpu.memory_space<vmem>>
      %dma_start3A_1178 = arith.constant 0 : i32
      %dma_start3A_1179 = arith.constant 0 : i32
      %dma_start3A_1180 = tpu.memref_slice %arg4[%add3A_1173, %dma_start3A_1174, %add3A, %dma_start3A_1178, %dma_start3A_1179] : memref<200x8x32x8x128xf32, #tpu.memory_space<hbm>> -> memref<1x1x1x8x128xf32, #tpu.memory_space<hbm>>
      %dma_start3A_1181 = tpu.memref_squeeze %dma_start3A_1180 : memref<1x1x1x8x128xf32, #tpu.memory_space<hbm>> -> memref<8x128xf32, #tpu.memory_space<hbm>>
      %dma_start3A_1182 = arith.constant 0 : i32
      %dma_start3A_1183 = arith.constant 0 : i32
      %dma_start3A_1184 = tpu.memref_slice %arg4[%add3A_1173, %dma_start3A_1174, %add3A, %dma_start3A_1182, %dma_start3A_1183] : memref<200x8x32x8x128xf32, #tpu.memory_space<hbm>> -> memref<1x1x1x8x128xf32, #tpu.memory_space<hbm>>
      %dma_start3A_1185 = tpu.memref_squeeze %dma_start3A_1184 : memref<1x1x1x8x128xf32, #tpu.memory_space<hbm>> -> memref<8x128xf32, #tpu.memory_space<hbm>>
      %dma_start3A_1186 = arith.constant 64 : i32
      %dma_start3A_1187 = arith.constant 0 : i32
      %dma_start3A_1188 = tpu.memref_slice %arg9[%dma_start3A_1186, %dma_start3A_1187] : memref<128x136xf32, #tpu.memory_space<vmem>> -> memref<8x128xf32, #tpu.memory_space<vmem>>
      tpu.enqueue_dma source(%dma_start3A_1188 : memref<8x128xf32, #tpu.memory_space<vmem>>) target(%dma_start3A_1185 : memref<8x128xf32, #tpu.memory_space<hbm>>) target_semaphore(%arg13 : memref<!tpu.dma_semaphore, #tpu.memory_space<semaphore_mem>>)
      %mul3A_1189 = arith.constant 2 : i32
      %mul3A_1190 = arith.muli %add3A_979, %mul3A_1189 : i32
      %add3A_1191 = arith.constant 1 : i32
      %add3A_1192 = arith.addi %mul3A_1190, %add3A_1191 : i32
      %dma_start3A_1193 = arith.constant 1 : i32
      %dma_start3A_1194 = arith.constant 72 : i32
      %dma_start3A_1195 = arith.constant 0 : i32
      %dma_start3A_1196 = tpu.memref_slice %arg9[%dma_start3A_1194, %dma_start3A_1195] : memref<128x136xf32, #tpu.memory_space<vmem>> -> memref<8x128xf32, #tpu.memory_space<vmem>>
      %dma_start3A_1197 = arith.constant 0 : i32
      %dma_start3A_1198 = arith.constant 0 : i32
      %dma_start3A_1199 = tpu.memref_slice %arg4[%add3A_1192, %dma_start3A_1193, %add3A, %dma_start3A_1197, %dma_start3A_1198] : memref<200x8x32x8x128xf32, #tpu.memory_space<hbm>> -> memref<1x1x1x8x128xf32, #tpu.memory_space<hbm>>
      %dma_start3A_1200 = tpu.memref_squeeze %dma_start3A_1199 : memref<1x1x1x8x128xf32, #tpu.memory_space<hbm>> -> memref<8x128xf32, #tpu.memory_space<hbm>>
      %dma_start3A_1201 = arith.constant 0 : i32
      %dma_start3A_1202 = arith.constant 0 : i32
      %dma_start3A_1203 = tpu.memref_slice %arg4[%add3A_1192, %dma_start3A_1193, %add3A, %dma_start3A_1201, %dma_start3A_1202] : memref<200x8x32x8x128xf32, #tpu.memory_space<hbm>> -> memref<1x1x1x8x128xf32, #tpu.memory_space<hbm>>
      %dma_start3A_1204 = tpu.memref_squeeze %dma_start3A_1203 : memref<1x1x1x8x128xf32, #tpu.memory_space<hbm>> -> memref<8x128xf32, #tpu.memory_space<hbm>>
      %dma_start3A_1205 = arith.constant 72 : i32
      %dma_start3A_1206 = arith.constant 0 : i32
      %dma_start3A_1207 = tpu.memref_slice %arg9[%dma_start3A_1205, %dma_start3A_1206] : memref<128x136xf32, #tpu.memory_space<vmem>> -> memref<8x128xf32, #tpu.memory_space<vmem>>
      tpu.enqueue_dma source(%dma_start3A_1207 : memref<8x128xf32, #tpu.memory_space<vmem>>) target(%dma_start3A_1204 : memref<8x128xf32, #tpu.memory_space<hbm>>) target_semaphore(%arg13 : memref<!tpu.dma_semaphore, #tpu.memory_space<semaphore_mem>>)
      %mul3A_1208 = arith.constant 2 : i32
      %mul3A_1209 = arith.muli %add3A_979, %mul3A_1208 : i32
      %add3A_1210 = arith.constant 1 : i32
      %add3A_1211 = arith.addi %mul3A_1209, %add3A_1210 : i32
      %dma_start3A_1212 = arith.constant 2 : i32
      %dma_start3A_1213 = arith.constant 80 : i32
      %dma_start3A_1214 = arith.constant 0 : i32
      %dma_start3A_1215 = tpu.memref_slice %arg9[%dma_start3A_1213, %dma_start3A_1214] : memref<128x136xf32, #tpu.memory_space<vmem>> -> memref<8x128xf32, #tpu.memory_space<vmem>>
      %dma_start3A_1216 = arith.constant 0 : i32
      %dma_start3A_1217 = arith.constant 0 : i32
      %dma_start3A_1218 = tpu.memref_slice %arg4[%add3A_1211, %dma_start3A_1212, %add3A, %dma_start3A_1216, %dma_start3A_1217] : memref<200x8x32x8x128xf32, #tpu.memory_space<hbm>> -> memref<1x1x1x8x128xf32, #tpu.memory_space<hbm>>
      %dma_start3A_1219 = tpu.memref_squeeze %dma_start3A_1218 : memref<1x1x1x8x128xf32, #tpu.memory_space<hbm>> -> memref<8x128xf32, #tpu.memory_space<hbm>>
      %dma_start3A_1220 = arith.constant 0 : i32
      %dma_start3A_1221 = arith.constant 0 : i32
      %dma_start3A_1222 = tpu.memref_slice %arg4[%add3A_1211, %dma_start3A_1212, %add3A, %dma_start3A_1220, %dma_start3A_1221] : memref<200x8x32x8x128xf32, #tpu.memory_space<hbm>> -> memref<1x1x1x8x128xf32, #tpu.memory_space<hbm>>
      %dma_start3A_1223 = tpu.memref_squeeze %dma_start3A_1222 : memref<1x1x1x8x128xf32, #tpu.memory_space<hbm>> -> memref<8x128xf32, #tpu.memory_space<hbm>>
      %dma_start3A_1224 = arith.constant 80 : i32
      %dma_start3A_1225 = arith.constant 0 : i32
      %dma_start3A_1226 = tpu.memref_slice %arg9[%dma_start3A_1224, %dma_start3A_1225] : memref<128x136xf32, #tpu.memory_space<vmem>> -> memref<8x128xf32, #tpu.memory_space<vmem>>
      tpu.enqueue_dma source(%dma_start3A_1226 : memref<8x128xf32, #tpu.memory_space<vmem>>) target(%dma_start3A_1223 : memref<8x128xf32, #tpu.memory_space<hbm>>) target_semaphore(%arg13 : memref<!tpu.dma_semaphore, #tpu.memory_space<semaphore_mem>>)
      %mul3A_1227 = arith.constant 2 : i32
      %mul3A_1228 = arith.muli %add3A_979, %mul3A_1227 : i32
      %add3A_1229 = arith.constant 1 : i32
      %add3A_1230 = arith.addi %mul3A_1228, %add3A_1229 : i32
      %dma_start3A_1231 = arith.constant 3 : i32
      %dma_start3A_1232 = arith.constant 88 : i32
      %dma_start3A_1233 = arith.constant 0 : i32
      %dma_start3A_1234 = tpu.memref_slice %arg9[%dma_start3A_1232, %dma_start3A_1233] : memref<128x136xf32, #tpu.memory_space<vmem>> -> memref<8x128xf32, #tpu.memory_space<vmem>>
      %dma_start3A_1235 = arith.constant 0 : i32
      %dma_start3A_1236 = arith.constant 0 : i32
      %dma_start3A_1237 = tpu.memref_slice %arg4[%add3A_1230, %dma_start3A_1231, %add3A, %dma_start3A_1235, %dma_start3A_1236] : memref<200x8x32x8x128xf32, #tpu.memory_space<hbm>> -> memref<1x1x1x8x128xf32, #tpu.memory_space<hbm>>
      %dma_start3A_1238 = tpu.memref_squeeze %dma_start3A_1237 : memref<1x1x1x8x128xf32, #tpu.memory_space<hbm>> -> memref<8x128xf32, #tpu.memory_space<hbm>>
      %dma_start3A_1239 = arith.constant 0 : i32
      %dma_start3A_1240 = arith.constant 0 : i32
      %dma_start3A_1241 = tpu.memref_slice %arg4[%add3A_1230, %dma_start3A_1231, %add3A, %dma_start3A_1239, %dma_start3A_1240] : memref<200x8x32x8x128xf32, #tpu.memory_space<hbm>> -> memref<1x1x1x8x128xf32, #tpu.memory_space<hbm>>
      %dma_start3A_1242 = tpu.memref_squeeze %dma_start3A_1241 : memref<1x1x1x8x128xf32, #tpu.memory_space<hbm>> -> memref<8x128xf32, #tpu.memory_space<hbm>>
      %dma_start3A_1243 = arith.constant 88 : i32
      %dma_start3A_1244 = arith.constant 0 : i32
      %dma_start3A_1245 = tpu.memref_slice %arg9[%dma_start3A_1243, %dma_start3A_1244] : memref<128x136xf32, #tpu.memory_space<vmem>> -> memref<8x128xf32, #tpu.memory_space<vmem>>
      tpu.enqueue_dma source(%dma_start3A_1245 : memref<8x128xf32, #tpu.memory_space<vmem>>) target(%dma_start3A_1242 : memref<8x128xf32, #tpu.memory_space<hbm>>) target_semaphore(%arg13 : memref<!tpu.dma_semaphore, #tpu.memory_space<semaphore_mem>>)
      %mul3A_1246 = arith.constant 2 : i32
      %mul3A_1247 = arith.muli %add3A_979, %mul3A_1246 : i32
      %add3A_1248 = arith.constant 1 : i32
      %add3A_1249 = arith.addi %mul3A_1247, %add3A_1248 : i32
      %dma_start3A_1250 = arith.constant 4 : i32
      %dma_start3A_1251 = arith.constant 96 : i32
      %dma_start3A_1252 = arith.constant 0 : i32
      %dma_start3A_1253 = tpu.memref_slice %arg9[%dma_start3A_1251, %dma_start3A_1252] : memref<128x136xf32, #tpu.memory_space<vmem>> -> memref<8x128xf32, #tpu.memory_space<vmem>>
      %dma_start3A_1254 = arith.constant 0 : i32
      %dma_start3A_1255 = arith.constant 0 : i32
      %dma_start3A_1256 = tpu.memref_slice %arg4[%add3A_1249, %dma_start3A_1250, %add3A, %dma_start3A_1254, %dma_start3A_1255] : memref<200x8x32x8x128xf32, #tpu.memory_space<hbm>> -> memref<1x1x1x8x128xf32, #tpu.memory_space<hbm>>
      %dma_start3A_1257 = tpu.memref_squeeze %dma_start3A_1256 : memref<1x1x1x8x128xf32, #tpu.memory_space<hbm>> -> memref<8x128xf32, #tpu.memory_space<hbm>>
      %dma_start3A_1258 = arith.constant 0 : i32
      %dma_start3A_1259 = arith.constant 0 : i32
      %dma_start3A_1260 = tpu.memref_slice %arg4[%add3A_1249, %dma_start3A_1250, %add3A, %dma_start3A_1258, %dma_start3A_1259] : memref<200x8x32x8x128xf32, #tpu.memory_space<hbm>> -> memref<1x1x1x8x128xf32, #tpu.memory_space<hbm>>
      %dma_start3A_1261 = tpu.memref_squeeze %dma_start3A_1260 : memref<1x1x1x8x128xf32, #tpu.memory_space<hbm>> -> memref<8x128xf32, #tpu.memory_space<hbm>>
      %dma_start3A_1262 = arith.constant 96 : i32
      %dma_start3A_1263 = arith.constant 0 : i32
      %dma_start3A_1264 = tpu.memref_slice %arg9[%dma_start3A_1262, %dma_start3A_1263] : memref<128x136xf32, #tpu.memory_space<vmem>> -> memref<8x128xf32, #tpu.memory_space<vmem>>
      tpu.enqueue_dma source(%dma_start3A_1264 : memref<8x128xf32, #tpu.memory_space<vmem>>) target(%dma_start3A_1261 : memref<8x128xf32, #tpu.memory_space<hbm>>) target_semaphore(%arg13 : memref<!tpu.dma_semaphore, #tpu.memory_space<semaphore_mem>>)
      %mul3A_1265 = arith.constant 2 : i32
      %mul3A_1266 = arith.muli %add3A_979, %mul3A_1265 : i32
      %add3A_1267 = arith.constant 1 : i32
      %add3A_1268 = arith.addi %mul3A_1266, %add3A_1267 : i32
      %dma_start3A_1269 = arith.constant 5 : i32
      %dma_start3A_1270 = arith.constant 104 : i32
      %dma_start3A_1271 = arith.constant 0 : i32
      %dma_start3A_1272 = tpu.memref_slice %arg9[%dma_start3A_1270, %dma_start3A_1271] : memref<128x136xf32, #tpu.memory_space<vmem>> -> memref<8x128xf32, #tpu.memory_space<vmem>>
      %dma_start3A_1273 = arith.constant 0 : i32
      %dma_start3A_1274 = arith.constant 0 : i32
      %dma_start3A_1275 = tpu.memref_slice %arg4[%add3A_1268, %dma_start3A_1269, %add3A, %dma_start3A_1273, %dma_start3A_1274] : memref<200x8x32x8x128xf32, #tpu.memory_space<hbm>> -> memref<1x1x1x8x128xf32, #tpu.memory_space<hbm>>
      %dma_start3A_1276 = tpu.memref_squeeze %dma_start3A_1275 : memref<1x1x1x8x128xf32, #tpu.memory_space<hbm>> -> memref<8x128xf32, #tpu.memory_space<hbm>>
      %dma_start3A_1277 = arith.constant 0 : i32
      %dma_start3A_1278 = arith.constant 0 : i32
      %dma_start3A_1279 = tpu.memref_slice %arg4[%add3A_1268, %dma_start3A_1269, %add3A, %dma_start3A_1277, %dma_start3A_1278] : memref<200x8x32x8x128xf32, #tpu.memory_space<hbm>> -> memref<1x1x1x8x128xf32, #tpu.memory_space<hbm>>
      %dma_start3A_1280 = tpu.memref_squeeze %dma_start3A_1279 : memref<1x1x1x8x128xf32, #tpu.memory_space<hbm>> -> memref<8x128xf32, #tpu.memory_space<hbm>>
      %dma_start3A_1281 = arith.constant 104 : i32
      %dma_start3A_1282 = arith.constant 0 : i32
      %dma_start3A_1283 = tpu.memref_slice %arg9[%dma_start3A_1281, %dma_start3A_1282] : memref<128x136xf32, #tpu.memory_space<vmem>> -> memref<8x128xf32, #tpu.memory_space<vmem>>
      tpu.enqueue_dma source(%dma_start3A_1283 : memref<8x128xf32, #tpu.memory_space<vmem>>) target(%dma_start3A_1280 : memref<8x128xf32, #tpu.memory_space<hbm>>) target_semaphore(%arg13 : memref<!tpu.dma_semaphore, #tpu.memory_space<semaphore_mem>>)
      %mul3A_1284 = arith.constant 2 : i32
      %mul3A_1285 = arith.muli %add3A_979, %mul3A_1284 : i32
      %add3A_1286 = arith.constant 1 : i32
      %add3A_1287 = arith.addi %mul3A_1285, %add3A_1286 : i32
      %dma_start3A_1288 = arith.constant 6 : i32
      %dma_start3A_1289 = arith.constant 112 : i32
      %dma_start3A_1290 = arith.constant 0 : i32
      %dma_start3A_1291 = tpu.memref_slice %arg9[%dma_start3A_1289, %dma_start3A_1290] : memref<128x136xf32, #tpu.memory_space<vmem>> -> memref<8x128xf32, #tpu.memory_space<vmem>>
      %dma_start3A_1292 = arith.constant 0 : i32
      %dma_start3A_1293 = arith.constant 0 : i32
      %dma_start3A_1294 = tpu.memref_slice %arg4[%add3A_1287, %dma_start3A_1288, %add3A, %dma_start3A_1292, %dma_start3A_1293] : memref<200x8x32x8x128xf32, #tpu.memory_space<hbm>> -> memref<1x1x1x8x128xf32, #tpu.memory_space<hbm>>
      %dma_start3A_1295 = tpu.memref_squeeze %dma_start3A_1294 : memref<1x1x1x8x128xf32, #tpu.memory_space<hbm>> -> memref<8x128xf32, #tpu.memory_space<hbm>>
      %dma_start3A_1296 = arith.constant 0 : i32
      %dma_start3A_1297 = arith.constant 0 : i32
      %dma_start3A_1298 = tpu.memref_slice %arg4[%add3A_1287, %dma_start3A_1288, %add3A, %dma_start3A_1296, %dma_start3A_1297] : memref<200x8x32x8x128xf32, #tpu.memory_space<hbm>> -> memref<1x1x1x8x128xf32, #tpu.memory_space<hbm>>
      %dma_start3A_1299 = tpu.memref_squeeze %dma_start3A_1298 : memref<1x1x1x8x128xf32, #tpu.memory_space<hbm>> -> memref<8x128xf32, #tpu.memory_space<hbm>>
      %dma_start3A_1300 = arith.constant 112 : i32
      %dma_start3A_1301 = arith.constant 0 : i32
      %dma_start3A_1302 = tpu.memref_slice %arg9[%dma_start3A_1300, %dma_start3A_1301] : memref<128x136xf32, #tpu.memory_space<vmem>> -> memref<8x128xf32, #tpu.memory_space<vmem>>
      tpu.enqueue_dma source(%dma_start3A_1302 : memref<8x128xf32, #tpu.memory_space<vmem>>) target(%dma_start3A_1299 : memref<8x128xf32, #tpu.memory_space<hbm>>) target_semaphore(%arg13 : memref<!tpu.dma_semaphore, #tpu.memory_space<semaphore_mem>>)
      %mul3A_1303 = arith.constant 2 : i32
      %mul3A_1304 = arith.muli %add3A_979, %mul3A_1303 : i32
      %add3A_1305 = arith.constant 1 : i32
      %add3A_1306 = arith.addi %mul3A_1304, %add3A_1305 : i32
      %dma_start3A_1307 = arith.constant 7 : i32
      %dma_start3A_1308 = arith.constant 120 : i32
      %dma_start3A_1309 = arith.constant 0 : i32
      %dma_start3A_1310 = tpu.memref_slice %arg9[%dma_start3A_1308, %dma_start3A_1309] : memref<128x136xf32, #tpu.memory_space<vmem>> -> memref<8x128xf32, #tpu.memory_space<vmem>>
      %dma_start3A_1311 = arith.constant 0 : i32
      %dma_start3A_1312 = arith.constant 0 : i32
      %dma_start3A_1313 = tpu.memref_slice %arg4[%add3A_1306, %dma_start3A_1307, %add3A, %dma_start3A_1311, %dma_start3A_1312] : memref<200x8x32x8x128xf32, #tpu.memory_space<hbm>> -> memref<1x1x1x8x128xf32, #tpu.memory_space<hbm>>
      %dma_start3A_1314 = tpu.memref_squeeze %dma_start3A_1313 : memref<1x1x1x8x128xf32, #tpu.memory_space<hbm>> -> memref<8x128xf32, #tpu.memory_space<hbm>>
      %dma_start3A_1315 = arith.constant 0 : i32
      %dma_start3A_1316 = arith.constant 0 : i32
      %dma_start3A_1317 = tpu.memref_slice %arg4[%add3A_1306, %dma_start3A_1307, %add3A, %dma_start3A_1315, %dma_start3A_1316] : memref<200x8x32x8x128xf32, #tpu.memory_space<hbm>> -> memref<1x1x1x8x128xf32, #tpu.memory_space<hbm>>
      %dma_start3A_1318 = tpu.memref_squeeze %dma_start3A_1317 : memref<1x1x1x8x128xf32, #tpu.memory_space<hbm>> -> memref<8x128xf32, #tpu.memory_space<hbm>>
      %dma_start3A_1319 = arith.constant 120 : i32
      %dma_start3A_1320 = arith.constant 0 : i32
      %dma_start3A_1321 = tpu.memref_slice %arg9[%dma_start3A_1319, %dma_start3A_1320] : memref<128x136xf32, #tpu.memory_space<vmem>> -> memref<8x128xf32, #tpu.memory_space<vmem>>
      tpu.enqueue_dma source(%dma_start3A_1321 : memref<8x128xf32, #tpu.memory_space<vmem>>) target(%dma_start3A_1318 : memref<8x128xf32, #tpu.memory_space<hbm>>) target_semaphore(%arg13 : memref<!tpu.dma_semaphore, #tpu.memory_space<semaphore_mem>>)
    }
    %scan3A_121 = arith.constant 50 : i32
    %dma_wait3A = arith.constant 0 : i32
    %dma_wait3A_122 = arith.constant 0 : i32
    %dma_wait3A_123 = arith.constant 0 : i32
    %dma_wait3A_124 = arith.constant 0 : i32
    %dma_wait3A_125 = tpu.memref_slice %arg8[%dma_wait3A_123, %dma_wait3A_124] : memref<128x136xf32, #tpu.memory_space<vmem>> -> memref<8x128xf32, #tpu.memory_space<vmem>>
    %dma_wait3A_126 = arith.constant 0 : i32
    %dma_wait3A_127 = arith.constant 0 : i32
    %dma_wait3A_128 = tpu.memref_slice %arg4[%dma_wait3A, %dma_wait3A_122, %add3A, %dma_wait3A_126, %dma_wait3A_127] : memref<200x8x32x8x128xf32, #tpu.memory_space<hbm>> -> memref<1x1x1x8x128xf32, #tpu.memory_space<hbm>>
    %dma_wait3A_129 = tpu.memref_squeeze %dma_wait3A_128 : memref<1x1x1x8x128xf32, #tpu.memory_space<hbm>> -> memref<8x128xf32, #tpu.memory_space<hbm>>
    %dma_wait3A_130 = arith.constant 0 : i32
    %dma_wait3A_131 = arith.constant 0 : i32
    %dma_wait3A_132 = tpu.memref_slice %arg4[%dma_wait3A, %dma_wait3A_122, %add3A, %dma_wait3A_130, %dma_wait3A_131] : memref<200x8x32x8x128xf32, #tpu.memory_space<hbm>> -> memref<1x1x1x8x128xf32, #tpu.memory_space<hbm>>
    %dma_wait3A_133 = tpu.memref_squeeze %dma_wait3A_132 : memref<1x1x1x8x128xf32, #tpu.memory_space<hbm>> -> memref<8x128xf32, #tpu.memory_space<hbm>>
    %dma_wait3A_134 = arith.constant 0 : i32
    %dma_wait3A_135 = arith.constant 0 : i32
    %dma_wait3A_136 = tpu.memref_slice %arg8[%dma_wait3A_134, %dma_wait3A_135] : memref<128x136xf32, #tpu.memory_space<vmem>> -> memref<8x128xf32, #tpu.memory_space<vmem>>
    tpu.wait_dma2 semaphore(%arg12 : memref<!tpu.dma_semaphore, #tpu.memory_space<semaphore_mem>>) src(%dma_wait3A_136 : memref<8x128xf32, #tpu.memory_space<vmem>>) dst(%dma_wait3A_133 : memref<8x128xf32, #tpu.memory_space<hbm>>)
    %dma_wait3A_137 = arith.constant 0 : i32
    %dma_wait3A_138 = arith.constant 0 : i32
    %dma_wait3A_139 = arith.constant 0 : i32
    %dma_wait3A_140 = arith.constant 0 : i32
    %dma_wait3A_141 = tpu.memref_slice %arg8[%dma_wait3A_139, %dma_wait3A_140] : memref<128x136xf32, #tpu.memory_space<vmem>> -> memref<8x128xf32, #tpu.memory_space<vmem>>
    %dma_wait3A_142 = arith.constant 0 : i32
    %dma_wait3A_143 = arith.constant 0 : i32
    %dma_wait3A_144 = tpu.memref_slice %arg4[%dma_wait3A_137, %dma_wait3A_138, %add3A, %dma_wait3A_142, %dma_wait3A_143] : memref<200x8x32x8x128xf32, #tpu.memory_space<hbm>> -> memref<1x1x1x8x128xf32, #tpu.memory_space<hbm>>
    %dma_wait3A_145 = tpu.memref_squeeze %dma_wait3A_144 : memref<1x1x1x8x128xf32, #tpu.memory_space<hbm>> -> memref<8x128xf32, #tpu.memory_space<hbm>>
    %dma_wait3A_146 = arith.constant 0 : i32
    %dma_wait3A_147 = arith.constant 0 : i32
    %dma_wait3A_148 = tpu.memref_slice %arg4[%dma_wait3A_137, %dma_wait3A_138, %add3A, %dma_wait3A_146, %dma_wait3A_147] : memref<200x8x32x8x128xf32, #tpu.memory_space<hbm>> -> memref<1x1x1x8x128xf32, #tpu.memory_space<hbm>>
    %dma_wait3A_149 = tpu.memref_squeeze %dma_wait3A_148 : memref<1x1x1x8x128xf32, #tpu.memory_space<hbm>> -> memref<8x128xf32, #tpu.memory_space<hbm>>
    %dma_wait3A_150 = arith.constant 0 : i32
    %dma_wait3A_151 = arith.constant 0 : i32
    %dma_wait3A_152 = tpu.memref_slice %arg8[%dma_wait3A_150, %dma_wait3A_151] : memref<128x136xf32, #tpu.memory_space<vmem>> -> memref<8x128xf32, #tpu.memory_space<vmem>>
    tpu.wait_dma2 semaphore(%arg12 : memref<!tpu.dma_semaphore, #tpu.memory_space<semaphore_mem>>) src(%dma_wait3A_152 : memref<8x128xf32, #tpu.memory_space<vmem>>) dst(%dma_wait3A_149 : memref<8x128xf32, #tpu.memory_space<hbm>>)
    %dma_wait3A_153 = arith.constant 0 : i32
    %dma_wait3A_154 = arith.constant 0 : i32
    %dma_wait3A_155 = arith.constant 0 : i32
    %dma_wait3A_156 = arith.constant 0 : i32
    %dma_wait3A_157 = tpu.memref_slice %arg8[%dma_wait3A_155, %dma_wait3A_156] : memref<128x136xf32, #tpu.memory_space<vmem>> -> memref<8x128xf32, #tpu.memory_space<vmem>>
    %dma_wait3A_158 = arith.constant 0 : i32
    %dma_wait3A_159 = arith.constant 0 : i32
    %dma_wait3A_160 = tpu.memref_slice %arg4[%dma_wait3A_153, %dma_wait3A_154, %add3A, %dma_wait3A_158, %dma_wait3A_159] : memref<200x8x32x8x128xf32, #tpu.memory_space<hbm>> -> memref<1x1x1x8x128xf32, #tpu.memory_space<hbm>>
    %dma_wait3A_161 = tpu.memref_squeeze %dma_wait3A_160 : memref<1x1x1x8x128xf32, #tpu.memory_space<hbm>> -> memref<8x128xf32, #tpu.memory_space<hbm>>
    %dma_wait3A_162 = arith.constant 0 : i32
    %dma_wait3A_163 = arith.constant 0 : i32
    %dma_wait3A_164 = tpu.memref_slice %arg4[%dma_wait3A_153, %dma_wait3A_154, %add3A, %dma_wait3A_162, %dma_wait3A_163] : memref<200x8x32x8x128xf32, #tpu.memory_space<hbm>> -> memref<1x1x1x8x128xf32, #tpu.memory_space<hbm>>
    %dma_wait3A_165 = tpu.memref_squeeze %dma_wait3A_164 : memref<1x1x1x8x128xf32, #tpu.memory_space<hbm>> -> memref<8x128xf32, #tpu.memory_space<hbm>>
    %dma_wait3A_166 = arith.constant 0 : i32
    %dma_wait3A_167 = arith.constant 0 : i32
    %dma_wait3A_168 = tpu.memref_slice %arg8[%dma_wait3A_166, %dma_wait3A_167] : memref<128x136xf32, #tpu.memory_space<vmem>> -> memref<8x128xf32, #tpu.memory_space<vmem>>
    tpu.wait_dma2 semaphore(%arg12 : memref<!tpu.dma_semaphore, #tpu.memory_space<semaphore_mem>>) src(%dma_wait3A_168 : memref<8x128xf32, #tpu.memory_space<vmem>>) dst(%dma_wait3A_165 : memref<8x128xf32, #tpu.memory_space<hbm>>)
    %dma_wait3A_169 = arith.constant 0 : i32
    %dma_wait3A_170 = arith.constant 0 : i32
    %dma_wait3A_171 = arith.constant 0 : i32
    %dma_wait3A_172 = arith.constant 0 : i32
    %dma_wait3A_173 = tpu.memref_slice %arg8[%dma_wait3A_171, %dma_wait3A_172] : memref<128x136xf32, #tpu.memory_space<vmem>> -> memref<8x128xf32, #tpu.memory_space<vmem>>
    %dma_wait3A_174 = arith.constant 0 : i32
    %dma_wait3A_175 = arith.constant 0 : i32
    %dma_wait3A_176 = tpu.memref_slice %arg4[%dma_wait3A_169, %dma_wait3A_170, %add3A, %dma_wait3A_174, %dma_wait3A_175] : memref<200x8x32x8x128xf32, #tpu.memory_space<hbm>> -> memref<1x1x1x8x128xf32, #tpu.memory_space<hbm>>
    %dma_wait3A_177 = tpu.memref_squeeze %dma_wait3A_176 : memref<1x1x1x8x128xf32, #tpu.memory_space<hbm>> -> memref<8x128xf32, #tpu.memory_space<hbm>>
    %dma_wait3A_178 = arith.constant 0 : i32
    %dma_wait3A_179 = arith.constant 0 : i32
    %dma_wait3A_180 = tpu.memref_slice %arg4[%dma_wait3A_169, %dma_wait3A_170, %add3A, %dma_wait3A_178, %dma_wait3A_179] : memref<200x8x32x8x128xf32, #tpu.memory_space<hbm>> -> memref<1x1x1x8x128xf32, #tpu.memory_space<hbm>>
    %dma_wait3A_181 = tpu.memref_squeeze %dma_wait3A_180 : memref<1x1x1x8x128xf32, #tpu.memory_space<hbm>> -> memref<8x128xf32, #tpu.memory_space<hbm>>
    %dma_wait3A_182 = arith.constant 0 : i32
    %dma_wait3A_183 = arith.constant 0 : i32
    %dma_wait3A_184 = tpu.memref_slice %arg8[%dma_wait3A_182, %dma_wait3A_183] : memref<128x136xf32, #tpu.memory_space<vmem>> -> memref<8x128xf32, #tpu.memory_space<vmem>>
    tpu.wait_dma2 semaphore(%arg12 : memref<!tpu.dma_semaphore, #tpu.memory_space<semaphore_mem>>) src(%dma_wait3A_184 : memref<8x128xf32, #tpu.memory_space<vmem>>) dst(%dma_wait3A_181 : memref<8x128xf32, #tpu.memory_space<hbm>>)
    %dma_wait3A_185 = arith.constant 0 : i32
    %dma_wait3A_186 = arith.constant 0 : i32
    %dma_wait3A_187 = arith.constant 0 : i32
    %dma_wait3A_188 = arith.constant 0 : i32
    %dma_wait3A_189 = tpu.memref_slice %arg8[%dma_wait3A_187, %dma_wait3A_188] : memref<128x136xf32, #tpu.memory_space<vmem>> -> memref<8x128xf32, #tpu.memory_space<vmem>>
    %dma_wait3A_190 = arith.constant 0 : i32
    %dma_wait3A_191 = arith.constant 0 : i32
    %dma_wait3A_192 = tpu.memref_slice %arg4[%dma_wait3A_185, %dma_wait3A_186, %add3A, %dma_wait3A_190, %dma_wait3A_191] : memref<200x8x32x8x128xf32, #tpu.memory_space<hbm>> -> memref<1x1x1x8x128xf32, #tpu.memory_space<hbm>>
    %dma_wait3A_193 = tpu.memref_squeeze %dma_wait3A_192 : memref<1x1x1x8x128xf32, #tpu.memory_space<hbm>> -> memref<8x128xf32, #tpu.memory_space<hbm>>
    %dma_wait3A_194 = arith.constant 0 : i32
    %dma_wait3A_195 = arith.constant 0 : i32
    %dma_wait3A_196 = tpu.memref_slice %arg4[%dma_wait3A_185, %dma_wait3A_186, %add3A, %dma_wait3A_194, %dma_wait3A_195] : memref<200x8x32x8x128xf32, #tpu.memory_space<hbm>> -> memref<1x1x1x8x128xf32, #tpu.memory_space<hbm>>
    %dma_wait3A_197 = tpu.memref_squeeze %dma_wait3A_196 : memref<1x1x1x8x128xf32, #tpu.memory_space<hbm>> -> memref<8x128xf32, #tpu.memory_space<hbm>>
    %dma_wait3A_198 = arith.constant 0 : i32
    %dma_wait3A_199 = arith.constant 0 : i32
    %dma_wait3A_200 = tpu.memref_slice %arg8[%dma_wait3A_198, %dma_wait3A_199] : memref<128x136xf32, #tpu.memory_space<vmem>> -> memref<8x128xf32, #tpu.memory_space<vmem>>
    tpu.wait_dma2 semaphore(%arg12 : memref<!tpu.dma_semaphore, #tpu.memory_space<semaphore_mem>>) src(%dma_wait3A_200 : memref<8x128xf32, #tpu.memory_space<vmem>>) dst(%dma_wait3A_197 : memref<8x128xf32, #tpu.memory_space<hbm>>)
    %dma_wait3A_201 = arith.constant 0 : i32
    %dma_wait3A_202 = arith.constant 0 : i32
    %dma_wait3A_203 = arith.constant 0 : i32
    %dma_wait3A_204 = arith.constant 0 : i32
    %dma_wait3A_205 = tpu.memref_slice %arg8[%dma_wait3A_203, %dma_wait3A_204] : memref<128x136xf32, #tpu.memory_space<vmem>> -> memref<8x128xf32, #tpu.memory_space<vmem>>
    %dma_wait3A_206 = arith.constant 0 : i32
    %dma_wait3A_207 = arith.constant 0 : i32
    %dma_wait3A_208 = tpu.memref_slice %arg4[%dma_wait3A_201, %dma_wait3A_202, %add3A, %dma_wait3A_206, %dma_wait3A_207] : memref<200x8x32x8x128xf32, #tpu.memory_space<hbm>> -> memref<1x1x1x8x128xf32, #tpu.memory_space<hbm>>
    %dma_wait3A_209 = tpu.memref_squeeze %dma_wait3A_208 : memref<1x1x1x8x128xf32, #tpu.memory_space<hbm>> -> memref<8x128xf32, #tpu.memory_space<hbm>>
    %dma_wait3A_210 = arith.constant 0 : i32
    %dma_wait3A_211 = arith.constant 0 : i32
    %dma_wait3A_212 = tpu.memref_slice %arg4[%dma_wait3A_201, %dma_wait3A_202, %add3A, %dma_wait3A_210, %dma_wait3A_211] : memref<200x8x32x8x128xf32, #tpu.memory_space<hbm>> -> memref<1x1x1x8x128xf32, #tpu.memory_space<hbm>>
    %dma_wait3A_213 = tpu.memref_squeeze %dma_wait3A_212 : memref<1x1x1x8x128xf32, #tpu.memory_space<hbm>> -> memref<8x128xf32, #tpu.memory_space<hbm>>
    %dma_wait3A_214 = arith.constant 0 : i32
    %dma_wait3A_215 = arith.constant 0 : i32
    %dma_wait3A_216 = tpu.memref_slice %arg8[%dma_wait3A_214, %dma_wait3A_215] : memref<128x136xf32, #tpu.memory_space<vmem>> -> memref<8x128xf32, #tpu.memory_space<vmem>>
    tpu.wait_dma2 semaphore(%arg12 : memref<!tpu.dma_semaphore, #tpu.memory_space<semaphore_mem>>) src(%dma_wait3A_216 : memref<8x128xf32, #tpu.memory_space<vmem>>) dst(%dma_wait3A_213 : memref<8x128xf32, #tpu.memory_space<hbm>>)
    %dma_wait3A_217 = arith.constant 0 : i32
    %dma_wait3A_218 = arith.constant 0 : i32
    %dma_wait3A_219 = arith.constant 0 : i32
    %dma_wait3A_220 = arith.constant 0 : i32
    %dma_wait3A_221 = tpu.memref_slice %arg8[%dma_wait3A_219, %dma_wait3A_220] : memref<128x136xf32, #tpu.memory_space<vmem>> -> memref<8x128xf32, #tpu.memory_space<vmem>>
    %dma_wait3A_222 = arith.constant 0 : i32
    %dma_wait3A_223 = arith.constant 0 : i32
    %dma_wait3A_224 = tpu.memref_slice %arg4[%dma_wait3A_217, %dma_wait3A_218, %add3A, %dma_wait3A_222, %dma_wait3A_223] : memref<200x8x32x8x128xf32, #tpu.memory_space<hbm>> -> memref<1x1x1x8x128xf32, #tpu.memory_space<hbm>>
    %dma_wait3A_225 = tpu.memref_squeeze %dma_wait3A_224 : memref<1x1x1x8x128xf32, #tpu.memory_space<hbm>> -> memref<8x128xf32, #tpu.memory_space<hbm>>
    %dma_wait3A_226 = arith.constant 0 : i32
    %dma_wait3A_227 = arith.constant 0 : i32
    %dma_wait3A_228 = tpu.memref_slice %arg4[%dma_wait3A_217, %dma_wait3A_218, %add3A, %dma_wait3A_226, %dma_wait3A_227] : memref<200x8x32x8x128xf32, #tpu.memory_space<hbm>> -> memref<1x1x1x8x128xf32, #tpu.memory_space<hbm>>
    %dma_wait3A_229 = tpu.memref_squeeze %dma_wait3A_228 : memref<1x1x1x8x128xf32, #tpu.memory_space<hbm>> -> memref<8x128xf32, #tpu.memory_space<hbm>>
    %dma_wait3A_230 = arith.constant 0 : i32
    %dma_wait3A_231 = arith.constant 0 : i32
    %dma_wait3A_232 = tpu.memref_slice %arg8[%dma_wait3A_230, %dma_wait3A_231] : memref<128x136xf32, #tpu.memory_space<vmem>> -> memref<8x128xf32, #tpu.memory_space<vmem>>
    tpu.wait_dma2 semaphore(%arg12 : memref<!tpu.dma_semaphore, #tpu.memory_space<semaphore_mem>>) src(%dma_wait3A_232 : memref<8x128xf32, #tpu.memory_space<vmem>>) dst(%dma_wait3A_229 : memref<8x128xf32, #tpu.memory_space<hbm>>)
    %dma_wait3A_233 = arith.constant 0 : i32
    %dma_wait3A_234 = arith.constant 0 : i32
    %dma_wait3A_235 = arith.constant 0 : i32
    %dma_wait3A_236 = arith.constant 0 : i32
    %dma_wait3A_237 = tpu.memref_slice %arg8[%dma_wait3A_235, %dma_wait3A_236] : memref<128x136xf32, #tpu.memory_space<vmem>> -> memref<8x128xf32, #tpu.memory_space<vmem>>
    %dma_wait3A_238 = arith.constant 0 : i32
    %dma_wait3A_239 = arith.constant 0 : i32
    %dma_wait3A_240 = tpu.memref_slice %arg4[%dma_wait3A_233, %dma_wait3A_234, %add3A, %dma_wait3A_238, %dma_wait3A_239] : memref<200x8x32x8x128xf32, #tpu.memory_space<hbm>> -> memref<1x1x1x8x128xf32, #tpu.memory_space<hbm>>
    %dma_wait3A_241 = tpu.memref_squeeze %dma_wait3A_240 : memref<1x1x1x8x128xf32, #tpu.memory_space<hbm>> -> memref<8x128xf32, #tpu.memory_space<hbm>>
    %dma_wait3A_242 = arith.constant 0 : i32
    %dma_wait3A_243 = arith.constant 0 : i32
    %dma_wait3A_244 = tpu.memref_slice %arg4[%dma_wait3A_233, %dma_wait3A_234, %add3A, %dma_wait3A_242, %dma_wait3A_243] : memref<200x8x32x8x128xf32, #tpu.memory_space<hbm>> -> memref<1x1x1x8x128xf32, #tpu.memory_space<hbm>>
    %dma_wait3A_245 = tpu.memref_squeeze %dma_wait3A_244 : memref<1x1x1x8x128xf32, #tpu.memory_space<hbm>> -> memref<8x128xf32, #tpu.memory_space<hbm>>
    %dma_wait3A_246 = arith.constant 0 : i32
    %dma_wait3A_247 = arith.constant 0 : i32
    %dma_wait3A_248 = tpu.memref_slice %arg8[%dma_wait3A_246, %dma_wait3A_247] : memref<128x136xf32, #tpu.memory_space<vmem>> -> memref<8x128xf32, #tpu.memory_space<vmem>>
    tpu.wait_dma2 semaphore(%arg12 : memref<!tpu.dma_semaphore, #tpu.memory_space<semaphore_mem>>) src(%dma_wait3A_248 : memref<8x128xf32, #tpu.memory_space<vmem>>) dst(%dma_wait3A_245 : memref<8x128xf32, #tpu.memory_space<hbm>>)
    %dma_wait3A_249 = arith.constant 0 : i32
    %dma_wait3A_250 = arith.constant 0 : i32
    %dma_wait3A_251 = arith.constant 0 : i32
    %dma_wait3A_252 = arith.constant 0 : i32
    %dma_wait3A_253 = tpu.memref_slice %arg8[%dma_wait3A_251, %dma_wait3A_252] : memref<128x136xf32, #tpu.memory_space<vmem>> -> memref<8x128xf32, #tpu.memory_space<vmem>>
    %dma_wait3A_254 = arith.constant 0 : i32
    %dma_wait3A_255 = arith.constant 0 : i32
    %dma_wait3A_256 = tpu.memref_slice %arg4[%dma_wait3A_249, %dma_wait3A_250, %add3A, %dma_wait3A_254, %dma_wait3A_255] : memref<200x8x32x8x128xf32, #tpu.memory_space<hbm>> -> memref<1x1x1x8x128xf32, #tpu.memory_space<hbm>>
    %dma_wait3A_257 = tpu.memref_squeeze %dma_wait3A_256 : memref<1x1x1x8x128xf32, #tpu.memory_space<hbm>> -> memref<8x128xf32, #tpu.memory_space<hbm>>
    %dma_wait3A_258 = arith.constant 0 : i32
    %dma_wait3A_259 = arith.constant 0 : i32
    %dma_wait3A_260 = tpu.memref_slice %arg4[%dma_wait3A_249, %dma_wait3A_250, %add3A, %dma_wait3A_258, %dma_wait3A_259] : memref<200x8x32x8x128xf32, #tpu.memory_space<hbm>> -> memref<1x1x1x8x128xf32, #tpu.memory_space<hbm>>
    %dma_wait3A_261 = tpu.memref_squeeze %dma_wait3A_260 : memref<1x1x1x8x128xf32, #tpu.memory_space<hbm>> -> memref<8x128xf32, #tpu.memory_space<hbm>>
    %dma_wait3A_262 = arith.constant 0 : i32
    %dma_wait3A_263 = arith.constant 0 : i32
    %dma_wait3A_264 = tpu.memref_slice %arg8[%dma_wait3A_262, %dma_wait3A_263] : memref<128x136xf32, #tpu.memory_space<vmem>> -> memref<8x128xf32, #tpu.memory_space<vmem>>
    tpu.wait_dma2 semaphore(%arg12 : memref<!tpu.dma_semaphore, #tpu.memory_space<semaphore_mem>>) src(%dma_wait3A_264 : memref<8x128xf32, #tpu.memory_space<vmem>>) dst(%dma_wait3A_261 : memref<8x128xf32, #tpu.memory_space<hbm>>)
    %dma_wait3A_265 = arith.constant 0 : i32
    %dma_wait3A_266 = arith.constant 0 : i32
    %dma_wait3A_267 = arith.constant 0 : i32
    %dma_wait3A_268 = arith.constant 0 : i32
    %dma_wait3A_269 = tpu.memref_slice %arg8[%dma_wait3A_267, %dma_wait3A_268] : memref<128x136xf32, #tpu.memory_space<vmem>> -> memref<8x128xf32, #tpu.memory_space<vmem>>
    %dma_wait3A_270 = arith.constant 0 : i32
    %dma_wait3A_271 = arith.constant 0 : i32
    %dma_wait3A_272 = tpu.memref_slice %arg4[%dma_wait3A_265, %dma_wait3A_266, %add3A, %dma_wait3A_270, %dma_wait3A_271] : memref<200x8x32x8x128xf32, #tpu.memory_space<hbm>> -> memref<1x1x1x8x128xf32, #tpu.memory_space<hbm>>
    %dma_wait3A_273 = tpu.memref_squeeze %dma_wait3A_272 : memref<1x1x1x8x128xf32, #tpu.memory_space<hbm>> -> memref<8x128xf32, #tpu.memory_space<hbm>>
    %dma_wait3A_274 = arith.constant 0 : i32
    %dma_wait3A_275 = arith.constant 0 : i32
    %dma_wait3A_276 = tpu.memref_slice %arg4[%dma_wait3A_265, %dma_wait3A_266, %add3A, %dma_wait3A_274, %dma_wait3A_275] : memref<200x8x32x8x128xf32, #tpu.memory_space<hbm>> -> memref<1x1x1x8x128xf32, #tpu.memory_space<hbm>>
    %dma_wait3A_277 = tpu.memref_squeeze %dma_wait3A_276 : memref<1x1x1x8x128xf32, #tpu.memory_space<hbm>> -> memref<8x128xf32, #tpu.memory_space<hbm>>
    %dma_wait3A_278 = arith.constant 0 : i32
    %dma_wait3A_279 = arith.constant 0 : i32
    %dma_wait3A_280 = tpu.memref_slice %arg8[%dma_wait3A_278, %dma_wait3A_279] : memref<128x136xf32, #tpu.memory_space<vmem>> -> memref<8x128xf32, #tpu.memory_space<vmem>>
    tpu.wait_dma2 semaphore(%arg12 : memref<!tpu.dma_semaphore, #tpu.memory_space<semaphore_mem>>) src(%dma_wait3A_280 : memref<8x128xf32, #tpu.memory_space<vmem>>) dst(%dma_wait3A_277 : memref<8x128xf32, #tpu.memory_space<hbm>>)
    %dma_wait3A_281 = arith.constant 0 : i32
    %dma_wait3A_282 = arith.constant 0 : i32
    %dma_wait3A_283 = arith.constant 0 : i32
    %dma_wait3A_284 = arith.constant 0 : i32
    %dma_wait3A_285 = tpu.memref_slice %arg8[%dma_wait3A_283, %dma_wait3A_284] : memref<128x136xf32, #tpu.memory_space<vmem>> -> memref<8x128xf32, #tpu.memory_space<vmem>>
    %dma_wait3A_286 = arith.constant 0 : i32
    %dma_wait3A_287 = arith.constant 0 : i32
    %dma_wait3A_288 = tpu.memref_slice %arg4[%dma_wait3A_281, %dma_wait3A_282, %add3A, %dma_wait3A_286, %dma_wait3A_287] : memref<200x8x32x8x128xf32, #tpu.memory_space<hbm>> -> memref<1x1x1x8x128xf32, #tpu.memory_space<hbm>>
    %dma_wait3A_289 = tpu.memref_squeeze %dma_wait3A_288 : memref<1x1x1x8x128xf32, #tpu.memory_space<hbm>> -> memref<8x128xf32, #tpu.memory_space<hbm>>
    %dma_wait3A_290 = arith.constant 0 : i32
    %dma_wait3A_291 = arith.constant 0 : i32
    %dma_wait3A_292 = tpu.memref_slice %arg4[%dma_wait3A_281, %dma_wait3A_282, %add3A, %dma_wait3A_290, %dma_wait3A_291] : memref<200x8x32x8x128xf32, #tpu.memory_space<hbm>> -> memref<1x1x1x8x128xf32, #tpu.memory_space<hbm>>
    %dma_wait3A_293 = tpu.memref_squeeze %dma_wait3A_292 : memref<1x1x1x8x128xf32, #tpu.memory_space<hbm>> -> memref<8x128xf32, #tpu.memory_space<hbm>>
    %dma_wait3A_294 = arith.constant 0 : i32
    %dma_wait3A_295 = arith.constant 0 : i32
    %dma_wait3A_296 = tpu.memref_slice %arg8[%dma_wait3A_294, %dma_wait3A_295] : memref<128x136xf32, #tpu.memory_space<vmem>> -> memref<8x128xf32, #tpu.memory_space<vmem>>
    tpu.wait_dma2 semaphore(%arg12 : memref<!tpu.dma_semaphore, #tpu.memory_space<semaphore_mem>>) src(%dma_wait3A_296 : memref<8x128xf32, #tpu.memory_space<vmem>>) dst(%dma_wait3A_293 : memref<8x128xf32, #tpu.memory_space<hbm>>)
    %dma_wait3A_297 = arith.constant 0 : i32
    %dma_wait3A_298 = arith.constant 0 : i32
    %dma_wait3A_299 = arith.constant 0 : i32
    %dma_wait3A_300 = arith.constant 0 : i32
    %dma_wait3A_301 = tpu.memref_slice %arg8[%dma_wait3A_299, %dma_wait3A_300] : memref<128x136xf32, #tpu.memory_space<vmem>> -> memref<8x128xf32, #tpu.memory_space<vmem>>
    %dma_wait3A_302 = arith.constant 0 : i32
    %dma_wait3A_303 = arith.constant 0 : i32
    %dma_wait3A_304 = tpu.memref_slice %arg4[%dma_wait3A_297, %dma_wait3A_298, %add3A, %dma_wait3A_302, %dma_wait3A_303] : memref<200x8x32x8x128xf32, #tpu.memory_space<hbm>> -> memref<1x1x1x8x128xf32, #tpu.memory_space<hbm>>
    %dma_wait3A_305 = tpu.memref_squeeze %dma_wait3A_304 : memref<1x1x1x8x128xf32, #tpu.memory_space<hbm>> -> memref<8x128xf32, #tpu.memory_space<hbm>>
    %dma_wait3A_306 = arith.constant 0 : i32
    %dma_wait3A_307 = arith.constant 0 : i32
    %dma_wait3A_308 = tpu.memref_slice %arg4[%dma_wait3A_297, %dma_wait3A_298, %add3A, %dma_wait3A_306, %dma_wait3A_307] : memref<200x8x32x8x128xf32, #tpu.memory_space<hbm>> -> memref<1x1x1x8x128xf32, #tpu.memory_space<hbm>>
    %dma_wait3A_309 = tpu.memref_squeeze %dma_wait3A_308 : memref<1x1x1x8x128xf32, #tpu.memory_space<hbm>> -> memref<8x128xf32, #tpu.memory_space<hbm>>
    %dma_wait3A_310 = arith.constant 0 : i32
    %dma_wait3A_311 = arith.constant 0 : i32
    %dma_wait3A_312 = tpu.memref_slice %arg8[%dma_wait3A_310, %dma_wait3A_311] : memref<128x136xf32, #tpu.memory_space<vmem>> -> memref<8x128xf32, #tpu.memory_space<vmem>>
    tpu.wait_dma2 semaphore(%arg12 : memref<!tpu.dma_semaphore, #tpu.memory_space<semaphore_mem>>) src(%dma_wait3A_312 : memref<8x128xf32, #tpu.memory_space<vmem>>) dst(%dma_wait3A_309 : memref<8x128xf32, #tpu.memory_space<hbm>>)
    %dma_wait3A_313 = arith.constant 0 : i32
    %dma_wait3A_314 = arith.constant 0 : i32
    %dma_wait3A_315 = arith.constant 0 : i32
    %dma_wait3A_316 = arith.constant 0 : i32
    %dma_wait3A_317 = tpu.memref_slice %arg8[%dma_wait3A_315, %dma_wait3A_316] : memref<128x136xf32, #tpu.memory_space<vmem>> -> memref<8x128xf32, #tpu.memory_space<vmem>>
    %dma_wait3A_318 = arith.constant 0 : i32
    %dma_wait3A_319 = arith.constant 0 : i32
    %dma_wait3A_320 = tpu.memref_slice %arg4[%dma_wait3A_313, %dma_wait3A_314, %add3A, %dma_wait3A_318, %dma_wait3A_319] : memref<200x8x32x8x128xf32, #tpu.memory_space<hbm>> -> memref<1x1x1x8x128xf32, #tpu.memory_space<hbm>>
    %dma_wait3A_321 = tpu.memref_squeeze %dma_wait3A_320 : memref<1x1x1x8x128xf32, #tpu.memory_space<hbm>> -> memref<8x128xf32, #tpu.memory_space<hbm>>
    %dma_wait3A_322 = arith.constant 0 : i32
    %dma_wait3A_323 = arith.constant 0 : i32
    %dma_wait3A_324 = tpu.memref_slice %arg4[%dma_wait3A_313, %dma_wait3A_314, %add3A, %dma_wait3A_322, %dma_wait3A_323] : memref<200x8x32x8x128xf32, #tpu.memory_space<hbm>> -> memref<1x1x1x8x128xf32, #tpu.memory_space<hbm>>
    %dma_wait3A_325 = tpu.memref_squeeze %dma_wait3A_324 : memref<1x1x1x8x128xf32, #tpu.memory_space<hbm>> -> memref<8x128xf32, #tpu.memory_space<hbm>>
    %dma_wait3A_326 = arith.constant 0 : i32
    %dma_wait3A_327 = arith.constant 0 : i32
    %dma_wait3A_328 = tpu.memref_slice %arg8[%dma_wait3A_326, %dma_wait3A_327] : memref<128x136xf32, #tpu.memory_space<vmem>> -> memref<8x128xf32, #tpu.memory_space<vmem>>
    tpu.wait_dma2 semaphore(%arg12 : memref<!tpu.dma_semaphore, #tpu.memory_space<semaphore_mem>>) src(%dma_wait3A_328 : memref<8x128xf32, #tpu.memory_space<vmem>>) dst(%dma_wait3A_325 : memref<8x128xf32, #tpu.memory_space<hbm>>)
    %dma_wait3A_329 = arith.constant 0 : i32
    %dma_wait3A_330 = arith.constant 0 : i32
    %dma_wait3A_331 = arith.constant 0 : i32
    %dma_wait3A_332 = arith.constant 0 : i32
    %dma_wait3A_333 = tpu.memref_slice %arg8[%dma_wait3A_331, %dma_wait3A_332] : memref<128x136xf32, #tpu.memory_space<vmem>> -> memref<8x128xf32, #tpu.memory_space<vmem>>
    %dma_wait3A_334 = arith.constant 0 : i32
    %dma_wait3A_335 = arith.constant 0 : i32
    %dma_wait3A_336 = tpu.memref_slice %arg4[%dma_wait3A_329, %dma_wait3A_330, %add3A, %dma_wait3A_334, %dma_wait3A_335] : memref<200x8x32x8x128xf32, #tpu.memory_space<hbm>> -> memref<1x1x1x8x128xf32, #tpu.memory_space<hbm>>
    %dma_wait3A_337 = tpu.memref_squeeze %dma_wait3A_336 : memref<1x1x1x8x128xf32, #tpu.memory_space<hbm>> -> memref<8x128xf32, #tpu.memory_space<hbm>>
    %dma_wait3A_338 = arith.constant 0 : i32
    %dma_wait3A_339 = arith.constant 0 : i32
    %dma_wait3A_340 = tpu.memref_slice %arg4[%dma_wait3A_329, %dma_wait3A_330, %add3A, %dma_wait3A_338, %dma_wait3A_339] : memref<200x8x32x8x128xf32, #tpu.memory_space<hbm>> -> memref<1x1x1x8x128xf32, #tpu.memory_space<hbm>>
    %dma_wait3A_341 = tpu.memref_squeeze %dma_wait3A_340 : memref<1x1x1x8x128xf32, #tpu.memory_space<hbm>> -> memref<8x128xf32, #tpu.memory_space<hbm>>
    %dma_wait3A_342 = arith.constant 0 : i32
    %dma_wait3A_343 = arith.constant 0 : i32
    %dma_wait3A_344 = tpu.memref_slice %arg8[%dma_wait3A_342, %dma_wait3A_343] : memref<128x136xf32, #tpu.memory_space<vmem>> -> memref<8x128xf32, #tpu.memory_space<vmem>>
    tpu.wait_dma2 semaphore(%arg12 : memref<!tpu.dma_semaphore, #tpu.memory_space<semaphore_mem>>) src(%dma_wait3A_344 : memref<8x128xf32, #tpu.memory_space<vmem>>) dst(%dma_wait3A_341 : memref<8x128xf32, #tpu.memory_space<hbm>>)
    %dma_wait3A_345 = arith.constant 0 : i32
    %dma_wait3A_346 = arith.constant 0 : i32
    %dma_wait3A_347 = arith.constant 0 : i32
    %dma_wait3A_348 = arith.constant 0 : i32
    %dma_wait3A_349 = tpu.memref_slice %arg8[%dma_wait3A_347, %dma_wait3A_348] : memref<128x136xf32, #tpu.memory_space<vmem>> -> memref<8x128xf32, #tpu.memory_space<vmem>>
    %dma_wait3A_350 = arith.constant 0 : i32
    %dma_wait3A_351 = arith.constant 0 : i32
    %dma_wait3A_352 = tpu.memref_slice %arg4[%dma_wait3A_345, %dma_wait3A_346, %add3A, %dma_wait3A_350, %dma_wait3A_351] : memref<200x8x32x8x128xf32, #tpu.memory_space<hbm>> -> memref<1x1x1x8x128xf32, #tpu.memory_space<hbm>>
    %dma_wait3A_353 = tpu.memref_squeeze %dma_wait3A_352 : memref<1x1x1x8x128xf32, #tpu.memory_space<hbm>> -> memref<8x128xf32, #tpu.memory_space<hbm>>
    %dma_wait3A_354 = arith.constant 0 : i32
    %dma_wait3A_355 = arith.constant 0 : i32
    %dma_wait3A_356 = tpu.memref_slice %arg4[%dma_wait3A_345, %dma_wait3A_346, %add3A, %dma_wait3A_354, %dma_wait3A_355] : memref<200x8x32x8x128xf32, #tpu.memory_space<hbm>> -> memref<1x1x1x8x128xf32, #tpu.memory_space<hbm>>
    %dma_wait3A_357 = tpu.memref_squeeze %dma_wait3A_356 : memref<1x1x1x8x128xf32, #tpu.memory_space<hbm>> -> memref<8x128xf32, #tpu.memory_space<hbm>>
    %dma_wait3A_358 = arith.constant 0 : i32
    %dma_wait3A_359 = arith.constant 0 : i32
    %dma_wait3A_360 = tpu.memref_slice %arg8[%dma_wait3A_358, %dma_wait3A_359] : memref<128x136xf32, #tpu.memory_space<vmem>> -> memref<8x128xf32, #tpu.memory_space<vmem>>
    tpu.wait_dma2 semaphore(%arg12 : memref<!tpu.dma_semaphore, #tpu.memory_space<semaphore_mem>>) src(%dma_wait3A_360 : memref<8x128xf32, #tpu.memory_space<vmem>>) dst(%dma_wait3A_357 : memref<8x128xf32, #tpu.memory_space<hbm>>)
    %dma_wait3A_361 = arith.constant 0 : i32
    %dma_wait3A_362 = arith.constant 0 : i32
    %dma_wait3A_363 = arith.constant 0 : i32
    %dma_wait3A_364 = arith.constant 0 : i32
    %dma_wait3A_365 = tpu.memref_slice %arg8[%dma_wait3A_363, %dma_wait3A_364] : memref<128x136xf32, #tpu.memory_space<vmem>> -> memref<8x128xf32, #tpu.memory_space<vmem>>
    %dma_wait3A_366 = arith.constant 0 : i32
    %dma_wait3A_367 = arith.constant 0 : i32
    %dma_wait3A_368 = tpu.memref_slice %arg4[%dma_wait3A_361, %dma_wait3A_362, %add3A, %dma_wait3A_366, %dma_wait3A_367] : memref<200x8x32x8x128xf32, #tpu.memory_space<hbm>> -> memref<1x1x1x8x128xf32, #tpu.memory_space<hbm>>
    %dma_wait3A_369 = tpu.memref_squeeze %dma_wait3A_368 : memref<1x1x1x8x128xf32, #tpu.memory_space<hbm>> -> memref<8x128xf32, #tpu.memory_space<hbm>>
    %dma_wait3A_370 = arith.constant 0 : i32
    %dma_wait3A_371 = arith.constant 0 : i32
    %dma_wait3A_372 = tpu.memref_slice %arg4[%dma_wait3A_361, %dma_wait3A_362, %add3A, %dma_wait3A_370, %dma_wait3A_371] : memref<200x8x32x8x128xf32, #tpu.memory_space<hbm>> -> memref<1x1x1x8x128xf32, #tpu.memory_space<hbm>>
    %dma_wait3A_373 = tpu.memref_squeeze %dma_wait3A_372 : memref<1x1x1x8x128xf32, #tpu.memory_space<hbm>> -> memref<8x128xf32, #tpu.memory_space<hbm>>
    %dma_wait3A_374 = arith.constant 0 : i32
    %dma_wait3A_375 = arith.constant 0 : i32
    %dma_wait3A_376 = tpu.memref_slice %arg8[%dma_wait3A_374, %dma_wait3A_375] : memref<128x136xf32, #tpu.memory_space<vmem>> -> memref<8x128xf32, #tpu.memory_space<vmem>>
    tpu.wait_dma2 semaphore(%arg12 : memref<!tpu.dma_semaphore, #tpu.memory_space<semaphore_mem>>) src(%dma_wait3A_376 : memref<8x128xf32, #tpu.memory_space<vmem>>) dst(%dma_wait3A_373 : memref<8x128xf32, #tpu.memory_space<hbm>>)
    %dma_wait3A_377 = arith.constant 0 : i32
    %dma_wait3A_378 = arith.constant 0 : i32
    %dma_wait3A_379 = arith.constant 0 : i32
    %dma_wait3A_380 = arith.constant 0 : i32
    %dma_wait3A_381 = tpu.memref_slice %arg9[%dma_wait3A_379, %dma_wait3A_380] : memref<128x136xf32, #tpu.memory_space<vmem>> -> memref<8x128xf32, #tpu.memory_space<vmem>>
    %dma_wait3A_382 = arith.constant 0 : i32
    %dma_wait3A_383 = arith.constant 0 : i32
    %dma_wait3A_384 = tpu.memref_slice %arg4[%dma_wait3A_377, %dma_wait3A_378, %add3A, %dma_wait3A_382, %dma_wait3A_383] : memref<200x8x32x8x128xf32, #tpu.memory_space<hbm>> -> memref<1x1x1x8x128xf32, #tpu.memory_space<hbm>>
    %dma_wait3A_385 = tpu.memref_squeeze %dma_wait3A_384 : memref<1x1x1x8x128xf32, #tpu.memory_space<hbm>> -> memref<8x128xf32, #tpu.memory_space<hbm>>
    %dma_wait3A_386 = arith.constant 0 : i32
    %dma_wait3A_387 = arith.constant 0 : i32
    %dma_wait3A_388 = tpu.memref_slice %arg4[%dma_wait3A_377, %dma_wait3A_378, %add3A, %dma_wait3A_386, %dma_wait3A_387] : memref<200x8x32x8x128xf32, #tpu.memory_space<hbm>> -> memref<1x1x1x8x128xf32, #tpu.memory_space<hbm>>
    %dma_wait3A_389 = tpu.memref_squeeze %dma_wait3A_388 : memref<1x1x1x8x128xf32, #tpu.memory_space<hbm>> -> memref<8x128xf32, #tpu.memory_space<hbm>>
    %dma_wait3A_390 = arith.constant 0 : i32
    %dma_wait3A_391 = arith.constant 0 : i32
    %dma_wait3A_392 = tpu.memref_slice %arg9[%dma_wait3A_390, %dma_wait3A_391] : memref<128x136xf32, #tpu.memory_space<vmem>> -> memref<8x128xf32, #tpu.memory_space<vmem>>
    tpu.wait_dma2 semaphore(%arg13 : memref<!tpu.dma_semaphore, #tpu.memory_space<semaphore_mem>>) src(%dma_wait3A_392 : memref<8x128xf32, #tpu.memory_space<vmem>>) dst(%dma_wait3A_389 : memref<8x128xf32, #tpu.memory_space<hbm>>)
    %dma_wait3A_393 = arith.constant 0 : i32
    %dma_wait3A_394 = arith.constant 0 : i32
    %dma_wait3A_395 = arith.constant 0 : i32
    %dma_wait3A_396 = arith.constant 0 : i32
    %dma_wait3A_397 = tpu.memref_slice %arg9[%dma_wait3A_395, %dma_wait3A_396] : memref<128x136xf32, #tpu.memory_space<vmem>> -> memref<8x128xf32, #tpu.memory_space<vmem>>
    %dma_wait3A_398 = arith.constant 0 : i32
    %dma_wait3A_399 = arith.constant 0 : i32
    %dma_wait3A_400 = tpu.memref_slice %arg4[%dma_wait3A_393, %dma_wait3A_394, %add3A, %dma_wait3A_398, %dma_wait3A_399] : memref<200x8x32x8x128xf32, #tpu.memory_space<hbm>> -> memref<1x1x1x8x128xf32, #tpu.memory_space<hbm>>
    %dma_wait3A_401 = tpu.memref_squeeze %dma_wait3A_400 : memref<1x1x1x8x128xf32, #tpu.memory_space<hbm>> -> memref<8x128xf32, #tpu.memory_space<hbm>>
    %dma_wait3A_402 = arith.constant 0 : i32
    %dma_wait3A_403 = arith.constant 0 : i32
    %dma_wait3A_404 = tpu.memref_slice %arg4[%dma_wait3A_393, %dma_wait3A_394, %add3A, %dma_wait3A_402, %dma_wait3A_403] : memref<200x8x32x8x128xf32, #tpu.memory_space<hbm>> -> memref<1x1x1x8x128xf32, #tpu.memory_space<hbm>>
    %dma_wait3A_405 = tpu.memref_squeeze %dma_wait3A_404 : memref<1x1x1x8x128xf32, #tpu.memory_space<hbm>> -> memref<8x128xf32, #tpu.memory_space<hbm>>
    %dma_wait3A_406 = arith.constant 0 : i32
    %dma_wait3A_407 = arith.constant 0 : i32
    %dma_wait3A_408 = tpu.memref_slice %arg9[%dma_wait3A_406, %dma_wait3A_407] : memref<128x136xf32, #tpu.memory_space<vmem>> -> memref<8x128xf32, #tpu.memory_space<vmem>>
    tpu.wait_dma2 semaphore(%arg13 : memref<!tpu.dma_semaphore, #tpu.memory_space<semaphore_mem>>) src(%dma_wait3A_408 : memref<8x128xf32, #tpu.memory_space<vmem>>) dst(%dma_wait3A_405 : memref<8x128xf32, #tpu.memory_space<hbm>>)
    %dma_wait3A_409 = arith.constant 0 : i32
    %dma_wait3A_410 = arith.constant 0 : i32
    %dma_wait3A_411 = arith.constant 0 : i32
    %dma_wait3A_412 = arith.constant 0 : i32
    %dma_wait3A_413 = tpu.memref_slice %arg9[%dma_wait3A_411, %dma_wait3A_412] : memref<128x136xf32, #tpu.memory_space<vmem>> -> memref<8x128xf32, #tpu.memory_space<vmem>>
    %dma_wait3A_414 = arith.constant 0 : i32
    %dma_wait3A_415 = arith.constant 0 : i32
    %dma_wait3A_416 = tpu.memref_slice %arg4[%dma_wait3A_409, %dma_wait3A_410, %add3A, %dma_wait3A_414, %dma_wait3A_415] : memref<200x8x32x8x128xf32, #tpu.memory_space<hbm>> -> memref<1x1x1x8x128xf32, #tpu.memory_space<hbm>>
    %dma_wait3A_417 = tpu.memref_squeeze %dma_wait3A_416 : memref<1x1x1x8x128xf32, #tpu.memory_space<hbm>> -> memref<8x128xf32, #tpu.memory_space<hbm>>
    %dma_wait3A_418 = arith.constant 0 : i32
    %dma_wait3A_419 = arith.constant 0 : i32
    %dma_wait3A_420 = tpu.memref_slice %arg4[%dma_wait3A_409, %dma_wait3A_410, %add3A, %dma_wait3A_418, %dma_wait3A_419] : memref<200x8x32x8x128xf32, #tpu.memory_space<hbm>> -> memref<1x1x1x8x128xf32, #tpu.memory_space<hbm>>
    %dma_wait3A_421 = tpu.memref_squeeze %dma_wait3A_420 : memref<1x1x1x8x128xf32, #tpu.memory_space<hbm>> -> memref<8x128xf32, #tpu.memory_space<hbm>>
    %dma_wait3A_422 = arith.constant 0 : i32
    %dma_wait3A_423 = arith.constant 0 : i32
    %dma_wait3A_424 = tpu.memref_slice %arg9[%dma_wait3A_422, %dma_wait3A_423] : memref<128x136xf32, #tpu.memory_space<vmem>> -> memref<8x128xf32, #tpu.memory_space<vmem>>
    tpu.wait_dma2 semaphore(%arg13 : memref<!tpu.dma_semaphore, #tpu.memory_space<semaphore_mem>>) src(%dma_wait3A_424 : memref<8x128xf32, #tpu.memory_space<vmem>>) dst(%dma_wait3A_421 : memref<8x128xf32, #tpu.memory_space<hbm>>)
    %dma_wait3A_425 = arith.constant 0 : i32
    %dma_wait3A_426 = arith.constant 0 : i32
    %dma_wait3A_427 = arith.constant 0 : i32
    %dma_wait3A_428 = arith.constant 0 : i32
    %dma_wait3A_429 = tpu.memref_slice %arg9[%dma_wait3A_427, %dma_wait3A_428] : memref<128x136xf32, #tpu.memory_space<vmem>> -> memref<8x128xf32, #tpu.memory_space<vmem>>
    %dma_wait3A_430 = arith.constant 0 : i32
    %dma_wait3A_431 = arith.constant 0 : i32
    %dma_wait3A_432 = tpu.memref_slice %arg4[%dma_wait3A_425, %dma_wait3A_426, %add3A, %dma_wait3A_430, %dma_wait3A_431] : memref<200x8x32x8x128xf32, #tpu.memory_space<hbm>> -> memref<1x1x1x8x128xf32, #tpu.memory_space<hbm>>
    %dma_wait3A_433 = tpu.memref_squeeze %dma_wait3A_432 : memref<1x1x1x8x128xf32, #tpu.memory_space<hbm>> -> memref<8x128xf32, #tpu.memory_space<hbm>>
    %dma_wait3A_434 = arith.constant 0 : i32
    %dma_wait3A_435 = arith.constant 0 : i32
    %dma_wait3A_436 = tpu.memref_slice %arg4[%dma_wait3A_425, %dma_wait3A_426, %add3A, %dma_wait3A_434, %dma_wait3A_435] : memref<200x8x32x8x128xf32, #tpu.memory_space<hbm>> -> memref<1x1x1x8x128xf32, #tpu.memory_space<hbm>>
    %dma_wait3A_437 = tpu.memref_squeeze %dma_wait3A_436 : memref<1x1x1x8x128xf32, #tpu.memory_space<hbm>> -> memref<8x128xf32, #tpu.memory_space<hbm>>
    %dma_wait3A_438 = arith.constant 0 : i32
    %dma_wait3A_439 = arith.constant 0 : i32
    %dma_wait3A_440 = tpu.memref_slice %arg9[%dma_wait3A_438, %dma_wait3A_439] : memref<128x136xf32, #tpu.memory_space<vmem>> -> memref<8x128xf32, #tpu.memory_space<vmem>>
    tpu.wait_dma2 semaphore(%arg13 : memref<!tpu.dma_semaphore, #tpu.memory_space<semaphore_mem>>) src(%dma_wait3A_440 : memref<8x128xf32, #tpu.memory_space<vmem>>) dst(%dma_wait3A_437 : memref<8x128xf32, #tpu.memory_space<hbm>>)
    %dma_wait3A_441 = arith.constant 0 : i32
    %dma_wait3A_442 = arith.constant 0 : i32
    %dma_wait3A_443 = arith.constant 0 : i32
    %dma_wait3A_444 = arith.constant 0 : i32
    %dma_wait3A_445 = tpu.memref_slice %arg9[%dma_wait3A_443, %dma_wait3A_444] : memref<128x136xf32, #tpu.memory_space<vmem>> -> memref<8x128xf32, #tpu.memory_space<vmem>>
    %dma_wait3A_446 = arith.constant 0 : i32
    %dma_wait3A_447 = arith.constant 0 : i32
    %dma_wait3A_448 = tpu.memref_slice %arg4[%dma_wait3A_441, %dma_wait3A_442, %add3A, %dma_wait3A_446, %dma_wait3A_447] : memref<200x8x32x8x128xf32, #tpu.memory_space<hbm>> -> memref<1x1x1x8x128xf32, #tpu.memory_space<hbm>>
    %dma_wait3A_449 = tpu.memref_squeeze %dma_wait3A_448 : memref<1x1x1x8x128xf32, #tpu.memory_space<hbm>> -> memref<8x128xf32, #tpu.memory_space<hbm>>
    %dma_wait3A_450 = arith.constant 0 : i32
    %dma_wait3A_451 = arith.constant 0 : i32
    %dma_wait3A_452 = tpu.memref_slice %arg4[%dma_wait3A_441, %dma_wait3A_442, %add3A, %dma_wait3A_450, %dma_wait3A_451] : memref<200x8x32x8x128xf32, #tpu.memory_space<hbm>> -> memref<1x1x1x8x128xf32, #tpu.memory_space<hbm>>
    %dma_wait3A_453 = tpu.memref_squeeze %dma_wait3A_452 : memref<1x1x1x8x128xf32, #tpu.memory_space<hbm>> -> memref<8x128xf32, #tpu.memory_space<hbm>>
    %dma_wait3A_454 = arith.constant 0 : i32
    %dma_wait3A_455 = arith.constant 0 : i32
    %dma_wait3A_456 = tpu.memref_slice %arg9[%dma_wait3A_454, %dma_wait3A_455] : memref<128x136xf32, #tpu.memory_space<vmem>> -> memref<8x128xf32, #tpu.memory_space<vmem>>
    tpu.wait_dma2 semaphore(%arg13 : memref<!tpu.dma_semaphore, #tpu.memory_space<semaphore_mem>>) src(%dma_wait3A_456 : memref<8x128xf32, #tpu.memory_space<vmem>>) dst(%dma_wait3A_453 : memref<8x128xf32, #tpu.memory_space<hbm>>)
    %dma_wait3A_457 = arith.constant 0 : i32
    %dma_wait3A_458 = arith.constant 0 : i32
    %dma_wait3A_459 = arith.constant 0 : i32
    %dma_wait3A_460 = arith.constant 0 : i32
    %dma_wait3A_461 = tpu.memref_slice %arg9[%dma_wait3A_459, %dma_wait3A_460] : memref<128x136xf32, #tpu.memory_space<vmem>> -> memref<8x128xf32, #tpu.memory_space<vmem>>
    %dma_wait3A_462 = arith.constant 0 : i32
    %dma_wait3A_463 = arith.constant 0 : i32
    %dma_wait3A_464 = tpu.memref_slice %arg4[%dma_wait3A_457, %dma_wait3A_458, %add3A, %dma_wait3A_462, %dma_wait3A_463] : memref<200x8x32x8x128xf32, #tpu.memory_space<hbm>> -> memref<1x1x1x8x128xf32, #tpu.memory_space<hbm>>
    %dma_wait3A_465 = tpu.memref_squeeze %dma_wait3A_464 : memref<1x1x1x8x128xf32, #tpu.memory_space<hbm>> -> memref<8x128xf32, #tpu.memory_space<hbm>>
    %dma_wait3A_466 = arith.constant 0 : i32
    %dma_wait3A_467 = arith.constant 0 : i32
    %dma_wait3A_468 = tpu.memref_slice %arg4[%dma_wait3A_457, %dma_wait3A_458, %add3A, %dma_wait3A_466, %dma_wait3A_467] : memref<200x8x32x8x128xf32, #tpu.memory_space<hbm>> -> memref<1x1x1x8x128xf32, #tpu.memory_space<hbm>>
    %dma_wait3A_469 = tpu.memref_squeeze %dma_wait3A_468 : memref<1x1x1x8x128xf32, #tpu.memory_space<hbm>> -> memref<8x128xf32, #tpu.memory_space<hbm>>
    %dma_wait3A_470 = arith.constant 0 : i32
    %dma_wait3A_471 = arith.constant 0 : i32
    %dma_wait3A_472 = tpu.memref_slice %arg9[%dma_wait3A_470, %dma_wait3A_471] : memref<128x136xf32, #tpu.memory_space<vmem>> -> memref<8x128xf32, #tpu.memory_space<vmem>>
    tpu.wait_dma2 semaphore(%arg13 : memref<!tpu.dma_semaphore, #tpu.memory_space<semaphore_mem>>) src(%dma_wait3A_472 : memref<8x128xf32, #tpu.memory_space<vmem>>) dst(%dma_wait3A_469 : memref<8x128xf32, #tpu.memory_space<hbm>>)
    %dma_wait3A_473 = arith.constant 0 : i32
    %dma_wait3A_474 = arith.constant 0 : i32
    %dma_wait3A_475 = arith.constant 0 : i32
    %dma_wait3A_476 = arith.constant 0 : i32
    %dma_wait3A_477 = tpu.memref_slice %arg9[%dma_wait3A_475, %dma_wait3A_476] : memref<128x136xf32, #tpu.memory_space<vmem>> -> memref<8x128xf32, #tpu.memory_space<vmem>>
    %dma_wait3A_478 = arith.constant 0 : i32
    %dma_wait3A_479 = arith.constant 0 : i32
    %dma_wait3A_480 = tpu.memref_slice %arg4[%dma_wait3A_473, %dma_wait3A_474, %add3A, %dma_wait3A_478, %dma_wait3A_479] : memref<200x8x32x8x128xf32, #tpu.memory_space<hbm>> -> memref<1x1x1x8x128xf32, #tpu.memory_space<hbm>>
    %dma_wait3A_481 = tpu.memref_squeeze %dma_wait3A_480 : memref<1x1x1x8x128xf32, #tpu.memory_space<hbm>> -> memref<8x128xf32, #tpu.memory_space<hbm>>
    %dma_wait3A_482 = arith.constant 0 : i32
    %dma_wait3A_483 = arith.constant 0 : i32
    %dma_wait3A_484 = tpu.memref_slice %arg4[%dma_wait3A_473, %dma_wait3A_474, %add3A, %dma_wait3A_482, %dma_wait3A_483] : memref<200x8x32x8x128xf32, #tpu.memory_space<hbm>> -> memref<1x1x1x8x128xf32, #tpu.memory_space<hbm>>
    %dma_wait3A_485 = tpu.memref_squeeze %dma_wait3A_484 : memref<1x1x1x8x128xf32, #tpu.memory_space<hbm>> -> memref<8x128xf32, #tpu.memory_space<hbm>>
    %dma_wait3A_486 = arith.constant 0 : i32
    %dma_wait3A_487 = arith.constant 0 : i32
    %dma_wait3A_488 = tpu.memref_slice %arg9[%dma_wait3A_486, %dma_wait3A_487] : memref<128x136xf32, #tpu.memory_space<vmem>> -> memref<8x128xf32, #tpu.memory_space<vmem>>
    tpu.wait_dma2 semaphore(%arg13 : memref<!tpu.dma_semaphore, #tpu.memory_space<semaphore_mem>>) src(%dma_wait3A_488 : memref<8x128xf32, #tpu.memory_space<vmem>>) dst(%dma_wait3A_485 : memref<8x128xf32, #tpu.memory_space<hbm>>)
    %dma_wait3A_489 = arith.constant 0 : i32
    %dma_wait3A_490 = arith.constant 0 : i32
    %dma_wait3A_491 = arith.constant 0 : i32
    %dma_wait3A_492 = arith.constant 0 : i32
    %dma_wait3A_493 = tpu.memref_slice %arg9[%dma_wait3A_491, %dma_wait3A_492] : memref<128x136xf32, #tpu.memory_space<vmem>> -> memref<8x128xf32, #tpu.memory_space<vmem>>
    %dma_wait3A_494 = arith.constant 0 : i32
    %dma_wait3A_495 = arith.constant 0 : i32
    %dma_wait3A_496 = tpu.memref_slice %arg4[%dma_wait3A_489, %dma_wait3A_490, %add3A, %dma_wait3A_494, %dma_wait3A_495] : memref<200x8x32x8x128xf32, #tpu.memory_space<hbm>> -> memref<1x1x1x8x128xf32, #tpu.memory_space<hbm>>
    %dma_wait3A_497 = tpu.memref_squeeze %dma_wait3A_496 : memref<1x1x1x8x128xf32, #tpu.memory_space<hbm>> -> memref<8x128xf32, #tpu.memory_space<hbm>>
    %dma_wait3A_498 = arith.constant 0 : i32
    %dma_wait3A_499 = arith.constant 0 : i32
    %dma_wait3A_500 = tpu.memref_slice %arg4[%dma_wait3A_489, %dma_wait3A_490, %add3A, %dma_wait3A_498, %dma_wait3A_499] : memref<200x8x32x8x128xf32, #tpu.memory_space<hbm>> -> memref<1x1x1x8x128xf32, #tpu.memory_space<hbm>>
    %dma_wait3A_501 = tpu.memref_squeeze %dma_wait3A_500 : memref<1x1x1x8x128xf32, #tpu.memory_space<hbm>> -> memref<8x128xf32, #tpu.memory_space<hbm>>
    %dma_wait3A_502 = arith.constant 0 : i32
    %dma_wait3A_503 = arith.constant 0 : i32
    %dma_wait3A_504 = tpu.memref_slice %arg9[%dma_wait3A_502, %dma_wait3A_503] : memref<128x136xf32, #tpu.memory_space<vmem>> -> memref<8x128xf32, #tpu.memory_space<vmem>>
    tpu.wait_dma2 semaphore(%arg13 : memref<!tpu.dma_semaphore, #tpu.memory_space<semaphore_mem>>) src(%dma_wait3A_504 : memref<8x128xf32, #tpu.memory_space<vmem>>) dst(%dma_wait3A_501 : memref<8x128xf32, #tpu.memory_space<hbm>>)
    %dma_wait3A_505 = arith.constant 0 : i32
    %dma_wait3A_506 = arith.constant 0 : i32
    %dma_wait3A_507 = arith.constant 0 : i32
    %dma_wait3A_508 = arith.constant 0 : i32
    %dma_wait3A_509 = tpu.memref_slice %arg9[%dma_wait3A_507, %dma_wait3A_508] : memref<128x136xf32, #tpu.memory_space<vmem>> -> memref<8x128xf32, #tpu.memory_space<vmem>>
    %dma_wait3A_510 = arith.constant 0 : i32
    %dma_wait3A_511 = arith.constant 0 : i32
    %dma_wait3A_512 = tpu.memref_slice %arg4[%dma_wait3A_505, %dma_wait3A_506, %add3A, %dma_wait3A_510, %dma_wait3A_511] : memref<200x8x32x8x128xf32, #tpu.memory_space<hbm>> -> memref<1x1x1x8x128xf32, #tpu.memory_space<hbm>>
    %dma_wait3A_513 = tpu.memref_squeeze %dma_wait3A_512 : memref<1x1x1x8x128xf32, #tpu.memory_space<hbm>> -> memref<8x128xf32, #tpu.memory_space<hbm>>
    %dma_wait3A_514 = arith.constant 0 : i32
    %dma_wait3A_515 = arith.constant 0 : i32
    %dma_wait3A_516 = tpu.memref_slice %arg4[%dma_wait3A_505, %dma_wait3A_506, %add3A, %dma_wait3A_514, %dma_wait3A_515] : memref<200x8x32x8x128xf32, #tpu.memory_space<hbm>> -> memref<1x1x1x8x128xf32, #tpu.memory_space<hbm>>
    %dma_wait3A_517 = tpu.memref_squeeze %dma_wait3A_516 : memref<1x1x1x8x128xf32, #tpu.memory_space<hbm>> -> memref<8x128xf32, #tpu.memory_space<hbm>>
    %dma_wait3A_518 = arith.constant 0 : i32
    %dma_wait3A_519 = arith.constant 0 : i32
    %dma_wait3A_520 = tpu.memref_slice %arg9[%dma_wait3A_518, %dma_wait3A_519] : memref<128x136xf32, #tpu.memory_space<vmem>> -> memref<8x128xf32, #tpu.memory_space<vmem>>
    tpu.wait_dma2 semaphore(%arg13 : memref<!tpu.dma_semaphore, #tpu.memory_space<semaphore_mem>>) src(%dma_wait3A_520 : memref<8x128xf32, #tpu.memory_space<vmem>>) dst(%dma_wait3A_517 : memref<8x128xf32, #tpu.memory_space<hbm>>)
    %dma_wait3A_521 = arith.constant 0 : i32
    %dma_wait3A_522 = arith.constant 0 : i32
    %dma_wait3A_523 = arith.constant 0 : i32
    %dma_wait3A_524 = arith.constant 0 : i32
    %dma_wait3A_525 = tpu.memref_slice %arg9[%dma_wait3A_523, %dma_wait3A_524] : memref<128x136xf32, #tpu.memory_space<vmem>> -> memref<8x128xf32, #tpu.memory_space<vmem>>
    %dma_wait3A_526 = arith.constant 0 : i32
    %dma_wait3A_527 = arith.constant 0 : i32
    %dma_wait3A_528 = tpu.memref_slice %arg4[%dma_wait3A_521, %dma_wait3A_522, %add3A, %dma_wait3A_526, %dma_wait3A_527] : memref<200x8x32x8x128xf32, #tpu.memory_space<hbm>> -> memref<1x1x1x8x128xf32, #tpu.memory_space<hbm>>
    %dma_wait3A_529 = tpu.memref_squeeze %dma_wait3A_528 : memref<1x1x1x8x128xf32, #tpu.memory_space<hbm>> -> memref<8x128xf32, #tpu.memory_space<hbm>>
    %dma_wait3A_530 = arith.constant 0 : i32
    %dma_wait3A_531 = arith.constant 0 : i32
    %dma_wait3A_532 = tpu.memref_slice %arg4[%dma_wait3A_521, %dma_wait3A_522, %add3A, %dma_wait3A_530, %dma_wait3A_531] : memref<200x8x32x8x128xf32, #tpu.memory_space<hbm>> -> memref<1x1x1x8x128xf32, #tpu.memory_space<hbm>>
    %dma_wait3A_533 = tpu.memref_squeeze %dma_wait3A_532 : memref<1x1x1x8x128xf32, #tpu.memory_space<hbm>> -> memref<8x128xf32, #tpu.memory_space<hbm>>
    %dma_wait3A_534 = arith.constant 0 : i32
    %dma_wait3A_535 = arith.constant 0 : i32
    %dma_wait3A_536 = tpu.memref_slice %arg9[%dma_wait3A_534, %dma_wait3A_535] : memref<128x136xf32, #tpu.memory_space<vmem>> -> memref<8x128xf32, #tpu.memory_space<vmem>>
    tpu.wait_dma2 semaphore(%arg13 : memref<!tpu.dma_semaphore, #tpu.memory_space<semaphore_mem>>) src(%dma_wait3A_536 : memref<8x128xf32, #tpu.memory_space<vmem>>) dst(%dma_wait3A_533 : memref<8x128xf32, #tpu.memory_space<hbm>>)
    %dma_wait3A_537 = arith.constant 0 : i32
    %dma_wait3A_538 = arith.constant 0 : i32
    %dma_wait3A_539 = arith.constant 0 : i32
    %dma_wait3A_540 = arith.constant 0 : i32
    %dma_wait3A_541 = tpu.memref_slice %arg9[%dma_wait3A_539, %dma_wait3A_540] : memref<128x136xf32, #tpu.memory_space<vmem>> -> memref<8x128xf32, #tpu.memory_space<vmem>>
    %dma_wait3A_542 = arith.constant 0 : i32
    %dma_wait3A_543 = arith.constant 0 : i32
    %dma_wait3A_544 = tpu.memref_slice %arg4[%dma_wait3A_537, %dma_wait3A_538, %add3A, %dma_wait3A_542, %dma_wait3A_543] : memref<200x8x32x8x128xf32, #tpu.memory_space<hbm>> -> memref<1x1x1x8x128xf32, #tpu.memory_space<hbm>>
    %dma_wait3A_545 = tpu.memref_squeeze %dma_wait3A_544 : memref<1x1x1x8x128xf32, #tpu.memory_space<hbm>> -> memref<8x128xf32, #tpu.memory_space<hbm>>
    %dma_wait3A_546 = arith.constant 0 : i32
    %dma_wait3A_547 = arith.constant 0 : i32
    %dma_wait3A_548 = tpu.memref_slice %arg4[%dma_wait3A_537, %dma_wait3A_538, %add3A, %dma_wait3A_546, %dma_wait3A_547] : memref<200x8x32x8x128xf32, #tpu.memory_space<hbm>> -> memref<1x1x1x8x128xf32, #tpu.memory_space<hbm>>
    %dma_wait3A_549 = tpu.memref_squeeze %dma_wait3A_548 : memref<1x1x1x8x128xf32, #tpu.memory_space<hbm>> -> memref<8x128xf32, #tpu.memory_space<hbm>>
    %dma_wait3A_550 = arith.constant 0 : i32
    %dma_wait3A_551 = arith.constant 0 : i32
    %dma_wait3A_552 = tpu.memref_slice %arg9[%dma_wait3A_550, %dma_wait3A_551] : memref<128x136xf32, #tpu.memory_space<vmem>> -> memref<8x128xf32, #tpu.memory_space<vmem>>
    tpu.wait_dma2 semaphore(%arg13 : memref<!tpu.dma_semaphore, #tpu.memory_space<semaphore_mem>>) src(%dma_wait3A_552 : memref<8x128xf32, #tpu.memory_space<vmem>>) dst(%dma_wait3A_549 : memref<8x128xf32, #tpu.memory_space<hbm>>)
    %dma_wait3A_553 = arith.constant 0 : i32
    %dma_wait3A_554 = arith.constant 0 : i32
    %dma_wait3A_555 = arith.constant 0 : i32
    %dma_wait3A_556 = arith.constant 0 : i32
    %dma_wait3A_557 = tpu.memref_slice %arg9[%dma_wait3A_555, %dma_wait3A_556] : memref<128x136xf32, #tpu.memory_space<vmem>> -> memref<8x128xf32, #tpu.memory_space<vmem>>
    %dma_wait3A_558 = arith.constant 0 : i32
    %dma_wait3A_559 = arith.constant 0 : i32
    %dma_wait3A_560 = tpu.memref_slice %arg4[%dma_wait3A_553, %dma_wait3A_554, %add3A, %dma_wait3A_558, %dma_wait3A_559] : memref<200x8x32x8x128xf32, #tpu.memory_space<hbm>> -> memref<1x1x1x8x128xf32, #tpu.memory_space<hbm>>
    %dma_wait3A_561 = tpu.memref_squeeze %dma_wait3A_560 : memref<1x1x1x8x128xf32, #tpu.memory_space<hbm>> -> memref<8x128xf32, #tpu.memory_space<hbm>>
    %dma_wait3A_562 = arith.constant 0 : i32
    %dma_wait3A_563 = arith.constant 0 : i32
    %dma_wait3A_564 = tpu.memref_slice %arg4[%dma_wait3A_553, %dma_wait3A_554, %add3A, %dma_wait3A_562, %dma_wait3A_563] : memref<200x8x32x8x128xf32, #tpu.memory_space<hbm>> -> memref<1x1x1x8x128xf32, #tpu.memory_space<hbm>>
    %dma_wait3A_565 = tpu.memref_squeeze %dma_wait3A_564 : memref<1x1x1x8x128xf32, #tpu.memory_space<hbm>> -> memref<8x128xf32, #tpu.memory_space<hbm>>
    %dma_wait3A_566 = arith.constant 0 : i32
    %dma_wait3A_567 = arith.constant 0 : i32
    %dma_wait3A_568 = tpu.memref_slice %arg9[%dma_wait3A_566, %dma_wait3A_567] : memref<128x136xf32, #tpu.memory_space<vmem>> -> memref<8x128xf32, #tpu.memory_space<vmem>>
    tpu.wait_dma2 semaphore(%arg13 : memref<!tpu.dma_semaphore, #tpu.memory_space<semaphore_mem>>) src(%dma_wait3A_568 : memref<8x128xf32, #tpu.memory_space<vmem>>) dst(%dma_wait3A_565 : memref<8x128xf32, #tpu.memory_space<hbm>>)
    %dma_wait3A_569 = arith.constant 0 : i32
    %dma_wait3A_570 = arith.constant 0 : i32
    %dma_wait3A_571 = arith.constant 0 : i32
    %dma_wait3A_572 = arith.constant 0 : i32
    %dma_wait3A_573 = tpu.memref_slice %arg9[%dma_wait3A_571, %dma_wait3A_572] : memref<128x136xf32, #tpu.memory_space<vmem>> -> memref<8x128xf32, #tpu.memory_space<vmem>>
    %dma_wait3A_574 = arith.constant 0 : i32
    %dma_wait3A_575 = arith.constant 0 : i32
    %dma_wait3A_576 = tpu.memref_slice %arg4[%dma_wait3A_569, %dma_wait3A_570, %add3A, %dma_wait3A_574, %dma_wait3A_575] : memref<200x8x32x8x128xf32, #tpu.memory_space<hbm>> -> memref<1x1x1x8x128xf32, #tpu.memory_space<hbm>>
    %dma_wait3A_577 = tpu.memref_squeeze %dma_wait3A_576 : memref<1x1x1x8x128xf32, #tpu.memory_space<hbm>> -> memref<8x128xf32, #tpu.memory_space<hbm>>
    %dma_wait3A_578 = arith.constant 0 : i32
    %dma_wait3A_579 = arith.constant 0 : i32
    %dma_wait3A_580 = tpu.memref_slice %arg4[%dma_wait3A_569, %dma_wait3A_570, %add3A, %dma_wait3A_578, %dma_wait3A_579] : memref<200x8x32x8x128xf32, #tpu.memory_space<hbm>> -> memref<1x1x1x8x128xf32, #tpu.memory_space<hbm>>
    %dma_wait3A_581 = tpu.memref_squeeze %dma_wait3A_580 : memref<1x1x1x8x128xf32, #tpu.memory_space<hbm>> -> memref<8x128xf32, #tpu.memory_space<hbm>>
    %dma_wait3A_582 = arith.constant 0 : i32
    %dma_wait3A_583 = arith.constant 0 : i32
    %dma_wait3A_584 = tpu.memref_slice %arg9[%dma_wait3A_582, %dma_wait3A_583] : memref<128x136xf32, #tpu.memory_space<vmem>> -> memref<8x128xf32, #tpu.memory_space<vmem>>
    tpu.wait_dma2 semaphore(%arg13 : memref<!tpu.dma_semaphore, #tpu.memory_space<semaphore_mem>>) src(%dma_wait3A_584 : memref<8x128xf32, #tpu.memory_space<vmem>>) dst(%dma_wait3A_581 : memref<8x128xf32, #tpu.memory_space<hbm>>)
    %dma_wait3A_585 = arith.constant 0 : i32
    %dma_wait3A_586 = arith.constant 0 : i32
    %dma_wait3A_587 = arith.constant 0 : i32
    %dma_wait3A_588 = arith.constant 0 : i32
    %dma_wait3A_589 = tpu.memref_slice %arg9[%dma_wait3A_587, %dma_wait3A_588] : memref<128x136xf32, #tpu.memory_space<vmem>> -> memref<8x128xf32, #tpu.memory_space<vmem>>
    %dma_wait3A_590 = arith.constant 0 : i32
    %dma_wait3A_591 = arith.constant 0 : i32
    %dma_wait3A_592 = tpu.memref_slice %arg4[%dma_wait3A_585, %dma_wait3A_586, %add3A, %dma_wait3A_590, %dma_wait3A_591] : memref<200x8x32x8x128xf32, #tpu.memory_space<hbm>> -> memref<1x1x1x8x128xf32, #tpu.memory_space<hbm>>
    %dma_wait3A_593 = tpu.memref_squeeze %dma_wait3A_592 : memref<1x1x1x8x128xf32, #tpu.memory_space<hbm>> -> memref<8x128xf32, #tpu.memory_space<hbm>>
    %dma_wait3A_594 = arith.constant 0 : i32
    %dma_wait3A_595 = arith.constant 0 : i32
    %dma_wait3A_596 = tpu.memref_slice %arg4[%dma_wait3A_585, %dma_wait3A_586, %add3A, %dma_wait3A_594, %dma_wait3A_595] : memref<200x8x32x8x128xf32, #tpu.memory_space<hbm>> -> memref<1x1x1x8x128xf32, #tpu.memory_space<hbm>>
    %dma_wait3A_597 = tpu.memref_squeeze %dma_wait3A_596 : memref<1x1x1x8x128xf32, #tpu.memory_space<hbm>> -> memref<8x128xf32, #tpu.memory_space<hbm>>
    %dma_wait3A_598 = arith.constant 0 : i32
    %dma_wait3A_599 = arith.constant 0 : i32
    %dma_wait3A_600 = tpu.memref_slice %arg9[%dma_wait3A_598, %dma_wait3A_599] : memref<128x136xf32, #tpu.memory_space<vmem>> -> memref<8x128xf32, #tpu.memory_space<vmem>>
    tpu.wait_dma2 semaphore(%arg13 : memref<!tpu.dma_semaphore, #tpu.memory_space<semaphore_mem>>) src(%dma_wait3A_600 : memref<8x128xf32, #tpu.memory_space<vmem>>) dst(%dma_wait3A_597 : memref<8x128xf32, #tpu.memory_space<hbm>>)
    %dma_wait3A_601 = arith.constant 0 : i32
    %dma_wait3A_602 = arith.constant 0 : i32
    %dma_wait3A_603 = arith.constant 0 : i32
    %dma_wait3A_604 = arith.constant 0 : i32
    %dma_wait3A_605 = tpu.memref_slice %arg9[%dma_wait3A_603, %dma_wait3A_604] : memref<128x136xf32, #tpu.memory_space<vmem>> -> memref<8x128xf32, #tpu.memory_space<vmem>>
    %dma_wait3A_606 = arith.constant 0 : i32
    %dma_wait3A_607 = arith.constant 0 : i32
    %dma_wait3A_608 = tpu.memref_slice %arg4[%dma_wait3A_601, %dma_wait3A_602, %add3A, %dma_wait3A_606, %dma_wait3A_607] : memref<200x8x32x8x128xf32, #tpu.memory_space<hbm>> -> memref<1x1x1x8x128xf32, #tpu.memory_space<hbm>>
    %dma_wait3A_609 = tpu.memref_squeeze %dma_wait3A_608 : memref<1x1x1x8x128xf32, #tpu.memory_space<hbm>> -> memref<8x128xf32, #tpu.memory_space<hbm>>
    %dma_wait3A_610 = arith.constant 0 : i32
    %dma_wait3A_611 = arith.constant 0 : i32
    %dma_wait3A_612 = tpu.memref_slice %arg4[%dma_wait3A_601, %dma_wait3A_602, %add3A, %dma_wait3A_610, %dma_wait3A_611] : memref<200x8x32x8x128xf32, #tpu.memory_space<hbm>> -> memref<1x1x1x8x128xf32, #tpu.memory_space<hbm>>
    %dma_wait3A_613 = tpu.memref_squeeze %dma_wait3A_612 : memref<1x1x1x8x128xf32, #tpu.memory_space<hbm>> -> memref<8x128xf32, #tpu.memory_space<hbm>>
    %dma_wait3A_614 = arith.constant 0 : i32
    %dma_wait3A_615 = arith.constant 0 : i32
    %dma_wait3A_616 = tpu.memref_slice %arg9[%dma_wait3A_614, %dma_wait3A_615] : memref<128x136xf32, #tpu.memory_space<vmem>> -> memref<8x128xf32, #tpu.memory_space<vmem>>
    tpu.wait_dma2 semaphore(%arg13 : memref<!tpu.dma_semaphore, #tpu.memory_space<semaphore_mem>>) src(%dma_wait3A_616 : memref<8x128xf32, #tpu.memory_space<vmem>>) dst(%dma_wait3A_613 : memref<8x128xf32, #tpu.memory_space<hbm>>)
    %dma_wait3A_617 = arith.constant 0 : i32
    %dma_wait3A_618 = arith.constant 0 : i32
    %dma_wait3A_619 = arith.constant 0 : i32
    %dma_wait3A_620 = arith.constant 0 : i32
    %dma_wait3A_621 = tpu.memref_slice %arg9[%dma_wait3A_619, %dma_wait3A_620] : memref<128x136xf32, #tpu.memory_space<vmem>> -> memref<8x128xf32, #tpu.memory_space<vmem>>
    %dma_wait3A_622 = arith.constant 0 : i32
    %dma_wait3A_623 = arith.constant 0 : i32
    %dma_wait3A_624 = tpu.memref_slice %arg4[%dma_wait3A_617, %dma_wait3A_618, %add3A, %dma_wait3A_622, %dma_wait3A_623] : memref<200x8x32x8x128xf32, #tpu.memory_space<hbm>> -> memref<1x1x1x8x128xf32, #tpu.memory_space<hbm>>
    %dma_wait3A_625 = tpu.memref_squeeze %dma_wait3A_624 : memref<1x1x1x8x128xf32, #tpu.memory_space<hbm>> -> memref<8x128xf32, #tpu.memory_space<hbm>>
    %dma_wait3A_626 = arith.constant 0 : i32
    %dma_wait3A_627 = arith.constant 0 : i32
    %dma_wait3A_628 = tpu.memref_slice %arg4[%dma_wait3A_617, %dma_wait3A_618, %add3A, %dma_wait3A_626, %dma_wait3A_627] : memref<200x8x32x8x128xf32, #tpu.memory_space<hbm>> -> memref<1x1x1x8x128xf32, #tpu.memory_space<hbm>>
    %dma_wait3A_629 = tpu.memref_squeeze %dma_wait3A_628 : memref<1x1x1x8x128xf32, #tpu.memory_space<hbm>> -> memref<8x128xf32, #tpu.memory_space<hbm>>
    %dma_wait3A_630 = arith.constant 0 : i32
    %dma_wait3A_631 = arith.constant 0 : i32
    %dma_wait3A_632 = tpu.memref_slice %arg9[%dma_wait3A_630, %dma_wait3A_631] : memref<128x136xf32, #tpu.memory_space<vmem>> -> memref<8x128xf32, #tpu.memory_space<vmem>>
    tpu.wait_dma2 semaphore(%arg13 : memref<!tpu.dma_semaphore, #tpu.memory_space<semaphore_mem>>) src(%dma_wait3A_632 : memref<8x128xf32, #tpu.memory_space<vmem>>) dst(%dma_wait3A_629 : memref<8x128xf32, #tpu.memory_space<hbm>>)
    return
  }
}

</mosaic_0001>

<sc_bundles>
// kernel: _emb.3.cloned.1.call-start
scs
__scs_entry_jumppad:
0x0: {  	(pc) =	sbr.rel $0x88, $3  }
0x1: {  	(tag) =	ssettag $0x0;
	lr =	simm.s32 $0x1  }
0x2: {  	[smem:$0x3F9F] =	sst lr;
	_ =	strace $0xD0000000  }
0x3: {  	_ = 	snop  }
0x4: {  	_ = 	snop  }
0x5: {  	_ = 	snop  }
0x6: {  	_ = 	snop  }
0x7: {  	_ = 	snop  }
__scs_overlays_trampoline_lowered:
0x8: {  	[smem:$0x3FAE] =	sst s0  }
0x9: {  	[smem:$0x3FAF] =	sst s1  }
0xa: {  	[smem:$0x3FB0] =	sst s2  }
0xb: {  	[smem:$0x3FB1] =	sst s3  }
0xc: {  	[smem:$0x3FB2] =	sst s4  }
0xd: {  	[smem:$0x3FB3] =	sst s5  }
0xe: {  	[smem:$0x3FB4] =	sst s6  }
0xf: {  	[smem:$0x3FB5] =	sst s7  }
0x10: {  	[smem:$0x3FB6] =	sst s8  }
0x11: {  	[smem:$0x3FB7] =	sst s9;
	s0 =	simm.s32 @!p0 $0x0  }
0x12: {  	s1 =	sld [smem:$0x3F9D];
	s0 =	simm.s32 @p0 $0x1  }
0x13: {  	[smem:$0x3FB8] =	sst s0;
	s0 =	simm.s32 @!p1 $0x0  }
0x14: {  	s2 =	sld [smem:$0x3F9C];
	s0 =	simm.s32 @p1 $0x1  }
0x15: {  	[smem:$0x3FB9] =	sst s0;
	s0 =	simm.s32 @!p2 $0x0  }
0x16: {  	s3 =	sld [smem:$0x3FDB];
	s0 =	simm.s32 @p2 $0x1  }
0x17: {  	s4 =	simm.s32 $0x1BF5;
	[smem:$0x3FBB] =	sst s0  }
0x18: {  	s0 =	sld [smem:$0x3F9E];
	_ =	swait.ge [sflag:s4], $0x0  }
0x19: {  	s7 =	sld [smem:$0x3F9F]  }
0x1a: {  	s8 =	sadd.s32 $0xFFFFE003, lr  }
0x1b: {  	s9 =	sadd.s32 $0xFFFFFEF7, lr;
	s5 =	simm.s32 $0xFFFFFFFF;
	p2 =	slt.u32 s8, $0xFFFFF086  }
0x1c: {  	p1 =	slt.u32 s9, $0xF7A;
	s5 =	simm.s32 @!p2 $0x0  }
0x1d: {  	s5 =	simm.s32 @p1 $0x1;
	p0 =	seq.s32 s7, s2  }
0x1e: {  	s7 =	smul.u32 @!p0 $0xF7A, s2;
	p2 =	seq.s32 @!p0 s5, $0x0  }
0x1f: {  	s9 =	smul.u32 $0xF7A, s1;
	s8 =	simm.s32 @!p0 $0x1BF5;
	p2 =	por !p2, p0  }
0x20: {  	[sflag:s8] =	ssyncset.s32 @!p0 $0xFFFFF086;
	s6 =	sadd.s32 @!p0 s3, s7;
	s7 =	simm.s32 @!p0 $0x108  }
0x21: {  	s3 =	sadd.s32 s3, s9;
	s6 =	sadd.s32 @!p0 $0x88, s6;
	s7 =	simm.s32 @p2 $0x1082  }
0x22: {  	[simem:s7], [sflag:s8] =	dma.local @!p0 [hbm:s6], $0xF7A  }
0x23: {  	s9 =	sor.u32 $0xD0000000, s2;
	s6 =	simm.s32 $0x108;
	_ =	swait.ge @!p0 [sflag:s8], $0x0  }
0x24: {  	s3 =	sadd.s32 $0x88, s3;
	s6 =	simm.s32 @!p1 $0x1082;
	[sflag:s4] =	ssyncset.s32 $0xFFFFF086  }
0x25: {  	[simem:s6], [sflag:s4] =	dma.local [hbm:s3], $0xF7A  }
0x26: {  	[smem:$0x3F9F] =	sst s1;
	(tag) =	ssettag s2;
	_ =	strace s9  }
0x27: {  	s1 =	sld [smem:$0x3FAF]  }
0x28: {  	s2 =	sld [smem:$0x3FB0]  }
0x29: {  	s4 =	sld [smem:$0x3FB2]  }
0x2a: {  	p0 =	seq.s32 s5, $0x0;
	s5 =	sld [smem:$0x3FB3]  }
0x2b: {  	s6 =	sld [smem:$0x3FB4]  }
0x2c: {  	s7 =	sld [smem:$0x3FB5]  }
0x2d: {  	s3 =	simm.s32 $0x108;
	s8 =	sld [smem:$0x3FB6]  }
0x2e: {  	s3 =	simm.s32 @!p0 $0x1082;
	s9 =	sld [smem:$0x3FB7]  }
0x2f: {  	lr =	sadd.s32 s0, s3;
	s0 =	sld [smem:$0x3FAE]  }
0x30: {  	s3 =	sld [smem:$0x3FB1]  }
0x31: {  	[smem:$0x3FBA] =	sst s10  }
0x32: {  	s10 =	sld [smem:$0x3FB8];
	_ =	sdelay $0x3  }
0x33: {  	p0 =	seq.s32 s10, $0x1;
	s10 =	sld [smem:$0x3FBA];
	_ =	sdelay $0x3  }
0x34: {  	[smem:$0x3FBA] =	sst s10  }
0x35: {  	s10 =	sld [smem:$0x3FB9];
	_ =	sdelay $0x3  }
0x36: {  	p1 =	seq.s32 s10, $0x1;
	s10 =	sld [smem:$0x3FBA];
	_ =	sdelay $0x3  }
0x37: {  	[smem:$0x3FBA] =	sst s10  }
0x38: {  	s10 =	sld [smem:$0x3FBB]  }
0x39: {  	_ = 	snop;
	(pc) =	sbr.ind lr, $3  }
0x3a: {  	_ = 	snop  }
0x3b: {  	_ = 	snop  }
0x3c: {  	p2 =	seq.s32 s10, $0x1;
	s10 =	sld [smem:$0x3FBA]  }
0x3d: {  	_ =	shalt  }
0x3e: {  	_ =	shalt  }
0x3f: {  	_ =	shalt  }
0x40: {  	_ =	shalt  }
0x41: {  	_ =	shalt  }
0x42: {  	_ =	shalt  }
0x43: {  	_ =	shalt  }
0x44: {  	_ =	shalt  }
0x45: {  	_ =	shalt  }
0x46: {  	_ =	shalt  }
0x47: {  	_ =	shalt  }
0x48: {  	_ =	shalt  }
0x49: {  	_ =	shalt  }
0x4a: {  	_ =	shalt  }
0x4b: {  	_ =	shalt  }
0x4c: {  	_ =	shalt  }
0x4d: {  	_ =	shalt  }
0x4e: {  	_ =	shalt  }
0x4f: {  	_ =	shalt  }
0x50: {  	_ =	shalt  }
0x51: {  	_ =	shalt  }
0x52: {  	_ =	shalt  }
0x53: {  	_ =	shalt  }
0x54: {  	_ =	shalt  }
0x55: {  	_ =	shalt  }
0x56: {  	_ =	shalt  }
0x57: {  	_ =	shalt  }
0x58: {  	_ =	shalt  }
0x59: {  	_ =	shalt  }
0x5a: {  	_ =	shalt  }
0x5b: {  	_ =	shalt  }
0x5c: {  	_ =	shalt  }
0x5d: {  	_ =	shalt  }
0x5e: {  	_ =	shalt  }
0x5f: {  	_ =	shalt  }
0x60: {  	_ =	shalt  }
0x61: {  	_ =	shalt  }
0x62: {  	_ =	shalt  }
0x63: {  	_ =	shalt  }
0x64: {  	_ =	shalt  }
0x65: {  	_ =	shalt  }
0x66: {  	_ =	shalt  }
0x67: {  	_ =	shalt  }
0x68: {  	_ =	shalt  }
0x69: {  	_ =	shalt  }
0x6a: {  	_ =	shalt  }
0x6b: {  	_ =	shalt  }
0x6c: {  	_ =	shalt  }
0x6d: {  	_ =	shalt  }
0x6e: {  	_ =	shalt  }
0x6f: {  	_ =	shalt  }
0x70: {  	_ =	shalt  }
0x71: {  	_ =	shalt  }
0x72: {  	_ =	shalt  }
0x73: {  	_ =	shalt  }
0x74: {  	_ =	shalt  }
0x75: {  	_ =	shalt  }
0x76: {  	_ =	shalt  }
0x77: {  	_ =	shalt  }
0x78: {  	_ =	shalt  }
0x79: {  	_ =	shalt  }
0x7a: {  	_ =	shalt  }
0x7b: {  	_ =	shalt  }
0x7c: {  	_ =	shalt  }
0x7d: {  	_ =	shalt  }
0x7e: {  	_ =	shalt  }
0x7f: {  	_ =	shalt  }
0x80: {  	_ =	shalt  }
0x81: {  	_ =	shalt  }
0x82: {  	_ =	shalt  }
0x83: {  	_ =	shalt  }
0x84: {  	_ =	shalt  }
0x85: {  	_ =	shalt  }
0x86: {  	_ =	shalt  }
0x87: {  	_ =	shalt  }
.Lfunc_end0:
.L_simem_size_0:
called_computation_lowered:
.L_overlay_start_0:
0x88: {  	s2 =	sld [smem:$0x3FD9]  }
0x89: {  	s3 =	sld [smem:$0x3FFE];
	_ =	sdelay $0x1  }
0x8a: {  	s1 =	srdreg.scid  }
0x8b: {  	s0 =	sand.u32 $0x1, s1  }
0x8c: {  	s17 =	sshll.u32 s0, $0xA;
	s2 =	sadd.s32 s3, s2  }
0x8d: {  	s2 =	sadd.s32 s2, s17  }
0x8e: {  	[smem:$0x3FC6] =	sst s2  }
0x8f: {  	_ = 	snop  }
0x90: {  	s2 =	sld [smem:$0x3FC9]  }
0x91: {  	s18 =	sld [smem:$0x3FD0];
	(tm) =	ssettm $0x1  }
0x92: {  	s4 =	sld [smem:$0x3FFB];
	_ =	sdelay $0x3  }
0x93: {  	_ =	strace s4  }
0x94: {  	s4 =	sld [smem:$0x3FFC];
	_ =	sdelay $0x3  }
0x95: {  	_ =	strace s4  }
0x96: {  	s4 =	sld [smem:$0x3FFD];
	_ =	sdelay $0x3  }
0x97: {  	_ =	strace s4  }
0x98: {  	_ =	strace $0x8FFFFFFF  }
0x99: {  	s19 =	sld [smem:$0x3FDB];
	_ =	sdelay $0x1  }
0x9a: {  	s5 =	simm.s32 $_scs_section_size  }
0x9b: {  	s6 =	simm.s32 $_size__tile_overlayer_lowered;
	s7 =	simm.s32 $_tile_overlayer_lowered  }
0x9c: {  	s22 =	simm.s32 $0x1BFF;
	s21 =	sshll.u32 s7, $0x1;
	s4 =	sadd.s32 s5, s19  }
0x9d: {  	s8 =	simm.s32 $0x0;
	s20 =	sshll.u32 s6, $0x1;
	s6 =	sadd.s32 s21, s4  }
0x9e: {  	[timem:s8], [sflag:s22] =	dma.local [hbm:s6], s20  }
0x9f: {  	_ =	swait.ge [sflag:s22], s20  }
0xa0: {  	s5 =	ssub.s32 $0x0, s20;
	[sflag:s22] =	ssyncset.done $0x0  }
0xa1: {  	[sflag:s22] =	ssyncadd.s32 s5;
	_ =	sdelay $0x1  }
0xa2: {  	s23 =	simm.s32 $0x1B8B  }
0xa3: {  	_ =	swait.ge [sflag:s23], $0x1  }
0xa4: {  	[sflag:s23] =	ssyncset.done $0x0  }
0xa5: {  	s25 =	simm.s32 $0x1B8E;
	s24 =	sld [smem:$0x3FFE];
	[sflag:s23] =	ssyncadd.s32 $0xFFFFFFFF  }
0xa6: {  	s26 =	simm.s32 $execute0_lowered;
	[smem:$0x3FD2] =	sst s25  }
0xa7: {  	s6 =	sshll.u32 s26, $0x1;
	_ =	strace $0x80000046;
	[dreg:$0x1] =	wrdreg $0xFFFFFFFF  }
0xa8: {  	s28 =	simm.s32 $_size_execute0_lowered;
	s4 =	sadd.s32 s4, s6;
	[dreg:$0x0] =	wrdreg $0x0  }
0xa9: {  	s6 =	sshll.u32 s28, $0x1;
	[dreg:$0x2] =	wrdreg s4  }
0xaa: {  	[dreg:$0x3] =	wrdreg s6  }
0xab: {  	[dreg:$0x4] =	wrdreg $0xC0  }
0xac: {  	_ =	task [dreg:s8], $0x5FFFF  }
0xad: {  	[dreg:$0x1] =	wrdreg $0xFFFFFFFF  }
0xae: {  	[dreg:$0x0] =	wrdreg $0x60  }
0xaf: {  	[dreg:$0x2] =	wrdreg s2  }
0xb0: {  	[dreg:$0x3] =	wrdreg s24  }
0xb1: {  	[dreg:$0x4] =	wrdreg s18  }
0xb2: {  	[dreg:$0x5] =	wrdreg $0x9  }
0xb3: {  	_ =	task.clear_ibuf [dreg:s8], $0x6FFFF;
	_ =	strace $0x90000046  }
0xb4: {  	s29 =	simm.s32 $0x9;
	_ =	strace $0x80000048  }
0xb5: {  	_ =	swait.ge [sflag:s29], $0x1  }
0xb6: {  	[sflag:s29] =	ssyncadd.s32 $0xFFFFFFFF  }
0xb7: {  	_ =	strace $0x90000048  }
0xb8: {  	_ =	sfence  }
0xb9: {  	s30 =	sld [smem:$0x0];
	_ =	sdelay $0x2  }
0xba: {  	s31 =	sshll.u32 s1, $0xD;
	s1 =	sshrl.u32 s1, $0x2  }
0xbb: {  	s3 =	sand.u32 $0x4000, s31;
	s1 =	sadd.s32 s1, s30  }
0xbc: {  	s0 =	sor.u32 s3, s0;
	s1 =	sshll.u32 s1, $0x11  }
0xbd: {  	s0 =	sor.u32 s1, s0  }
0xbe: {  	s0 =	sadd.s32 $0x8F2B, s0  }
0xbf: {  	[sflag:s0] =	ssyncadd.remote.s32 $0x1  }
0xc0: {  	_ =	sfence.sel $0xFFFF  }
0xc1: {  	[dreg:$0x0] =	wrdreg $0xFFFFFFFF;
	(pc) =	sbr.abs _section_cstart, $3  }
0xc2: {  	[dreg:$0x1] =	wrdreg $0xFFFFFFFF  }
0xc3: {  	_ =	task.clear_ibuf [dreg:s8], $0x2FFFF;
	_ =	strace $0x9FFFFFFF  }
0xc4: {  	(tm) =	ssettm $0x7FFFFFFF  }
0xc5: {  	_ =	shalt  }
tec
execute0_lowered:
.L_overlay_start_1:
0x0: {  	(tag) =	ssettag $0x1  }
0x1: {  	s0 =	rddreg [dreg:$0x0]  }
0x2: {  	s1 =	srdreg.scid;
	s2 =	rddreg [dreg:$0x1]  }
0x3: {  	s3 =	stileid.u32;
	s7 =	rddreg [dreg:$0x2];
	s1 =	sand.u32 $0x1, s1  }
0x4: {  	s4 =	sshll.u32 s3, $0xB;
	s5 =	sshll.u32 s1, $0xA;
	s1 =	ssub.s32 $0x2, s1  }
0x5: {  	s3 =	simm.s32 $0x0;
	s4 =	sor.u32 s5, s4;
	s8 =	sshrl.u32 s1, $0x1  }
0x6: {  	[dreg:$0x4] =	wrdreg s4;
	s4 =	sshrl.u32 s4, $0x3;
	s9 =	ssub.s32 s1, s8  }
0x7: {  	[smem:$0x7FF] =	sst s3;
	s4 =	sadd.s32 s0, s4;
	s0 =	smax.u32 s9, $0x1  }
0x8: {  	_ =	strace $0x80000047;
	[dreg:$0x18] =	wrdreg s0  }
0x9: {  	s10 =	sadd.s32 $0x1000, s4;
	[dreg:$0x5] =	wrdreg s4  }
0xa: {  	s11 =	sadd.s32 $0x2000, s4;
	[dreg:$0x6] =	wrdreg s10  }
0xb: {  	s12 =	sadd.s32 $0x3000, s4;
	[dreg:$0x7] =	wrdreg s11  }
0xc: {  	s13 =	sadd.s32 $0x4000, s4;
	[dreg:$0x8] =	wrdreg s12  }
0xd: {  	s14 =	sadd.s32 $0x5000, s4;
	[dreg:$0x9] =	wrdreg s13  }
0xe: {  	s15 =	sadd.s32 $0x6000, s4;
	[dreg:$0xa] =	wrdreg s14  }
0xf: {  	s16 =	sadd.s32 $0x7000, s4;
	[dreg:$0xb] =	wrdreg s15  }
0x10: {  	s17 =	sadd.s32 $0x8000, s4;
	[dreg:$0xc] =	wrdreg s16  }
0x11: {  	s18 =	sadd.s32 $0x9000, s4;
	[dreg:$0xd] =	wrdreg s17  }
0x12: {  	s19 =	sadd.s32 $0xA000, s4;
	[dreg:$0xe] =	wrdreg s18  }
0x13: {  	s20 =	sadd.s32 $0xB000, s4;
	[dreg:$0xf] =	wrdreg s19  }
0x14: {  	s21 =	sadd.s32 $0xC000, s4;
	[dreg:$0x10] =	wrdreg s20  }
0x15: {  	s22 =	sadd.s32 $0xD000, s4;
	[dreg:$0x11] =	wrdreg s21  }
0x16: {  	s23 =	sadd.s32 $0xE000, s4;
	[dreg:$0x12] =	wrdreg s22  }
0x17: {  	s24 =	sadd.s32 $0xF000, s4;
	[dreg:$0x13] =	wrdreg s23  }
0x18: {  	s25 =	sadd.s32 $0x10000, s4;
	[dreg:$0x14] =	wrdreg s24  }
0x19: {  	s26 =	sadd.s32 $0x11000, s4;
	[dreg:$0x15] =	wrdreg s25  }
0x1a: {  	s6 =	sadd.s32 $0xF42800, s2;
	s2 =	sadd.s32 $0x12000, s4;
	[dreg:$0x16] =	wrdreg s26  }
0x1b: {  	s5 =	sadd.s32 $0x13000, s4;
	[dreg:$0x17] =	wrdreg s2  }
0x1c: {  	s8 =	sadd.s32 $0x14000, s4;
	[dreg:$0x19] =	wrdreg s5  }
0x1d: {  	s9 =	sadd.s32 $0x15000, s4;
	[dreg:$0x1a] =	wrdreg s8  }
0x1e: {  	[dreg:$0x1b] =	wrdreg s9;
	s10 =	sadd.s32 $0x16000, s4  }
0x1f: {  	s11 =	sadd.s32 $0x17000, s4;
	[dreg:$0x1c] =	wrdreg s10  }
0x20: {  	s12 =	sadd.s32 $0x18000, s4;
	[dreg:$0x1d] =	wrdreg s11  }
0x21: {  	s13 =	sadd.s32 $0x1000, s7;
	[dreg:$0x1e] =	wrdreg s12  }
0x22: {  	s14 =	sadd.s32 $0x2000, s7;
	[dreg:$0x1f] =	wrdreg s13  }
0x23: {  	s15 =	sadd.s32 $0x3000, s7;
	[smem:$0x7F1] =	sst s14  }
0x24: {  	s16 =	sadd.s32 $0x4000, s7;
	[smem:$0x7F2] =	sst s15  }
0x25: {  	s17 =	sadd.s32 $0x5000, s7;
	[smem:$0x7F3] =	sst s16  }
0x26: {  	s28 =	sadd.s32 $0x16000, s7;
	s18 =	sadd.s32 $0x6000, s7;
	[smem:$0x7F4] =	sst s17  }
0x27: {  	s29 =	sadd.s32 $0x17000, s7;
	s19 =	sadd.s32 $0x7000, s7;
	[smem:$0x7F5] =	sst s18  }
0x28: {  	s30 =	sadd.s32 $0x18000, s7;
	s20 =	sadd.s32 $0x8000, s7;
	[smem:$0x7F6] =	sst s19  }
0x29: {  	s31 =	sadd.s32 $0x19000, s7;
	s21 =	sadd.s32 $0x9000, s7;
	[smem:$0x7F7] =	sst s20  }
0x2a: {  	s1 =	sadd.s32 $0x1A000, s7;
	s22 =	sadd.s32 $0xA000, s7;
	[smem:$0x7F8] =	sst s21  }
0x2b: {  	s0 =	sadd.s32 $0x1E000, s7;
	s23 =	sadd.s32 $0xB000, s7;
	[smem:$0x7F9] =	sst s22  }
0x2c: {  	s24 =	sadd.s32 $0xC000, s7;
	s25 =	sadd.s32 $0xD000, s7;
	[smem:$0x7FA] =	sst s23  }
0x2d: {  	s26 =	sadd.s32 $0xE000, s7;
	s5 =	sadd.s32 $0x1B000, s7;
	[smem:$0x7FB] =	sst s24  }
0x2e: {  	v0 =	vlaneseq.u32;
	s2 =	sadd.s32 $0x1C000, s7;
	s4 =	sadd.s32 $0x1D000, s7;
	[smem:$0x7FC] =	sst s25  }
0x2f: {  	v0 =	vmul.u32 $0x88, v0;
	s8 =	simm.s32 $0x5;
	s9 =	simm.s32 $0x1;
	[smem:$0x7FD] =	sst s26  }
0x30: {  	s20 =	sadd.s32 $0xF000, s7;
	s21 =	sadd.s32 $0x10000, s7;
	s22 =	sadd.s32 $0x11000, s7  }
0x31: {  	v1 =	vadd.s32 $0x880, v0;
	s23 =	sadd.s32 $0x12000, s7;
	s24 =	sadd.s32 $0x13000, s7;
	s25 =	sadd.s32 $0x14000, s7  }
0x32: {  	v2 =	vadd.s32 $0x1100, v0;
	v3 =	vadd.s32 $0x1980, v0;
	v4 =	vadd.s32 $0x2200, v0;
	s26 =	sadd.s32 $0x15000, s7;
	s7 =	sadd.s32 $0x1F000, s7;
	s10 =	simm.s32 $0xE400  }
0x33: {  	v5 =	vadd.s32 $0x2A80, v0;
	v6 =	vadd.s32 $0x3300, v0;
	v7 =	vadd.s32 $0x3B80, v0;
	s11 =	simm.s32 $0x2;
	s12 =	simm.s32 $0x12800;
	s15 =	simm.s32 $0x0  }
.LBB2_1:
0x34: {  	[smem:$0x7F0] =	sst s15  }
0x35: {  	s13 =	rddreg [dreg:$0x5]  }
0x36: {  	[tilespmem:s3], [sflag:$0x5] =	stream.linear.gather [hbm4b:s13+s3], $0x400, $0x38;
	[tilespmem:$0x16C00] =	vst v63  }
0x37: {  	_ =	swait.ge [sflag:s8], $0x400  }
0x38: {  	[sflag:s8] =	ssyncset.done $0x0  }
0x39: {  	s14 =	simm.s32 $0x400;
	s19 =	rddreg [dreg:$0x6];
	[sflag:s8] =	ssyncadd.s32 $0xFFFFFC00  }
0x3a: {  	[tilespmem:s14], [sflag:$0x5] =	stream.linear.gather [hbm4b:s19+s3], $0x400, $0x38;
	[tilespmem:$0x16C00] =	vst v63  }
0x3b: {  	_ =	swait.ge [sflag:s8], $0x400  }
0x3c: {  	[sflag:s8] =	ssyncset.done $0x0  }
0x3d: {  	s15 =	simm.s32 $0x800;
	s14 =	rddreg [dreg:$0x7];
	[sflag:s8] =	ssyncadd.s32 $0xFFFFFC00  }
0x3e: {  	[tilespmem:s15], [sflag:$0x5] =	stream.linear.gather [hbm4b:s14+s3], $0x400, $0x38;
	[tilespmem:$0x16C00] =	vst v63  }
0x3f: {  	_ =	swait.ge [sflag:s8], $0x400  }
0x40: {  	[sflag:s8] =	ssyncset.done $0x0  }
0x41: {  	s17 =	simm.s32 $0xC00;
	s16 =	rddreg [dreg:$0x8];
	[sflag:s8] =	ssyncadd.s32 $0xFFFFFC00  }
0x42: {  	[tilespmem:s17], [sflag:$0x5] =	stream.linear.gather [hbm4b:s16+s3], $0x400, $0x38;
	[tilespmem:$0x16C00] =	vst v63  }
0x43: {  	_ =	swait.ge [sflag:s8], $0x400  }
0x44: {  	[sflag:s8] =	ssyncset.done $0x0  }
0x45: {  	s19 =	simm.s32 $0x1000;
	s18 =	rddreg [dreg:$0x9];
	[sflag:s8] =	ssyncadd.s32 $0xFFFFFC00  }
0x46: {  	[tilespmem:s19], [sflag:$0x5] =	stream.linear.gather [hbm4b:s18+s3], $0x400, $0x38;
	[tilespmem:$0x16C00] =	vst v63  }
0x47: {  	_ =	swait.ge [sflag:s8], $0x400  }
0x48: {  	[sflag:s8] =	ssyncset.done $0x0  }
0x49: {  	s15 =	simm.s32 $0x1400;
	s14 =	rddreg [dreg:$0xa];
	[sflag:s8] =	ssyncadd.s32 $0xFFFFFC00  }
0x4a: {  	[tilespmem:s15], [sflag:$0x5] =	stream.linear.gather [hbm4b:s14+s3], $0x400, $0x38;
	[tilespmem:$0x16C00] =	vst v63  }
0x4b: {  	_ =	swait.ge [sflag:s8], $0x400  }
0x4c: {  	[sflag:s8] =	ssyncset.done $0x0  }
0x4d: {  	s17 =	simm.s32 $0x1800;
	s16 =	rddreg [dreg:$0xb];
	[sflag:s8] =	ssyncadd.s32 $0xFFFFFC00  }
0x4e: {  	[tilespmem:s17], [sflag:$0x5] =	stream.linear.gather [hbm4b:s16+s3], $0x400, $0x38;
	[tilespmem:$0x16C00] =	vst v63  }
0x4f: {  	_ =	swait.ge [sflag:s8], $0x400  }
0x50: {  	[sflag:s8] =	ssyncset.done $0x0  }
0x51: {  	s19 =	simm.s32 $0x1C00;
	s18 =	rddreg [dreg:$0xc];
	[sflag:s8] =	ssyncadd.s32 $0xFFFFFC00  }
0x52: {  	[tilespmem:s19], [sflag:$0x5] =	stream.linear.gather [hbm4b:s18+s3], $0x400, $0x38;
	[tilespmem:$0x16C00] =	vst v63  }
0x53: {  	_ =	swait.ge [sflag:s8], $0x400  }
0x54: {  	[sflag:s8] =	ssyncset.done $0x0  }
0x55: {  	s15 =	simm.s32 $0x2000;
	s14 =	rddreg [dreg:$0xd];
	[sflag:s8] =	ssyncadd.s32 $0xFFFFFC00  }
0x56: {  	[tilespmem:s15], [sflag:$0x5] =	stream.linear.gather [hbm4b:s14+s3], $0x400, $0x38;
	[tilespmem:$0x16C00] =	vst v63  }
0x57: {  	_ =	swait.ge [sflag:s8], $0x400  }
0x58: {  	[sflag:s8] =	ssyncset.done $0x0  }
0x59: {  	s17 =	simm.s32 $0x2400;
	s16 =	rddreg [dreg:$0xe];
	[sflag:s8] =	ssyncadd.s32 $0xFFFFFC00  }
0x5a: {  	[tilespmem:s17], [sflag:$0x5] =	stream.linear.gather [hbm4b:s16+s3], $0x400, $0x38;
	[tilespmem:$0x16C00] =	vst v63  }
0x5b: {  	_ =	swait.ge [sflag:s8], $0x400  }
0x5c: {  	[sflag:s8] =	ssyncset.done $0x0  }
0x5d: {  	s19 =	simm.s32 $0x2800;
	s18 =	rddreg [dreg:$0xf];
	[sflag:s8] =	ssyncadd.s32 $0xFFFFFC00  }
0x5e: {  	[tilespmem:s19], [sflag:$0x5] =	stream.linear.gather [hbm4b:s18+s3], $0x400, $0x38;
	[tilespmem:$0x16C00] =	vst v63  }
0x5f: {  	_ =	swait.ge [sflag:s8], $0x400  }
0x60: {  	[sflag:s8] =	ssyncset.done $0x0  }
0x61: {  	s15 =	simm.s32 $0x2C00;
	s14 =	rddreg [dreg:$0x10];
	[sflag:s8] =	ssyncadd.s32 $0xFFFFFC00  }
0x62: {  	[tilespmem:s15], [sflag:$0x5] =	stream.linear.gather [hbm4b:s14+s3], $0x400, $0x38;
	[tilespmem:$0x16C00] =	vst v63  }
0x63: {  	_ =	swait.ge [sflag:s8], $0x400  }
0x64: {  	[sflag:s8] =	ssyncset.done $0x0  }
0x65: {  	s17 =	simm.s32 $0x3000;
	s16 =	rddreg [dreg:$0x11];
	[sflag:s8] =	ssyncadd.s32 $0xFFFFFC00  }
0x66: {  	[tilespmem:s17], [sflag:$0x5] =	stream.linear.gather [hbm4b:s16+s3], $0x400, $0x38;
	[tilespmem:$0x16C00] =	vst v63  }
0x67: {  	_ =	swait.ge [sflag:s8], $0x400  }
0x68: {  	[sflag:s8] =	ssyncset.done $0x0  }
0x69: {  	s19 =	simm.s32 $0x3400;
	s18 =	rddreg [dreg:$0x12];
	[sflag:s8] =	ssyncadd.s32 $0xFFFFFC00  }
0x6a: {  	[tilespmem:s19], [sflag:$0x5] =	stream.linear.gather [hbm4b:s18+s3], $0x400, $0x38;
	[tilespmem:$0x16C00] =	vst v63  }
0x6b: {  	_ =	swait.ge [sflag:s8], $0x400  }
0x6c: {  	[sflag:s8] =	ssyncset.done $0x0  }
0x6d: {  	s15 =	simm.s32 $0x3800;
	s14 =	rddreg [dreg:$0x13];
	[sflag:s8] =	ssyncadd.s32 $0xFFFFFC00  }
0x6e: {  	[tilespmem:s15], [sflag:$0x5] =	stream.linear.gather [hbm4b:s14+s3], $0x400, $0x38;
	[tilespmem:$0x16C00] =	vst v63  }
0x6f: {  	_ =	swait.ge [sflag:s8], $0x400  }
0x70: {  	[sflag:s8] =	ssyncset.done $0x0  }
0x71: {  	s17 =	simm.s32 $0x3C00;
	s16 =	rddreg [dreg:$0x14];
	[sflag:s8] =	ssyncadd.s32 $0xFFFFFC00  }
0x72: {  	[tilespmem:s17], [sflag:$0x5] =	stream.linear.gather [hbm4b:s16+s3], $0x400, $0x38;
	[tilespmem:$0x16C00] =	vst v63  }
0x73: {  	_ =	swait.ge [sflag:s8], $0x400  }
0x74: {  	[sflag:s8] =	ssyncset.done $0x0  }
0x75: {  	s19 =	simm.s32 $0x4000;
	s18 =	rddreg [dreg:$0x15];
	[sflag:s8] =	ssyncadd.s32 $0xFFFFFC00  }
0x76: {  	[tilespmem:s19], [sflag:$0x5] =	stream.linear.gather [hbm4b:s18+s3], $0x400, $0x38;
	[tilespmem:$0x16C00] =	vst v63  }
0x77: {  	_ =	swait.ge [sflag:s8], $0x400  }
0x78: {  	[sflag:s8] =	ssyncset.done $0x0  }
0x79: {  	s15 =	simm.s32 $0x4400;
	s14 =	rddreg [dreg:$0x16];
	[sflag:s8] =	ssyncadd.s32 $0xFFFFFC00  }
0x7a: {  	[tilespmem:s15], [sflag:$0x5] =	stream.linear.gather [hbm4b:s14+s3], $0x400, $0x38;
	[tilespmem:$0x16C00] =	vst v63  }
0x7b: {  	_ =	swait.ge [sflag:s8], $0x400  }
0x7c: {  	[sflag:s8] =	ssyncset.done $0x0  }
0x7d: {  	s17 =	simm.s32 $0x4800;
	s16 =	rddreg [dreg:$0x17];
	[sflag:s8] =	ssyncadd.s32 $0xFFFFFC00  }
0x7e: {  	[tilespmem:s17], [sflag:$0x5] =	stream.linear.gather [hbm4b:s16+s3], $0x400, $0x38;
	[tilespmem:$0x16C00] =	vst v63  }
0x7f: {  	_ =	swait.ge [sflag:s8], $0x400  }
0x80: {  	[sflag:s8] =	ssyncset.done $0x0  }
0x81: {  	s19 =	simm.s32 $0x4C00;
	s18 =	rddreg [dreg:$0x19];
	[sflag:s8] =	ssyncadd.s32 $0xFFFFFC00  }
0x82: {  	[tilespmem:s19], [sflag:$0x5] =	stream.linear.gather [hbm4b:s18+s3], $0x400, $0x38;
	[tilespmem:$0x16C00] =	vst v63  }
0x83: {  	_ =	swait.ge [sflag:s8], $0x400  }
0x84: {  	[sflag:s8] =	ssyncset.done $0x0  }
0x85: {  	s15 =	simm.s32 $0x5000;
	s14 =	rddreg [dreg:$0x1a];
	[sflag:s8] =	ssyncadd.s32 $0xFFFFFC00  }
0x86: {  	[tilespmem:s15], [sflag:$0x5] =	stream.linear.gather [hbm4b:s14+s3], $0x400, $0x38;
	[tilespmem:$0x16C00] =	vst v63  }
0x87: {  	_ =	swait.ge [sflag:s8], $0x400  }
0x88: {  	[sflag:s8] =	ssyncset.done $0x0  }
0x89: {  	s17 =	simm.s32 $0x5400;
	s16 =	rddreg [dreg:$0x1b];
	[sflag:s8] =	ssyncadd.s32 $0xFFFFFC00  }
0x8a: {  	[tilespmem:s17], [sflag:$0x5] =	stream.linear.gather [hbm4b:s16+s3], $0x400, $0x38;
	[tilespmem:$0x16C00] =	vst v63  }
0x8b: {  	_ =	swait.ge [sflag:s8], $0x400  }
0x8c: {  	[sflag:s8] =	ssyncset.done $0x0  }
0x8d: {  	s19 =	simm.s32 $0x5800;
	s18 =	rddreg [dreg:$0x1c];
	[sflag:s8] =	ssyncadd.s32 $0xFFFFFC00  }
0x8e: {  	[tilespmem:s19], [sflag:$0x5] =	stream.linear.gather [hbm4b:s18+s3], $0x400, $0x38;
	[tilespmem:$0x16C00] =	vst v63  }
0x8f: {  	_ =	swait.ge [sflag:s8], $0x400  }
0x90: {  	[sflag:s8] =	ssyncset.done $0x0  }
0x91: {  	s16 =	simm.s32 $0x5C00;
	s15 =	rddreg [dreg:$0x1d];
	[sflag:s8] =	ssyncadd.s32 $0xFFFFFC00  }
0x92: {  	[tilespmem:s16], [sflag:$0x5] =	stream.linear.gather [hbm4b:s15+s3], $0x400, $0x38;
	[tilespmem:$0x16C00] =	vst v63  }
0x93: {  	_ =	swait.ge [sflag:s8], $0x400  }
0x94: {  	[sflag:s8] =	ssyncset.done $0x0  }
0x95: {  	s18 =	simm.s32 $0x6000;
	s17 =	rddreg [dreg:$0x1e];
	[sflag:s8] =	ssyncadd.s32 $0xFFFFFC00  }
0x96: {  	[tilespmem:s18], [sflag:$0x5] =	stream.linear.gather [hbm4b:s17+s3], $0x400, $0x38;
	[tilespmem:$0x16C00] =	vst v63  }
0x97: {  	_ =	swait.ge [sflag:s8], $0x400  }
0x98: {  	[sflag:s8] =	ssyncset.done $0x0  }
0x99: {  	s13 =	simm.s32 $0x80;
	s19 =	simm.s32 $0x6400;
	[sflag:s8] =	ssyncadd.s32 $0xFFFFFC00  }
0x9a: {  	[tilespmem:s19], [sflag:$0x1] =	stream.indirect.gather [hbm4b:s6+s13], $0x40, s3, s13, $0xb8;
	[tilespmem:$0x16C00] =	vst v63  }
0x9b: {  	s15 =	simm.s32 $0x8400  }
0x9c: {  	[tilespmem:s15], [sflag:$0x1] =	stream.indirect.gather [hbm4b:s6+s13], $0x40, s13, s13, $0xb8;
	[tilespmem:$0x16C00] =	vst v63  }
0x9d: {  	s16 =	simm.s32 $0x100;
	s17 =	simm.s32 $0xA400  }
0x9e: {  	[tilespmem:s17], [sflag:$0x2] =	stream.indirect.gather [hbm4b:s6+s13], $0x40, s16, s13, $0xb8;
	[tilespmem:$0x16C00] =	vst v63  }
0x9f: {  	s18 =	simm.s32 $0x180;
	s19 =	simm.s32 $0xC400  }
0xa0: {  	[tilespmem:s19], [sflag:$0x2] =	stream.indirect.gather [hbm4b:s6+s13], $0x40, s18, s13, $0xb8;
	[tilespmem:$0x16C00] =	vst v63  }
0xa1: {  	s13 =	simm.s32 $0x0  }
.LBB2_2:
0xa2: {  	_ =	swait.ge [sflag:s9], $0x2000  }
0xa3: {  	[sflag:s9] =	ssyncset.done $0x0  }
0xa4: {  	[sflag:s9] =	ssyncadd.s32 $0xFFFFE000  }
0xa5: {  	_ =	swait.ge [sflag:s9], $0x2000  }
0xa6: {  	p0 =	seq.s32 s13, $0x0;
	[sflag:s9] =	ssyncset.done $0x0  }
0xa7: {  	s14 =	simm.s32 @!p0 $0x3;
	[sflag:s9] =	ssyncadd.s32 $0xFFFFE000  }
0xa8: {  	_ =	swait.ge @!p0 [sflag:s14], $0x400  }
0xa9: {  	[sflag:s14] =	ssyncset.done @!p0 $0x0  }
0xaa: {  	[sflag:s14] =	ssyncadd.s32 @!p0 $0xFFFFFC00  }
0xab: {  	_ =	swait.ge @!p0 [sflag:s14], $0x400  }
0xac: {  	[sflag:s14] =	ssyncset.done @!p0 $0x0  }
0xad: {  	[sflag:s14] =	ssyncadd.s32 @!p0 $0xFFFFFC00  }
0xae: {  	_ =	swait.ge @!p0 [sflag:s14], $0x400  }
0xaf: {  	[sflag:s14] =	ssyncset.done @!p0 $0x0  }
0xb0: {  	[sflag:s14] =	ssyncadd.s32 @!p0 $0xFFFFFC00  }
0xb1: {  	_ =	swait.ge @!p0 [sflag:s14], $0x400  }
0xb2: {  	[sflag:s14] =	ssyncset.done @!p0 $0x0  }
0xb3: {  	[sflag:s14] =	ssyncadd.s32 @!p0 $0xFFFFFC00  }
0xb4: {  	_ =	swait.ge @!p0 [sflag:s14], $0x400  }
0xb5: {  	[sflag:s14] =	ssyncset.done @!p0 $0x0  }
0xb6: {  	[sflag:s14] =	ssyncadd.s32 @!p0 $0xFFFFFC00  }
0xb7: {  	_ =	swait.ge @!p0 [sflag:s14], $0x400  }
0xb8: {  	[sflag:s14] =	ssyncset.done @!p0 $0x0  }
0xb9: {  	[sflag:s14] =	ssyncadd.s32 @!p0 $0xFFFFFC00  }
0xba: {  	_ =	swait.ge @!p0 [sflag:s14], $0x400  }
0xbb: {  	[sflag:s14] =	ssyncset.done @!p0 $0x0  }
0xbc: {  	[sflag:s14] =	ssyncadd.s32 @!p0 $0xFFFFFC00  }
0xbd: {  	_ =	swait.ge @!p0 [sflag:s14], $0x400  }
0xbe: {  	[sflag:s14] =	ssyncset.done @!p0 $0x0  }
0xbf: {  	[sflag:s14] =	ssyncadd.s32 @!p0 $0xFFFFFC00  }
0xc0: {  	_ =	swait.ge @!p0 [sflag:s14], $0x400  }
0xc1: {  	[sflag:s14] =	ssyncset.done @!p0 $0x0  }
0xc2: {  	[sflag:s14] =	ssyncadd.s32 @!p0 $0xFFFFFC00  }
0xc3: {  	_ =	swait.ge @!p0 [sflag:s14], $0x400  }
0xc4: {  	[sflag:s14] =	ssyncset.done @!p0 $0x0  }
0xc5: {  	[sflag:s14] =	ssyncadd.s32 @!p0 $0xFFFFFC00  }
0xc6: {  	_ =	swait.ge @!p0 [sflag:s14], $0x400  }
0xc7: {  	[sflag:s14] =	ssyncset.done @!p0 $0x0  }
0xc8: {  	[sflag:s14] =	ssyncadd.s32 @!p0 $0xFFFFFC00  }
0xc9: {  	_ =	swait.ge @!p0 [sflag:s14], $0x400  }
0xca: {  	[sflag:s14] =	ssyncset.done @!p0 $0x0  }
0xcb: {  	[sflag:s14] =	ssyncadd.s32 @!p0 $0xFFFFFC00  }
0xcc: {  	_ =	swait.ge @!p0 [sflag:s14], $0x400  }
0xcd: {  	[sflag:s14] =	ssyncset.done @!p0 $0x0  }
0xce: {  	[sflag:s14] =	ssyncadd.s32 @!p0 $0xFFFFFC00  }
0xcf: {  	_ =	swait.ge @!p0 [sflag:s14], $0x400  }
0xd0: {  	[sflag:s14] =	ssyncset.done @!p0 $0x0  }
0xd1: {  	[sflag:s14] =	ssyncadd.s32 @!p0 $0xFFFFFC00  }
0xd2: {  	_ =	swait.ge @!p0 [sflag:s14], $0x400  }
0xd3: {  	[sflag:s14] =	ssyncset.done @!p0 $0x0  }
0xd4: {  	[sflag:s14] =	ssyncadd.s32 @!p0 $0xFFFFFC00  }
0xd5: {  	_ =	swait.ge @!p0 [sflag:s14], $0x400  }
0xd6: {  	[sflag:s14] =	ssyncset.done @!p0 $0x0  }
0xd7: {  	s15 =	simm.s32 $0x0;
	[sflag:s14] =	ssyncadd.s32 @!p0 $0xFFFFFC00;
	s14 =	simm.s32 $0x8400  }
0xd8: {  	v8 =	vmov s15;
	v9 =	vld [tilespmem:s14+$0xFFFFE000]  }
0xd9: {  	v8 =	vand.u32 $0x7C, v8  }
0xda: {  	v10 =	vadd.s32 v0, v8;
	_ =	sdelay $0x2  }
0xdb: {  	v9 =	vmul.f32 $8.000000000e+00, v9;
	_ =	sdelay $0x1  }
0xdc: {  	[tilespmem:v10+s10+$0x0] =	vst.idx.msk $0xffff, v9  }
0xdd: {  	v9 =	vld [tilespmem:s14+$0xFFFFE010];
	_ =	sdelay $0x1  }
0xde: {  	v10 =	vadd.s32 v1, v8;
	_ =	sdelay $0x2  }
0xdf: {  	v9 =	vmul.f32 $8.000000000e+00, v9;
	_ =	sdelay $0x1  }
0xe0: {  	[tilespmem:v10+s10+$0x0] =	vst.idx.msk $0xffff, v9  }
0xe1: {  	v9 =	vld [tilespmem:s14+$0xFFFFE020];
	_ =	sdelay $0x1  }
0xe2: {  	v10 =	vadd.s32 v2, v8;
	_ =	sdelay $0x2  }
0xe3: {  	v9 =	vmul.f32 $8.000000000e+00, v9;
	_ =	sdelay $0x1  }
0xe4: {  	[tilespmem:v10+s10+$0x0] =	vst.idx.msk $0xffff, v9  }
0xe5: {  	v9 =	vld [tilespmem:s14+$0xFFFFE030];
	_ =	sdelay $0x1  }
0xe6: {  	v10 =	vadd.s32 v3, v8;
	_ =	sdelay $0x2  }
0xe7: {  	v9 =	vmul.f32 $8.000000000e+00, v9;
	_ =	sdelay $0x1  }
0xe8: {  	[tilespmem:v10+s10+$0x0] =	vst.idx.msk $0xffff, v9  }
0xe9: {  	v9 =	vld [tilespmem:s14+$0x0];
	_ =	sdelay $0x1  }
0xea: {  	v10 =	vadd.s32 v4, v8;
	_ =	sdelay $0x2  }
0xeb: {  	v9 =	vmul.f32 $8.000000000e+00, v9;
	_ =	sdelay $0x1  }
0xec: {  	[tilespmem:v10+s10+$0x0] =	vst.idx.msk $0xffff, v9  }
0xed: {  	v9 =	vld [tilespmem:s14+$0x10];
	_ =	sdelay $0x1  }
0xee: {  	v10 =	vadd.s32 v5, v8;
	_ =	sdelay $0x2  }
0xef: {  	v9 =	vmul.f32 $8.000000000e+00, v9;
	_ =	sdelay $0x1  }
0xf0: {  	[tilespmem:v10+s10+$0x0] =	vst.idx.msk $0xffff, v9  }
0xf1: {  	v9 =	vld [tilespmem:s14+$0x20];
	_ =	sdelay $0x1  }
0xf2: {  	v10 =	vadd.s32 v6, v8;
	_ =	sdelay $0x2  }
0xf3: {  	v9 =	vmul.f32 $8.000000000e+00, v9;
	_ =	sdelay $0x1  }
0xf4: {  	[tilespmem:v10+s10+$0x0] =	vst.idx.msk $0xffff, v9  }
0xf5: {  	v9 =	vld [tilespmem:s14+$0x30];
	_ =	sdelay $0x1  }
0xf6: {  	v8 =	vadd.s32 v7, v8;
	_ =	sdelay $0x2  }
0xf7: {  	v9 =	vmul.f32 $8.000000000e+00, v9;
	_ =	sdelay $0x1  }
0xf8: {  	s17 =	simm.s32 $0x1;
	[tilespmem:v8+s10+$0x0] =	vst.idx.msk $0xffff, v9  }
0xf9: {  	v8 =	vmov s17;
	v9 =	vld [tilespmem:s14+$0xFFFFE040]  }
0xfa: {  	v8 =	vand.u32 $0x7D, v8  }
0xfb: {  	v10 =	vadd.s32 v0, v8;
	_ =	sdelay $0x2  }
0xfc: {  	v9 =	vmul.f32 $8.000000000e+00, v9;
	_ =	sdelay $0x1  }
0xfd: {  	[tilespmem:v10+s10+$0x0] =	vst.idx.msk $0xffff, v9  }
0xfe: {  	v9 =	vld [tilespmem:s14+$0xFFFFE050];
	_ =	sdelay $0x1  }
0xff: {  	v10 =	vadd.s32 v1, v8;
	_ =	sdelay $0x2  }
0x100: {  	v9 =	vmul.f32 $8.000000000e+00, v9;
	_ =	sdelay $0x1  }
0x101: {  	[tilespmem:v10+s10+$0x0] =	vst.idx.msk $0xffff, v9  }
0x102: {  	v9 =	vld [tilespmem:s14+$0xFFFFE060];
	_ =	sdelay $0x1  }
0x103: {  	v10 =	vadd.s32 v2, v8;
	_ =	sdelay $0x2  }
0x104: {  	v9 =	vmul.f32 $8.000000000e+00, v9;
	_ =	sdelay $0x1  }
0x105: {  	[tilespmem:v10+s10+$0x0] =	vst.idx.msk $0xffff, v9  }
0x106: {  	v9 =	vld [tilespmem:s14+$0xFFFFE070];
	_ =	sdelay $0x1  }
0x107: {  	v10 =	vadd.s32 v3, v8;
	_ =	sdelay $0x2  }
0x108: {  	v9 =	vmul.f32 $8.000000000e+00, v9;
	_ =	sdelay $0x1  }
0x109: {  	[tilespmem:v10+s10+$0x0] =	vst.idx.msk $0xffff, v9  }
0x10a: {  	v9 =	vld [tilespmem:s14+$0x40];
	_ =	sdelay $0x1  }
0x10b: {  	v10 =	vadd.s32 v4, v8;
	_ =	sdelay $0x2  }
0x10c: {  	v9 =	vmul.f32 $8.000000000e+00, v9;
	_ =	sdelay $0x1  }
0x10d: {  	[tilespmem:v10+s10+$0x0] =	vst.idx.msk $0xffff, v9  }
0x10e: {  	v9 =	vld [tilespmem:s14+$0x50];
	_ =	sdelay $0x1  }
0x10f: {  	v10 =	vadd.s32 v5, v8;
	_ =	sdelay $0x2  }
0x110: {  	v9 =	vmul.f32 $8.000000000e+00, v9;
	_ =	sdelay $0x1  }
0x111: {  	[tilespmem:v10+s10+$0x0] =	vst.idx.msk $0xffff, v9  }
0x112: {  	v9 =	vld [tilespmem:s14+$0x60];
	_ =	sdelay $0x1  }
0x113: {  	v10 =	vadd.s32 v6, v8;
	_ =	sdelay $0x2  }
0x114: {  	v9 =	vmul.f32 $8.000000000e+00, v9;
	_ =	sdelay $0x1  }
0x115: {  	[tilespmem:v10+s10+$0x0] =	vst.idx.msk $0xffff, v9  }
0x116: {  	v9 =	vld [tilespmem:s14+$0x70];
	_ =	sdelay $0x1  }
0x117: {  	v8 =	vadd.s32 v7, v8;
	_ =	sdelay $0x2  }
0x118: {  	v9 =	vmul.f32 $8.000000000e+00, v9;
	_ =	sdelay $0x1  }
0x119: {  	s18 =	simm.s32 $0x2;
	[tilespmem:v8+s10+$0x0] =	vst.idx.msk $0xffff, v9  }
0x11a: {  	v8 =	vmov s18;
	v9 =	vld [tilespmem:s14+$0xFFFFE080]  }
0x11b: {  	v8 =	vand.u32 $0x7E, v8  }
0x11c: {  	v10 =	vadd.s32 v0, v8;
	_ =	sdelay $0x2  }
0x11d: {  	v9 =	vmul.f32 $8.000000000e+00, v9;
	_ =	sdelay $0x1  }
0x11e: {  	[tilespmem:v10+s10+$0x0] =	vst.idx.msk $0xffff, v9  }
0x11f: {  	v9 =	vld [tilespmem:s14+$0xFFFFE090];
	_ =	sdelay $0x1  }
0x120: {  	v10 =	vadd.s32 v1, v8;
	_ =	sdelay $0x2  }
0x121: {  	v9 =	vmul.f32 $8.000000000e+00, v9;
	_ =	sdelay $0x1  }
0x122: {  	[tilespmem:v10+s10+$0x0] =	vst.idx.msk $0xffff, v9  }
0x123: {  	v9 =	vld [tilespmem:s14+$0xFFFFE0A0];
	_ =	sdelay $0x1  }
0x124: {  	v10 =	vadd.s32 v2, v8;
	_ =	sdelay $0x2  }
0x125: {  	v9 =	vmul.f32 $8.000000000e+00, v9;
	_ =	sdelay $0x1  }
0x126: {  	[tilespmem:v10+s10+$0x0] =	vst.idx.msk $0xffff, v9  }
0x127: {  	v9 =	vld [tilespmem:s14+$0xFFFFE0B0];
	_ =	sdelay $0x1  }
0x128: {  	v10 =	vadd.s32 v3, v8;
	_ =	sdelay $0x2  }
0x129: {  	v9 =	vmul.f32 $8.000000000e+00, v9;
	_ =	sdelay $0x1  }
0x12a: {  	[tilespmem:v10+s10+$0x0] =	vst.idx.msk $0xffff, v9  }
0x12b: {  	v9 =	vld [tilespmem:s14+$0x80];
	_ =	sdelay $0x1  }
0x12c: {  	v10 =	vadd.s32 v4, v8;
	_ =	sdelay $0x2  }
0x12d: {  	v9 =	vmul.f32 $8.000000000e+00, v9;
	_ =	sdelay $0x1  }
0x12e: {  	[tilespmem:v10+s10+$0x0] =	vst.idx.msk $0xffff, v9  }
0x12f: {  	v9 =	vld [tilespmem:s14+$0x90];
	_ =	sdelay $0x1  }
0x130: {  	v10 =	vadd.s32 v5, v8;
	_ =	sdelay $0x2  }
0x131: {  	v9 =	vmul.f32 $8.000000000e+00, v9;
	_ =	sdelay $0x1  }
0x132: {  	[tilespmem:v10+s10+$0x0] =	vst.idx.msk $0xffff, v9  }
0x133: {  	v9 =	vld [tilespmem:s14+$0xA0];
	_ =	sdelay $0x1  }
0x134: {  	v10 =	vadd.s32 v6, v8;
	_ =	sdelay $0x2  }
0x135: {  	v9 =	vmul.f32 $8.000000000e+00, v9;
	_ =	sdelay $0x1  }
0x136: {  	[tilespmem:v10+s10+$0x0] =	vst.idx.msk $0xffff, v9  }
0x137: {  	v9 =	vld [tilespmem:s14+$0xB0];
	_ =	sdelay $0x1  }
0x138: {  	v8 =	vadd.s32 v7, v8;
	_ =	sdelay $0x2  }
0x139: {  	v9 =	vmul.f32 $8.000000000e+00, v9;
	_ =	sdelay $0x1  }
0x13a: {  	s19 =	simm.s32 $0x3;
	[tilespmem:v8+s10+$0x0] =	vst.idx.msk $0xffff, v9  }
0x13b: {  	v8 =	vmov s19;
	v9 =	vld [tilespmem:s14+$0xFFFFE0C0]  }
0x13c: {  	v8 =	vand.u32 $0x7F, v8  }
0x13d: {  	v10 =	vadd.s32 v0, v8;
	_ =	sdelay $0x2  }
0x13e: {  	v9 =	vmul.f32 $8.000000000e+00, v9;
	_ =	sdelay $0x1  }
0x13f: {  	[tilespmem:v10+s10+$0x0] =	vst.idx.msk $0xffff, v9  }
0x140: {  	v9 =	vld [tilespmem:s14+$0xFFFFE0D0];
	_ =	sdelay $0x1  }
0x141: {  	v10 =	vadd.s32 v1, v8;
	_ =	sdelay $0x2  }
0x142: {  	v9 =	vmul.f32 $8.000000000e+00, v9;
	_ =	sdelay $0x1  }
0x143: {  	[tilespmem:v10+s10+$0x0] =	vst.idx.msk $0xffff, v9  }
0x144: {  	v9 =	vld [tilespmem:s14+$0xFFFFE0E0];
	_ =	sdelay $0x1  }
0x145: {  	v10 =	vadd.s32 v2, v8;
	_ =	sdelay $0x2  }
0x146: {  	v9 =	vmul.f32 $8.000000000e+00, v9;
	_ =	sdelay $0x1  }
0x147: {  	[tilespmem:v10+s10+$0x0] =	vst.idx.msk $0xffff, v9  }
0x148: {  	v9 =	vld [tilespmem:s14+$0xFFFFE0F0];
	_ =	sdelay $0x1  }
0x149: {  	v10 =	vadd.s32 v3, v8;
	_ =	sdelay $0x2  }
0x14a: {  	v9 =	vmul.f32 $8.000000000e+00, v9;
	_ =	sdelay $0x1  }
0x14b: {  	[tilespmem:v10+s10+$0x0] =	vst.idx.msk $0xffff, v9  }
0x14c: {  	v9 =	vld [tilespmem:s14+$0xC0];
	_ =	sdelay $0x1  }
0x14d: {  	v10 =	vadd.s32 v4, v8;
	_ =	sdelay $0x2  }
0x14e: {  	v9 =	vmul.f32 $8.000000000e+00, v9;
	_ =	sdelay $0x1  }
0x14f: {  	[tilespmem:v10+s10+$0x0] =	vst.idx.msk $0xffff, v9  }
0x150: {  	v9 =	vld [tilespmem:s14+$0xD0];
	_ =	sdelay $0x1  }
0x151: {  	v10 =	vadd.s32 v5, v8;
	_ =	sdelay $0x2  }
0x152: {  	v9 =	vmul.f32 $8.000000000e+00, v9;
	_ =	sdelay $0x1  }
0x153: {  	[tilespmem:v10+s10+$0x0] =	vst.idx.msk $0xffff, v9  }
0x154: {  	v9 =	vld [tilespmem:s14+$0xE0];
	_ =	sdelay $0x1  }
0x155: {  	v10 =	vadd.s32 v6, v8;
	_ =	sdelay $0x2  }
0x156: {  	v9 =	vmul.f32 $8.000000000e+00, v9;
	_ =	sdelay $0x1  }
0x157: {  	[tilespmem:v10+s10+$0x0] =	vst.idx.msk $0xffff, v9  }
0x158: {  	v9 =	vld [tilespmem:s14+$0xF0];
	_ =	sdelay $0x1  }
0x159: {  	v8 =	vadd.s32 v7, v8;
	_ =	sdelay $0x2  }
0x15a: {  	s16 =	sshll.u32 s13, $0x14;
	s15 =	simm.s32 $0x4;
	v9 =	vmul.f32 $8.000000000e+00, v9  }
.LBB2_3:
0x15b: {  	p1 =	slt.u32 s15, $0x7C  }
0x15c: {  	s14 =	sadd.s32 $0x100, s14;
	s17 =	smov.u32 s15;
	s15 =	sadd.s32 $0x4, s15;
	[tilespmem:v8+s10+$0x0] =	vst.idx.msk $0xffff, v9  }
0x15d: {  	v8 =	vmov s17;
	v9 =	vld [tilespmem:s14+$0xFFFFE000]  }
0x15e: {  	v8 =	vand.u32 $0x7C, v8  }
0x15f: {  	v10 =	vadd.s32 v0, v8;
	_ =	sdelay $0x2  }
0x160: {  	v9 =	vmul.f32 $8.000000000e+00, v9;
	_ =	sdelay $0x1  }
0x161: {  	[tilespmem:v10+s10+$0x0] =	vst.idx.msk $0xffff, v9  }
0x162: {  	v9 =	vld [tilespmem:s14+$0xFFFFE010];
	_ =	sdelay $0x1  }
0x163: {  	v10 =	vadd.s32 v1, v8;
	_ =	sdelay $0x2  }
0x164: {  	v9 =	vmul.f32 $8.000000000e+00, v9;
	_ =	sdelay $0x1  }
0x165: {  	[tilespmem:v10+s10+$0x0] =	vst.idx.msk $0xffff, v9  }
0x166: {  	v9 =	vld [tilespmem:s14+$0xFFFFE020];
	_ =	sdelay $0x1  }
0x167: {  	v10 =	vadd.s32 v2, v8;
	_ =	sdelay $0x2  }
0x168: {  	v9 =	vmul.f32 $8.000000000e+00, v9;
	_ =	sdelay $0x1  }
0x169: {  	[tilespmem:v10+s10+$0x0] =	vst.idx.msk $0xffff, v9  }
0x16a: {  	v9 =	vld [tilespmem:s14+$0xFFFFE030];
	_ =	sdelay $0x1  }
0x16b: {  	v10 =	vadd.s32 v3, v8;
	_ =	sdelay $0x2  }
0x16c: {  	v9 =	vmul.f32 $8.000000000e+00, v9;
	_ =	sdelay $0x1  }
0x16d: {  	[tilespmem:v10+s10+$0x0] =	vst.idx.msk $0xffff, v9  }
0x16e: {  	v9 =	vld [tilespmem:s14+$0x0];
	_ =	sdelay $0x1  }
0x16f: {  	v10 =	vadd.s32 v4, v8;
	_ =	sdelay $0x2  }
0x170: {  	v9 =	vmul.f32 $8.000000000e+00, v9;
	_ =	sdelay $0x1  }
0x171: {  	[tilespmem:v10+s10+$0x0] =	vst.idx.msk $0xffff, v9  }
0x172: {  	v9 =	vld [tilespmem:s14+$0x10];
	_ =	sdelay $0x1  }
0x173: {  	v10 =	vadd.s32 v5, v8;
	_ =	sdelay $0x2  }
0x174: {  	v9 =	vmul.f32 $8.000000000e+00, v9;
	_ =	sdelay $0x1  }
0x175: {  	[tilespmem:v10+s10+$0x0] =	vst.idx.msk $0xffff, v9  }
0x176: {  	v9 =	vld [tilespmem:s14+$0x20];
	_ =	sdelay $0x1  }
0x177: {  	v10 =	vadd.s32 v6, v8;
	_ =	sdelay $0x2  }
0x178: {  	v9 =	vmul.f32 $8.000000000e+00, v9;
	_ =	sdelay $0x1  }
0x179: {  	[tilespmem:v10+s10+$0x0] =	vst.idx.msk $0xffff, v9  }
0x17a: {  	v9 =	vld [tilespmem:s14+$0x30];
	_ =	sdelay $0x1  }
0x17b: {  	v8 =	vadd.s32 v7, v8;
	_ =	sdelay $0x2  }
0x17c: {  	v9 =	vmul.f32 $8.000000000e+00, v9;
	_ =	sdelay $0x1  }
0x17d: {  	s18 =	sadd.s32 $0x1, s17;
	[tilespmem:v8+s10+$0x0] =	vst.idx.msk $0xffff, v9  }
0x17e: {  	v8 =	vmov s18;
	v9 =	vld [tilespmem:s14+$0xFFFFE040]  }
0x17f: {  	v8 =	vand.u32 $0x7D, v8  }
0x180: {  	v10 =	vadd.s32 v0, v8;
	_ =	sdelay $0x2  }
0x181: {  	v9 =	vmul.f32 $8.000000000e+00, v9;
	_ =	sdelay $0x1  }
0x182: {  	[tilespmem:v10+s10+$0x0] =	vst.idx.msk $0xffff, v9  }
0x183: {  	v9 =	vld [tilespmem:s14+$0xFFFFE050];
	_ =	sdelay $0x1  }
0x184: {  	v10 =	vadd.s32 v1, v8;
	_ =	sdelay $0x2  }
0x185: {  	v9 =	vmul.f32 $8.000000000e+00, v9;
	_ =	sdelay $0x1  }
0x186: {  	[tilespmem:v10+s10+$0x0] =	vst.idx.msk $0xffff, v9  }
0x187: {  	v9 =	vld [tilespmem:s14+$0xFFFFE060];
	_ =	sdelay $0x1  }
0x188: {  	v10 =	vadd.s32 v2, v8;
	_ =	sdelay $0x2  }
0x189: {  	v9 =	vmul.f32 $8.000000000e+00, v9;
	_ =	sdelay $0x1  }
0x18a: {  	[tilespmem:v10+s10+$0x0] =	vst.idx.msk $0xffff, v9  }
0x18b: {  	v9 =	vld [tilespmem:s14+$0xFFFFE070];
	_ =	sdelay $0x1  }
0x18c: {  	v10 =	vadd.s32 v3, v8;
	_ =	sdelay $0x2  }
0x18d: {  	v9 =	vmul.f32 $8.000000000e+00, v9;
	_ =	sdelay $0x1  }
0x18e: {  	[tilespmem:v10+s10+$0x0] =	vst.idx.msk $0xffff, v9  }
0x18f: {  	v9 =	vld [tilespmem:s14+$0x40];
	_ =	sdelay $0x1  }
0x190: {  	v10 =	vadd.s32 v4, v8;
	_ =	sdelay $0x2  }
0x191: {  	v9 =	vmul.f32 $8.000000000e+00, v9;
	_ =	sdelay $0x1  }
0x192: {  	[tilespmem:v10+s10+$0x0] =	vst.idx.msk $0xffff, v9  }
0x193: {  	v9 =	vld [tilespmem:s14+$0x50];
	_ =	sdelay $0x1  }
0x194: {  	v10 =	vadd.s32 v5, v8;
	_ =	sdelay $0x2  }
0x195: {  	v9 =	vmul.f32 $8.000000000e+00, v9;
	_ =	sdelay $0x1  }
0x196: {  	[tilespmem:v10+s10+$0x0] =	vst.idx.msk $0xffff, v9  }
0x197: {  	v9 =	vld [tilespmem:s14+$0x60];
	_ =	sdelay $0x1  }
0x198: {  	v10 =	vadd.s32 v6, v8;
	_ =	sdelay $0x2  }
0x199: {  	v9 =	vmul.f32 $8.000000000e+00, v9;
	_ =	sdelay $0x1  }
0x19a: {  	[tilespmem:v10+s10+$0x0] =	vst.idx.msk $0xffff, v9  }
0x19b: {  	v9 =	vld [tilespmem:s14+$0x70];
	_ =	sdelay $0x1  }
0x19c: {  	v8 =	vadd.s32 v7, v8;
	_ =	sdelay $0x2  }
0x19d: {  	v9 =	vmul.f32 $8.000000000e+00, v9;
	_ =	sdelay $0x1  }
0x19e: {  	s18 =	sadd.s32 $0x2, s17;
	[tilespmem:v8+s10+$0x0] =	vst.idx.msk $0xffff, v9  }
0x19f: {  	v8 =	vmov s18;
	v9 =	vld [tilespmem:s14+$0xFFFFE080]  }
0x1a0: {  	v8 =	vand.u32 $0x7E, v8  }
0x1a1: {  	v10 =	vadd.s32 v0, v8;
	_ =	sdelay $0x2  }
0x1a2: {  	v9 =	vmul.f32 $8.000000000e+00, v9;
	_ =	sdelay $0x1  }
0x1a3: {  	[tilespmem:v10+s10+$0x0] =	vst.idx.msk $0xffff, v9  }
0x1a4: {  	v9 =	vld [tilespmem:s14+$0xFFFFE090];
	_ =	sdelay $0x1  }
0x1a5: {  	v10 =	vadd.s32 v1, v8;
	_ =	sdelay $0x2  }
0x1a6: {  	v9 =	vmul.f32 $8.000000000e+00, v9;
	_ =	sdelay $0x1  }
0x1a7: {  	[tilespmem:v10+s10+$0x0] =	vst.idx.msk $0xffff, v9  }
0x1a8: {  	v9 =	vld [tilespmem:s14+$0xFFFFE0A0];
	_ =	sdelay $0x1  }
0x1a9: {  	v10 =	vadd.s32 v2, v8;
	_ =	sdelay $0x2  }
0x1aa: {  	v9 =	vmul.f32 $8.000000000e+00, v9;
	_ =	sdelay $0x1  }
0x1ab: {  	[tilespmem:v10+s10+$0x0] =	vst.idx.msk $0xffff, v9  }
0x1ac: {  	v9 =	vld [tilespmem:s14+$0xFFFFE0B0];
	_ =	sdelay $0x1  }
0x1ad: {  	v10 =	vadd.s32 v3, v8;
	_ =	sdelay $0x2  }
0x1ae: {  	v9 =	vmul.f32 $8.000000000e+00, v9;
	_ =	sdelay $0x1  }
0x1af: {  	[tilespmem:v10+s10+$0x0] =	vst.idx.msk $0xffff, v9  }
0x1b0: {  	v9 =	vld [tilespmem:s14+$0x80];
	_ =	sdelay $0x1  }
0x1b1: {  	v10 =	vadd.s32 v4, v8;
	_ =	sdelay $0x2  }
0x1b2: {  	v9 =	vmul.f32 $8.000000000e+00, v9;
	_ =	sdelay $0x1  }
0x1b3: {  	[tilespmem:v10+s10+$0x0] =	vst.idx.msk $0xffff, v9  }
0x1b4: {  	v9 =	vld [tilespmem:s14+$0x90];
	_ =	sdelay $0x1  }
0x1b5: {  	v10 =	vadd.s32 v5, v8;
	_ =	sdelay $0x2  }
0x1b6: {  	v9 =	vmul.f32 $8.000000000e+00, v9;
	_ =	sdelay $0x1  }
0x1b7: {  	[tilespmem:v10+s10+$0x0] =	vst.idx.msk $0xffff, v9  }
0x1b8: {  	v9 =	vld [tilespmem:s14+$0xA0];
	_ =	sdelay $0x1  }
0x1b9: {  	v10 =	vadd.s32 v6, v8;
	_ =	sdelay $0x2  }
0x1ba: {  	v9 =	vmul.f32 $8.000000000e+00, v9;
	_ =	sdelay $0x1  }
0x1bb: {  	[tilespmem:v10+s10+$0x0] =	vst.idx.msk $0xffff, v9  }
0x1bc: {  	v9 =	vld [tilespmem:s14+$0xB0];
	_ =	sdelay $0x1  }
0x1bd: {  	v8 =	vadd.s32 v7, v8;
	_ =	sdelay $0x2  }
0x1be: {  	v9 =	vmul.f32 $8.000000000e+00, v9;
	_ =	sdelay $0x1  }
0x1bf: {  	s17 =	sadd.s32 $0x3, s17;
	[tilespmem:v8+s10+$0x0] =	vst.idx.msk $0xffff, v9  }
0x1c0: {  	v8 =	vmov s17;
	v9 =	vld [tilespmem:s14+$0xFFFFE0C0]  }
0x1c1: {  	v8 =	vand.u32 $0x7F, v8  }
0x1c2: {  	v10 =	vadd.s32 v0, v8;
	_ =	sdelay $0x2  }
0x1c3: {  	v9 =	vmul.f32 $8.000000000e+00, v9;
	_ =	sdelay $0x1  }
0x1c4: {  	[tilespmem:v10+s10+$0x0] =	vst.idx.msk $0xffff, v9  }
0x1c5: {  	v9 =	vld [tilespmem:s14+$0xFFFFE0D0];
	_ =	sdelay $0x1  }
0x1c6: {  	v10 =	vadd.s32 v1, v8;
	_ =	sdelay $0x2  }
0x1c7: {  	v9 =	vmul.f32 $8.000000000e+00, v9;
	_ =	sdelay $0x1  }
0x1c8: {  	[tilespmem:v10+s10+$0x0] =	vst.idx.msk $0xffff, v9  }
0x1c9: {  	v9 =	vld [tilespmem:s14+$0xFFFFE0E0];
	_ =	sdelay $0x1  }
0x1ca: {  	v10 =	vadd.s32 v2, v8;
	_ =	sdelay $0x2  }
0x1cb: {  	v9 =	vmul.f32 $8.000000000e+00, v9;
	_ =	sdelay $0x1  }
0x1cc: {  	[tilespmem:v10+s10+$0x0] =	vst.idx.msk $0xffff, v9  }
0x1cd: {  	v9 =	vld [tilespmem:s14+$0xFFFFE0F0];
	_ =	sdelay $0x1  }
0x1ce: {  	v10 =	vadd.s32 v3, v8;
	_ =	sdelay $0x2  }
0x1cf: {  	v9 =	vmul.f32 $8.000000000e+00, v9;
	_ =	sdelay $0x1  }
0x1d0: {  	[tilespmem:v10+s10+$0x0] =	vst.idx.msk $0xffff, v9  }
0x1d1: {  	v9 =	vld [tilespmem:s14+$0xC0];
	_ =	sdelay $0x1  }
0x1d2: {  	v10 =	vadd.s32 v4, v8;
	_ =	sdelay $0x2  }
0x1d3: {  	v9 =	vmul.f32 $8.000000000e+00, v9;
	_ =	sdelay $0x1  }
0x1d4: {  	[tilespmem:v10+s10+$0x0] =	vst.idx.msk $0xffff, v9  }
0x1d5: {  	v9 =	vld [tilespmem:s14+$0xD0];
	_ =	sdelay $0x1  }
0x1d6: {  	v10 =	vadd.s32 v5, v8;
	_ =	sdelay $0x2  }
0x1d7: {  	v9 =	vmul.f32 $8.000000000e+00, v9;
	_ =	sdelay $0x1  }
0x1d8: {  	[tilespmem:v10+s10+$0x0] =	vst.idx.msk $0xffff, v9  }
0x1d9: {  	v9 =	vld [tilespmem:s14+$0xE0];
	_ =	sdelay $0x1  }
0x1da: {  	v10 =	vadd.s32 v6, v8;
	_ =	sdelay $0x2  }
0x1db: {  	v9 =	vmul.f32 $8.000000000e+00, v9;
	_ =	sdelay $0x1  }
0x1dc: {  	[tilespmem:v10+s10+$0x0] =	vst.idx.msk $0xffff, v9  }
0x1dd: {  	v9 =	vld [tilespmem:s14+$0xF0]  }
.Ltmp0:
0x1de: {  	(pc) =	sbr.rel @p1 .LBB2_3-.Ltmp0, $2  }
0x1df: {  	v8 =	vadd.s32 v7, v8;
	_ =	sdelay $0x2  }
0x1e0: {  	v9 =	vmul.f32 $8.000000000e+00, v9  }
0x1e1: {  	_ = 	snop  }
0x1e2: {  	p1 =	seq.s32 s13, $0x31  }
0x1e3: {  	s15 =	sshll.u32 @!p1 s13, $0x9  }
0x1e4: {  	s14 =	sadd.s32 @!p1 $0x200, s15  }
0x1e5: {  	[tilespmem:v8+s10+$0x0] =	vst.idx.msk $0xffff, v9;
	s17 =	simm.s32 @!p1 $0x80;
	s18 =	simm.s32 @!p1 $0x6400;
	s14 =	sand.u32 @!p1 $0xFE00, s14  }
0x1e6: {  	[tilespmem:s18], [sflag:$0x1] =	stream.indirect.gather @!p1 [hbm4b:s6+s17], $0x40, s14, s17, $0xb8;
	[tilespmem:$0x16C00] =	vst v63  }
0x1e7: {  	s14 =	sadd.s32 @!p1 $0x280, s15  }
0x1e8: {  	s19 =	rddreg [dreg:$0x4];
	s18 =	simm.s32 @!p1 $0x8400;
	s14 =	sand.u32 @!p1 $0xFE80, s14  }
0x1e9: {  	[tilespmem:s18], [sflag:$0x1] =	stream.indirect.gather @!p1 [hbm4b:s6+s17], $0x40, s14, s17, $0xb8;
	[tilespmem:$0x16C00] =	vst v63  }
0x1ea: {  	s14 =	sor.u32 s19, s16  }
0x1eb: {  	s17 =	rddreg [dreg:$0x2];
	s14 =	sshrl.u32 s14, $0x3  }
0x1ec: {  	s16 =	sadd.s32 s17, s14  }
0x1ed: {  	[hbm4b:s16+s3] =	stream.linear.scatter [tilespmem:s10], [sflag:$0x3], $0x80, $0x38;
	[tilespmem:$0x16C00] =	vst v63  }
0x1ee: {  	s19 =	simm.s32 $0xE488;
	s18 =	sadd.s32 $0x10, s16  }
0x1ef: {  	[hbm4b:s18+s3] =	stream.linear.scatter [tilespmem:s19], [sflag:$0x3], $0x80, $0x38;
	[tilespmem:$0x16C00] =	vst v63  }
0x1f0: {  	s18 =	sadd.s32 $0x20, s16;
	s19 =	simm.s32 $0xE510  }
0x1f1: {  	[hbm4b:s18+s3] =	stream.linear.scatter [tilespmem:s19], [sflag:$0x3], $0x80, $0x38;
	[tilespmem:$0x16C00] =	vst v63  }
0x1f2: {  	s18 =	sadd.s32 $0x30, s16;
	s19 =	simm.s32 $0xE598  }
0x1f3: {  	[hbm4b:s18+s3] =	stream.linear.scatter [tilespmem:s19], [sflag:$0x3], $0x80, $0x38;
	[tilespmem:$0x16C00] =	vst v63  }
0x1f4: {  	s18 =	sadd.s32 $0x40, s16;
	s19 =	simm.s32 $0xE620  }
0x1f5: {  	[hbm4b:s18+s3] =	stream.linear.scatter [tilespmem:s19], [sflag:$0x3], $0x80, $0x38;
	[tilespmem:$0x16C00] =	vst v63  }
0x1f6: {  	s18 =	sadd.s32 $0x50, s16;
	s19 =	simm.s32 $0xE6A8  }
0x1f7: {  	[hbm4b:s18+s3] =	stream.linear.scatter [tilespmem:s19], [sflag:$0x3], $0x80, $0x38;
	[tilespmem:$0x16C00] =	vst v63  }
0x1f8: {  	s18 =	sadd.s32 $0x60, s16;
	s19 =	simm.s32 $0xE730  }
0x1f9: {  	[hbm4b:s18+s3] =	stream.linear.scatter [tilespmem:s19], [sflag:$0x3], $0x80, $0x38;
	[tilespmem:$0x16C00] =	vst v63  }
0x1fa: {  	s16 =	sadd.s32 $0x70, s16;
	s19 =	simm.s32 $0xE7B8;
	s18 =	rddreg [dreg:$0x1f]  }
0x1fb: {  	[hbm4b:s16+s3] =	stream.linear.scatter [tilespmem:s19], [sflag:$0x3], $0x80, $0x38;
	[tilespmem:$0x16C00] =	vst v63  }
0x1fc: {  	s16 =	sadd.s32 s14, s18;
	s19 =	simm.s32 $0xE840  }
0x1fd: {  	[hbm4b:s16+s3] =	stream.linear.scatter [tilespmem:s19], [sflag:$0x3], $0x80, $0x38;
	[tilespmem:$0x16C00] =	vst v63  }
0x1fe: {  	s18 =	sadd.s32 $0x10, s16;
	s19 =	simm.s32 $0xE8C8  }
0x1ff: {  	[hbm4b:s18+s3] =	stream.linear.scatter [tilespmem:s19], [sflag:$0x3], $0x80, $0x38;
	[tilespmem:$0x16C00] =	vst v63  }
0x200: {  	s18 =	sadd.s32 $0x20, s16;
	s19 =	simm.s32 $0xE950  }
0x201: {  	[hbm4b:s18+s3] =	stream.linear.scatter [tilespmem:s19], [sflag:$0x3], $0x80, $0x38;
	[tilespmem:$0x16C00] =	vst v63  }
0x202: {  	s18 =	sadd.s32 $0x30, s16;
	s19 =	simm.s32 $0xE9D8  }
0x203: {  	[hbm4b:s18+s3] =	stream.linear.scatter [tilespmem:s19], [sflag:$0x3], $0x80, $0x38;
	[tilespmem:$0x16C00] =	vst v63  }
0x204: {  	s18 =	sadd.s32 $0x40, s16;
	s19 =	simm.s32 $0xEA60  }
0x205: {  	[hbm4b:s18+s3] =	stream.linear.scatter [tilespmem:s19], [sflag:$0x3], $0x80, $0x38;
	[tilespmem:$0x16C00] =	vst v63  }
0x206: {  	s18 =	sadd.s32 $0x50, s16;
	s19 =	simm.s32 $0xEAE8  }
0x207: {  	[hbm4b:s18+s3] =	stream.linear.scatter [tilespmem:s19], [sflag:$0x3], $0x80, $0x38;
	[tilespmem:$0x16C00] =	vst v63  }
0x208: {  	s18 =	sadd.s32 $0x60, s16;
	s19 =	simm.s32 $0xEB70  }
0x209: {  	[hbm4b:s18+s3] =	stream.linear.scatter [tilespmem:s19], [sflag:$0x3], $0x80, $0x38;
	[tilespmem:$0x16C00] =	vst v63  }
0x20a: {  	s18 =	sld [smem:$0x7F1]  }
0x20b: {  	s16 =	sadd.s32 $0x70, s16;
	s19 =	simm.s32 $0xEBF8  }
0x20c: {  	[hbm4b:s16+s3] =	stream.linear.scatter [tilespmem:s19], [sflag:$0x3], $0x80, $0x38;
	[tilespmem:$0x16C00] =	vst v63  }
0x20d: {  	s19 =	simm.s32 $0xEC80;
	s16 =	sadd.s32 s14, s18  }
0x20e: {  	[hbm4b:s16+s3] =	stream.linear.scatter [tilespmem:s19], [sflag:$0x3], $0x80, $0x38;
	[tilespmem:$0x16C00] =	vst v63  }
0x20f: {  	s18 =	sadd.s32 $0x10, s16;
	s19 =	simm.s32 $0xED08  }
0x210: {  	[hbm4b:s18+s3] =	stream.linear.scatter [tilespmem:s19], [sflag:$0x3], $0x80, $0x38;
	[tilespmem:$0x16C00] =	vst v63  }
0x211: {  	s18 =	sadd.s32 $0x20, s16;
	s19 =	simm.s32 $0xED90  }
0x212: {  	[hbm4b:s18+s3] =	stream.linear.scatter [tilespmem:s19], [sflag:$0x3], $0x80, $0x38;
	[tilespmem:$0x16C00] =	vst v63  }
0x213: {  	s18 =	sadd.s32 $0x30, s16;
	s19 =	simm.s32 $0xEE18  }
0x214: {  	[hbm4b:s18+s3] =	stream.linear.scatter [tilespmem:s19], [sflag:$0x3], $0x80, $0x38;
	[tilespmem:$0x16C00] =	vst v63  }
0x215: {  	s18 =	sadd.s32 $0x40, s16;
	s19 =	simm.s32 $0xEEA0  }
0x216: {  	[hbm4b:s18+s3] =	stream.linear.scatter [tilespmem:s19], [sflag:$0x3], $0x80, $0x38;
	[tilespmem:$0x16C00] =	vst v63  }
0x217: {  	s18 =	sadd.s32 $0x50, s16;
	s19 =	simm.s32 $0xEF28  }
0x218: {  	[hbm4b:s18+s3] =	stream.linear.scatter [tilespmem:s19], [sflag:$0x3], $0x80, $0x38;
	[tilespmem:$0x16C00] =	vst v63  }
0x219: {  	s18 =	sadd.s32 $0x60, s16;
	s19 =	simm.s32 $0xEFB0  }
0x21a: {  	[hbm4b:s18+s3] =	stream.linear.scatter [tilespmem:s19], [sflag:$0x3], $0x80, $0x38;
	[tilespmem:$0x16C00] =	vst v63  }
0x21b: {  	s18 =	sld [smem:$0x7F2]  }
0x21c: {  	s16 =	sadd.s32 $0x70, s16;
	s19 =	simm.s32 $0xF038  }
0x21d: {  	[hbm4b:s16+s3] =	stream.linear.scatter [tilespmem:s19], [sflag:$0x3], $0x80, $0x38;
	[tilespmem:$0x16C00] =	vst v63  }
0x21e: {  	s19 =	simm.s32 $0xF0C0;
	s16 =	sadd.s32 s14, s18  }
0x21f: {  	[hbm4b:s16+s3] =	stream.linear.scatter [tilespmem:s19], [sflag:$0x3], $0x80, $0x38;
	[tilespmem:$0x16C00] =	vst v63  }
0x220: {  	s18 =	sadd.s32 $0x10, s16;
	s19 =	simm.s32 $0xF148  }
0x221: {  	[hbm4b:s18+s3] =	stream.linear.scatter [tilespmem:s19], [sflag:$0x3], $0x80, $0x38;
	[tilespmem:$0x16C00] =	vst v63  }
0x222: {  	s18 =	sadd.s32 $0x20, s16;
	s19 =	simm.s32 $0xF1D0  }
0x223: {  	[hbm4b:s18+s3] =	stream.linear.scatter [tilespmem:s19], [sflag:$0x3], $0x80, $0x38;
	[tilespmem:$0x16C00] =	vst v63  }
0x224: {  	s18 =	sadd.s32 $0x30, s16;
	s19 =	simm.s32 $0xF258  }
0x225: {  	[hbm4b:s18+s3] =	stream.linear.scatter [tilespmem:s19], [sflag:$0x3], $0x80, $0x38;
	[tilespmem:$0x16C00] =	vst v63  }
0x226: {  	s18 =	sadd.s32 $0x40, s16;
	s19 =	simm.s32 $0xF2E0  }
0x227: {  	[hbm4b:s18+s3] =	stream.linear.scatter [tilespmem:s19], [sflag:$0x3], $0x80, $0x38;
	[tilespmem:$0x16C00] =	vst v63  }
0x228: {  	s18 =	sadd.s32 $0x50, s16;
	s19 =	simm.s32 $0xF368  }
0x229: {  	[hbm4b:s18+s3] =	stream.linear.scatter [tilespmem:s19], [sflag:$0x3], $0x80, $0x38;
	[tilespmem:$0x16C00] =	vst v63  }
0x22a: {  	s18 =	sadd.s32 $0x60, s16;
	s19 =	simm.s32 $0xF3F0  }
0x22b: {  	[hbm4b:s18+s3] =	stream.linear.scatter [tilespmem:s19], [sflag:$0x3], $0x80, $0x38;
	[tilespmem:$0x16C00] =	vst v63  }
0x22c: {  	s18 =	sld [smem:$0x7F3]  }
0x22d: {  	s16 =	sadd.s32 $0x70, s16;
	s19 =	simm.s32 $0xF478  }
0x22e: {  	[hbm4b:s16+s3] =	stream.linear.scatter [tilespmem:s19], [sflag:$0x3], $0x80, $0x38;
	[tilespmem:$0x16C00] =	vst v63  }
0x22f: {  	s19 =	simm.s32 $0xF500;
	s16 =	sadd.s32 s14, s18  }
0x230: {  	[hbm4b:s16+s3] =	stream.linear.scatter [tilespmem:s19], [sflag:$0x3], $0x80, $0x38;
	[tilespmem:$0x16C00] =	vst v63  }
0x231: {  	s18 =	sadd.s32 $0x10, s16;
	s19 =	simm.s32 $0xF588  }
0x232: {  	[hbm4b:s18+s3] =	stream.linear.scatter [tilespmem:s19], [sflag:$0x3], $0x80, $0x38;
	[tilespmem:$0x16C00] =	vst v63  }
0x233: {  	s18 =	sadd.s32 $0x20, s16;
	s19 =	simm.s32 $0xF610  }
0x234: {  	[hbm4b:s18+s3] =	stream.linear.scatter [tilespmem:s19], [sflag:$0x3], $0x80, $0x38;
	[tilespmem:$0x16C00] =	vst v63  }
0x235: {  	s18 =	sadd.s32 $0x30, s16;
	s19 =	simm.s32 $0xF698  }
0x236: {  	[hbm4b:s18+s3] =	stream.linear.scatter [tilespmem:s19], [sflag:$0x3], $0x80, $0x38;
	[tilespmem:$0x16C00] =	vst v63  }
0x237: {  	s18 =	sadd.s32 $0x40, s16;
	s19 =	simm.s32 $0xF720  }
0x238: {  	[hbm4b:s18+s3] =	stream.linear.scatter [tilespmem:s19], [sflag:$0x3], $0x80, $0x38;
	[tilespmem:$0x16C00] =	vst v63  }
0x239: {  	s18 =	sadd.s32 $0x50, s16;
	s19 =	simm.s32 $0xF7A8  }
0x23a: {  	[hbm4b:s18+s3] =	stream.linear.scatter [tilespmem:s19], [sflag:$0x3], $0x80, $0x38;
	[tilespmem:$0x16C00] =	vst v63  }
0x23b: {  	s18 =	sadd.s32 $0x60, s16;
	s19 =	simm.s32 $0xF830  }
0x23c: {  	[hbm4b:s18+s3] =	stream.linear.scatter [tilespmem:s19], [sflag:$0x3], $0x80, $0x38;
	[tilespmem:$0x16C00] =	vst v63  }
0x23d: {  	s18 =	sld [smem:$0x7F4]  }
0x23e: {  	s16 =	sadd.s32 $0x70, s16;
	s19 =	simm.s32 $0xF8B8  }
0x23f: {  	[hbm4b:s16+s3] =	stream.linear.scatter [tilespmem:s19], [sflag:$0x3], $0x80, $0x38;
	[tilespmem:$0x16C00] =	vst v63  }
0x240: {  	s19 =	simm.s32 $0xF940;
	s16 =	sadd.s32 s14, s18  }
0x241: {  	[hbm4b:s16+s3] =	stream.linear.scatter [tilespmem:s19], [sflag:$0x3], $0x80, $0x38;
	[tilespmem:$0x16C00] =	vst v63  }
0x242: {  	s18 =	sadd.s32 $0x10, s16;
	s19 =	simm.s32 $0xF9C8  }
0x243: {  	[hbm4b:s18+s3] =	stream.linear.scatter [tilespmem:s19], [sflag:$0x3], $0x80, $0x38;
	[tilespmem:$0x16C00] =	vst v63  }
0x244: {  	s18 =	sadd.s32 $0x20, s16;
	s19 =	simm.s32 $0xFA50  }
0x245: {  	[hbm4b:s18+s3] =	stream.linear.scatter [tilespmem:s19], [sflag:$0x3], $0x80, $0x38;
	[tilespmem:$0x16C00] =	vst v63  }
0x246: {  	s18 =	sadd.s32 $0x30, s16;
	s19 =	simm.s32 $0xFAD8  }
0x247: {  	[hbm4b:s18+s3] =	stream.linear.scatter [tilespmem:s19], [sflag:$0x3], $0x80, $0x38;
	[tilespmem:$0x16C00] =	vst v63  }
0x248: {  	s18 =	sadd.s32 $0x40, s16;
	s19 =	simm.s32 $0xFB60  }
0x249: {  	[hbm4b:s18+s3] =	stream.linear.scatter [tilespmem:s19], [sflag:$0x3], $0x80, $0x38;
	[tilespmem:$0x16C00] =	vst v63  }
0x24a: {  	s18 =	sadd.s32 $0x50, s16;
	s19 =	simm.s32 $0xFBE8  }
0x24b: {  	[hbm4b:s18+s3] =	stream.linear.scatter [tilespmem:s19], [sflag:$0x3], $0x80, $0x38;
	[tilespmem:$0x16C00] =	vst v63  }
0x24c: {  	s18 =	sadd.s32 $0x60, s16;
	s19 =	simm.s32 $0xFC70  }
0x24d: {  	[hbm4b:s18+s3] =	stream.linear.scatter [tilespmem:s19], [sflag:$0x3], $0x80, $0x38;
	[tilespmem:$0x16C00] =	vst v63  }
0x24e: {  	s18 =	sld [smem:$0x7F5]  }
0x24f: {  	s16 =	sadd.s32 $0x70, s16;
	s19 =	simm.s32 $0xFCF8  }
0x250: {  	[hbm4b:s16+s3] =	stream.linear.scatter [tilespmem:s19], [sflag:$0x3], $0x80, $0x38;
	[tilespmem:$0x16C00] =	vst v63  }
0x251: {  	s19 =	simm.s32 $0xFD80;
	s16 =	sadd.s32 s14, s18  }
0x252: {  	[hbm4b:s16+s3] =	stream.linear.scatter [tilespmem:s19], [sflag:$0x3], $0x80, $0x38;
	[tilespmem:$0x16C00] =	vst v63  }
0x253: {  	s18 =	sadd.s32 $0x10, s16;
	s19 =	simm.s32 $0xFE08  }
0x254: {  	[hbm4b:s18+s3] =	stream.linear.scatter [tilespmem:s19], [sflag:$0x3], $0x80, $0x38;
	[tilespmem:$0x16C00] =	vst v63  }
0x255: {  	s18 =	sadd.s32 $0x20, s16;
	s19 =	simm.s32 $0xFE90  }
0x256: {  	[hbm4b:s18+s3] =	stream.linear.scatter [tilespmem:s19], [sflag:$0x3], $0x80, $0x38;
	[tilespmem:$0x16C00] =	vst v63  }
0x257: {  	s18 =	sadd.s32 $0x30, s16;
	s19 =	simm.s32 $0xFF18  }
0x258: {  	[hbm4b:s18+s3] =	stream.linear.scatter [tilespmem:s19], [sflag:$0x3], $0x80, $0x38;
	[tilespmem:$0x16C00] =	vst v63  }
0x259: {  	s18 =	sadd.s32 $0x40, s16;
	s19 =	simm.s32 $0xFFA0  }
0x25a: {  	[hbm4b:s18+s3] =	stream.linear.scatter [tilespmem:s19], [sflag:$0x3], $0x80, $0x38;
	[tilespmem:$0x16C00] =	vst v63  }
0x25b: {  	s18 =	sadd.s32 $0x50, s16;
	s19 =	simm.s32 $0x10028  }
0x25c: {  	[hbm4b:s18+s3] =	stream.linear.scatter [tilespmem:s19], [sflag:$0x3], $0x80, $0x38;
	[tilespmem:$0x16C00] =	vst v63  }
0x25d: {  	s18 =	sadd.s32 $0x60, s16;
	s19 =	simm.s32 $0x100B0  }
0x25e: {  	[hbm4b:s18+s3] =	stream.linear.scatter [tilespmem:s19], [sflag:$0x3], $0x80, $0x38;
	[tilespmem:$0x16C00] =	vst v63  }
0x25f: {  	s18 =	sld [smem:$0x7F6]  }
0x260: {  	s16 =	sadd.s32 $0x70, s16;
	s19 =	simm.s32 $0x10138  }
0x261: {  	[hbm4b:s16+s3] =	stream.linear.scatter [tilespmem:s19], [sflag:$0x3], $0x80, $0x38;
	[tilespmem:$0x16C00] =	vst v63  }
0x262: {  	s19 =	simm.s32 $0x101C0;
	s16 =	sadd.s32 s14, s18  }
0x263: {  	[hbm4b:s16+s3] =	stream.linear.scatter [tilespmem:s19], [sflag:$0x3], $0x80, $0x38;
	[tilespmem:$0x16C00] =	vst v63  }
0x264: {  	s18 =	sadd.s32 $0x10, s16;
	s19 =	simm.s32 $0x10248  }
0x265: {  	[hbm4b:s18+s3] =	stream.linear.scatter [tilespmem:s19], [sflag:$0x3], $0x80, $0x38;
	[tilespmem:$0x16C00] =	vst v63  }
0x266: {  	s18 =	sadd.s32 $0x20, s16;
	s19 =	simm.s32 $0x102D0  }
0x267: {  	[hbm4b:s18+s3] =	stream.linear.scatter [tilespmem:s19], [sflag:$0x3], $0x80, $0x38;
	[tilespmem:$0x16C00] =	vst v63  }
0x268: {  	s18 =	sadd.s32 $0x30, s16;
	s19 =	simm.s32 $0x10358  }
0x269: {  	[hbm4b:s18+s3] =	stream.linear.scatter [tilespmem:s19], [sflag:$0x3], $0x80, $0x38;
	[tilespmem:$0x16C00] =	vst v63  }
0x26a: {  	s18 =	sadd.s32 $0x40, s16;
	s19 =	simm.s32 $0x103E0  }
0x26b: {  	[hbm4b:s18+s3] =	stream.linear.scatter [tilespmem:s19], [sflag:$0x3], $0x80, $0x38;
	[tilespmem:$0x16C00] =	vst v63  }
0x26c: {  	s18 =	sadd.s32 $0x50, s16;
	s19 =	simm.s32 $0x10468  }
0x26d: {  	[hbm4b:s18+s3] =	stream.linear.scatter [tilespmem:s19], [sflag:$0x3], $0x80, $0x38;
	[tilespmem:$0x16C00] =	vst v63  }
0x26e: {  	s18 =	sadd.s32 $0x60, s16;
	s19 =	simm.s32 $0x104F0  }
0x26f: {  	[hbm4b:s18+s3] =	stream.linear.scatter [tilespmem:s19], [sflag:$0x3], $0x80, $0x38;
	[tilespmem:$0x16C00] =	vst v63  }
0x270: {  	s18 =	sld [smem:$0x7F7]  }
0x271: {  	s16 =	sadd.s32 $0x70, s16;
	s19 =	simm.s32 $0x10578  }
0x272: {  	[hbm4b:s16+s3] =	stream.linear.scatter [tilespmem:s19], [sflag:$0x3], $0x80, $0x38;
	[tilespmem:$0x16C00] =	vst v63  }
0x273: {  	s19 =	simm.s32 $0x10600;
	s16 =	sadd.s32 s14, s18  }
0x274: {  	[hbm4b:s16+s3] =	stream.linear.scatter [tilespmem:s19], [sflag:$0x3], $0x80, $0x38;
	[tilespmem:$0x16C00] =	vst v63  }
0x275: {  	s18 =	sadd.s32 $0x10, s16;
	s19 =	simm.s32 $0x10688  }
0x276: {  	[hbm4b:s18+s3] =	stream.linear.scatter [tilespmem:s19], [sflag:$0x3], $0x80, $0x38;
	[tilespmem:$0x16C00] =	vst v63  }
0x277: {  	s18 =	sadd.s32 $0x20, s16;
	s19 =	simm.s32 $0x10710  }
0x278: {  	[hbm4b:s18+s3] =	stream.linear.scatter [tilespmem:s19], [sflag:$0x3], $0x80, $0x38;
	[tilespmem:$0x16C00] =	vst v63  }
0x279: {  	s18 =	sadd.s32 $0x30, s16;
	s19 =	simm.s32 $0x10798  }
0x27a: {  	[hbm4b:s18+s3] =	stream.linear.scatter [tilespmem:s19], [sflag:$0x3], $0x80, $0x38;
	[tilespmem:$0x16C00] =	vst v63  }
0x27b: {  	s18 =	sadd.s32 $0x40, s16;
	s19 =	simm.s32 $0x10820  }
0x27c: {  	[hbm4b:s18+s3] =	stream.linear.scatter [tilespmem:s19], [sflag:$0x3], $0x80, $0x38;
	[tilespmem:$0x16C00] =	vst v63  }
0x27d: {  	s18 =	sadd.s32 $0x50, s16;
	s19 =	simm.s32 $0x108A8  }
0x27e: {  	[hbm4b:s18+s3] =	stream.linear.scatter [tilespmem:s19], [sflag:$0x3], $0x80, $0x38;
	[tilespmem:$0x16C00] =	vst v63  }
0x27f: {  	s18 =	sadd.s32 $0x60, s16;
	s19 =	simm.s32 $0x10930  }
0x280: {  	[hbm4b:s18+s3] =	stream.linear.scatter [tilespmem:s19], [sflag:$0x3], $0x80, $0x38;
	[tilespmem:$0x16C00] =	vst v63  }
0x281: {  	s18 =	sld [smem:$0x7F8]  }
0x282: {  	s16 =	sadd.s32 $0x70, s16;
	s19 =	simm.s32 $0x109B8  }
0x283: {  	[hbm4b:s16+s3] =	stream.linear.scatter [tilespmem:s19], [sflag:$0x3], $0x80, $0x38;
	[tilespmem:$0x16C00] =	vst v63  }
0x284: {  	s19 =	simm.s32 $0x10A40;
	s16 =	sadd.s32 s14, s18  }
0x285: {  	[hbm4b:s16+s3] =	stream.linear.scatter [tilespmem:s19], [sflag:$0x3], $0x80, $0x38;
	[tilespmem:$0x16C00] =	vst v63  }
0x286: {  	s18 =	sadd.s32 $0x10, s16;
	s19 =	simm.s32 $0x10AC8  }
0x287: {  	[hbm4b:s18+s3] =	stream.linear.scatter [tilespmem:s19], [sflag:$0x3], $0x80, $0x38;
	[tilespmem:$0x16C00] =	vst v63  }
0x288: {  	s18 =	sadd.s32 $0x20, s16;
	s19 =	simm.s32 $0x10B50  }
0x289: {  	[hbm4b:s18+s3] =	stream.linear.scatter [tilespmem:s19], [sflag:$0x3], $0x80, $0x38;
	[tilespmem:$0x16C00] =	vst v63  }
0x28a: {  	s18 =	sadd.s32 $0x30, s16;
	s19 =	simm.s32 $0x10BD8  }
0x28b: {  	[hbm4b:s18+s3] =	stream.linear.scatter [tilespmem:s19], [sflag:$0x3], $0x80, $0x38;
	[tilespmem:$0x16C00] =	vst v63  }
0x28c: {  	s18 =	sadd.s32 $0x40, s16;
	s19 =	simm.s32 $0x10C60  }
0x28d: {  	[hbm4b:s18+s3] =	stream.linear.scatter [tilespmem:s19], [sflag:$0x3], $0x80, $0x38;
	[tilespmem:$0x16C00] =	vst v63  }
0x28e: {  	s18 =	sadd.s32 $0x50, s16;
	s19 =	simm.s32 $0x10CE8  }
0x28f: {  	[hbm4b:s18+s3] =	stream.linear.scatter [tilespmem:s19], [sflag:$0x3], $0x80, $0x38;
	[tilespmem:$0x16C00] =	vst v63  }
0x290: {  	s18 =	sadd.s32 $0x60, s16;
	s19 =	simm.s32 $0x10D70  }
0x291: {  	[hbm4b:s18+s3] =	stream.linear.scatter [tilespmem:s19], [sflag:$0x3], $0x80, $0x38;
	[tilespmem:$0x16C00] =	vst v63  }
0x292: {  	s18 =	sld [smem:$0x7F9]  }
0x293: {  	s16 =	sadd.s32 $0x70, s16;
	s19 =	simm.s32 $0x10DF8  }
0x294: {  	[hbm4b:s16+s3] =	stream.linear.scatter [tilespmem:s19], [sflag:$0x3], $0x80, $0x38;
	[tilespmem:$0x16C00] =	vst v63  }
0x295: {  	s19 =	simm.s32 $0x10E80;
	s16 =	sadd.s32 s14, s18  }
0x296: {  	[hbm4b:s16+s3] =	stream.linear.scatter [tilespmem:s19], [sflag:$0x3], $0x80, $0x38;
	[tilespmem:$0x16C00] =	vst v63  }
0x297: {  	s18 =	sadd.s32 $0x10, s16;
	s19 =	simm.s32 $0x10F08  }
0x298: {  	[hbm4b:s18+s3] =	stream.linear.scatter [tilespmem:s19], [sflag:$0x3], $0x80, $0x38;
	[tilespmem:$0x16C00] =	vst v63  }
0x299: {  	s18 =	sadd.s32 $0x20, s16;
	s19 =	simm.s32 $0x10F90  }
0x29a: {  	[hbm4b:s18+s3] =	stream.linear.scatter [tilespmem:s19], [sflag:$0x3], $0x80, $0x38;
	[tilespmem:$0x16C00] =	vst v63  }
0x29b: {  	s18 =	sadd.s32 $0x30, s16;
	s19 =	simm.s32 $0x11018  }
0x29c: {  	[hbm4b:s18+s3] =	stream.linear.scatter [tilespmem:s19], [sflag:$0x3], $0x80, $0x38;
	[tilespmem:$0x16C00] =	vst v63  }
0x29d: {  	s18 =	sadd.s32 $0x40, s16;
	s19 =	simm.s32 $0x110A0  }
0x29e: {  	[hbm4b:s18+s3] =	stream.linear.scatter [tilespmem:s19], [sflag:$0x3], $0x80, $0x38;
	[tilespmem:$0x16C00] =	vst v63  }
0x29f: {  	s18 =	sadd.s32 $0x50, s16;
	s19 =	simm.s32 $0x11128  }
0x2a0: {  	[hbm4b:s18+s3] =	stream.linear.scatter [tilespmem:s19], [sflag:$0x3], $0x80, $0x38;
	[tilespmem:$0x16C00] =	vst v63  }
0x2a1: {  	s18 =	sadd.s32 $0x60, s16;
	s19 =	simm.s32 $0x111B0  }
0x2a2: {  	[hbm4b:s18+s3] =	stream.linear.scatter [tilespmem:s19], [sflag:$0x3], $0x80, $0x38;
	[tilespmem:$0x16C00] =	vst v63  }
0x2a3: {  	s18 =	sld [smem:$0x7FA]  }
0x2a4: {  	s16 =	sadd.s32 $0x70, s16;
	s19 =	simm.s32 $0x11238  }
0x2a5: {  	[hbm4b:s16+s3] =	stream.linear.scatter [tilespmem:s19], [sflag:$0x3], $0x80, $0x38;
	[tilespmem:$0x16C00] =	vst v63  }
0x2a6: {  	s19 =	simm.s32 $0x112C0;
	s16 =	sadd.s32 s14, s18  }
0x2a7: {  	[hbm4b:s16+s3] =	stream.linear.scatter [tilespmem:s19], [sflag:$0x3], $0x80, $0x38;
	[tilespmem:$0x16C00] =	vst v63  }
0x2a8: {  	s18 =	sadd.s32 $0x10, s16;
	s19 =	simm.s32 $0x11348  }
0x2a9: {  	[hbm4b:s18+s3] =	stream.linear.scatter [tilespmem:s19], [sflag:$0x3], $0x80, $0x38;
	[tilespmem:$0x16C00] =	vst v63  }
0x2aa: {  	s18 =	sadd.s32 $0x20, s16;
	s19 =	simm.s32 $0x113D0  }
0x2ab: {  	[hbm4b:s18+s3] =	stream.linear.scatter [tilespmem:s19], [sflag:$0x3], $0x80, $0x38;
	[tilespmem:$0x16C00] =	vst v63  }
0x2ac: {  	s18 =	sadd.s32 $0x30, s16;
	s19 =	simm.s32 $0x11458  }
0x2ad: {  	[hbm4b:s18+s3] =	stream.linear.scatter [tilespmem:s19], [sflag:$0x3], $0x80, $0x38;
	[tilespmem:$0x16C00] =	vst v63  }
0x2ae: {  	s18 =	sadd.s32 $0x40, s16;
	s19 =	simm.s32 $0x114E0  }
0x2af: {  	[hbm4b:s18+s3] =	stream.linear.scatter [tilespmem:s19], [sflag:$0x3], $0x80, $0x38;
	[tilespmem:$0x16C00] =	vst v63  }
0x2b0: {  	s18 =	sadd.s32 $0x50, s16;
	s19 =	simm.s32 $0x11568  }
0x2b1: {  	[hbm4b:s18+s3] =	stream.linear.scatter [tilespmem:s19], [sflag:$0x3], $0x80, $0x38;
	[tilespmem:$0x16C00] =	vst v63  }
0x2b2: {  	s18 =	sadd.s32 $0x60, s16;
	s19 =	simm.s32 $0x115F0  }
0x2b3: {  	[hbm4b:s18+s3] =	stream.linear.scatter [tilespmem:s19], [sflag:$0x3], $0x80, $0x38;
	[tilespmem:$0x16C00] =	vst v63  }
0x2b4: {  	s18 =	sld [smem:$0x7FB]  }
0x2b5: {  	s16 =	sadd.s32 $0x70, s16;
	s19 =	simm.s32 $0x11678  }
0x2b6: {  	[hbm4b:s16+s3] =	stream.linear.scatter [tilespmem:s19], [sflag:$0x3], $0x80, $0x38;
	[tilespmem:$0x16C00] =	vst v63  }
0x2b7: {  	s19 =	simm.s32 $0x11700;
	s16 =	sadd.s32 s14, s18  }
0x2b8: {  	[hbm4b:s16+s3] =	stream.linear.scatter [tilespmem:s19], [sflag:$0x3], $0x80, $0x38;
	[tilespmem:$0x16C00] =	vst v63  }
0x2b9: {  	s18 =	sadd.s32 $0x10, s16;
	s19 =	simm.s32 $0x11788  }
0x2ba: {  	[hbm4b:s18+s3] =	stream.linear.scatter [tilespmem:s19], [sflag:$0x3], $0x80, $0x38;
	[tilespmem:$0x16C00] =	vst v63  }
0x2bb: {  	s18 =	sadd.s32 $0x20, s16;
	s19 =	simm.s32 $0x11810  }
0x2bc: {  	[hbm4b:s18+s3] =	stream.linear.scatter [tilespmem:s19], [sflag:$0x3], $0x80, $0x38;
	[tilespmem:$0x16C00] =	vst v63  }
0x2bd: {  	s18 =	sadd.s32 $0x30, s16;
	s19 =	simm.s32 $0x11898  }
0x2be: {  	[hbm4b:s18+s3] =	stream.linear.scatter [tilespmem:s19], [sflag:$0x3], $0x80, $0x38;
	[tilespmem:$0x16C00] =	vst v63  }
0x2bf: {  	s18 =	sadd.s32 $0x40, s16;
	s19 =	simm.s32 $0x11920  }
0x2c0: {  	[hbm4b:s18+s3] =	stream.linear.scatter [tilespmem:s19], [sflag:$0x3], $0x80, $0x38;
	[tilespmem:$0x16C00] =	vst v63  }
0x2c1: {  	s18 =	sadd.s32 $0x50, s16;
	s19 =	simm.s32 $0x119A8  }
0x2c2: {  	[hbm4b:s18+s3] =	stream.linear.scatter [tilespmem:s19], [sflag:$0x3], $0x80, $0x38;
	[tilespmem:$0x16C00] =	vst v63  }
0x2c3: {  	s18 =	sadd.s32 $0x60, s16;
	s19 =	simm.s32 $0x11A30  }
0x2c4: {  	[hbm4b:s18+s3] =	stream.linear.scatter [tilespmem:s19], [sflag:$0x3], $0x80, $0x38;
	[tilespmem:$0x16C00] =	vst v63  }
0x2c5: {  	s18 =	sld [smem:$0x7FC]  }
0x2c6: {  	s16 =	sadd.s32 $0x70, s16;
	s19 =	simm.s32 $0x11AB8  }
0x2c7: {  	[hbm4b:s16+s3] =	stream.linear.scatter [tilespmem:s19], [sflag:$0x3], $0x80, $0x38;
	[tilespmem:$0x16C00] =	vst v63  }
0x2c8: {  	s19 =	simm.s32 $0x11B40;
	s16 =	sadd.s32 s14, s18  }
0x2c9: {  	[hbm4b:s16+s3] =	stream.linear.scatter [tilespmem:s19], [sflag:$0x3], $0x80, $0x38;
	[tilespmem:$0x16C00] =	vst v63  }
0x2ca: {  	s18 =	sadd.s32 $0x10, s16;
	s19 =	simm.s32 $0x11BC8  }
0x2cb: {  	[hbm4b:s18+s3] =	stream.linear.scatter [tilespmem:s19], [sflag:$0x3], $0x80, $0x38;
	[tilespmem:$0x16C00] =	vst v63  }
0x2cc: {  	s18 =	sadd.s32 $0x20, s16;
	s19 =	simm.s32 $0x11C50  }
0x2cd: {  	[hbm4b:s18+s3] =	stream.linear.scatter [tilespmem:s19], [sflag:$0x3], $0x80, $0x38;
	[tilespmem:$0x16C00] =	vst v63  }
0x2ce: {  	s18 =	sadd.s32 $0x30, s16;
	s19 =	simm.s32 $0x11CD8  }
0x2cf: {  	[hbm4b:s18+s3] =	stream.linear.scatter [tilespmem:s19], [sflag:$0x3], $0x80, $0x38;
	[tilespmem:$0x16C00] =	vst v63  }
0x2d0: {  	s18 =	sadd.s32 $0x40, s16;
	s19 =	simm.s32 $0x11D60  }
0x2d1: {  	[hbm4b:s18+s3] =	stream.linear.scatter [tilespmem:s19], [sflag:$0x3], $0x80, $0x38;
	[tilespmem:$0x16C00] =	vst v63  }
0x2d2: {  	s18 =	sadd.s32 $0x50, s16;
	s19 =	simm.s32 $0x11DE8  }
0x2d3: {  	[hbm4b:s18+s3] =	stream.linear.scatter [tilespmem:s19], [sflag:$0x3], $0x80, $0x38;
	[tilespmem:$0x16C00] =	vst v63  }
0x2d4: {  	s18 =	sadd.s32 $0x60, s16;
	s19 =	simm.s32 $0x11E70  }
0x2d5: {  	[hbm4b:s18+s3] =	stream.linear.scatter [tilespmem:s19], [sflag:$0x3], $0x80, $0x38;
	[tilespmem:$0x16C00] =	vst v63  }
0x2d6: {  	s18 =	sld [smem:$0x7FD]  }
0x2d7: {  	s16 =	sadd.s32 $0x70, s16;
	s19 =	simm.s32 $0x11EF8  }
0x2d8: {  	[hbm4b:s16+s3] =	stream.linear.scatter [tilespmem:s19], [sflag:$0x3], $0x80, $0x38;
	[tilespmem:$0x16C00] =	vst v63  }
0x2d9: {  	s19 =	simm.s32 $0x11F80;
	s16 =	sadd.s32 s14, s18  }
0x2da: {  	[hbm4b:s16+s3] =	stream.linear.scatter [tilespmem:s19], [sflag:$0x3], $0x80, $0x38;
	[tilespmem:$0x16C00] =	vst v63  }
0x2db: {  	s18 =	sadd.s32 $0x10, s16;
	s19 =	simm.s32 $0x12008  }
0x2dc: {  	[hbm4b:s18+s3] =	stream.linear.scatter [tilespmem:s19], [sflag:$0x3], $0x80, $0x38;
	[tilespmem:$0x16C00] =	vst v63  }
0x2dd: {  	s18 =	sadd.s32 $0x20, s16;
	s19 =	simm.s32 $0x12090  }
0x2de: {  	[hbm4b:s18+s3] =	stream.linear.scatter [tilespmem:s19], [sflag:$0x3], $0x80, $0x38;
	[tilespmem:$0x16C00] =	vst v63  }
0x2df: {  	s18 =	sadd.s32 $0x30, s16;
	s19 =	simm.s32 $0x12118  }
0x2e0: {  	[hbm4b:s18+s3] =	stream.linear.scatter [tilespmem:s19], [sflag:$0x3], $0x80, $0x38;
	[tilespmem:$0x16C00] =	vst v63  }
0x2e1: {  	s18 =	sadd.s32 $0x40, s16;
	s19 =	simm.s32 $0x121A0  }
0x2e2: {  	[hbm4b:s18+s3] =	stream.linear.scatter [tilespmem:s19], [sflag:$0x3], $0x80, $0x38;
	[tilespmem:$0x16C00] =	vst v63  }
0x2e3: {  	s18 =	sadd.s32 $0x50, s16;
	s19 =	simm.s32 $0x12228  }
0x2e4: {  	[hbm4b:s18+s3] =	stream.linear.scatter [tilespmem:s19], [sflag:$0x3], $0x80, $0x38;
	[tilespmem:$0x16C00] =	vst v63  }
0x2e5: {  	s18 =	sadd.s32 $0x60, s16;
	s19 =	simm.s32 $0x122B0  }
0x2e6: {  	[hbm4b:s18+s3] =	stream.linear.scatter [tilespmem:s19], [sflag:$0x3], $0x80, $0x38;
	[tilespmem:$0x16C00] =	vst v63  }
0x2e7: {  	s16 =	sadd.s32 $0x70, s16;
	s18 =	simm.s32 $0x12338  }
0x2e8: {  	[hbm4b:s16+s3] =	stream.linear.scatter [tilespmem:s18], [sflag:$0x3], $0x80, $0x38;
	[tilespmem:$0x16C00] =	vst v63  }
0x2e9: {  	s19 =	simm.s32 $0x123C0;
	s16 =	sadd.s32 s14, s20  }
0x2ea: {  	[hbm4b:s16+s3] =	stream.linear.scatter [tilespmem:s19], [sflag:$0x3], $0x80, $0x38;
	[tilespmem:$0x16C00] =	vst v63  }
0x2eb: {  	s18 =	sadd.s32 $0x10, s16;
	s19 =	simm.s32 $0x12448  }
0x2ec: {  	[hbm4b:s18+s3] =	stream.linear.scatter [tilespmem:s19], [sflag:$0x3], $0x80, $0x38;
	[tilespmem:$0x16C00] =	vst v63  }
0x2ed: {  	s18 =	sadd.s32 $0x20, s16;
	s19 =	simm.s32 $0x124D0  }
0x2ee: {  	[hbm4b:s18+s3] =	stream.linear.scatter [tilespmem:s19], [sflag:$0x3], $0x80, $0x38;
	[tilespmem:$0x16C00] =	vst v63  }
0x2ef: {  	s18 =	sadd.s32 $0x30, s16;
	s19 =	simm.s32 $0x12558  }
0x2f0: {  	[hbm4b:s18+s3] =	stream.linear.scatter [tilespmem:s19], [sflag:$0x3], $0x80, $0x38;
	[tilespmem:$0x16C00] =	vst v63  }
0x2f1: {  	s18 =	sadd.s32 $0x40, s16;
	s19 =	simm.s32 $0x125E0  }
0x2f2: {  	[hbm4b:s18+s3] =	stream.linear.scatter [tilespmem:s19], [sflag:$0x3], $0x80, $0x38;
	[tilespmem:$0x16C00] =	vst v63  }
0x2f3: {  	s18 =	sadd.s32 $0x50, s16;
	s19 =	simm.s32 $0x12668  }
0x2f4: {  	[hbm4b:s18+s3] =	stream.linear.scatter [tilespmem:s19], [sflag:$0x3], $0x80, $0x38;
	[tilespmem:$0x16C00] =	vst v63  }
0x2f5: {  	s18 =	sadd.s32 $0x60, s16;
	s19 =	simm.s32 $0x126F0  }
0x2f6: {  	[hbm4b:s18+s3] =	stream.linear.scatter [tilespmem:s19], [sflag:$0x3], $0x80, $0x38;
	[tilespmem:$0x16C00] =	vst v63  }
0x2f7: {  	s16 =	sadd.s32 $0x70, s16;
	s19 =	simm.s32 $0x12778  }
0x2f8: {  	[hbm4b:s16+s3] =	stream.linear.scatter [tilespmem:s19], [sflag:$0x3], $0x80, $0x38;
	[tilespmem:$0x16C00] =	vst v63  }
0x2f9: {  	_ =	swait.ge [sflag:s11], $0x2000  }
0x2fa: {  	[sflag:s11] =	ssyncset.done $0x0  }
0x2fb: {  	[sflag:s11] =	ssyncadd.s32 $0xFFFFE000  }
0x2fc: {  	_ =	swait.ge [sflag:s11], $0x2000  }
0x2fd: {  	[sflag:s11] =	ssyncset.done $0x0  }
0x2fe: {  	s16 =	simm.s32 @!p0 $0x4;
	[sflag:s11] =	ssyncadd.s32 $0xFFFFE000  }
0x2ff: {  	_ =	swait.ge @!p0 [sflag:s16], $0x400  }
0x300: {  	[sflag:s16] =	ssyncset.done @!p0 $0x0  }
0x301: {  	[sflag:s16] =	ssyncadd.s32 @!p0 $0xFFFFFC00  }
0x302: {  	_ =	swait.ge @!p0 [sflag:s16], $0x400  }
0x303: {  	[sflag:s16] =	ssyncset.done @!p0 $0x0  }
0x304: {  	[sflag:s16] =	ssyncadd.s32 @!p0 $0xFFFFFC00  }
0x305: {  	_ =	swait.ge @!p0 [sflag:s16], $0x400  }
0x306: {  	[sflag:s16] =	ssyncset.done @!p0 $0x0  }
0x307: {  	[sflag:s16] =	ssyncadd.s32 @!p0 $0xFFFFFC00  }
0x308: {  	_ =	swait.ge @!p0 [sflag:s16], $0x400  }
0x309: {  	[sflag:s16] =	ssyncset.done @!p0 $0x0  }
0x30a: {  	[sflag:s16] =	ssyncadd.s32 @!p0 $0xFFFFFC00  }
0x30b: {  	_ =	swait.ge @!p0 [sflag:s16], $0x400  }
0x30c: {  	[sflag:s16] =	ssyncset.done @!p0 $0x0  }
0x30d: {  	[sflag:s16] =	ssyncadd.s32 @!p0 $0xFFFFFC00  }
0x30e: {  	_ =	swait.ge @!p0 [sflag:s16], $0x400  }
0x30f: {  	[sflag:s16] =	ssyncset.done @!p0 $0x0  }
0x310: {  	[sflag:s16] =	ssyncadd.s32 @!p0 $0xFFFFFC00  }
0x311: {  	_ =	swait.ge @!p0 [sflag:s16], $0x400  }
0x312: {  	[sflag:s16] =	ssyncset.done @!p0 $0x0  }
0x313: {  	[sflag:s16] =	ssyncadd.s32 @!p0 $0xFFFFFC00  }
0x314: {  	_ =	swait.ge @!p0 [sflag:s16], $0x400  }
0x315: {  	[sflag:s16] =	ssyncset.done @!p0 $0x0  }
0x316: {  	[sflag:s16] =	ssyncadd.s32 @!p0 $0xFFFFFC00  }
0x317: {  	_ =	swait.ge @!p0 [sflag:s16], $0x400  }
0x318: {  	[sflag:s16] =	ssyncset.done @!p0 $0x0  }
0x319: {  	[sflag:s16] =	ssyncadd.s32 @!p0 $0xFFFFFC00  }
0x31a: {  	_ =	swait.ge @!p0 [sflag:s16], $0x400  }
0x31b: {  	[sflag:s16] =	ssyncset.done @!p0 $0x0  }
0x31c: {  	[sflag:s16] =	ssyncadd.s32 @!p0 $0xFFFFFC00  }
0x31d: {  	_ =	swait.ge @!p0 [sflag:s16], $0x400  }
0x31e: {  	[sflag:s16] =	ssyncset.done @!p0 $0x0  }
0x31f: {  	[sflag:s16] =	ssyncadd.s32 @!p0 $0xFFFFFC00  }
0x320: {  	_ =	swait.ge @!p0 [sflag:s16], $0x400  }
0x321: {  	[sflag:s16] =	ssyncset.done @!p0 $0x0  }
0x322: {  	[sflag:s16] =	ssyncadd.s32 @!p0 $0xFFFFFC00  }
0x323: {  	_ =	swait.ge @!p0 [sflag:s16], $0x400  }
0x324: {  	[sflag:s16] =	ssyncset.done @!p0 $0x0  }
0x325: {  	[sflag:s16] =	ssyncadd.s32 @!p0 $0xFFFFFC00  }
0x326: {  	_ =	swait.ge @!p0 [sflag:s16], $0x400  }
0x327: {  	[sflag:s16] =	ssyncset.done @!p0 $0x0  }
0x328: {  	[sflag:s16] =	ssyncadd.s32 @!p0 $0xFFFFFC00  }
0x329: {  	_ =	swait.ge @!p0 [sflag:s16], $0x400  }
0x32a: {  	[sflag:s16] =	ssyncset.done @!p0 $0x0  }
0x32b: {  	[sflag:s16] =	ssyncadd.s32 @!p0 $0xFFFFFC00  }
0x32c: {  	_ =	swait.ge @!p0 [sflag:s16], $0x400  }
0x32d: {  	[sflag:s16] =	ssyncset.done @!p0 $0x0  }
0x32e: {  	s18 =	simm.s32 $0x0;
	[sflag:s16] =	ssyncadd.s32 @!p0 $0xFFFFFC00;
	s16 =	simm.s32 $0xC400  }
0x32f: {  	v8 =	vmov s18;
	v9 =	vld [tilespmem:s16+$0xFFFFE000]  }
0x330: {  	v8 =	vand.u32 $0x7C, v8  }
0x331: {  	v10 =	vadd.s32 v0, v8;
	_ =	sdelay $0x2  }
0x332: {  	v9 =	vmul.f32 $8.000000000e+00, v9;
	_ =	sdelay $0x1  }
0x333: {  	[tilespmem:v10+s12+$0x0] =	vst.idx.msk $0xffff, v9  }
0x334: {  	v9 =	vld [tilespmem:s16+$0xFFFFE010];
	_ =	sdelay $0x1  }
0x335: {  	v10 =	vadd.s32 v1, v8;
	_ =	sdelay $0x2  }
0x336: {  	v9 =	vmul.f32 $8.000000000e+00, v9;
	_ =	sdelay $0x1  }
0x337: {  	[tilespmem:v10+s12+$0x0] =	vst.idx.msk $0xffff, v9  }
0x338: {  	v9 =	vld [tilespmem:s16+$0xFFFFE020];
	_ =	sdelay $0x1  }
0x339: {  	v10 =	vadd.s32 v2, v8;
	_ =	sdelay $0x2  }
0x33a: {  	v9 =	vmul.f32 $8.000000000e+00, v9;
	_ =	sdelay $0x1  }
0x33b: {  	[tilespmem:v10+s12+$0x0] =	vst.idx.msk $0xffff, v9  }
0x33c: {  	v9 =	vld [tilespmem:s16+$0xFFFFE030];
	_ =	sdelay $0x1  }
0x33d: {  	v10 =	vadd.s32 v3, v8;
	_ =	sdelay $0x2  }
0x33e: {  	v9 =	vmul.f32 $8.000000000e+00, v9;
	_ =	sdelay $0x1  }
0x33f: {  	[tilespmem:v10+s12+$0x0] =	vst.idx.msk $0xffff, v9  }
0x340: {  	v9 =	vld [tilespmem:s16+$0x0];
	_ =	sdelay $0x1  }
0x341: {  	v10 =	vadd.s32 v4, v8;
	_ =	sdelay $0x2  }
0x342: {  	v9 =	vmul.f32 $8.000000000e+00, v9;
	_ =	sdelay $0x1  }
0x343: {  	[tilespmem:v10+s12+$0x0] =	vst.idx.msk $0xffff, v9  }
0x344: {  	v9 =	vld [tilespmem:s16+$0x10];
	_ =	sdelay $0x1  }
0x345: {  	v10 =	vadd.s32 v5, v8;
	_ =	sdelay $0x2  }
0x346: {  	v9 =	vmul.f32 $8.000000000e+00, v9;
	_ =	sdelay $0x1  }
0x347: {  	[tilespmem:v10+s12+$0x0] =	vst.idx.msk $0xffff, v9  }
0x348: {  	v9 =	vld [tilespmem:s16+$0x20];
	_ =	sdelay $0x1  }
0x349: {  	v10 =	vadd.s32 v6, v8;
	_ =	sdelay $0x2  }
0x34a: {  	v9 =	vmul.f32 $8.000000000e+00, v9;
	_ =	sdelay $0x1  }
0x34b: {  	[tilespmem:v10+s12+$0x0] =	vst.idx.msk $0xffff, v9  }
0x34c: {  	v9 =	vld [tilespmem:s16+$0x30];
	_ =	sdelay $0x1  }
0x34d: {  	v8 =	vadd.s32 v7, v8;
	_ =	sdelay $0x2  }
0x34e: {  	v9 =	vmul.f32 $8.000000000e+00, v9;
	_ =	sdelay $0x1  }
0x34f: {  	s19 =	simm.s32 $0x1;
	[tilespmem:v8+s12+$0x0] =	vst.idx.msk $0xffff, v9  }
0x350: {  	v8 =	vmov s19;
	v9 =	vld [tilespmem:s16+$0xFFFFE040]  }
0x351: {  	v8 =	vand.u32 $0x7D, v8  }
0x352: {  	v10 =	vadd.s32 v0, v8;
	_ =	sdelay $0x2  }
0x353: {  	v9 =	vmul.f32 $8.000000000e+00, v9;
	_ =	sdelay $0x1  }
0x354: {  	[tilespmem:v10+s12+$0x0] =	vst.idx.msk $0xffff, v9  }
0x355: {  	v9 =	vld [tilespmem:s16+$0xFFFFE050];
	_ =	sdelay $0x1  }
0x356: {  	v10 =	vadd.s32 v1, v8;
	_ =	sdelay $0x2  }
0x357: {  	v9 =	vmul.f32 $8.000000000e+00, v9;
	_ =	sdelay $0x1  }
0x358: {  	[tilespmem:v10+s12+$0x0] =	vst.idx.msk $0xffff, v9  }
0x359: {  	v9 =	vld [tilespmem:s16+$0xFFFFE060];
	_ =	sdelay $0x1  }
0x35a: {  	v10 =	vadd.s32 v2, v8;
	_ =	sdelay $0x2  }
0x35b: {  	v9 =	vmul.f32 $8.000000000e+00, v9;
	_ =	sdelay $0x1  }
0x35c: {  	[tilespmem:v10+s12+$0x0] =	vst.idx.msk $0xffff, v9  }
0x35d: {  	v9 =	vld [tilespmem:s16+$0xFFFFE070];
	_ =	sdelay $0x1  }
0x35e: {  	v10 =	vadd.s32 v3, v8;
	_ =	sdelay $0x2  }
0x35f: {  	v9 =	vmul.f32 $8.000000000e+00, v9;
	_ =	sdelay $0x1  }
0x360: {  	[tilespmem:v10+s12+$0x0] =	vst.idx.msk $0xffff, v9  }
0x361: {  	v9 =	vld [tilespmem:s16+$0x40];
	_ =	sdelay $0x1  }
0x362: {  	v10 =	vadd.s32 v4, v8;
	_ =	sdelay $0x2  }
0x363: {  	v9 =	vmul.f32 $8.000000000e+00, v9;
	_ =	sdelay $0x1  }
0x364: {  	[tilespmem:v10+s12+$0x0] =	vst.idx.msk $0xffff, v9  }
0x365: {  	v9 =	vld [tilespmem:s16+$0x50];
	_ =	sdelay $0x1  }
0x366: {  	v10 =	vadd.s32 v5, v8;
	_ =	sdelay $0x2  }
0x367: {  	v9 =	vmul.f32 $8.000000000e+00, v9;
	_ =	sdelay $0x1  }
0x368: {  	[tilespmem:v10+s12+$0x0] =	vst.idx.msk $0xffff, v9  }
0x369: {  	v9 =	vld [tilespmem:s16+$0x60];
	_ =	sdelay $0x1  }
0x36a: {  	v10 =	vadd.s32 v6, v8;
	_ =	sdelay $0x2  }
0x36b: {  	v9 =	vmul.f32 $8.000000000e+00, v9;
	_ =	sdelay $0x1  }
0x36c: {  	[tilespmem:v10+s12+$0x0] =	vst.idx.msk $0xffff, v9  }
0x36d: {  	v9 =	vld [tilespmem:s16+$0x70];
	_ =	sdelay $0x1  }
0x36e: {  	v8 =	vadd.s32 v7, v8;
	_ =	sdelay $0x2  }
0x36f: {  	v9 =	vmul.f32 $8.000000000e+00, v9;
	_ =	sdelay $0x1  }
0x370: {  	s18 =	simm.s32 $0x2;
	[tilespmem:v8+s12+$0x0] =	vst.idx.msk $0xffff, v9  }
0x371: {  	v8 =	vmov s18;
	v9 =	vld [tilespmem:s16+$0xFFFFE080]  }
0x372: {  	v8 =	vand.u32 $0x7E, v8  }
0x373: {  	v10 =	vadd.s32 v0, v8;
	_ =	sdelay $0x2  }
0x374: {  	v9 =	vmul.f32 $8.000000000e+00, v9;
	_ =	sdelay $0x1  }
0x375: {  	[tilespmem:v10+s12+$0x0] =	vst.idx.msk $0xffff, v9  }
0x376: {  	v9 =	vld [tilespmem:s16+$0xFFFFE090];
	_ =	sdelay $0x1  }
0x377: {  	v10 =	vadd.s32 v1, v8;
	_ =	sdelay $0x2  }
0x378: {  	v9 =	vmul.f32 $8.000000000e+00, v9;
	_ =	sdelay $0x1  }
0x379: {  	[tilespmem:v10+s12+$0x0] =	vst.idx.msk $0xffff, v9  }
0x37a: {  	v9 =	vld [tilespmem:s16+$0xFFFFE0A0];
	_ =	sdelay $0x1  }
0x37b: {  	v10 =	vadd.s32 v2, v8;
	_ =	sdelay $0x2  }
0x37c: {  	v9 =	vmul.f32 $8.000000000e+00, v9;
	_ =	sdelay $0x1  }
0x37d: {  	[tilespmem:v10+s12+$0x0] =	vst.idx.msk $0xffff, v9  }
0x37e: {  	v9 =	vld [tilespmem:s16+$0xFFFFE0B0];
	_ =	sdelay $0x1  }
0x37f: {  	v10 =	vadd.s32 v3, v8;
	_ =	sdelay $0x2  }
0x380: {  	v9 =	vmul.f32 $8.000000000e+00, v9;
	_ =	sdelay $0x1  }
0x381: {  	[tilespmem:v10+s12+$0x0] =	vst.idx.msk $0xffff, v9  }
0x382: {  	v9 =	vld [tilespmem:s16+$0x80];
	_ =	sdelay $0x1  }
0x383: {  	v10 =	vadd.s32 v4, v8;
	_ =	sdelay $0x2  }
0x384: {  	v9 =	vmul.f32 $8.000000000e+00, v9;
	_ =	sdelay $0x1  }
0x385: {  	[tilespmem:v10+s12+$0x0] =	vst.idx.msk $0xffff, v9  }
0x386: {  	v9 =	vld [tilespmem:s16+$0x90];
	_ =	sdelay $0x1  }
0x387: {  	v10 =	vadd.s32 v5, v8;
	_ =	sdelay $0x2  }
0x388: {  	v9 =	vmul.f32 $8.000000000e+00, v9;
	_ =	sdelay $0x1  }
0x389: {  	[tilespmem:v10+s12+$0x0] =	vst.idx.msk $0xffff, v9  }
0x38a: {  	v9 =	vld [tilespmem:s16+$0xA0];
	_ =	sdelay $0x1  }
0x38b: {  	v10 =	vadd.s32 v6, v8;
	_ =	sdelay $0x2  }
0x38c: {  	v9 =	vmul.f32 $8.000000000e+00, v9;
	_ =	sdelay $0x1  }
0x38d: {  	[tilespmem:v10+s12+$0x0] =	vst.idx.msk $0xffff, v9  }
0x38e: {  	v9 =	vld [tilespmem:s16+$0xB0];
	_ =	sdelay $0x1  }
0x38f: {  	v8 =	vadd.s32 v7, v8;
	_ =	sdelay $0x2  }
0x390: {  	v9 =	vmul.f32 $8.000000000e+00, v9;
	_ =	sdelay $0x1  }
0x391: {  	s19 =	simm.s32 $0x3;
	[tilespmem:v8+s12+$0x0] =	vst.idx.msk $0xffff, v9  }
0x392: {  	v8 =	vmov s19;
	v9 =	vld [tilespmem:s16+$0xFFFFE0C0]  }
0x393: {  	v8 =	vand.u32 $0x7F, v8  }
0x394: {  	v10 =	vadd.s32 v0, v8;
	_ =	sdelay $0x2  }
0x395: {  	v9 =	vmul.f32 $8.000000000e+00, v9;
	_ =	sdelay $0x1  }
0x396: {  	[tilespmem:v10+s12+$0x0] =	vst.idx.msk $0xffff, v9  }
0x397: {  	v9 =	vld [tilespmem:s16+$0xFFFFE0D0];
	_ =	sdelay $0x1  }
0x398: {  	v10 =	vadd.s32 v1, v8;
	_ =	sdelay $0x2  }
0x399: {  	v9 =	vmul.f32 $8.000000000e+00, v9;
	_ =	sdelay $0x1  }
0x39a: {  	[tilespmem:v10+s12+$0x0] =	vst.idx.msk $0xffff, v9  }
0x39b: {  	v9 =	vld [tilespmem:s16+$0xFFFFE0E0];
	_ =	sdelay $0x1  }
0x39c: {  	v10 =	vadd.s32 v2, v8;
	_ =	sdelay $0x2  }
0x39d: {  	v9 =	vmul.f32 $8.000000000e+00, v9;
	_ =	sdelay $0x1  }
0x39e: {  	[tilespmem:v10+s12+$0x0] =	vst.idx.msk $0xffff, v9  }
0x39f: {  	v9 =	vld [tilespmem:s16+$0xFFFFE0F0];
	_ =	sdelay $0x1  }
0x3a0: {  	v10 =	vadd.s32 v3, v8;
	_ =	sdelay $0x2  }
0x3a1: {  	v9 =	vmul.f32 $8.000000000e+00, v9;
	_ =	sdelay $0x1  }
0x3a2: {  	[tilespmem:v10+s12+$0x0] =	vst.idx.msk $0xffff, v9  }
0x3a3: {  	v9 =	vld [tilespmem:s16+$0xC0];
	_ =	sdelay $0x1  }
0x3a4: {  	v10 =	vadd.s32 v4, v8;
	_ =	sdelay $0x2  }
0x3a5: {  	v9 =	vmul.f32 $8.000000000e+00, v9;
	_ =	sdelay $0x1  }
0x3a6: {  	[tilespmem:v10+s12+$0x0] =	vst.idx.msk $0xffff, v9  }
0x3a7: {  	v9 =	vld [tilespmem:s16+$0xD0];
	_ =	sdelay $0x1  }
0x3a8: {  	v10 =	vadd.s32 v5, v8;
	_ =	sdelay $0x2  }
0x3a9: {  	v9 =	vmul.f32 $8.000000000e+00, v9;
	_ =	sdelay $0x1  }
0x3aa: {  	[tilespmem:v10+s12+$0x0] =	vst.idx.msk $0xffff, v9  }
0x3ab: {  	v9 =	vld [tilespmem:s16+$0xE0];
	_ =	sdelay $0x1  }
0x3ac: {  	v10 =	vadd.s32 v6, v8;
	_ =	sdelay $0x2  }
0x3ad: {  	v9 =	vmul.f32 $8.000000000e+00, v9;
	_ =	sdelay $0x1  }
0x3ae: {  	[tilespmem:v10+s12+$0x0] =	vst.idx.msk $0xffff, v9  }
0x3af: {  	v9 =	vld [tilespmem:s16+$0xF0];
	_ =	sdelay $0x1  }
0x3b0: {  	v8 =	vadd.s32 v7, v8;
	_ =	sdelay $0x2  }
0x3b1: {  	s17 =	simm.s32 $0x4;
	v9 =	vmul.f32 $8.000000000e+00, v9  }
.LBB2_5:
0x3b2: {  	p0 =	slt.u32 s17, $0x7C  }
0x3b3: {  	s16 =	sadd.s32 $0x100, s16;
	s18 =	smov.u32 s17;
	s17 =	sadd.s32 $0x4, s17;
	[tilespmem:v8+s12+$0x0] =	vst.idx.msk $0xffff, v9  }
0x3b4: {  	v8 =	vmov s18;
	v9 =	vld [tilespmem:s16+$0xFFFFE000]  }
0x3b5: {  	v8 =	vand.u32 $0x7C, v8  }
0x3b6: {  	v10 =	vadd.s32 v0, v8;
	_ =	sdelay $0x2  }
0x3b7: {  	v9 =	vmul.f32 $8.000000000e+00, v9;
	_ =	sdelay $0x1  }
0x3b8: {  	[tilespmem:v10+s12+$0x0] =	vst.idx.msk $0xffff, v9  }
0x3b9: {  	v9 =	vld [tilespmem:s16+$0xFFFFE010];
	_ =	sdelay $0x1  }
0x3ba: {  	v10 =	vadd.s32 v1, v8;
	_ =	sdelay $0x2  }
0x3bb: {  	v9 =	vmul.f32 $8.000000000e+00, v9;
	_ =	sdelay $0x1  }
0x3bc: {  	[tilespmem:v10+s12+$0x0] =	vst.idx.msk $0xffff, v9  }
0x3bd: {  	v9 =	vld [tilespmem:s16+$0xFFFFE020];
	_ =	sdelay $0x1  }
0x3be: {  	v10 =	vadd.s32 v2, v8;
	_ =	sdelay $0x2  }
0x3bf: {  	v9 =	vmul.f32 $8.000000000e+00, v9;
	_ =	sdelay $0x1  }
0x3c0: {  	[tilespmem:v10+s12+$0x0] =	vst.idx.msk $0xffff, v9  }
0x3c1: {  	v9 =	vld [tilespmem:s16+$0xFFFFE030];
	_ =	sdelay $0x1  }
0x3c2: {  	v10 =	vadd.s32 v3, v8;
	_ =	sdelay $0x2  }
0x3c3: {  	v9 =	vmul.f32 $8.000000000e+00, v9;
	_ =	sdelay $0x1  }
0x3c4: {  	[tilespmem:v10+s12+$0x0] =	vst.idx.msk $0xffff, v9  }
0x3c5: {  	v9 =	vld [tilespmem:s16+$0x0];
	_ =	sdelay $0x1  }
0x3c6: {  	v10 =	vadd.s32 v4, v8;
	_ =	sdelay $0x2  }
0x3c7: {  	v9 =	vmul.f32 $8.000000000e+00, v9;
	_ =	sdelay $0x1  }
0x3c8: {  	[tilespmem:v10+s12+$0x0] =	vst.idx.msk $0xffff, v9  }
0x3c9: {  	v9 =	vld [tilespmem:s16+$0x10];
	_ =	sdelay $0x1  }
0x3ca: {  	v10 =	vadd.s32 v5, v8;
	_ =	sdelay $0x2  }
0x3cb: {  	v9 =	vmul.f32 $8.000000000e+00, v9;
	_ =	sdelay $0x1  }
0x3cc: {  	[tilespmem:v10+s12+$0x0] =	vst.idx.msk $0xffff, v9  }
0x3cd: {  	v9 =	vld [tilespmem:s16+$0x20];
	_ =	sdelay $0x1  }
0x3ce: {  	v10 =	vadd.s32 v6, v8;
	_ =	sdelay $0x2  }
0x3cf: {  	v9 =	vmul.f32 $8.000000000e+00, v9;
	_ =	sdelay $0x1  }
0x3d0: {  	[tilespmem:v10+s12+$0x0] =	vst.idx.msk $0xffff, v9  }
0x3d1: {  	v9 =	vld [tilespmem:s16+$0x30];
	_ =	sdelay $0x1  }
0x3d2: {  	v8 =	vadd.s32 v7, v8;
	_ =	sdelay $0x2  }
0x3d3: {  	v9 =	vmul.f32 $8.000000000e+00, v9;
	_ =	sdelay $0x1  }
0x3d4: {  	s19 =	sadd.s32 $0x1, s18;
	[tilespmem:v8+s12+$0x0] =	vst.idx.msk $0xffff, v9  }
0x3d5: {  	v8 =	vmov s19;
	v9 =	vld [tilespmem:s16+$0xFFFFE040]  }
0x3d6: {  	v8 =	vand.u32 $0x7D, v8  }
0x3d7: {  	v10 =	vadd.s32 v0, v8;
	_ =	sdelay $0x2  }
0x3d8: {  	v9 =	vmul.f32 $8.000000000e+00, v9;
	_ =	sdelay $0x1  }
0x3d9: {  	[tilespmem:v10+s12+$0x0] =	vst.idx.msk $0xffff, v9  }
0x3da: {  	v9 =	vld [tilespmem:s16+$0xFFFFE050];
	_ =	sdelay $0x1  }
0x3db: {  	v10 =	vadd.s32 v1, v8;
	_ =	sdelay $0x2  }
0x3dc: {  	v9 =	vmul.f32 $8.000000000e+00, v9;
	_ =	sdelay $0x1  }
0x3dd: {  	[tilespmem:v10+s12+$0x0] =	vst.idx.msk $0xffff, v9  }
0x3de: {  	v9 =	vld [tilespmem:s16+$0xFFFFE060];
	_ =	sdelay $0x1  }
0x3df: {  	v10 =	vadd.s32 v2, v8;
	_ =	sdelay $0x2  }
0x3e0: {  	v9 =	vmul.f32 $8.000000000e+00, v9;
	_ =	sdelay $0x1  }
0x3e1: {  	[tilespmem:v10+s12+$0x0] =	vst.idx.msk $0xffff, v9  }
0x3e2: {  	v9 =	vld [tilespmem:s16+$0xFFFFE070];
	_ =	sdelay $0x1  }
0x3e3: {  	v10 =	vadd.s32 v3, v8;
	_ =	sdelay $0x2  }
0x3e4: {  	v9 =	vmul.f32 $8.000000000e+00, v9;
	_ =	sdelay $0x1  }
0x3e5: {  	[tilespmem:v10+s12+$0x0] =	vst.idx.msk $0xffff, v9  }
0x3e6: {  	v9 =	vld [tilespmem:s16+$0x40];
	_ =	sdelay $0x1  }
0x3e7: {  	v10 =	vadd.s32 v4, v8;
	_ =	sdelay $0x2  }
0x3e8: {  	v9 =	vmul.f32 $8.000000000e+00, v9;
	_ =	sdelay $0x1  }
0x3e9: {  	[tilespmem:v10+s12+$0x0] =	vst.idx.msk $0xffff, v9  }
0x3ea: {  	v9 =	vld [tilespmem:s16+$0x50];
	_ =	sdelay $0x1  }
0x3eb: {  	v10 =	vadd.s32 v5, v8;
	_ =	sdelay $0x2  }
0x3ec: {  	v9 =	vmul.f32 $8.000000000e+00, v9;
	_ =	sdelay $0x1  }
0x3ed: {  	[tilespmem:v10+s12+$0x0] =	vst.idx.msk $0xffff, v9  }
0x3ee: {  	v9 =	vld [tilespmem:s16+$0x60];
	_ =	sdelay $0x1  }
0x3ef: {  	v10 =	vadd.s32 v6, v8;
	_ =	sdelay $0x2  }
0x3f0: {  	v9 =	vmul.f32 $8.000000000e+00, v9;
	_ =	sdelay $0x1  }
0x3f1: {  	[tilespmem:v10+s12+$0x0] =	vst.idx.msk $0xffff, v9  }
0x3f2: {  	v9 =	vld [tilespmem:s16+$0x70];
	_ =	sdelay $0x1  }
0x3f3: {  	v8 =	vadd.s32 v7, v8;
	_ =	sdelay $0x2  }
0x3f4: {  	v9 =	vmul.f32 $8.000000000e+00, v9;
	_ =	sdelay $0x1  }
0x3f5: {  	s19 =	sadd.s32 $0x2, s18;
	[tilespmem:v8+s12+$0x0] =	vst.idx.msk $0xffff, v9  }
0x3f6: {  	v8 =	vmov s19;
	v9 =	vld [tilespmem:s16+$0xFFFFE080]  }
0x3f7: {  	v8 =	vand.u32 $0x7E, v8  }
0x3f8: {  	v10 =	vadd.s32 v0, v8;
	_ =	sdelay $0x2  }
0x3f9: {  	v9 =	vmul.f32 $8.000000000e+00, v9;
	_ =	sdelay $0x1  }
0x3fa: {  	[tilespmem:v10+s12+$0x0] =	vst.idx.msk $0xffff, v9  }
0x3fb: {  	v9 =	vld [tilespmem:s16+$0xFFFFE090];
	_ =	sdelay $0x1  }
0x3fc: {  	v10 =	vadd.s32 v1, v8;
	_ =	sdelay $0x2  }
0x3fd: {  	v9 =	vmul.f32 $8.000000000e+00, v9;
	_ =	sdelay $0x1  }
0x3fe: {  	[tilespmem:v10+s12+$0x0] =	vst.idx.msk $0xffff, v9  }
0x3ff: {  	v9 =	vld [tilespmem:s16+$0xFFFFE0A0];
	_ =	sdelay $0x1  }
0x400: {  	v10 =	vadd.s32 v2, v8;
	_ =	sdelay $0x2  }
0x401: {  	v9 =	vmul.f32 $8.000000000e+00, v9;
	_ =	sdelay $0x1  }
0x402: {  	[tilespmem:v10+s12+$0x0] =	vst.idx.msk $0xffff, v9  }
0x403: {  	v9 =	vld [tilespmem:s16+$0xFFFFE0B0];
	_ =	sdelay $0x1  }
0x404: {  	v10 =	vadd.s32 v3, v8;
	_ =	sdelay $0x2  }
0x405: {  	v9 =	vmul.f32 $8.000000000e+00, v9;
	_ =	sdelay $0x1  }
0x406: {  	[tilespmem:v10+s12+$0x0] =	vst.idx.msk $0xffff, v9  }
0x407: {  	v9 =	vld [tilespmem:s16+$0x80];
	_ =	sdelay $0x1  }
0x408: {  	v10 =	vadd.s32 v4, v8;
	_ =	sdelay $0x2  }
0x409: {  	v9 =	vmul.f32 $8.000000000e+00, v9;
	_ =	sdelay $0x1  }
0x40a: {  	[tilespmem:v10+s12+$0x0] =	vst.idx.msk $0xffff, v9  }
0x40b: {  	v9 =	vld [tilespmem:s16+$0x90];
	_ =	sdelay $0x1  }
0x40c: {  	v10 =	vadd.s32 v5, v8;
	_ =	sdelay $0x2  }
0x40d: {  	v9 =	vmul.f32 $8.000000000e+00, v9;
	_ =	sdelay $0x1  }
0x40e: {  	[tilespmem:v10+s12+$0x0] =	vst.idx.msk $0xffff, v9  }
0x40f: {  	v9 =	vld [tilespmem:s16+$0xA0];
	_ =	sdelay $0x1  }
0x410: {  	v10 =	vadd.s32 v6, v8;
	_ =	sdelay $0x2  }
0x411: {  	v9 =	vmul.f32 $8.000000000e+00, v9;
	_ =	sdelay $0x1  }
0x412: {  	[tilespmem:v10+s12+$0x0] =	vst.idx.msk $0xffff, v9  }
0x413: {  	v9 =	vld [tilespmem:s16+$0xB0];
	_ =	sdelay $0x1  }
0x414: {  	v8 =	vadd.s32 v7, v8;
	_ =	sdelay $0x2  }
0x415: {  	v9 =	vmul.f32 $8.000000000e+00, v9;
	_ =	sdelay $0x1  }
0x416: {  	s18 =	sadd.s32 $0x3, s18;
	[tilespmem:v8+s12+$0x0] =	vst.idx.msk $0xffff, v9  }
0x417: {  	v8 =	vmov s18;
	v9 =	vld [tilespmem:s16+$0xFFFFE0C0]  }
0x418: {  	v8 =	vand.u32 $0x7F, v8  }
0x419: {  	v10 =	vadd.s32 v0, v8;
	_ =	sdelay $0x2  }
0x41a: {  	v9 =	vmul.f32 $8.000000000e+00, v9;
	_ =	sdelay $0x1  }
0x41b: {  	[tilespmem:v10+s12+$0x0] =	vst.idx.msk $0xffff, v9  }
0x41c: {  	v9 =	vld [tilespmem:s16+$0xFFFFE0D0];
	_ =	sdelay $0x1  }
0x41d: {  	v10 =	vadd.s32 v1, v8;
	_ =	sdelay $0x2  }
0x41e: {  	v9 =	vmul.f32 $8.000000000e+00, v9;
	_ =	sdelay $0x1  }
0x41f: {  	[tilespmem:v10+s12+$0x0] =	vst.idx.msk $0xffff, v9  }
0x420: {  	v9 =	vld [tilespmem:s16+$0xFFFFE0E0];
	_ =	sdelay $0x1  }
0x421: {  	v10 =	vadd.s32 v2, v8;
	_ =	sdelay $0x2  }
0x422: {  	v9 =	vmul.f32 $8.000000000e+00, v9;
	_ =	sdelay $0x1  }
0x423: {  	[tilespmem:v10+s12+$0x0] =	vst.idx.msk $0xffff, v9  }
0x424: {  	v9 =	vld [tilespmem:s16+$0xFFFFE0F0];
	_ =	sdelay $0x1  }
0x425: {  	v10 =	vadd.s32 v3, v8;
	_ =	sdelay $0x2  }
0x426: {  	v9 =	vmul.f32 $8.000000000e+00, v9;
	_ =	sdelay $0x1  }
0x427: {  	[tilespmem:v10+s12+$0x0] =	vst.idx.msk $0xffff, v9  }
0x428: {  	v9 =	vld [tilespmem:s16+$0xC0];
	_ =	sdelay $0x1  }
0x429: {  	v10 =	vadd.s32 v4, v8;
	_ =	sdelay $0x2  }
0x42a: {  	v9 =	vmul.f32 $8.000000000e+00, v9;
	_ =	sdelay $0x1  }
0x42b: {  	[tilespmem:v10+s12+$0x0] =	vst.idx.msk $0xffff, v9  }
0x42c: {  	v9 =	vld [tilespmem:s16+$0xD0];
	_ =	sdelay $0x1  }
0x42d: {  	v10 =	vadd.s32 v5, v8;
	_ =	sdelay $0x2  }
0x42e: {  	v9 =	vmul.f32 $8.000000000e+00, v9;
	_ =	sdelay $0x1  }
0x42f: {  	[tilespmem:v10+s12+$0x0] =	vst.idx.msk $0xffff, v9  }
0x430: {  	v9 =	vld [tilespmem:s16+$0xE0];
	_ =	sdelay $0x1  }
0x431: {  	v10 =	vadd.s32 v6, v8;
	_ =	sdelay $0x2  }
0x432: {  	v9 =	vmul.f32 $8.000000000e+00, v9;
	_ =	sdelay $0x1  }
0x433: {  	[tilespmem:v10+s12+$0x0] =	vst.idx.msk $0xffff, v9  }
0x434: {  	v9 =	vld [tilespmem:s16+$0xF0]  }
.Ltmp1:
0x435: {  	(pc) =	sbr.rel @p0 .LBB2_5-.Ltmp1, $2  }
0x436: {  	v8 =	vadd.s32 v7, v8;
	_ =	sdelay $0x2  }
0x437: {  	v9 =	vmul.f32 $8.000000000e+00, v9  }
0x438: {  	_ =	sdelay $0x2  }
0x439: {  	s16 =	sadd.s32 @!p1 $0x300, s15;
	s17 =	simm.s32 @!p1 $0x80  }
0x43a: {  	s18 =	simm.s32 @!p1 $0xA400;
	s15 =	sadd.s32 @!p1 $0x380, s15;
	[tilespmem:v8+s12+$0x0] =	vst.idx.msk $0xffff, v9;
	s16 =	sand.u32 @!p1 $0xFF00, s16  }
0x43b: {  	[tilespmem:s18], [sflag:$0x2] =	stream.indirect.gather @!p1 [hbm4b:s6+s17], $0x40, s16, s17, $0xb8;
	[tilespmem:$0x16C00] =	vst v63  }
0x43c: {  	s15 =	sand.u32 @!p1 $0xFF80, s15;
	s16 =	simm.s32 @!p1 $0xC400  }
0x43d: {  	[tilespmem:s16], [sflag:$0x2] =	stream.indirect.gather @!p1 [hbm4b:s6+s17], $0x40, s15, s17, $0xb8;
	[tilespmem:$0x16C00] =	vst v63  }
0x43e: {  	s15 =	sadd.s32 s14, s21  }
0x43f: {  	[hbm4b:s15+s3] =	stream.linear.scatter [tilespmem:s12], [sflag:$0x4], $0x80, $0x38;
	[tilespmem:$0x16C00] =	vst v63  }
0x440: {  	s19 =	simm.s32 $0x12888;
	s18 =	sadd.s32 $0x10, s15  }
0x441: {  	[hbm4b:s18+s3] =	stream.linear.scatter [tilespmem:s19], [sflag:$0x4], $0x80, $0x38;
	[tilespmem:$0x16C00] =	vst v63  }
0x442: {  	s18 =	sadd.s32 $0x20, s15;
	s19 =	simm.s32 $0x12910  }
0x443: {  	[hbm4b:s18+s3] =	stream.linear.scatter [tilespmem:s19], [sflag:$0x4], $0x80, $0x38;
	[tilespmem:$0x16C00] =	vst v63  }
0x444: {  	s18 =	sadd.s32 $0x30, s15;
	s19 =	simm.s32 $0x12998  }
0x445: {  	[hbm4b:s18+s3] =	stream.linear.scatter [tilespmem:s19], [sflag:$0x4], $0x80, $0x38;
	[tilespmem:$0x16C00] =	vst v63  }
0x446: {  	s18 =	sadd.s32 $0x40, s15;
	s19 =	simm.s32 $0x12A20  }
0x447: {  	[hbm4b:s18+s3] =	stream.linear.scatter [tilespmem:s19], [sflag:$0x4], $0x80, $0x38;
	[tilespmem:$0x16C00] =	vst v63  }
0x448: {  	s18 =	sadd.s32 $0x50, s15;
	s19 =	simm.s32 $0x12AA8  }
0x449: {  	[hbm4b:s18+s3] =	stream.linear.scatter [tilespmem:s19], [sflag:$0x4], $0x80, $0x38;
	[tilespmem:$0x16C00] =	vst v63  }
0x44a: {  	s17 =	sadd.s32 $0x60, s15;
	s18 =	simm.s32 $0x12B30  }
0x44b: {  	[hbm4b:s17+s3] =	stream.linear.scatter [tilespmem:s18], [sflag:$0x4], $0x80, $0x38;
	[tilespmem:$0x16C00] =	vst v63  }
0x44c: {  	s15 =	sadd.s32 $0x70, s15;
	s19 =	simm.s32 $0x12BB8  }
0x44d: {  	[hbm4b:s15+s3] =	stream.linear.scatter [tilespmem:s19], [sflag:$0x4], $0x80, $0x38;
	[tilespmem:$0x16C00] =	vst v63  }
0x44e: {  	s17 =	simm.s32 $0x12C40;
	s15 =	sadd.s32 s14, s22  }
0x44f: {  	[hbm4b:s15+s3] =	stream.linear.scatter [tilespmem:s17], [sflag:$0x4], $0x80, $0x38;
	[tilespmem:$0x16C00] =	vst v63  }
0x450: {  	s19 =	simm.s32 $0x12CC8;
	s18 =	sadd.s32 $0x10, s15  }
0x451: {  	[hbm4b:s18+s3] =	stream.linear.scatter [tilespmem:s19], [sflag:$0x4], $0x80, $0x38;
	[tilespmem:$0x16C00] =	vst v63  }
0x452: {  	s18 =	sadd.s32 $0x20, s15;
	s19 =	simm.s32 $0x12D50  }
0x453: {  	[hbm4b:s18+s3] =	stream.linear.scatter [tilespmem:s19], [sflag:$0x4], $0x80, $0x38;
	[tilespmem:$0x16C00] =	vst v63  }
0x454: {  	s18 =	sadd.s32 $0x30, s15;
	s19 =	simm.s32 $0x12DD8  }
0x455: {  	[hbm4b:s18+s3] =	stream.linear.scatter [tilespmem:s19], [sflag:$0x4], $0x80, $0x38;
	[tilespmem:$0x16C00] =	vst v63  }
0x456: {  	s18 =	sadd.s32 $0x40, s15;
	s19 =	simm.s32 $0x12E60  }
0x457: {  	[hbm4b:s18+s3] =	stream.linear.scatter [tilespmem:s19], [sflag:$0x4], $0x80, $0x38;
	[tilespmem:$0x16C00] =	vst v63  }
0x458: {  	s18 =	sadd.s32 $0x50, s15;
	s19 =	simm.s32 $0x12EE8  }
0x459: {  	[hbm4b:s18+s3] =	stream.linear.scatter [tilespmem:s19], [sflag:$0x4], $0x80, $0x38;
	[tilespmem:$0x16C00] =	vst v63  }
0x45a: {  	s17 =	sadd.s32 $0x60, s15;
	s18 =	simm.s32 $0x12F70  }
0x45b: {  	[hbm4b:s17+s3] =	stream.linear.scatter [tilespmem:s18], [sflag:$0x4], $0x80, $0x38;
	[tilespmem:$0x16C00] =	vst v63  }
0x45c: {  	s15 =	sadd.s32 $0x70, s15;
	s19 =	simm.s32 $0x12FF8  }
0x45d: {  	[hbm4b:s15+s3] =	stream.linear.scatter [tilespmem:s19], [sflag:$0x4], $0x80, $0x38;
	[tilespmem:$0x16C00] =	vst v63  }
0x45e: {  	s17 =	simm.s32 $0x13080;
	s15 =	sadd.s32 s14, s23  }
0x45f: {  	[hbm4b:s15+s3] =	stream.linear.scatter [tilespmem:s17], [sflag:$0x4], $0x80, $0x38;
	[tilespmem:$0x16C00] =	vst v63  }
0x460: {  	s19 =	simm.s32 $0x13108;
	s18 =	sadd.s32 $0x10, s15  }
0x461: {  	[hbm4b:s18+s3] =	stream.linear.scatter [tilespmem:s19], [sflag:$0x4], $0x80, $0x38;
	[tilespmem:$0x16C00] =	vst v63  }
0x462: {  	s18 =	sadd.s32 $0x20, s15;
	s19 =	simm.s32 $0x13190  }
0x463: {  	[hbm4b:s18+s3] =	stream.linear.scatter [tilespmem:s19], [sflag:$0x4], $0x80, $0x38;
	[tilespmem:$0x16C00] =	vst v63  }
0x464: {  	s18 =	sadd.s32 $0x30, s15;
	s19 =	simm.s32 $0x13218  }
0x465: {  	[hbm4b:s18+s3] =	stream.linear.scatter [tilespmem:s19], [sflag:$0x4], $0x80, $0x38;
	[tilespmem:$0x16C00] =	vst v63  }
0x466: {  	s18 =	sadd.s32 $0x40, s15;
	s19 =	simm.s32 $0x132A0  }
0x467: {  	[hbm4b:s18+s3] =	stream.linear.scatter [tilespmem:s19], [sflag:$0x4], $0x80, $0x38;
	[tilespmem:$0x16C00] =	vst v63  }
0x468: {  	s18 =	sadd.s32 $0x50, s15;
	s19 =	simm.s32 $0x13328  }
0x469: {  	[hbm4b:s18+s3] =	stream.linear.scatter [tilespmem:s19], [sflag:$0x4], $0x80, $0x38;
	[tilespmem:$0x16C00] =	vst v63  }
0x46a: {  	s17 =	sadd.s32 $0x60, s15;
	s18 =	simm.s32 $0x133B0  }
0x46b: {  	[hbm4b:s17+s3] =	stream.linear.scatter [tilespmem:s18], [sflag:$0x4], $0x80, $0x38;
	[tilespmem:$0x16C00] =	vst v63  }
0x46c: {  	s15 =	sadd.s32 $0x70, s15;
	s19 =	simm.s32 $0x13438  }
0x46d: {  	[hbm4b:s15+s3] =	stream.linear.scatter [tilespmem:s19], [sflag:$0x4], $0x80, $0x38;
	[tilespmem:$0x16C00] =	vst v63  }
0x46e: {  	s17 =	simm.s32 $0x134C0;
	s15 =	sadd.s32 s14, s24  }
0x46f: {  	[hbm4b:s15+s3] =	stream.linear.scatter [tilespmem:s17], [sflag:$0x4], $0x80, $0x38;
	[tilespmem:$0x16C00] =	vst v63  }
0x470: {  	s19 =	simm.s32 $0x13548;
	s18 =	sadd.s32 $0x10, s15  }
0x471: {  	[hbm4b:s18+s3] =	stream.linear.scatter [tilespmem:s19], [sflag:$0x4], $0x80, $0x38;
	[tilespmem:$0x16C00] =	vst v63  }
0x472: {  	s18 =	sadd.s32 $0x20, s15;
	s19 =	simm.s32 $0x135D0  }
0x473: {  	[hbm4b:s18+s3] =	stream.linear.scatter [tilespmem:s19], [sflag:$0x4], $0x80, $0x38;
	[tilespmem:$0x16C00] =	vst v63  }
0x474: {  	s18 =	sadd.s32 $0x30, s15;
	s19 =	simm.s32 $0x13658  }
0x475: {  	[hbm4b:s18+s3] =	stream.linear.scatter [tilespmem:s19], [sflag:$0x4], $0x80, $0x38;
	[tilespmem:$0x16C00] =	vst v63  }
0x476: {  	s18 =	sadd.s32 $0x40, s15;
	s19 =	simm.s32 $0x136E0  }
0x477: {  	[hbm4b:s18+s3] =	stream.linear.scatter [tilespmem:s19], [sflag:$0x4], $0x80, $0x38;
	[tilespmem:$0x16C00] =	vst v63  }
0x478: {  	s18 =	sadd.s32 $0x50, s15;
	s19 =	simm.s32 $0x13768  }
0x479: {  	[hbm4b:s18+s3] =	stream.linear.scatter [tilespmem:s19], [sflag:$0x4], $0x80, $0x38;
	[tilespmem:$0x16C00] =	vst v63  }
0x47a: {  	s17 =	sadd.s32 $0x60, s15;
	s18 =	simm.s32 $0x137F0  }
0x47b: {  	[hbm4b:s17+s3] =	stream.linear.scatter [tilespmem:s18], [sflag:$0x4], $0x80, $0x38;
	[tilespmem:$0x16C00] =	vst v63  }
0x47c: {  	s15 =	sadd.s32 $0x70, s15;
	s19 =	simm.s32 $0x13878  }
0x47d: {  	[hbm4b:s15+s3] =	stream.linear.scatter [tilespmem:s19], [sflag:$0x4], $0x80, $0x38;
	[tilespmem:$0x16C00] =	vst v63  }
0x47e: {  	s17 =	simm.s32 $0x13900;
	s15 =	sadd.s32 s14, s25  }
0x47f: {  	[hbm4b:s15+s3] =	stream.linear.scatter [tilespmem:s17], [sflag:$0x4], $0x80, $0x38;
	[tilespmem:$0x16C00] =	vst v63  }
0x480: {  	s19 =	simm.s32 $0x13988;
	s18 =	sadd.s32 $0x10, s15  }
0x481: {  	[hbm4b:s18+s3] =	stream.linear.scatter [tilespmem:s19], [sflag:$0x4], $0x80, $0x38;
	[tilespmem:$0x16C00] =	vst v63  }
0x482: {  	s18 =	sadd.s32 $0x20, s15;
	s19 =	simm.s32 $0x13A10  }
0x483: {  	[hbm4b:s18+s3] =	stream.linear.scatter [tilespmem:s19], [sflag:$0x4], $0x80, $0x38;
	[tilespmem:$0x16C00] =	vst v63  }
0x484: {  	s18 =	sadd.s32 $0x30, s15;
	s19 =	simm.s32 $0x13A98  }
0x485: {  	[hbm4b:s18+s3] =	stream.linear.scatter [tilespmem:s19], [sflag:$0x4], $0x80, $0x38;
	[tilespmem:$0x16C00] =	vst v63  }
0x486: {  	s18 =	sadd.s32 $0x40, s15;
	s19 =	simm.s32 $0x13B20  }
0x487: {  	[hbm4b:s18+s3] =	stream.linear.scatter [tilespmem:s19], [sflag:$0x4], $0x80, $0x38;
	[tilespmem:$0x16C00] =	vst v63  }
0x488: {  	s18 =	sadd.s32 $0x50, s15;
	s19 =	simm.s32 $0x13BA8  }
0x489: {  	[hbm4b:s18+s3] =	stream.linear.scatter [tilespmem:s19], [sflag:$0x4], $0x80, $0x38;
	[tilespmem:$0x16C00] =	vst v63  }
0x48a: {  	s17 =	sadd.s32 $0x60, s15;
	s18 =	simm.s32 $0x13C30  }
0x48b: {  	[hbm4b:s17+s3] =	stream.linear.scatter [tilespmem:s18], [sflag:$0x4], $0x80, $0x38;
	[tilespmem:$0x16C00] =	vst v63  }
0x48c: {  	s15 =	sadd.s32 $0x70, s15;
	s19 =	simm.s32 $0x13CB8  }
0x48d: {  	[hbm4b:s15+s3] =	stream.linear.scatter [tilespmem:s19], [sflag:$0x4], $0x80, $0x38;
	[tilespmem:$0x16C00] =	vst v63  }
0x48e: {  	s17 =	simm.s32 $0x13D40;
	s15 =	sadd.s32 s14, s26  }
0x48f: {  	[hbm4b:s15+s3] =	stream.linear.scatter [tilespmem:s17], [sflag:$0x4], $0x80, $0x38;
	[tilespmem:$0x16C00] =	vst v63  }
0x490: {  	s19 =	simm.s32 $0x13DC8;
	s18 =	sadd.s32 $0x10, s15  }
0x491: {  	[hbm4b:s18+s3] =	stream.linear.scatter [tilespmem:s19], [sflag:$0x4], $0x80, $0x38;
	[tilespmem:$0x16C00] =	vst v63  }
0x492: {  	s18 =	sadd.s32 $0x20, s15;
	s19 =	simm.s32 $0x13E50  }
0x493: {  	[hbm4b:s18+s3] =	stream.linear.scatter [tilespmem:s19], [sflag:$0x4], $0x80, $0x38;
	[tilespmem:$0x16C00] =	vst v63  }
0x494: {  	s18 =	sadd.s32 $0x30, s15;
	s19 =	simm.s32 $0x13ED8  }
0x495: {  	[hbm4b:s18+s3] =	stream.linear.scatter [tilespmem:s19], [sflag:$0x4], $0x80, $0x38;
	[tilespmem:$0x16C00] =	vst v63  }
0x496: {  	s18 =	sadd.s32 $0x40, s15;
	s19 =	simm.s32 $0x13F60  }
0x497: {  	[hbm4b:s18+s3] =	stream.linear.scatter [tilespmem:s19], [sflag:$0x4], $0x80, $0x38;
	[tilespmem:$0x16C00] =	vst v63  }
0x498: {  	s18 =	sadd.s32 $0x50, s15;
	s19 =	simm.s32 $0x13FE8  }
0x499: {  	[hbm4b:s18+s3] =	stream.linear.scatter [tilespmem:s19], [sflag:$0x4], $0x80, $0x38;
	[tilespmem:$0x16C00] =	vst v63  }
0x49a: {  	s17 =	sadd.s32 $0x60, s15;
	s18 =	simm.s32 $0x14070  }
0x49b: {  	[hbm4b:s17+s3] =	stream.linear.scatter [tilespmem:s18], [sflag:$0x4], $0x80, $0x38;
	[tilespmem:$0x16C00] =	vst v63  }
0x49c: {  	s15 =	sadd.s32 $0x70, s15;
	s19 =	simm.s32 $0x140F8  }
0x49d: {  	[hbm4b:s15+s3] =	stream.linear.scatter [tilespmem:s19], [sflag:$0x4], $0x80, $0x38;
	[tilespmem:$0x16C00] =	vst v63  }
0x49e: {  	s17 =	simm.s32 $0x14180;
	s15 =	sadd.s32 s14, s28  }
0x49f: {  	[hbm4b:s15+s3] =	stream.linear.scatter [tilespmem:s17], [sflag:$0x4], $0x80, $0x38;
	[tilespmem:$0x16C00] =	vst v63  }
0x4a0: {  	s19 =	simm.s32 $0x14208;
	s18 =	sadd.s32 $0x10, s15  }
0x4a1: {  	[hbm4b:s18+s3] =	stream.linear.scatter [tilespmem:s19], [sflag:$0x4], $0x80, $0x38;
	[tilespmem:$0x16C00] =	vst v63  }
0x4a2: {  	s18 =	sadd.s32 $0x20, s15;
	s19 =	simm.s32 $0x14290  }
0x4a3: {  	[hbm4b:s18+s3] =	stream.linear.scatter [tilespmem:s19], [sflag:$0x4], $0x80, $0x38;
	[tilespmem:$0x16C00] =	vst v63  }
0x4a4: {  	s18 =	sadd.s32 $0x30, s15;
	s19 =	simm.s32 $0x14318  }
0x4a5: {  	[hbm4b:s18+s3] =	stream.linear.scatter [tilespmem:s19], [sflag:$0x4], $0x80, $0x38;
	[tilespmem:$0x16C00] =	vst v63  }
0x4a6: {  	s18 =	sadd.s32 $0x40, s15;
	s19 =	simm.s32 $0x143A0  }
0x4a7: {  	[hbm4b:s18+s3] =	stream.linear.scatter [tilespmem:s19], [sflag:$0x4], $0x80, $0x38;
	[tilespmem:$0x16C00] =	vst v63  }
0x4a8: {  	s18 =	sadd.s32 $0x50, s15;
	s19 =	simm.s32 $0x14428  }
0x4a9: {  	[hbm4b:s18+s3] =	stream.linear.scatter [tilespmem:s19], [sflag:$0x4], $0x80, $0x38;
	[tilespmem:$0x16C00] =	vst v63  }
0x4aa: {  	s17 =	sadd.s32 $0x60, s15;
	s18 =	simm.s32 $0x144B0  }
0x4ab: {  	[hbm4b:s17+s3] =	stream.linear.scatter [tilespmem:s18], [sflag:$0x4], $0x80, $0x38;
	[tilespmem:$0x16C00] =	vst v63  }
0x4ac: {  	s15 =	sadd.s32 $0x70, s15;
	s19 =	simm.s32 $0x14538  }
0x4ad: {  	[hbm4b:s15+s3] =	stream.linear.scatter [tilespmem:s19], [sflag:$0x4], $0x80, $0x38;
	[tilespmem:$0x16C00] =	vst v63  }
0x4ae: {  	s17 =	simm.s32 $0x145C0;
	s15 =	sadd.s32 s14, s29  }
0x4af: {  	[hbm4b:s15+s3] =	stream.linear.scatter [tilespmem:s17], [sflag:$0x4], $0x80, $0x38;
	[tilespmem:$0x16C00] =	vst v63  }
0x4b0: {  	s19 =	simm.s32 $0x14648;
	s18 =	sadd.s32 $0x10, s15  }
0x4b1: {  	[hbm4b:s18+s3] =	stream.linear.scatter [tilespmem:s19], [sflag:$0x4], $0x80, $0x38;
	[tilespmem:$0x16C00] =	vst v63  }
0x4b2: {  	s18 =	sadd.s32 $0x20, s15;
	s19 =	simm.s32 $0x146D0  }
0x4b3: {  	[hbm4b:s18+s3] =	stream.linear.scatter [tilespmem:s19], [sflag:$0x4], $0x80, $0x38;
	[tilespmem:$0x16C00] =	vst v63  }
0x4b4: {  	s18 =	sadd.s32 $0x30, s15;
	s19 =	simm.s32 $0x14758  }
0x4b5: {  	[hbm4b:s18+s3] =	stream.linear.scatter [tilespmem:s19], [sflag:$0x4], $0x80, $0x38;
	[tilespmem:$0x16C00] =	vst v63  }
0x4b6: {  	s18 =	sadd.s32 $0x40, s15;
	s19 =	simm.s32 $0x147E0  }
0x4b7: {  	[hbm4b:s18+s3] =	stream.linear.scatter [tilespmem:s19], [sflag:$0x4], $0x80, $0x38;
	[tilespmem:$0x16C00] =	vst v63  }
0x4b8: {  	s18 =	sadd.s32 $0x50, s15;
	s19 =	simm.s32 $0x14868  }
0x4b9: {  	[hbm4b:s18+s3] =	stream.linear.scatter [tilespmem:s19], [sflag:$0x4], $0x80, $0x38;
	[tilespmem:$0x16C00] =	vst v63  }
0x4ba: {  	s17 =	sadd.s32 $0x60, s15;
	s18 =	simm.s32 $0x148F0  }
0x4bb: {  	[hbm4b:s17+s3] =	stream.linear.scatter [tilespmem:s18], [sflag:$0x4], $0x80, $0x38;
	[tilespmem:$0x16C00] =	vst v63  }
0x4bc: {  	s15 =	sadd.s32 $0x70, s15;
	s19 =	simm.s32 $0x14978  }
0x4bd: {  	[hbm4b:s15+s3] =	stream.linear.scatter [tilespmem:s19], [sflag:$0x4], $0x80, $0x38;
	[tilespmem:$0x16C00] =	vst v63  }
0x4be: {  	s17 =	simm.s32 $0x14A00;
	s15 =	sadd.s32 s14, s30  }
0x4bf: {  	[hbm4b:s15+s3] =	stream.linear.scatter [tilespmem:s17], [sflag:$0x4], $0x80, $0x38;
	[tilespmem:$0x16C00] =	vst v63  }
0x4c0: {  	s19 =	simm.s32 $0x14A88;
	s18 =	sadd.s32 $0x10, s15  }
0x4c1: {  	[hbm4b:s18+s3] =	stream.linear.scatter [tilespmem:s19], [sflag:$0x4], $0x80, $0x38;
	[tilespmem:$0x16C00] =	vst v63  }
0x4c2: {  	s18 =	sadd.s32 $0x20, s15;
	s19 =	simm.s32 $0x14B10  }
0x4c3: {  	[hbm4b:s18+s3] =	stream.linear.scatter [tilespmem:s19], [sflag:$0x4], $0x80, $0x38;
	[tilespmem:$0x16C00] =	vst v63  }
0x4c4: {  	s18 =	sadd.s32 $0x30, s15;
	s19 =	simm.s32 $0x14B98  }
0x4c5: {  	[hbm4b:s18+s3] =	stream.linear.scatter [tilespmem:s19], [sflag:$0x4], $0x80, $0x38;
	[tilespmem:$0x16C00] =	vst v63  }
0x4c6: {  	s18 =	sadd.s32 $0x40, s15;
	s19 =	simm.s32 $0x14C20  }
0x4c7: {  	[hbm4b:s18+s3] =	stream.linear.scatter [tilespmem:s19], [sflag:$0x4], $0x80, $0x38;
	[tilespmem:$0x16C00] =	vst v63  }
0x4c8: {  	s18 =	sadd.s32 $0x50, s15;
	s19 =	simm.s32 $0x14CA8  }
0x4c9: {  	[hbm4b:s18+s3] =	stream.linear.scatter [tilespmem:s19], [sflag:$0x4], $0x80, $0x38;
	[tilespmem:$0x16C00] =	vst v63  }
0x4ca: {  	s17 =	sadd.s32 $0x60, s15;
	s18 =	simm.s32 $0x14D30  }
0x4cb: {  	[hbm4b:s17+s3] =	stream.linear.scatter [tilespmem:s18], [sflag:$0x4], $0x80, $0x38;
	[tilespmem:$0x16C00] =	vst v63  }
0x4cc: {  	s15 =	sadd.s32 $0x70, s15;
	s19 =	simm.s32 $0x14DB8  }
0x4cd: {  	[hbm4b:s15+s3] =	stream.linear.scatter [tilespmem:s19], [sflag:$0x4], $0x80, $0x38;
	[tilespmem:$0x16C00] =	vst v63  }
0x4ce: {  	s17 =	simm.s32 $0x14E40;
	s15 =	sadd.s32 s14, s31  }
0x4cf: {  	[hbm4b:s15+s3] =	stream.linear.scatter [tilespmem:s17], [sflag:$0x4], $0x80, $0x38;
	[tilespmem:$0x16C00] =	vst v63  }
0x4d0: {  	s19 =	simm.s32 $0x14EC8;
	s18 =	sadd.s32 $0x10, s15  }
0x4d1: {  	[hbm4b:s18+s3] =	stream.linear.scatter [tilespmem:s19], [sflag:$0x4], $0x80, $0x38;
	[tilespmem:$0x16C00] =	vst v63  }
0x4d2: {  	s18 =	sadd.s32 $0x20, s15;
	s19 =	simm.s32 $0x14F50  }
0x4d3: {  	[hbm4b:s18+s3] =	stream.linear.scatter [tilespmem:s19], [sflag:$0x4], $0x80, $0x38;
	[tilespmem:$0x16C00] =	vst v63  }
0x4d4: {  	s18 =	sadd.s32 $0x30, s15;
	s19 =	simm.s32 $0x14FD8  }
0x4d5: {  	[hbm4b:s18+s3] =	stream.linear.scatter [tilespmem:s19], [sflag:$0x4], $0x80, $0x38;
	[tilespmem:$0x16C00] =	vst v63  }
0x4d6: {  	s18 =	sadd.s32 $0x40, s15;
	s19 =	simm.s32 $0x15060  }
0x4d7: {  	[hbm4b:s18+s3] =	stream.linear.scatter [tilespmem:s19], [sflag:$0x4], $0x80, $0x38;
	[tilespmem:$0x16C00] =	vst v63  }
0x4d8: {  	s18 =	sadd.s32 $0x50, s15;
	s19 =	simm.s32 $0x150E8  }
0x4d9: {  	[hbm4b:s18+s3] =	stream.linear.scatter [tilespmem:s19], [sflag:$0x4], $0x80, $0x38;
	[tilespmem:$0x16C00] =	vst v63  }
0x4da: {  	s17 =	sadd.s32 $0x60, s15;
	s18 =	simm.s32 $0x15170  }
0x4db: {  	[hbm4b:s17+s3] =	stream.linear.scatter [tilespmem:s18], [sflag:$0x4], $0x80, $0x38;
	[tilespmem:$0x16C00] =	vst v63  }
0x4dc: {  	s15 =	sadd.s32 $0x70, s15;
	s19 =	simm.s32 $0x151F8  }
0x4dd: {  	[hbm4b:s15+s3] =	stream.linear.scatter [tilespmem:s19], [sflag:$0x4], $0x80, $0x38;
	[tilespmem:$0x16C00] =	vst v63  }
0x4de: {  	s17 =	simm.s32 $0x15280;
	s15 =	sadd.s32 s14, s1  }
0x4df: {  	[hbm4b:s15+s3] =	stream.linear.scatter [tilespmem:s17], [sflag:$0x4], $0x80, $0x38;
	[tilespmem:$0x16C00] =	vst v63  }
0x4e0: {  	s19 =	simm.s32 $0x15308;
	s18 =	sadd.s32 $0x10, s15  }
0x4e1: {  	[hbm4b:s18+s3] =	stream.linear.scatter [tilespmem:s19], [sflag:$0x4], $0x80, $0x38;
	[tilespmem:$0x16C00] =	vst v63  }
0x4e2: {  	s18 =	sadd.s32 $0x20, s15;
	s19 =	simm.s32 $0x15390  }
0x4e3: {  	[hbm4b:s18+s3] =	stream.linear.scatter [tilespmem:s19], [sflag:$0x4], $0x80, $0x38;
	[tilespmem:$0x16C00] =	vst v63  }
0x4e4: {  	s18 =	sadd.s32 $0x30, s15;
	s19 =	simm.s32 $0x15418  }
0x4e5: {  	[hbm4b:s18+s3] =	stream.linear.scatter [tilespmem:s19], [sflag:$0x4], $0x80, $0x38;
	[tilespmem:$0x16C00] =	vst v63  }
0x4e6: {  	s18 =	sadd.s32 $0x40, s15;
	s19 =	simm.s32 $0x154A0  }
0x4e7: {  	[hbm4b:s18+s3] =	stream.linear.scatter [tilespmem:s19], [sflag:$0x4], $0x80, $0x38;
	[tilespmem:$0x16C00] =	vst v63  }
0x4e8: {  	s18 =	sadd.s32 $0x50, s15;
	s19 =	simm.s32 $0x15528  }
0x4e9: {  	[hbm4b:s18+s3] =	stream.linear.scatter [tilespmem:s19], [sflag:$0x4], $0x80, $0x38;
	[tilespmem:$0x16C00] =	vst v63  }
0x4ea: {  	s17 =	sadd.s32 $0x60, s15;
	s18 =	simm.s32 $0x155B0  }
0x4eb: {  	[hbm4b:s17+s3] =	stream.linear.scatter [tilespmem:s18], [sflag:$0x4], $0x80, $0x38;
	[tilespmem:$0x16C00] =	vst v63  }
0x4ec: {  	s15 =	sadd.s32 $0x70, s15;
	s19 =	simm.s32 $0x15638  }
0x4ed: {  	[hbm4b:s15+s3] =	stream.linear.scatter [tilespmem:s19], [sflag:$0x4], $0x80, $0x38;
	[tilespmem:$0x16C00] =	vst v63  }
0x4ee: {  	s17 =	simm.s32 $0x156C0;
	s15 =	sadd.s32 s14, s5  }
0x4ef: {  	[hbm4b:s15+s3] =	stream.linear.scatter [tilespmem:s17], [sflag:$0x4], $0x80, $0x38;
	[tilespmem:$0x16C00] =	vst v63  }
0x4f0: {  	s19 =	simm.s32 $0x15748;
	s18 =	sadd.s32 $0x10, s15  }
0x4f1: {  	[hbm4b:s18+s3] =	stream.linear.scatter [tilespmem:s19], [sflag:$0x4], $0x80, $0x38;
	[tilespmem:$0x16C00] =	vst v63  }
0x4f2: {  	s18 =	sadd.s32 $0x20, s15;
	s19 =	simm.s32 $0x157D0  }
0x4f3: {  	[hbm4b:s18+s3] =	stream.linear.scatter [tilespmem:s19], [sflag:$0x4], $0x80, $0x38;
	[tilespmem:$0x16C00] =	vst v63  }
0x4f4: {  	s18 =	sadd.s32 $0x30, s15;
	s19 =	simm.s32 $0x15858  }
0x4f5: {  	[hbm4b:s18+s3] =	stream.linear.scatter [tilespmem:s19], [sflag:$0x4], $0x80, $0x38;
	[tilespmem:$0x16C00] =	vst v63  }
0x4f6: {  	s18 =	sadd.s32 $0x40, s15;
	s19 =	simm.s32 $0x158E0  }
0x4f7: {  	[hbm4b:s18+s3] =	stream.linear.scatter [tilespmem:s19], [sflag:$0x4], $0x80, $0x38;
	[tilespmem:$0x16C00] =	vst v63  }
0x4f8: {  	s18 =	sadd.s32 $0x50, s15;
	s19 =	simm.s32 $0x15968  }
0x4f9: {  	[hbm4b:s18+s3] =	stream.linear.scatter [tilespmem:s19], [sflag:$0x4], $0x80, $0x38;
	[tilespmem:$0x16C00] =	vst v63  }
0x4fa: {  	s17 =	sadd.s32 $0x60, s15;
	s18 =	simm.s32 $0x159F0  }
0x4fb: {  	[hbm4b:s17+s3] =	stream.linear.scatter [tilespmem:s18], [sflag:$0x4], $0x80, $0x38;
	[tilespmem:$0x16C00] =	vst v63  }
0x4fc: {  	s15 =	sadd.s32 $0x70, s15;
	s19 =	simm.s32 $0x15A78  }
0x4fd: {  	[hbm4b:s15+s3] =	stream.linear.scatter [tilespmem:s19], [sflag:$0x4], $0x80, $0x38;
	[tilespmem:$0x16C00] =	vst v63  }
0x4fe: {  	s17 =	simm.s32 $0x15B00;
	s15 =	sadd.s32 s14, s2  }
0x4ff: {  	[hbm4b:s15+s3] =	stream.linear.scatter [tilespmem:s17], [sflag:$0x4], $0x80, $0x38;
	[tilespmem:$0x16C00] =	vst v63  }
0x500: {  	s19 =	simm.s32 $0x15B88;
	s18 =	sadd.s32 $0x10, s15  }
0x501: {  	[hbm4b:s18+s3] =	stream.linear.scatter [tilespmem:s19], [sflag:$0x4], $0x80, $0x38;
	[tilespmem:$0x16C00] =	vst v63  }
0x502: {  	s18 =	sadd.s32 $0x20, s15;
	s19 =	simm.s32 $0x15C10  }
0x503: {  	[hbm4b:s18+s3] =	stream.linear.scatter [tilespmem:s19], [sflag:$0x4], $0x80, $0x38;
	[tilespmem:$0x16C00] =	vst v63  }
0x504: {  	s18 =	sadd.s32 $0x30, s15;
	s19 =	simm.s32 $0x15C98  }
0x505: {  	[hbm4b:s18+s3] =	stream.linear.scatter [tilespmem:s19], [sflag:$0x4], $0x80, $0x38;
	[tilespmem:$0x16C00] =	vst v63  }
0x506: {  	s18 =	sadd.s32 $0x40, s15;
	s19 =	simm.s32 $0x15D20  }
0x507: {  	[hbm4b:s18+s3] =	stream.linear.scatter [tilespmem:s19], [sflag:$0x4], $0x80, $0x38;
	[tilespmem:$0x16C00] =	vst v63  }
0x508: {  	s18 =	sadd.s32 $0x50, s15;
	s19 =	simm.s32 $0x15DA8  }
0x509: {  	[hbm4b:s18+s3] =	stream.linear.scatter [tilespmem:s19], [sflag:$0x4], $0x80, $0x38;
	[tilespmem:$0x16C00] =	vst v63  }
0x50a: {  	s17 =	sadd.s32 $0x60, s15;
	s18 =	simm.s32 $0x15E30  }
0x50b: {  	[hbm4b:s17+s3] =	stream.linear.scatter [tilespmem:s18], [sflag:$0x4], $0x80, $0x38;
	[tilespmem:$0x16C00] =	vst v63  }
0x50c: {  	s15 =	sadd.s32 $0x70, s15;
	s19 =	simm.s32 $0x15EB8  }
0x50d: {  	[hbm4b:s15+s3] =	stream.linear.scatter [tilespmem:s19], [sflag:$0x4], $0x80, $0x38;
	[tilespmem:$0x16C00] =	vst v63  }
0x50e: {  	s17 =	simm.s32 $0x15F40;
	s15 =	sadd.s32 s14, s4  }
0x50f: {  	[hbm4b:s15+s3] =	stream.linear.scatter [tilespmem:s17], [sflag:$0x4], $0x80, $0x38;
	[tilespmem:$0x16C00] =	vst v63  }
0x510: {  	s19 =	simm.s32 $0x15FC8;
	s18 =	sadd.s32 $0x10, s15  }
0x511: {  	[hbm4b:s18+s3] =	stream.linear.scatter [tilespmem:s19], [sflag:$0x4], $0x80, $0x38;
	[tilespmem:$0x16C00] =	vst v63  }
0x512: {  	s18 =	sadd.s32 $0x20, s15;
	s19 =	simm.s32 $0x16050  }
0x513: {  	[hbm4b:s18+s3] =	stream.linear.scatter [tilespmem:s19], [sflag:$0x4], $0x80, $0x38;
	[tilespmem:$0x16C00] =	vst v63  }
0x514: {  	s18 =	sadd.s32 $0x30, s15;
	s19 =	simm.s32 $0x160D8  }
0x515: {  	[hbm4b:s18+s3] =	stream.linear.scatter [tilespmem:s19], [sflag:$0x4], $0x80, $0x38;
	[tilespmem:$0x16C00] =	vst v63  }
0x516: {  	s18 =	sadd.s32 $0x40, s15;
	s19 =	simm.s32 $0x16160  }
0x517: {  	[hbm4b:s18+s3] =	stream.linear.scatter [tilespmem:s19], [sflag:$0x4], $0x80, $0x38;
	[tilespmem:$0x16C00] =	vst v63  }
0x518: {  	s18 =	sadd.s32 $0x50, s15;
	s19 =	simm.s32 $0x161E8  }
0x519: {  	[hbm4b:s18+s3] =	stream.linear.scatter [tilespmem:s19], [sflag:$0x4], $0x80, $0x38;
	[tilespmem:$0x16C00] =	vst v63  }
0x51a: {  	s17 =	sadd.s32 $0x60, s15;
	s18 =	simm.s32 $0x16270  }
0x51b: {  	[hbm4b:s17+s3] =	stream.linear.scatter [tilespmem:s18], [sflag:$0x4], $0x80, $0x38;
	[tilespmem:$0x16C00] =	vst v63  }
0x51c: {  	s15 =	sadd.s32 $0x70, s15;
	s19 =	simm.s32 $0x162F8  }
0x51d: {  	[hbm4b:s15+s3] =	stream.linear.scatter [tilespmem:s19], [sflag:$0x4], $0x80, $0x38;
	[tilespmem:$0x16C00] =	vst v63  }
0x51e: {  	s17 =	simm.s32 $0x16380;
	s15 =	sadd.s32 s14, s0  }
0x51f: {  	[hbm4b:s15+s3] =	stream.linear.scatter [tilespmem:s17], [sflag:$0x4], $0x80, $0x38;
	[tilespmem:$0x16C00] =	vst v63  }
0x520: {  	s19 =	simm.s32 $0x16408;
	s18 =	sadd.s32 $0x10, s15  }
0x521: {  	[hbm4b:s18+s3] =	stream.linear.scatter [tilespmem:s19], [sflag:$0x4], $0x80, $0x38;
	[tilespmem:$0x16C00] =	vst v63  }
0x522: {  	s18 =	sadd.s32 $0x20, s15;
	s19 =	simm.s32 $0x16490  }
0x523: {  	[hbm4b:s18+s3] =	stream.linear.scatter [tilespmem:s19], [sflag:$0x4], $0x80, $0x38;
	[tilespmem:$0x16C00] =	vst v63  }
0x524: {  	s18 =	sadd.s32 $0x30, s15;
	s19 =	simm.s32 $0x16518  }
0x525: {  	[hbm4b:s18+s3] =	stream.linear.scatter [tilespmem:s19], [sflag:$0x4], $0x80, $0x38;
	[tilespmem:$0x16C00] =	vst v63  }
0x526: {  	s18 =	sadd.s32 $0x40, s15;
	s19 =	simm.s32 $0x165A0  }
0x527: {  	[hbm4b:s18+s3] =	stream.linear.scatter [tilespmem:s19], [sflag:$0x4], $0x80, $0x38;
	[tilespmem:$0x16C00] =	vst v63  }
0x528: {  	s18 =	sadd.s32 $0x50, s15;
	s19 =	simm.s32 $0x16628  }
0x529: {  	[hbm4b:s18+s3] =	stream.linear.scatter [tilespmem:s19], [sflag:$0x4], $0x80, $0x38;
	[tilespmem:$0x16C00] =	vst v63  }
0x52a: {  	s17 =	sadd.s32 $0x60, s15;
	s18 =	simm.s32 $0x166B0  }
0x52b: {  	[hbm4b:s17+s3] =	stream.linear.scatter [tilespmem:s18], [sflag:$0x4], $0x80, $0x38;
	[tilespmem:$0x16C00] =	vst v63  }
0x52c: {  	s15 =	sadd.s32 $0x70, s15;
	s19 =	simm.s32 $0x16738  }
0x52d: {  	[hbm4b:s15+s3] =	stream.linear.scatter [tilespmem:s19], [sflag:$0x4], $0x80, $0x38;
	[tilespmem:$0x16C00] =	vst v63  }
0x52e: {  	s14 =	sadd.s32 s14, s7;
	s17 =	simm.s32 $0x167C0  }
0x52f: {  	[hbm4b:s14+s3] =	stream.linear.scatter [tilespmem:s17], [sflag:$0x4], $0x80, $0x38;
	[tilespmem:$0x16C00] =	vst v63  }
0x530: {  	s18 =	sadd.s32 $0x10, s14;
	s19 =	simm.s32 $0x16848  }
0x531: {  	[hbm4b:s18+s3] =	stream.linear.scatter [tilespmem:s19], [sflag:$0x4], $0x80, $0x38;
	[tilespmem:$0x16C00] =	vst v63  }
0x532: {  	s16 =	sadd.s32 $0x20, s14;
	s17 =	simm.s32 $0x168D0  }
0x533: {  	[hbm4b:s16+s3] =	stream.linear.scatter [tilespmem:s17], [sflag:$0x4], $0x80, $0x38;
	[tilespmem:$0x16C00] =	vst v63  }
0x534: {  	s18 =	sadd.s32 $0x30, s14;
	s19 =	simm.s32 $0x16958  }
0x535: {  	[hbm4b:s18+s3] =	stream.linear.scatter [tilespmem:s19], [sflag:$0x4], $0x80, $0x38;
	[tilespmem:$0x16C00] =	vst v63  }
0x536: {  	s13 =	sadd.s32 $0x1, s13;
	s16 =	sadd.s32 $0x40, s14;
	s17 =	simm.s32 $0x169E0  }
0x537: {  	[hbm4b:s16+s3] =	stream.linear.scatter [tilespmem:s17], [sflag:$0x4], $0x80, $0x38;
	[tilespmem:$0x16C00] =	vst v63  }
0x538: {  	p0 =	sne.s32 s13, $0x32;
	s18 =	sadd.s32 $0x50, s14;
	s19 =	simm.s32 $0x16A68  }
0x539: {  	[hbm4b:s18+s3] =	stream.linear.scatter [tilespmem:s19], [sflag:$0x4], $0x80, $0x38;
	[tilespmem:$0x16C00] =	vst v63  }
.Ltmp2:
0x53a: {  	_ = 	snop;
	(pc) =	sbr.rel @p0 .LBB2_2-.Ltmp2, $4  }
0x53b: {  	s17 =	sadd.s32 $0x60, s14;
	s18 =	simm.s32 $0x16AF0  }
0x53c: {  	[hbm4b:s17+s3] =	stream.linear.scatter [tilespmem:s18], [sflag:$0x4], $0x80, $0x38;
	[tilespmem:$0x16C00] =	vst v63  }
0x53d: {  	s14 =	sadd.s32 $0x70, s14;
	s19 =	simm.s32 $0x16B78  }
0x53e: {  	[hbm4b:s14+s3] =	stream.linear.scatter [tilespmem:s19], [sflag:$0x4], $0x80, $0x38;
	[tilespmem:$0x16C00] =	vst v63  }
0x53f: {  	s13 =	simm.s32 $0x3  }
0x540: {  	_ =	swait.ge [sflag:s13], $0x400  }
0x541: {  	[sflag:s13] =	ssyncset.done $0x0  }
0x542: {  	[sflag:s13] =	ssyncadd.s32 $0xFFFFFC00  }
0x543: {  	_ =	swait.ge [sflag:s13], $0x400  }
0x544: {  	[sflag:s13] =	ssyncset.done $0x0  }
0x545: {  	[sflag:s13] =	ssyncadd.s32 $0xFFFFFC00  }
0x546: {  	_ =	swait.ge [sflag:s13], $0x400  }
0x547: {  	[sflag:s13] =	ssyncset.done $0x0  }
0x548: {  	[sflag:s13] =	ssyncadd.s32 $0xFFFFFC00  }
0x549: {  	_ =	swait.ge [sflag:s13], $0x400  }
0x54a: {  	[sflag:s13] =	ssyncset.done $0x0  }
0x54b: {  	[sflag:s13] =	ssyncadd.s32 $0xFFFFFC00  }
0x54c: {  	_ =	swait.ge [sflag:s13], $0x400  }
0x54d: {  	[sflag:s13] =	ssyncset.done $0x0  }
0x54e: {  	[sflag:s13] =	ssyncadd.s32 $0xFFFFFC00  }
0x54f: {  	_ =	swait.ge [sflag:s13], $0x400  }
0x550: {  	[sflag:s13] =	ssyncset.done $0x0  }
0x551: {  	[sflag:s13] =	ssyncadd.s32 $0xFFFFFC00  }
0x552: {  	_ =	swait.ge [sflag:s13], $0x400  }
0x553: {  	[sflag:s13] =	ssyncset.done $0x0  }
0x554: {  	[sflag:s13] =	ssyncadd.s32 $0xFFFFFC00  }
0x555: {  	_ =	swait.ge [sflag:s13], $0x400  }
0x556: {  	[sflag:s13] =	ssyncset.done $0x0  }
0x557: {  	[sflag:s13] =	ssyncadd.s32 $0xFFFFFC00  }
0x558: {  	_ =	swait.ge [sflag:s13], $0x400  }
0x559: {  	[sflag:s13] =	ssyncset.done $0x0  }
0x55a: {  	[sflag:s13] =	ssyncadd.s32 $0xFFFFFC00  }
0x55b: {  	_ =	swait.ge [sflag:s13], $0x400  }
0x55c: {  	[sflag:s13] =	ssyncset.done $0x0  }
0x55d: {  	[sflag:s13] =	ssyncadd.s32 $0xFFFFFC00  }
0x55e: {  	_ =	swait.ge [sflag:s13], $0x400  }
0x55f: {  	[sflag:s13] =	ssyncset.done $0x0  }
0x560: {  	[sflag:s13] =	ssyncadd.s32 $0xFFFFFC00  }
0x561: {  	_ =	swait.ge [sflag:s13], $0x400  }
0x562: {  	[sflag:s13] =	ssyncset.done $0x0  }
0x563: {  	[sflag:s13] =	ssyncadd.s32 $0xFFFFFC00  }
0x564: {  	_ =	swait.ge [sflag:s13], $0x400  }
0x565: {  	[sflag:s13] =	ssyncset.done $0x0  }
0x566: {  	[sflag:s13] =	ssyncadd.s32 $0xFFFFFC00  }
0x567: {  	_ =	swait.ge [sflag:s13], $0x400  }
0x568: {  	[sflag:s13] =	ssyncset.done $0x0  }
0x569: {  	[sflag:s13] =	ssyncadd.s32 $0xFFFFFC00  }
0x56a: {  	_ =	swait.ge [sflag:s13], $0x400  }
0x56b: {  	[sflag:s13] =	ssyncset.done $0x0  }
0x56c: {  	[sflag:s13] =	ssyncadd.s32 $0xFFFFFC00  }
0x56d: {  	_ =	swait.ge [sflag:s13], $0x400  }
0x56e: {  	[sflag:s13] =	ssyncset.done $0x0  }
0x56f: {  	s14 =	simm.s32 $0x4;
	[sflag:s13] =	ssyncadd.s32 $0xFFFFFC00  }
0x570: {  	_ =	swait.ge [sflag:s14], $0x400  }
0x571: {  	[sflag:s14] =	ssyncset.done $0x0  }
0x572: {  	[sflag:s14] =	ssyncadd.s32 $0xFFFFFC00  }
0x573: {  	_ =	swait.ge [sflag:s14], $0x400  }
0x574: {  	[sflag:s14] =	ssyncset.done $0x0  }
0x575: {  	[sflag:s14] =	ssyncadd.s32 $0xFFFFFC00  }
0x576: {  	_ =	swait.ge [sflag:s14], $0x400  }
0x577: {  	[sflag:s14] =	ssyncset.done $0x0  }
0x578: {  	[sflag:s14] =	ssyncadd.s32 $0xFFFFFC00  }
0x579: {  	_ =	swait.ge [sflag:s14], $0x400  }
0x57a: {  	[sflag:s14] =	ssyncset.done $0x0  }
0x57b: {  	[sflag:s14] =	ssyncadd.s32 $0xFFFFFC00  }
0x57c: {  	_ =	swait.ge [sflag:s14], $0x400  }
0x57d: {  	[sflag:s14] =	ssyncset.done $0x0  }
0x57e: {  	[sflag:s14] =	ssyncadd.s32 $0xFFFFFC00  }
0x57f: {  	_ =	swait.ge [sflag:s14], $0x400  }
0x580: {  	[sflag:s14] =	ssyncset.done $0x0  }
0x581: {  	[sflag:s14] =	ssyncadd.s32 $0xFFFFFC00  }
0x582: {  	_ =	swait.ge [sflag:s14], $0x400  }
0x583: {  	[sflag:s14] =	ssyncset.done $0x0  }
0x584: {  	[sflag:s14] =	ssyncadd.s32 $0xFFFFFC00  }
0x585: {  	_ =	swait.ge [sflag:s14], $0x400  }
0x586: {  	[sflag:s14] =	ssyncset.done $0x0  }
0x587: {  	[sflag:s14] =	ssyncadd.s32 $0xFFFFFC00  }
0x588: {  	_ =	swait.ge [sflag:s14], $0x400  }
0x589: {  	[sflag:s14] =	ssyncset.done $0x0  }
0x58a: {  	[sflag:s14] =	ssyncadd.s32 $0xFFFFFC00  }
0x58b: {  	_ =	swait.ge [sflag:s14], $0x400  }
0x58c: {  	[sflag:s14] =	ssyncset.done $0x0  }
0x58d: {  	[sflag:s14] =	ssyncadd.s32 $0xFFFFFC00  }
0x58e: {  	_ =	swait.ge [sflag:s14], $0x400  }
0x58f: {  	[sflag:s14] =	ssyncset.done $0x0  }
0x590: {  	[sflag:s14] =	ssyncadd.s32 $0xFFFFFC00  }
0x591: {  	_ =	swait.ge [sflag:s14], $0x400  }
0x592: {  	[sflag:s14] =	ssyncset.done $0x0  }
0x593: {  	[sflag:s14] =	ssyncadd.s32 $0xFFFFFC00  }
0x594: {  	_ =	swait.ge [sflag:s14], $0x400  }
0x595: {  	[sflag:s14] =	ssyncset.done $0x0  }
0x596: {  	[sflag:s14] =	ssyncadd.s32 $0xFFFFFC00  }
0x597: {  	_ =	swait.ge [sflag:s14], $0x400  }
0x598: {  	[sflag:s14] =	ssyncset.done $0x0  }
0x599: {  	[sflag:s14] =	ssyncadd.s32 $0xFFFFFC00  }
0x59a: {  	_ =	swait.ge [sflag:s14], $0x400  }
0x59b: {  	[sflag:s14] =	ssyncset.done $0x0  }
0x59c: {  	[sflag:s14] =	ssyncadd.s32 $0xFFFFFC00  }
0x59d: {  	_ =	swait.ge [sflag:s14], $0x400  }
0x59e: {  	s15 =	sld [smem:$0x7F0];
	_ =	sdelay $0x2  }
0x59f: {  	s19 =	rddreg [dreg:$0x18];
	s15 =	sadd.s32 $0x1, s15  }
0x5a0: {  	p0 =	sne.s32 s15, s19  }
.Ltmp3:
0x5a1: {  	_ = 	snop;
	(pc) =	sbr.rel @p0 .LBB2_1-.Ltmp3, $3  }
0x5a2: {  	_ =	sdelay $0x1  }
0x5a3: {  	[sflag:s14] =	ssyncset.done $0x0  }
0x5a4: {  	[sflag:s14] =	ssyncadd.s32 $0xFFFFFC00  }
0x5a5: {  	_ =	sfence.sel $0x180000  }
0x5a6: {  	[bflag:$0x0] =	sbarrier.arrive $0xFFFF  }
0x5a7: {  	_ =	strace $0x90000047  }
0x5a8: {  	s0 =	stileid.u32;
	[bflag:$0x2] =	sbarrier.arrive $0xFFFF  }
0x5a9: {  	p0 =	sne.s32 s0, $0x0;
	s0 =	rddreg [dreg:$0x3]  }
0x5aa: {  	s0 =	sadd.s32 @!p0 $0x100000, s0  }
0x5ab: {  	[sflag:s0] =	ssyncadd.tile.s32 @!p0 $0x1;
	_ =	shalt  }
.Lfunc_end2:
_tile_overlayer_lowered:
.L_overlay_start_2:
0x5ac: {  	(tag) =	ssettag $0x2  }
0x5ad: {  	s0 =	rddreg [dreg:$0x0];
	s2 =	stileid.u32  }
0x5ae: {  	s1 =	rddreg [dreg:$0x1];
	p0 =	sne.s32 s2, $0x0  }
0x5af: {  	s3 =	rddreg [dreg:$0x2];
	[bflag:$0x3] =	sbarrier.arrive $0xFFFF;
	s2 =	simm.s32 @!p0 $0x1C05  }
0x5b0: {  	[timem:s3], [sflag:s2] =	dma.local @!p0 [hbm:s0], s1  }
0x5b1: {  	s0 =	simm.s32 @!p0 $0x5  }
0x5b2: {  	_ =	swait.ge @!p0 [sflag:s0], s1  }
0x5b3: {  	s1 =	ssub.s32 @!p0 $0x0, s1;
	[sflag:s0] =	ssyncset.done @!p0 $0x0  }
0x5b4: {  	[sflag:s0] =	ssyncadd.s32 @!p0 s1  }
0x5b5: {  	[bflag:$0x3] =	sbarrier.arrive $0xFFFF  }
0x5b6: {  	_ =	shalt  }

</sc_bundles>
